<compile_context>
chip_gen: v7x
topology: tpu7x:2x2x1
jax: 0.10.2.dev20260603
libtpu: 0.0.44.dev20260713+nightly
codegen_flags: <defaults>
</compile_context>

<pallas_src>
import functools

import jax
import jax.numpy as jnp
from jax import lax
from jax.experimental import pallas as pl
from jax.experimental.pallas import tpu as pltpu
from jax.experimental.pallas import tpu_sc as plsc

N = 10000
E = 320000
D = 128
NTILES = 16
KCA = 128
NCHUNKA = 160
NBA = 16
KC = 128
KH = KC // 2
NCHUNK = 160
NB = 16
NBLK = NCHUNK // NB
EPT = NCHUNK * KC
E_PAD = NTILES * EPT
NPAD = 10240
RPT = NPAD // NTILES
RB = 128
DEGW = 16
LAG = 4

_sc_mesh = plsc.VectorSubcoreMesh(core_axis_name="c", subcore_axis_name="s")


@functools.partial(
    pl.kernel,
    out_type=[jax.ShapeDtypeStruct((NPAD, DEGW), jnp.float32),
              jax.ShapeDtypeStruct((NPAD, DEGW), jnp.float32)],
    mesh=_sc_mesh,
    scratch_types=[
        pltpu.VMEM_SHARED((NPAD, DEGW), jnp.float32),
        pltpu.VMEM((RB, DEGW), jnp.float32),
        pltpu.VMEM((KCA, DEGW), jnp.float32),
        pltpu.VMEM((NBA, KCA), jnp.int32),
        pltpu.SemaphoreType.DMA,
    ],
)
def _deg_kernel(dst3_1, dst3_2, deg1_out, deg2_out, deg_sp, zbuf, ones,
                dstb, asem):
    c = lax.axis_index("c")
    s = lax.axis_index("s")

    def fillz(i, _):
        zbuf[i, :] = jnp.zeros((DEGW,), jnp.float32)
        return 0

    lax.fori_loop(0, RB, fillz, 0)

    def fill1(i, _):
        ones[i, :] = jnp.ones((DEGW,), jnp.float32)
        return 0

    lax.fori_loop(0, KCA, fill1, 0)

    def run(dst3, out_hbm):
        row0 = RPT * s
        for t in range(RPT // RB):
            pltpu.sync_copy(zbuf, deg_sp.at[pl.ds(row0 + RB * t, RB)])
        plsc.subcore_barrier()

        def blk(bb, _):
            pltpu.sync_copy(dst3.at[s, pl.ds(bb * NBA, NBA)], dstb)

            def step(j, _2):
                pltpu.sync_copy(ones, deg_sp.at[dstb.at[j]], add=True)
                return 0

            lax.fori_loop(0, NBA, step, 0)
            return 0

        lax.fori_loop(0, NCHUNKA // NBA, blk, 0)
        plsc.subcore_barrier()
        pltpu.sync_copy(deg_sp.at[pl.ds(row0, RPT)],
                        out_hbm.at[pl.ds(row0, RPT)])

    @pl.when(c == 0)
    def _():
        run(dst3_1, deg1_out)

    @pl.when(c == 1)
    def _():
        run(dst3_2, deg2_out)


@functools.partial(
    pl.kernel,
    out_type=[jax.ShapeDtypeStruct((NPAD, D), jnp.float32),
              jax.ShapeDtypeStruct((NPAD, D), jnp.float32)],
    mesh=_sc_mesh,
    scratch_types=[
        pltpu.VMEM_SHARED((NPAD, D), jnp.float32),
        pltpu.VMEM((KC, D), jnp.float32),
        pltpu.VMEM((KC, D), jnp.float32),
        pltpu.VMEM((NB, KC), jnp.int32),
        pltpu.VMEM((NB, KC), jnp.int32),
        pltpu.SemaphoreType.DMA,
        pltpu.SemaphoreType.DMA,
        pltpu.SemaphoreType.DMA,
        pltpu.SemaphoreType.DMA,
    ],
)
def _scatter_kernel(y1, src3_1, dst3_1, y2, src3_2, dst3_2, s1_out, s2_out,
                    acc_sp, rows0, rows1, srcb, dstb,
                    gsem0a, gsem0b, gsem1a, gsem1b):
    c = lax.axis_index("c")
    s = lax.axis_index("s")

    def run(y_hbm, src3, dst3, out_hbm):
        rows = (rows0, rows1)
        sems = ((gsem0a, gsem0b), (gsem1a, gsem1b))

        def gather(j, buf):
            for h in range(2):
                pltpu.async_copy(
                    y_hbm.at[srcb.at[j, pl.ds(h * KH, KH)]],
                    rows[buf].at[pl.ds(h * KH, KH)], sems[buf][h])

        def gwait(j, buf):
            for h in range(2):
                pltpu.make_async_copy(
                    y_hbm.at[srcb.at[j, pl.ds(h * KH, KH)]],
                    rows[buf].at[pl.ds(h * KH, KH)], sems[buf][h]).wait()

        def fillz(j, _):
            for k in range(D // 16):
                rows0[j, pl.ds(k * 16, 16)] = jnp.zeros((16,), jnp.float32)
            return 0

        lax.fori_loop(0, KC, fillz, 0)
        row0 = RPT * s
        for t in range(RPT // KC):
            pltpu.sync_copy(rows0, acc_sp.at[pl.ds(row0 + KC * t, KC)])
        plsc.subcore_barrier()

        def blk(bb, _):
            pltpu.sync_copy(src3.at[s, pl.ds(bb * NB, NB)], srcb)
            pltpu.sync_copy(dst3.at[s, pl.ds(bb * NB, NB)], dstb)
            gather(0, 0)

            def outer(gg, _):
                for b in range(2):
                    j = gg * 2 + b
                    gwait(j, b)

                    @pl.when(j + 1 < NB)
                    def _():
                        gather(j + 1, 1 - b)

                    pltpu.sync_copy(rows[b], acc_sp.at[dstb.at[j]],
                                    add=True)
                return 0

            lax.fori_loop(0, NB // 2, outer, 0)
            return 0

        lax.fori_loop(0, NBLK, blk, 0)
        plsc.subcore_barrier()
        for t in range(RPT // KC):
            pltpu.sync_copy(acc_sp.at[pl.ds(row0 + KC * t, KC)],
                            out_hbm.at[pl.ds(row0 + KC * t, KC)])

    @pl.when(c == 0)
    def _():
        run(y1, src3_1, dst3_1, s1_out)

    @pl.when(c == 1)
    def _():
        run(y2, src3_2, dst3_2, s2_out)


def _lin_body(x_ref, deg_ref, w_ref, y_ref, dinv_ref):
    dinv = lax.rsqrt(deg_ref[:, 0:1] + 1.0)
    dinv_ref[:, :] = dinv
    y_ref[:, :] = jnp.dot(x_ref[:, :] * dinv, w_ref[:, :],
                          preferred_element_type=jnp.float32)


def _linear(x, deg, W):
    BR = 2000
    return pl.pallas_call(
        _lin_body,
        grid=(N // BR,),
        in_specs=[pl.BlockSpec((BR, D), lambda i: (i, 0)),
                  pl.BlockSpec((BR, DEGW), lambda i: (i, 0)),
                  pl.BlockSpec((D, D), lambda i: (0, 0))],
        out_specs=[pl.BlockSpec((BR, D), lambda i: (i, 0)),
                   pl.BlockSpec((BR, 1), lambda i: (i, 0))],
        out_shape=[jax.ShapeDtypeStruct((N, D), jnp.float32),
                   jax.ShapeDtypeStruct((N, 1), jnp.float32)],
    )(x, deg, W)


def _fin_body(s_ref, y_ref, dinv_ref, b_ref, o_ref):
    o_ref[:, :] = jnp.maximum(
        dinv_ref[:, :] * (s_ref[:, :] + y_ref[:, :]) + b_ref[:, :], 0.0)


def _finish(S, y, dinv, b2d):
    BR = 2000
    return pl.pallas_call(
        _fin_body,
        grid=(N // BR,),
        in_specs=[pl.BlockSpec((BR, D), lambda i: (i, 0)),
                  pl.BlockSpec((BR, D), lambda i: (i, 0)),
                  pl.BlockSpec((BR, 1), lambda i: (i, 0)),
                  pl.BlockSpec((1, D), lambda i: (0, 0))],
        out_specs=pl.BlockSpec((BR, D), lambda i: (i, 0)),
        out_shape=jax.ShapeDtypeStruct((N, D), jnp.float32),
    )(S, y, dinv, b2d)


def _pad_edges(edge_index):
    pad = E_PAD - E
    src = edge_index[0].astype(jnp.int32)
    dst = edge_index[1].astype(jnp.int32)
    srcp = jnp.concatenate([src, jnp.zeros((pad,), jnp.int32)])
    dstp = jnp.concatenate([dst, jnp.full((pad,), NPAD - 1, jnp.int32)])
    return srcp, dstp


def kernel(x1, edge_index1, x2, edge_index2, W, b):
    srcp1, dstp1 = _pad_edges(edge_index1)
    srcp2, dstp2 = _pad_edges(edge_index2)
    src3_1 = srcp1.reshape(NTILES, NCHUNK, KC)
    dst3_1 = dstp1.reshape(NTILES, NCHUNK, KC)
    src3_2 = srcp2.reshape(NTILES, NCHUNK, KC)
    dst3_2 = dstp2.reshape(NTILES, NCHUNK, KC)
    dst3a_1 = dstp1.reshape(NTILES, NCHUNKA, KCA)
    dst3a_2 = dstp2.reshape(NTILES, NCHUNKA, KCA)

    deg2d_1, deg2d_2 = _deg_kernel(dst3a_1, dst3a_2)

    y1, dinv1 = _linear(x1, deg2d_1, W)
    y2, dinv2 = _linear(x2, deg2d_2, W)

    S1p, S2p = _scatter_kernel(y1, src3_1, dst3_1, y2, src3_2, dst3_2)

    b2d = b.reshape(1, D)
    h1 = _finish(S1p, y1, dinv1, b2d)
    h2 = _finish(S2p, y2, dinv2, b2d)
    return (h1, h2)

# --- scband reference (transcript-rebuilt; emitter-appended) ---
"""Pipeline reference for scband-spectral-gcn-4389456577462 (READ-ONLY COPY).

The authoritative reference and input builder live on the scoring server;
editing this copy changes nothing except your own understanding.
"""

import jax, jax.numpy as jnp
import numpy as np

N = 10000
E = 320000
D_IN = 128
D_OUT = 128


def gcn_conv(x, edge_index, W, b):
    # PyG GCNConv with default add_self_loops=True, normalize=True, edge_weight=None
    n = x.shape[0]
    src = edge_index[0]
    dst = edge_index[1]
    loop = jnp.arange(n, dtype=src.dtype)
    src = jnp.concatenate([src, loop])
    dst = jnp.concatenate([dst, loop])
    ew = jnp.ones(src.shape[0], dtype=x.dtype)
    # linear transform first (GCNConv applies lin before propagate)
    xw = x @ W
    # symmetric normalization: deg computed on dst (col) with self-loops
    deg = jax.ops.segment_sum(ew, dst, num_segments=n)
    deg_inv_sqrt = jnp.where(deg > 0, 1.0 / jnp.sqrt(deg), 0.0)
    norm = deg_inv_sqrt[src] * ew * deg_inv_sqrt[dst]
    msg = xw[src] * norm[:, None]
    out = jax.ops.segment_sum(msg, dst, num_segments=n)
    return out + b


def setup_inputs(seed: int = 0) -> dict:
    key = jax.random.key(seed)
    k1, k2, k3, k4, k5, k6 = jax.random.split(key, 6)
    x1 = jax.random.normal(k1, (N, D_IN), dtype=jnp.float32)
    x2 = jax.random.normal(k2, (N, D_IN), dtype=jnp.float32)
    edge_index1 = jax.random.randint(k3, (2, E), 0, N, dtype=jnp.int64 if jax.config.read('jax_enable_x64') else jnp.int32)
    edge_index2 = jax.random.randint(k4, (2, E), 0, N, dtype=jnp.int64 if jax.config.read('jax_enable_x64') else jnp.int32)
    # GCNConv learned params (glorot for weight, zeros for bias)
    limit = float(np.sqrt(6.0 / (D_IN + D_OUT)))
    W = jax.random.uniform(k5, (D_IN, D_OUT), dtype=jnp.float32, minval=-limit, maxval=limit)
    b = jnp.zeros((D_OUT,), dtype=jnp.float32)
    return {"x1": x1, "edge_index1": edge_index1, "x2": x2, "edge_index2": edge_index2, "W": W, "b": b}


def reference(x1, edge_index1, x2, edge_index2, W, b):
    # num_hidden_layers=0 -> single shared GCNConv applied to both graphs, then ReLU
    h1 = jax.nn.relu(gcn_conv(x1, edge_index1, W, b))
    h2 = jax.nn.relu(gcn_conv(x2, edge_index2, W, b))
    return (h1, h2)

if __name__ == "__main__":
    import jax
    _d = setup_inputs()
    print(jax.jit(kernel)(*tuple(_d.values())))

</pallas_src>

<mosaic_0001>
#map = affine_map<(d0, d1) -> (0, 0, 0)>
#map1 = affine_map<(d0, d1) -> (0, 0)>
module attributes {stable_mosaic.version = 14 : i64} {
  func.func @_deg_kernel(%arg0: i32, %arg1: i32, %arg2: memref<16x160x128xi32, #tpu.memory_space<hbm>>, %arg3: memref<16x160x128xi32, #tpu.memory_space<hbm>>, %arg4: memref<10240x16xf32, #tpu.memory_space<hbm>>, %arg5: memref<10240x16xf32, #tpu.memory_space<hbm>>, %arg6: memref<10240x16xf32, #tpu.memory_space<vmem_shared>>, %arg7: memref<128x16xf32, #tpu.memory_space<vmem>>, %arg8: memref<128x16xf32, #tpu.memory_space<vmem>>, %arg9: memref<16x128xi32, #tpu.memory_space<vmem>>, %arg10: memref<!tpu.dma_semaphore, #tpu.memory_space<semaphore_mem>>) attributes {dimension_semantics = [#tpu.dimension_semantics<core_parallel>, #tpu.dimension_semantics<subcore_parallel>], iteration_bounds = array<i64: 2, 16>, scalar_prefetch = 0 : i64, scratch_operands = 5 : i64, tpu.core_type = #tpu.core_type<sc_vector_subcore>, window_params = [{transform_indices = #map}, {transform_indices = #map}, {transform_indices = #map1}, {transform_indices = #map1}]} {
    %scan3A = arith.constant 0 : i32
    %scan3A_0 = arith.constant 0 : i32
    %scan3A_1 = arith.constant 128 : i32
    %scan3A_2 = arith.addi %scan3A_0, %scan3A_1 : i32
    %scan3A_3 = arith.constant 1 : i32
    %scan3A_4 = scf.for %scan3A_20 = %scan3A_0 to %scan3A_2 step %scan3A_3 iter_args(%scan3A_21 = %scan3A) -> (i32)  : i32 {
      %broadcast_in_dim3A = arith.constant 0.000000e+00 : f32
      %broadcast_in_dim3A_22 = vector.broadcast %broadcast_in_dim3A : f32 to vector<16xf32>
      %swap3A = arith.index_cast %scan3A_20 : i32 to index
      %swap3A_23 = arith.constant 0 : index
      %swap3A_24 = tpu.vector_load %arg7[%swap3A, %swap3A_23] {strides = array<i32>} : memref<128x16xf32, #tpu.memory_space<vmem>>, vector<1x16xf32>,
      %swap3A_25 = vector.shape_cast %swap3A_24 : vector<1x16xf32> to vector<16xf32>
      %swap3A_26 = vector.shape_cast %broadcast_in_dim3A_22 : vector<16xf32> to vector<1x16xf32>
      tpu.vector_store %arg7[%swap3A, %swap3A_23], %swap3A_26 {strides = array<i32>} : memref<128x16xf32, #tpu.memory_space<vmem>>, vector<1x16xf32>,
      %scan3A_27 = arith.constant 0 : i32
      scf.yield %scan3A_27 : i32
    }
    %scan3A_5 = arith.constant 128 : i32
    %scan3A_6 = arith.constant 0 : i32
    %scan3A_7 = arith.constant 0 : i32
    %scan3A_8 = arith.constant 128 : i32
    %scan3A_9 = arith.addi %scan3A_7, %scan3A_8 : i32
    %scan3A_10 = arith.constant 1 : i32
    %scan3A_11 = scf.for %scan3A_20 = %scan3A_7 to %scan3A_9 step %scan3A_10 iter_args(%scan3A_21 = %scan3A_6) -> (i32)  : i32 {
      %broadcast_in_dim3A = arith.constant 1.000000e+00 : f32
      %broadcast_in_dim3A_22 = vector.broadcast %broadcast_in_dim3A : f32 to vector<16xf32>
      %swap3A = arith.index_cast %scan3A_20 : i32 to index
      %swap3A_23 = arith.constant 0 : index
      %swap3A_24 = tpu.vector_load %arg8[%swap3A, %swap3A_23] {strides = array<i32>} : memref<128x16xf32, #tpu.memory_space<vmem>>, vector<1x16xf32>,
      %swap3A_25 = vector.shape_cast %swap3A_24 : vector<1x16xf32> to vector<16xf32>
      %swap3A_26 = vector.shape_cast %broadcast_in_dim3A_22 : vector<16xf32> to vector<1x16xf32>
      tpu.vector_store %arg8[%swap3A, %swap3A_23], %swap3A_26 {strides = array<i32>} : memref<128x16xf32, #tpu.memory_space<vmem>>, vector<1x16xf32>,
      %scan3A_27 = arith.constant 0 : i32
      scf.yield %scan3A_27 : i32
    }
    %scan3A_12 = arith.constant 128 : i32
    %eq3A = arith.constant 0 : i32
    %eq3A_13 = arith.cmpi eq, %arg0, %eq3A : i32
    %convert_element_type3A = arith.extui %eq3A_13 : i1 to i32
    %cond3A = arith.constant 0 : i32
    %cond3A_14 = arith.cmpi ne, %convert_element_type3A, %cond3A : i32
    scf.if %cond3A_14 {
      %mul3A = arith.constant 640 : i32
      %mul3A_20 = arith.muli %mul3A, %arg1 : i32
      %add3A = arith.constant 0 : i32
      %add3A_21 = arith.addi %mul3A_20, %add3A : i32
      "tpu.region"() ({
        %run_scoped3A = tpu.sem_alloc : memref<!tpu.dma_semaphore, #tpu.memory_space<semaphore_mem>>
        %dma_start3A = arith.constant 0 : i32
        %dma_start3A_38 = tpu.memref_slice %arg6[%add3A_21, %dma_start3A] : memref<10240x16xf32, #tpu.memory_space<vmem_shared>> -> memref<128x16xf32, #tpu.memory_space<vmem_shared>>
        %dma_start3A_39 = arith.constant 0 : i32
        %dma_start3A_40 = tpu.memref_slice %arg6[%add3A_21, %dma_start3A_39] : memref<10240x16xf32, #tpu.memory_space<vmem_shared>> -> memref<128x16xf32, #tpu.memory_space<vmem_shared>>
        tpu.enqueue_dma source(%arg7 : memref<128x16xf32, #tpu.memory_space<vmem>>) target(%dma_start3A_40 : memref<128x16xf32, #tpu.memory_space<vmem_shared>>) target_semaphore(%run_scoped3A : memref<!tpu.dma_semaphore, #tpu.memory_space<semaphore_mem>>)
        %dma_wait3A = arith.constant 0 : i32
        %dma_wait3A_41 = tpu.memref_slice %arg6[%add3A_21, %dma_wait3A] : memref<10240x16xf32, #tpu.memory_space<vmem_shared>> -> memref<128x16xf32, #tpu.memory_space<vmem_shared>>
        %dma_wait3A_42 = arith.constant 0 : i32
        %dma_wait3A_43 = tpu.memref_slice %arg6[%add3A_21, %dma_wait3A_42] : memref<10240x16xf32, #tpu.memory_space<vmem_shared>> -> memref<128x16xf32, #tpu.memory_space<vmem_shared>>
        tpu.wait_dma2 semaphore(%run_scoped3A : memref<!tpu.dma_semaphore, #tpu.memory_space<semaphore_mem>>) src(%arg7 : memref<128x16xf32, #tpu.memory_space<vmem>>) dst(%dma_wait3A_43 : memref<128x16xf32, #tpu.memory_space<vmem_shared>>)
        tpu.yield
      }) : () -> ()
      %add3A_22 = arith.constant 128 : i32
      %add3A_23 = arith.addi %mul3A_20, %add3A_22 : i32
      "tpu.region"() ({
        %run_scoped3A = tpu.sem_alloc : memref<!tpu.dma_semaphore, #tpu.memory_space<semaphore_mem>>
        %dma_start3A = arith.constant 0 : i32
        %dma_start3A_38 = tpu.memref_slice %arg6[%add3A_23, %dma_start3A] : memref<10240x16xf32, #tpu.memory_space<vmem_shared>> -> memref<128x16xf32, #tpu.memory_space<vmem_shared>>
        %dma_start3A_39 = arith.constant 0 : i32
        %dma_start3A_40 = tpu.memref_slice %arg6[%add3A_23, %dma_start3A_39] : memref<10240x16xf32, #tpu.memory_space<vmem_shared>> -> memref<128x16xf32, #tpu.memory_space<vmem_shared>>
        tpu.enqueue_dma source(%arg7 : memref<128x16xf32, #tpu.memory_space<vmem>>) target(%dma_start3A_40 : memref<128x16xf32, #tpu.memory_space<vmem_shared>>) target_semaphore(%run_scoped3A : memref<!tpu.dma_semaphore, #tpu.memory_space<semaphore_mem>>)
        %dma_wait3A = arith.constant 0 : i32
        %dma_wait3A_41 = tpu.memref_slice %arg6[%add3A_23, %dma_wait3A] : memref<10240x16xf32, #tpu.memory_space<vmem_shared>> -> memref<128x16xf32, #tpu.memory_space<vmem_shared>>
        %dma_wait3A_42 = arith.constant 0 : i32
        %dma_wait3A_43 = tpu.memref_slice %arg6[%add3A_23, %dma_wait3A_42] : memref<10240x16xf32, #tpu.memory_space<vmem_shared>> -> memref<128x16xf32, #tpu.memory_space<vmem_shared>>
        tpu.wait_dma2 semaphore(%run_scoped3A : memref<!tpu.dma_semaphore, #tpu.memory_space<semaphore_mem>>) src(%arg7 : memref<128x16xf32, #tpu.memory_space<vmem>>) dst(%dma_wait3A_43 : memref<128x16xf32, #tpu.memory_space<vmem_shared>>)
        tpu.yield
      }) : () -> ()
      %add3A_24 = arith.constant 256 : i32
      %add3A_25 = arith.addi %mul3A_20, %add3A_24 : i32
      "tpu.region"() ({
        %run_scoped3A = tpu.sem_alloc : memref<!tpu.dma_semaphore, #tpu.memory_space<semaphore_mem>>
        %dma_start3A = arith.constant 0 : i32
        %dma_start3A_38 = tpu.memref_slice %arg6[%add3A_25, %dma_start3A] : memref<10240x16xf32, #tpu.memory_space<vmem_shared>> -> memref<128x16xf32, #tpu.memory_space<vmem_shared>>
        %dma_start3A_39 = arith.constant 0 : i32
        %dma_start3A_40 = tpu.memref_slice %arg6[%add3A_25, %dma_start3A_39] : memref<10240x16xf32, #tpu.memory_space<vmem_shared>> -> memref<128x16xf32, #tpu.memory_space<vmem_shared>>
        tpu.enqueue_dma source(%arg7 : memref<128x16xf32, #tpu.memory_space<vmem>>) target(%dma_start3A_40 : memref<128x16xf32, #tpu.memory_space<vmem_shared>>) target_semaphore(%run_scoped3A : memref<!tpu.dma_semaphore, #tpu.memory_space<semaphore_mem>>)
        %dma_wait3A = arith.constant 0 : i32
        %dma_wait3A_41 = tpu.memref_slice %arg6[%add3A_25, %dma_wait3A] : memref<10240x16xf32, #tpu.memory_space<vmem_shared>> -> memref<128x16xf32, #tpu.memory_space<vmem_shared>>
        %dma_wait3A_42 = arith.constant 0 : i32
        %dma_wait3A_43 = tpu.memref_slice %arg6[%add3A_25, %dma_wait3A_42] : memref<10240x16xf32, #tpu.memory_space<vmem_shared>> -> memref<128x16xf32, #tpu.memory_space<vmem_shared>>
        tpu.wait_dma2 semaphore(%run_scoped3A : memref<!tpu.dma_semaphore, #tpu.memory_space<semaphore_mem>>) src(%arg7 : memref<128x16xf32, #tpu.memory_space<vmem>>) dst(%dma_wait3A_43 : memref<128x16xf32, #tpu.memory_space<vmem_shared>>)
        tpu.yield
      }) : () -> ()
      %add3A_26 = arith.constant 384 : i32
      %add3A_27 = arith.addi %mul3A_20, %add3A_26 : i32
      "tpu.region"() ({
        %run_scoped3A = tpu.sem_alloc : memref<!tpu.dma_semaphore, #tpu.memory_space<semaphore_mem>>
        %dma_start3A = arith.constant 0 : i32
        %dma_start3A_38 = tpu.memref_slice %arg6[%add3A_27, %dma_start3A] : memref<10240x16xf32, #tpu.memory_space<vmem_shared>> -> memref<128x16xf32, #tpu.memory_space<vmem_shared>>
        %dma_start3A_39 = arith.constant 0 : i32
        %dma_start3A_40 = tpu.memref_slice %arg6[%add3A_27, %dma_start3A_39] : memref<10240x16xf32, #tpu.memory_space<vmem_shared>> -> memref<128x16xf32, #tpu.memory_space<vmem_shared>>
        tpu.enqueue_dma source(%arg7 : memref<128x16xf32, #tpu.memory_space<vmem>>) target(%dma_start3A_40 : memref<128x16xf32, #tpu.memory_space<vmem_shared>>) target_semaphore(%run_scoped3A : memref<!tpu.dma_semaphore, #tpu.memory_space<semaphore_mem>>)
        %dma_wait3A = arith.constant 0 : i32
        %dma_wait3A_41 = tpu.memref_slice %arg6[%add3A_27, %dma_wait3A] : memref<10240x16xf32, #tpu.memory_space<vmem_shared>> -> memref<128x16xf32, #tpu.memory_space<vmem_shared>>
        %dma_wait3A_42 = arith.constant 0 : i32
        %dma_wait3A_43 = tpu.memref_slice %arg6[%add3A_27, %dma_wait3A_42] : memref<10240x16xf32, #tpu.memory_space<vmem_shared>> -> memref<128x16xf32, #tpu.memory_space<vmem_shared>>
        tpu.wait_dma2 semaphore(%run_scoped3A : memref<!tpu.dma_semaphore, #tpu.memory_space<semaphore_mem>>) src(%arg7 : memref<128x16xf32, #tpu.memory_space<vmem>>) dst(%dma_wait3A_43 : memref<128x16xf32, #tpu.memory_space<vmem_shared>>)
        tpu.yield
      }) : () -> ()
      %add3A_28 = arith.constant 512 : i32
      %add3A_29 = arith.addi %mul3A_20, %add3A_28 : i32
      "tpu.region"() ({
        %run_scoped3A = tpu.sem_alloc : memref<!tpu.dma_semaphore, #tpu.memory_space<semaphore_mem>>
        %dma_start3A = arith.constant 0 : i32
        %dma_start3A_38 = tpu.memref_slice %arg6[%add3A_29, %dma_start3A] : memref<10240x16xf32, #tpu.memory_space<vmem_shared>> -> memref<128x16xf32, #tpu.memory_space<vmem_shared>>
        %dma_start3A_39 = arith.constant 0 : i32
        %dma_start3A_40 = tpu.memref_slice %arg6[%add3A_29, %dma_start3A_39] : memref<10240x16xf32, #tpu.memory_space<vmem_shared>> -> memref<128x16xf32, #tpu.memory_space<vmem_shared>>
        tpu.enqueue_dma source(%arg7 : memref<128x16xf32, #tpu.memory_space<vmem>>) target(%dma_start3A_40 : memref<128x16xf32, #tpu.memory_space<vmem_shared>>) target_semaphore(%run_scoped3A : memref<!tpu.dma_semaphore, #tpu.memory_space<semaphore_mem>>)
        %dma_wait3A = arith.constant 0 : i32
        %dma_wait3A_41 = tpu.memref_slice %arg6[%add3A_29, %dma_wait3A] : memref<10240x16xf32, #tpu.memory_space<vmem_shared>> -> memref<128x16xf32, #tpu.memory_space<vmem_shared>>
        %dma_wait3A_42 = arith.constant 0 : i32
        %dma_wait3A_43 = tpu.memref_slice %arg6[%add3A_29, %dma_wait3A_42] : memref<10240x16xf32, #tpu.memory_space<vmem_shared>> -> memref<128x16xf32, #tpu.memory_space<vmem_shared>>
        tpu.wait_dma2 semaphore(%run_scoped3A : memref<!tpu.dma_semaphore, #tpu.memory_space<semaphore_mem>>) src(%arg7 : memref<128x16xf32, #tpu.memory_space<vmem>>) dst(%dma_wait3A_43 : memref<128x16xf32, #tpu.memory_space<vmem_shared>>)
        tpu.yield
      }) : () -> ()
      %barrier3A = arith.constant 0 : index
      tpu.barrier barrier_id(%barrier3A)
      %scan3A_30 = arith.constant 0 : i32
      %scan3A_31 = arith.constant 0 : i32
      %scan3A_32 = arith.constant 10 : i32
      %scan3A_33 = arith.addi %scan3A_31, %scan3A_32 : i32
      %scan3A_34 = arith.constant 1 : i32
      %scan3A_35 = scf.for %scan3A_38 = %scan3A_31 to %scan3A_33 step %scan3A_34 iter_args(%scan3A_39 = %scan3A_30) -> (i32)  : i32 {
        %mul3A_40 = arith.constant 16 : i32
        %mul3A_41 = arith.muli %scan3A_38, %mul3A_40 : i32
        "tpu.region"() ({
          %run_scoped3A = tpu.sem_alloc : memref<!tpu.dma_semaphore, #tpu.memory_space<semaphore_mem>>
          %dma_start3A = arith.constant 0 : i32
          %dma_start3A_50 = tpu.memref_slice %arg2[%arg1, %mul3A_41, %dma_start3A] : memref<16x160x128xi32, #tpu.memory_space<hbm>> -> memref<1x16x128xi32, #tpu.memory_space<hbm>>
          %dma_start3A_51 = tpu.memref_squeeze %dma_start3A_50 : memref<1x16x128xi32, #tpu.memory_space<hbm>> -> memref<16x128xi32, #tpu.memory_space<hbm>>
          %dma_start3A_52 = arith.constant 0 : i32
          %dma_start3A_53 = tpu.memref_slice %arg2[%arg1, %mul3A_41, %dma_start3A_52] : memref<16x160x128xi32, #tpu.memory_space<hbm>> -> memref<1x16x128xi32, #tpu.memory_space<hbm>>
          %dma_start3A_54 = tpu.memref_squeeze %dma_start3A_53 : memref<1x16x128xi32, #tpu.memory_space<hbm>> -> memref<16x128xi32, #tpu.memory_space<hbm>>
          tpu.enqueue_dma source(%dma_start3A_54 : memref<16x128xi32, #tpu.memory_space<hbm>>) target(%arg9 : memref<16x128xi32, #tpu.memory_space<vmem>>) target_semaphore(%run_scoped3A : memref<!tpu.dma_semaphore, #tpu.memory_space<semaphore_mem>>)
          %dma_wait3A = arith.constant 0 : i32
          %dma_wait3A_55 = tpu.memref_slice %arg2[%arg1, %mul3A_41, %dma_wait3A] : memref<16x160x128xi32, #tpu.memory_space<hbm>> -> memref<1x16x128xi32, #tpu.memory_space<hbm>>
          %dma_wait3A_56 = tpu.memref_squeeze %dma_wait3A_55 : memref<1x16x128xi32, #tpu.memory_space<hbm>> -> memref<16x128xi32, #tpu.memory_space<hbm>>
          %dma_wait3A_57 = arith.constant 0 : i32
          %dma_wait3A_58 = tpu.memref_slice %arg2[%arg1, %mul3A_41, %dma_wait3A_57] : memref<16x160x128xi32, #tpu.memory_space<hbm>> -> memref<1x16x128xi32, #tpu.memory_space<hbm>>
          %dma_wait3A_59 = tpu.memref_squeeze %dma_wait3A_58 : memref<1x16x128xi32, #tpu.memory_space<hbm>> -> memref<16x128xi32, #tpu.memory_space<hbm>>
          tpu.wait_dma2 semaphore(%run_scoped3A : memref<!tpu.dma_semaphore, #tpu.memory_space<semaphore_mem>>) src(%dma_wait3A_59 : memref<16x128xi32, #tpu.memory_space<hbm>>) dst(%arg9 : memref<16x128xi32, #tpu.memory_space<vmem>>)
          tpu.yield
        }) : () -> ()
        %scan3A_42 = arith.constant 0 : i32
        %scan3A_43 = arith.constant 0 : i32
        %scan3A_44 = arith.constant 16 : i32
        %scan3A_45 = arith.addi %scan3A_43, %scan3A_44 : i32
        %scan3A_46 = arith.constant 1 : i32
        %scan3A_47 = scf.for %scan3A_50 = %scan3A_43 to %scan3A_45 step %scan3A_46 iter_args(%scan3A_51 = %scan3A_42) -> (i32)  : i32 {
          "tpu.region"() ({
            %run_scoped3A = tpu.sem_alloc : memref<!tpu.dma_semaphore, #tpu.memory_space<semaphore_mem>>
            %dma_start3A = arith.constant 0 : i32
            %dma_start3A_53 = tpu.memref_slice %arg9[%scan3A_50, %dma_start3A] : memref<16x128xi32, #tpu.memory_space<vmem>> -> memref<1x128xi32, #tpu.memory_space<vmem>>
            %dma_start3A_54 = tpu.memref_squeeze %dma_start3A_53 : memref<1x128xi32, #tpu.memory_space<vmem>> -> memref<128xi32, #tpu.memory_space<vmem>>
            %dma_start3A_55 = arith.constant 0 : i32
            %dma_start3A_56 = arith.constant 0 : i32
            %dma_start3A_57 = tpu.memref_slice %arg6[%dma_start3A_55, %dma_start3A_56] : memref<10240x16xf32, #tpu.memory_space<vmem_shared>> -> memref<10240x16xf32, #tpu.memory_space<vmem_shared>>
            tpu.enqueue_indirect_dma source(%arg8 : memref<128x16xf32, #tpu.memory_space<vmem>>) target(%dma_start3A_57 : memref<10240x16xf32, #tpu.memory_space<vmem_shared>>) offsets(%dma_start3A_54 : memref<128xi32, #tpu.memory_space<vmem>>) semaphore(%run_scoped3A : memref<!tpu.dma_semaphore, #tpu.memory_space<semaphore_mem>>) {add = true}
            %dma_wait3A = arith.constant 0 : i32
            %dma_wait3A_58 = tpu.memref_slice %arg9[%scan3A_50, %dma_wait3A] : memref<16x128xi32, #tpu.memory_space<vmem>> -> memref<1x128xi32, #tpu.memory_space<vmem>>
            %dma_wait3A_59 = tpu.memref_squeeze %dma_wait3A_58 : memref<1x128xi32, #tpu.memory_space<vmem>> -> memref<128xi32, #tpu.memory_space<vmem>>
            %dma_wait3A_60 = arith.constant 0 : i32
            %dma_wait3A_61 = arith.constant 0 : i32
            %dma_wait3A_62 = tpu.memref_slice %arg6[%dma_wait3A_60, %dma_wait3A_61] : memref<10240x16xf32, #tpu.memory_space<vmem_shared>> -> memref<10240x16xf32, #tpu.memory_space<vmem_shared>>
            tpu.wait_indirect_dma semaphore(%run_scoped3A : memref<!tpu.dma_semaphore, #tpu.memory_space<semaphore_mem>>) src(%arg8 : memref<128x16xf32, #tpu.memory_space<vmem>>) dst(%dma_wait3A_62 : memref<10240x16xf32, #tpu.memory_space<vmem_shared>>)
            tpu.yield
          }) : () -> ()
          %scan3A_52 = arith.constant 0 : i32
          scf.yield %scan3A_52 : i32
        }
        %scan3A_48 = arith.constant 16 : i32
        %scan3A_49 = arith.constant 0 : i32
        scf.yield %scan3A_49 : i32
      }
      %scan3A_36 = arith.constant 10 : i32
      %barrier3A_37 = arith.constant 0 : index
      tpu.barrier barrier_id(%barrier3A_37)
      "tpu.region"() ({
        %run_scoped3A = tpu.sem_alloc : memref<!tpu.dma_semaphore, #tpu.memory_space<semaphore_mem>>
        %dma_start3A = arith.constant 0 : i32
        %dma_start3A_38 = tpu.memref_slice %arg4[%mul3A_20, %dma_start3A] : memref<10240x16xf32, #tpu.memory_space<hbm>> -> memref<640x16xf32, #tpu.memory_space<hbm>>
        %dma_start3A_39 = arith.constant 0 : i32
        %dma_start3A_40 = tpu.memref_slice %arg6[%mul3A_20, %dma_start3A_39] : memref<10240x16xf32, #tpu.memory_space<vmem_shared>> -> memref<640x16xf32, #tpu.memory_space<vmem_shared>>
        tpu.enqueue_dma source(%dma_start3A_40 : memref<640x16xf32, #tpu.memory_space<vmem_shared>>) target(%dma_start3A_38 : memref<640x16xf32, #tpu.memory_space<hbm>>) target_semaphore(%run_scoped3A : memref<!tpu.dma_semaphore, #tpu.memory_space<semaphore_mem>>)
        %dma_wait3A = arith.constant 0 : i32
        %dma_wait3A_41 = tpu.memref_slice %arg4[%mul3A_20, %dma_wait3A] : memref<10240x16xf32, #tpu.memory_space<hbm>> -> memref<640x16xf32, #tpu.memory_space<hbm>>
        %dma_wait3A_42 = arith.constant 0 : i32
        %dma_wait3A_43 = tpu.memref_slice %arg6[%mul3A_20, %dma_wait3A_42] : memref<10240x16xf32, #tpu.memory_space<vmem_shared>> -> memref<640x16xf32, #tpu.memory_space<vmem_shared>>
        tpu.wait_dma2 semaphore(%run_scoped3A : memref<!tpu.dma_semaphore, #tpu.memory_space<semaphore_mem>>) src(%dma_wait3A_43 : memref<640x16xf32, #tpu.memory_space<vmem_shared>>) dst(%dma_wait3A_41 : memref<640x16xf32, #tpu.memory_space<hbm>>)
        tpu.yield
      }) : () -> ()
    } else {
    }
    %eq3A_15 = arith.constant 1 : i32
    %eq3A_16 = arith.cmpi eq, %arg0, %eq3A_15 : i32
    %convert_element_type3A_17 = arith.extui %eq3A_16 : i1 to i32
    %cond3A_18 = arith.constant 0 : i32
    %cond3A_19 = arith.cmpi ne, %convert_element_type3A_17, %cond3A_18 : i32
    scf.if %cond3A_19 {
      %mul3A = arith.constant 640 : i32
      %mul3A_20 = arith.muli %mul3A, %arg1 : i32
      %add3A = arith.constant 0 : i32
      %add3A_21 = arith.addi %mul3A_20, %add3A : i32
      "tpu.region"() ({
        %run_scoped3A = tpu.sem_alloc : memref<!tpu.dma_semaphore, #tpu.memory_space<semaphore_mem>>
        %dma_start3A = arith.constant 0 : i32
        %dma_start3A_38 = tpu.memref_slice %arg6[%add3A_21, %dma_start3A] : memref<10240x16xf32, #tpu.memory_space<vmem_shared>> -> memref<128x16xf32, #tpu.memory_space<vmem_shared>>
        %dma_start3A_39 = arith.constant 0 : i32
        %dma_start3A_40 = tpu.memref_slice %arg6[%add3A_21, %dma_start3A_39] : memref<10240x16xf32, #tpu.memory_space<vmem_shared>> -> memref<128x16xf32, #tpu.memory_space<vmem_shared>>
        tpu.enqueue_dma source(%arg7 : memref<128x16xf32, #tpu.memory_space<vmem>>) target(%dma_start3A_40 : memref<128x16xf32, #tpu.memory_space<vmem_shared>>) target_semaphore(%run_scoped3A : memref<!tpu.dma_semaphore, #tpu.memory_space<semaphore_mem>>)
        %dma_wait3A = arith.constant 0 : i32
        %dma_wait3A_41 = tpu.memref_slice %arg6[%add3A_21, %dma_wait3A] : memref<10240x16xf32, #tpu.memory_space<vmem_shared>> -> memref<128x16xf32, #tpu.memory_space<vmem_shared>>
        %dma_wait3A_42 = arith.constant 0 : i32
        %dma_wait3A_43 = tpu.memref_slice %arg6[%add3A_21, %dma_wait3A_42] : memref<10240x16xf32, #tpu.memory_space<vmem_shared>> -> memref<128x16xf32, #tpu.memory_space<vmem_shared>>
        tpu.wait_dma2 semaphore(%run_scoped3A : memref<!tpu.dma_semaphore, #tpu.memory_space<semaphore_mem>>) src(%arg7 : memref<128x16xf32, #tpu.memory_space<vmem>>) dst(%dma_wait3A_43 : memref<128x16xf32, #tpu.memory_space<vmem_shared>>)
        tpu.yield
      }) : () -> ()
      %add3A_22 = arith.constant 128 : i32
      %add3A_23 = arith.addi %mul3A_20, %add3A_22 : i32
      "tpu.region"() ({
        %run_scoped3A = tpu.sem_alloc : memref<!tpu.dma_semaphore, #tpu.memory_space<semaphore_mem>>
        %dma_start3A = arith.constant 0 : i32
        %dma_start3A_38 = tpu.memref_slice %arg6[%add3A_23, %dma_start3A] : memref<10240x16xf32, #tpu.memory_space<vmem_shared>> -> memref<128x16xf32, #tpu.memory_space<vmem_shared>>
        %dma_start3A_39 = arith.constant 0 : i32
        %dma_start3A_40 = tpu.memref_slice %arg6[%add3A_23, %dma_start3A_39] : memref<10240x16xf32, #tpu.memory_space<vmem_shared>> -> memref<128x16xf32, #tpu.memory_space<vmem_shared>>
        tpu.enqueue_dma source(%arg7 : memref<128x16xf32, #tpu.memory_space<vmem>>) target(%dma_start3A_40 : memref<128x16xf32, #tpu.memory_space<vmem_shared>>) target_semaphore(%run_scoped3A : memref<!tpu.dma_semaphore, #tpu.memory_space<semaphore_mem>>)
        %dma_wait3A = arith.constant 0 : i32
        %dma_wait3A_41 = tpu.memref_slice %arg6[%add3A_23, %dma_wait3A] : memref<10240x16xf32, #tpu.memory_space<vmem_shared>> -> memref<128x16xf32, #tpu.memory_space<vmem_shared>>
        %dma_wait3A_42 = arith.constant 0 : i32
        %dma_wait3A_43 = tpu.memref_slice %arg6[%add3A_23, %dma_wait3A_42] : memref<10240x16xf32, #tpu.memory_space<vmem_shared>> -> memref<128x16xf32, #tpu.memory_space<vmem_shared>>
        tpu.wait_dma2 semaphore(%run_scoped3A : memref<!tpu.dma_semaphore, #tpu.memory_space<semaphore_mem>>) src(%arg7 : memref<128x16xf32, #tpu.memory_space<vmem>>) dst(%dma_wait3A_43 : memref<128x16xf32, #tpu.memory_space<vmem_shared>>)
        tpu.yield
      }) : () -> ()
      %add3A_24 = arith.constant 256 : i32
      %add3A_25 = arith.addi %mul3A_20, %add3A_24 : i32
      "tpu.region"() ({
        %run_scoped3A = tpu.sem_alloc : memref<!tpu.dma_semaphore, #tpu.memory_space<semaphore_mem>>
        %dma_start3A = arith.constant 0 : i32
        %dma_start3A_38 = tpu.memref_slice %arg6[%add3A_25, %dma_start3A] : memref<10240x16xf32, #tpu.memory_space<vmem_shared>> -> memref<128x16xf32, #tpu.memory_space<vmem_shared>>
        %dma_start3A_39 = arith.constant 0 : i32
        %dma_start3A_40 = tpu.memref_slice %arg6[%add3A_25, %dma_start3A_39] : memref<10240x16xf32, #tpu.memory_space<vmem_shared>> -> memref<128x16xf32, #tpu.memory_space<vmem_shared>>
        tpu.enqueue_dma source(%arg7 : memref<128x16xf32, #tpu.memory_space<vmem>>) target(%dma_start3A_40 : memref<128x16xf32, #tpu.memory_space<vmem_shared>>) target_semaphore(%run_scoped3A : memref<!tpu.dma_semaphore, #tpu.memory_space<semaphore_mem>>)
        %dma_wait3A = arith.constant 0 : i32
        %dma_wait3A_41 = tpu.memref_slice %arg6[%add3A_25, %dma_wait3A] : memref<10240x16xf32, #tpu.memory_space<vmem_shared>> -> memref<128x16xf32, #tpu.memory_space<vmem_shared>>
        %dma_wait3A_42 = arith.constant 0 : i32
        %dma_wait3A_43 = tpu.memref_slice %arg6[%add3A_25, %dma_wait3A_42] : memref<10240x16xf32, #tpu.memory_space<vmem_shared>> -> memref<128x16xf32, #tpu.memory_space<vmem_shared>>
        tpu.wait_dma2 semaphore(%run_scoped3A : memref<!tpu.dma_semaphore, #tpu.memory_space<semaphore_mem>>) src(%arg7 : memref<128x16xf32, #tpu.memory_space<vmem>>) dst(%dma_wait3A_43 : memref<128x16xf32, #tpu.memory_space<vmem_shared>>)
        tpu.yield
      }) : () -> ()
      %add3A_26 = arith.constant 384 : i32
      %add3A_27 = arith.addi %mul3A_20, %add3A_26 : i32
      "tpu.region"() ({
        %run_scoped3A = tpu.sem_alloc : memref<!tpu.dma_semaphore, #tpu.memory_space<semaphore_mem>>
        %dma_start3A = arith.constant 0 : i32
        %dma_start3A_38 = tpu.memref_slice %arg6[%add3A_27, %dma_start3A] : memref<10240x16xf32, #tpu.memory_space<vmem_shared>> -> memref<128x16xf32, #tpu.memory_space<vmem_shared>>
        %dma_start3A_39 = arith.constant 0 : i32
        %dma_start3A_40 = tpu.memref_slice %arg6[%add3A_27, %dma_start3A_39] : memref<10240x16xf32, #tpu.memory_space<vmem_shared>> -> memref<128x16xf32, #tpu.memory_space<vmem_shared>>
        tpu.enqueue_dma source(%arg7 : memref<128x16xf32, #tpu.memory_space<vmem>>) target(%dma_start3A_40 : memref<128x16xf32, #tpu.memory_space<vmem_shared>>) target_semaphore(%run_scoped3A : memref<!tpu.dma_semaphore, #tpu.memory_space<semaphore_mem>>)
        %dma_wait3A = arith.constant 0 : i32
        %dma_wait3A_41 = tpu.memref_slice %arg6[%add3A_27, %dma_wait3A] : memref<10240x16xf32, #tpu.memory_space<vmem_shared>> -> memref<128x16xf32, #tpu.memory_space<vmem_shared>>
        %dma_wait3A_42 = arith.constant 0 : i32
        %dma_wait3A_43 = tpu.memref_slice %arg6[%add3A_27, %dma_wait3A_42] : memref<10240x16xf32, #tpu.memory_space<vmem_shared>> -> memref<128x16xf32, #tpu.memory_space<vmem_shared>>
        tpu.wait_dma2 semaphore(%run_scoped3A : memref<!tpu.dma_semaphore, #tpu.memory_space<semaphore_mem>>) src(%arg7 : memref<128x16xf32, #tpu.memory_space<vmem>>) dst(%dma_wait3A_43 : memref<128x16xf32, #tpu.memory_space<vmem_shared>>)
        tpu.yield
      }) : () -> ()
      %add3A_28 = arith.constant 512 : i32
      %add3A_29 = arith.addi %mul3A_20, %add3A_28 : i32
      "tpu.region"() ({
        %run_scoped3A = tpu.sem_alloc : memref<!tpu.dma_semaphore, #tpu.memory_space<semaphore_mem>>
        %dma_start3A = arith.constant 0 : i32
        %dma_start3A_38 = tpu.memref_slice %arg6[%add3A_29, %dma_start3A] : memref<10240x16xf32, #tpu.memory_space<vmem_shared>> -> memref<128x16xf32, #tpu.memory_space<vmem_shared>>
        %dma_start3A_39 = arith.constant 0 : i32
        %dma_start3A_40 = tpu.memref_slice %arg6[%add3A_29, %dma_start3A_39] : memref<10240x16xf32, #tpu.memory_space<vmem_shared>> -> memref<128x16xf32, #tpu.memory_space<vmem_shared>>
        tpu.enqueue_dma source(%arg7 : memref<128x16xf32, #tpu.memory_space<vmem>>) target(%dma_start3A_40 : memref<128x16xf32, #tpu.memory_space<vmem_shared>>) target_semaphore(%run_scoped3A : memref<!tpu.dma_semaphore, #tpu.memory_space<semaphore_mem>>)
        %dma_wait3A = arith.constant 0 : i32
        %dma_wait3A_41 = tpu.memref_slice %arg6[%add3A_29, %dma_wait3A] : memref<10240x16xf32, #tpu.memory_space<vmem_shared>> -> memref<128x16xf32, #tpu.memory_space<vmem_shared>>
        %dma_wait3A_42 = arith.constant 0 : i32
        %dma_wait3A_43 = tpu.memref_slice %arg6[%add3A_29, %dma_wait3A_42] : memref<10240x16xf32, #tpu.memory_space<vmem_shared>> -> memref<128x16xf32, #tpu.memory_space<vmem_shared>>
        tpu.wait_dma2 semaphore(%run_scoped3A : memref<!tpu.dma_semaphore, #tpu.memory_space<semaphore_mem>>) src(%arg7 : memref<128x16xf32, #tpu.memory_space<vmem>>) dst(%dma_wait3A_43 : memref<128x16xf32, #tpu.memory_space<vmem_shared>>)
        tpu.yield
      }) : () -> ()
      %barrier3A = arith.constant 0 : index
      tpu.barrier barrier_id(%barrier3A)
      %scan3A_30 = arith.constant 0 : i32
      %scan3A_31 = arith.constant 0 : i32
      %scan3A_32 = arith.constant 10 : i32
      %scan3A_33 = arith.addi %scan3A_31, %scan3A_32 : i32
      %scan3A_34 = arith.constant 1 : i32
      %scan3A_35 = scf.for %scan3A_38 = %scan3A_31 to %scan3A_33 step %scan3A_34 iter_args(%scan3A_39 = %scan3A_30) -> (i32)  : i32 {
        %mul3A_40 = arith.constant 16 : i32
        %mul3A_41 = arith.muli %scan3A_38, %mul3A_40 : i32
        "tpu.region"() ({
          %run_scoped3A = tpu.sem_alloc : memref<!tpu.dma_semaphore, #tpu.memory_space<semaphore_mem>>
          %dma_start3A = arith.constant 0 : i32
          %dma_start3A_50 = tpu.memref_slice %arg3[%arg1, %mul3A_41, %dma_start3A] : memref<16x160x128xi32, #tpu.memory_space<hbm>> -> memref<1x16x128xi32, #tpu.memory_space<hbm>>
          %dma_start3A_51 = tpu.memref_squeeze %dma_start3A_50 : memref<1x16x128xi32, #tpu.memory_space<hbm>> -> memref<16x128xi32, #tpu.memory_space<hbm>>
          %dma_start3A_52 = arith.constant 0 : i32
          %dma_start3A_53 = tpu.memref_slice %arg3[%arg1, %mul3A_41, %dma_start3A_52] : memref<16x160x128xi32, #tpu.memory_space<hbm>> -> memref<1x16x128xi32, #tpu.memory_space<hbm>>
          %dma_start3A_54 = tpu.memref_squeeze %dma_start3A_53 : memref<1x16x128xi32, #tpu.memory_space<hbm>> -> memref<16x128xi32, #tpu.memory_space<hbm>>
          tpu.enqueue_dma source(%dma_start3A_54 : memref<16x128xi32, #tpu.memory_space<hbm>>) target(%arg9 : memref<16x128xi32, #tpu.memory_space<vmem>>) target_semaphore(%run_scoped3A : memref<!tpu.dma_semaphore, #tpu.memory_space<semaphore_mem>>)
          %dma_wait3A = arith.constant 0 : i32
          %dma_wait3A_55 = tpu.memref_slice %arg3[%arg1, %mul3A_41, %dma_wait3A] : memref<16x160x128xi32, #tpu.memory_space<hbm>> -> memref<1x16x128xi32, #tpu.memory_space<hbm>>
          %dma_wait3A_56 = tpu.memref_squeeze %dma_wait3A_55 : memref<1x16x128xi32, #tpu.memory_space<hbm>> -> memref<16x128xi32, #tpu.memory_space<hbm>>
          %dma_wait3A_57 = arith.constant 0 : i32
          %dma_wait3A_58 = tpu.memref_slice %arg3[%arg1, %mul3A_41, %dma_wait3A_57] : memref<16x160x128xi32, #tpu.memory_space<hbm>> -> memref<1x16x128xi32, #tpu.memory_space<hbm>>
          %dma_wait3A_59 = tpu.memref_squeeze %dma_wait3A_58 : memref<1x16x128xi32, #tpu.memory_space<hbm>> -> memref<16x128xi32, #tpu.memory_space<hbm>>
          tpu.wait_dma2 semaphore(%run_scoped3A : memref<!tpu.dma_semaphore, #tpu.memory_space<semaphore_mem>>) src(%dma_wait3A_59 : memref<16x128xi32, #tpu.memory_space<hbm>>) dst(%arg9 : memref<16x128xi32, #tpu.memory_space<vmem>>)
          tpu.yield
        }) : () -> ()
        %scan3A_42 = arith.constant 0 : i32
        %scan3A_43 = arith.constant 0 : i32
        %scan3A_44 = arith.constant 16 : i32
        %scan3A_45 = arith.addi %scan3A_43, %scan3A_44 : i32
        %scan3A_46 = arith.constant 1 : i32
        %scan3A_47 = scf.for %scan3A_50 = %scan3A_43 to %scan3A_45 step %scan3A_46 iter_args(%scan3A_51 = %scan3A_42) -> (i32)  : i32 {
          "tpu.region"() ({
            %run_scoped3A = tpu.sem_alloc : memref<!tpu.dma_semaphore, #tpu.memory_space<semaphore_mem>>
            %dma_start3A = arith.constant 0 : i32
            %dma_start3A_53 = tpu.memref_slice %arg9[%scan3A_50, %dma_start3A] : memref<16x128xi32, #tpu.memory_space<vmem>> -> memref<1x128xi32, #tpu.memory_space<vmem>>
            %dma_start3A_54 = tpu.memref_squeeze %dma_start3A_53 : memref<1x128xi32, #tpu.memory_space<vmem>> -> memref<128xi32, #tpu.memory_space<vmem>>
            %dma_start3A_55 = arith.constant 0 : i32
            %dma_start3A_56 = arith.constant 0 : i32
            %dma_start3A_57 = tpu.memref_slice %arg6[%dma_start3A_55, %dma_start3A_56] : memref<10240x16xf32, #tpu.memory_space<vmem_shared>> -> memref<10240x16xf32, #tpu.memory_space<vmem_shared>>
            tpu.enqueue_indirect_dma source(%arg8 : memref<128x16xf32, #tpu.memory_space<vmem>>) target(%dma_start3A_57 : memref<10240x16xf32, #tpu.memory_space<vmem_shared>>) offsets(%dma_start3A_54 : memref<128xi32, #tpu.memory_space<vmem>>) semaphore(%run_scoped3A : memref<!tpu.dma_semaphore, #tpu.memory_space<semaphore_mem>>) {add = true}
            %dma_wait3A = arith.constant 0 : i32
            %dma_wait3A_58 = tpu.memref_slice %arg9[%scan3A_50, %dma_wait3A] : memref<16x128xi32, #tpu.memory_space<vmem>> -> memref<1x128xi32, #tpu.memory_space<vmem>>
            %dma_wait3A_59 = tpu.memref_squeeze %dma_wait3A_58 : memref<1x128xi32, #tpu.memory_space<vmem>> -> memref<128xi32, #tpu.memory_space<vmem>>
            %dma_wait3A_60 = arith.constant 0 : i32
            %dma_wait3A_61 = arith.constant 0 : i32
            %dma_wait3A_62 = tpu.memref_slice %arg6[%dma_wait3A_60, %dma_wait3A_61] : memref<10240x16xf32, #tpu.memory_space<vmem_shared>> -> memref<10240x16xf32, #tpu.memory_space<vmem_shared>>
            tpu.wait_indirect_dma semaphore(%run_scoped3A : memref<!tpu.dma_semaphore, #tpu.memory_space<semaphore_mem>>) src(%arg8 : memref<128x16xf32, #tpu.memory_space<vmem>>) dst(%dma_wait3A_62 : memref<10240x16xf32, #tpu.memory_space<vmem_shared>>)
            tpu.yield
          }) : () -> ()
          %scan3A_52 = arith.constant 0 : i32
          scf.yield %scan3A_52 : i32
        }
        %scan3A_48 = arith.constant 16 : i32
        %scan3A_49 = arith.constant 0 : i32
        scf.yield %scan3A_49 : i32
      }
      %scan3A_36 = arith.constant 10 : i32
      %barrier3A_37 = arith.constant 0 : index
      tpu.barrier barrier_id(%barrier3A_37)
      "tpu.region"() ({
        %run_scoped3A = tpu.sem_alloc : memref<!tpu.dma_semaphore, #tpu.memory_space<semaphore_mem>>
        %dma_start3A = arith.constant 0 : i32
        %dma_start3A_38 = tpu.memref_slice %arg5[%mul3A_20, %dma_start3A] : memref<10240x16xf32, #tpu.memory_space<hbm>> -> memref<640x16xf32, #tpu.memory_space<hbm>>
        %dma_start3A_39 = arith.constant 0 : i32
        %dma_start3A_40 = tpu.memref_slice %arg6[%mul3A_20, %dma_start3A_39] : memref<10240x16xf32, #tpu.memory_space<vmem_shared>> -> memref<640x16xf32, #tpu.memory_space<vmem_shared>>
        tpu.enqueue_dma source(%dma_start3A_40 : memref<640x16xf32, #tpu.memory_space<vmem_shared>>) target(%dma_start3A_38 : memref<640x16xf32, #tpu.memory_space<hbm>>) target_semaphore(%run_scoped3A : memref<!tpu.dma_semaphore, #tpu.memory_space<semaphore_mem>>)
        %dma_wait3A = arith.constant 0 : i32
        %dma_wait3A_41 = tpu.memref_slice %arg5[%mul3A_20, %dma_wait3A] : memref<10240x16xf32, #tpu.memory_space<hbm>> -> memref<640x16xf32, #tpu.memory_space<hbm>>
        %dma_wait3A_42 = arith.constant 0 : i32
        %dma_wait3A_43 = tpu.memref_slice %arg6[%mul3A_20, %dma_wait3A_42] : memref<10240x16xf32, #tpu.memory_space<vmem_shared>> -> memref<640x16xf32, #tpu.memory_space<vmem_shared>>
        tpu.wait_dma2 semaphore(%run_scoped3A : memref<!tpu.dma_semaphore, #tpu.memory_space<semaphore_mem>>) src(%dma_wait3A_43 : memref<640x16xf32, #tpu.memory_space<vmem_shared>>) dst(%dma_wait3A_41 : memref<640x16xf32, #tpu.memory_space<hbm>>)
        tpu.yield
      }) : () -> ()
    } else {
    }
    return
  }
}

#map = affine_map<(d0, d1) -> (0, 0)>
#map1 = affine_map<(d0, d1) -> (0, 0, 0)>
module attributes {stable_mosaic.version = 14 : i64} {
  func.func @_scatter_kernel(%arg0: i32, %arg1: i32, %arg2: memref<10000x128xf32, #tpu.memory_space<hbm>>, %arg3: memref<16x160x128xi32, #tpu.memory_space<hbm>>, %arg4: memref<16x160x128xi32, #tpu.memory_space<hbm>>, %arg5: memref<10000x128xf32, #tpu.memory_space<hbm>>, %arg6: memref<16x160x128xi32, #tpu.memory_space<hbm>>, %arg7: memref<16x160x128xi32, #tpu.memory_space<hbm>>, %arg8: memref<10240x128xf32, #tpu.memory_space<hbm>>, %arg9: memref<10240x128xf32, #tpu.memory_space<hbm>>, %arg10: memref<10240x128xf32, #tpu.memory_space<vmem_shared>>, %arg11: memref<128x128xf32, #tpu.memory_space<vmem>>, %arg12: memref<128x128xf32, #tpu.memory_space<vmem>>, %arg13: memref<16x128xi32, #tpu.memory_space<vmem>>, %arg14: memref<16x128xi32, #tpu.memory_space<vmem>>, %arg15: memref<!tpu.dma_semaphore, #tpu.memory_space<semaphore_mem>>, %arg16: memref<!tpu.dma_semaphore, #tpu.memory_space<semaphore_mem>>, %arg17: memref<!tpu.dma_semaphore, #tpu.memory_space<semaphore_mem>>, %arg18: memref<!tpu.dma_semaphore, #tpu.memory_space<semaphore_mem>>) attributes {dimension_semantics = [#tpu.dimension_semantics<core_parallel>, #tpu.dimension_semantics<subcore_parallel>], iteration_bounds = array<i64: 2, 16>, scalar_prefetch = 0 : i64, scratch_operands = 9 : i64, tpu.core_type = #tpu.core_type<sc_vector_subcore>, window_params = [{transform_indices = #map}, {transform_indices = #map1}, {transform_indices = #map1}, {transform_indices = #map}, {transform_indices = #map1}, {transform_indices = #map1}, {transform_indices = #map}, {transform_indices = #map}]} {
    %eq3A = arith.constant 0 : i32
    %eq3A_0 = arith.cmpi eq, %arg0, %eq3A : i32
    %convert_element_type3A = arith.extui %eq3A_0 : i1 to i32
    %cond3A = arith.constant 0 : i32
    %cond3A_1 = arith.cmpi ne, %convert_element_type3A, %cond3A : i32
    scf.if %cond3A_1 {
      %scan3A = arith.constant 0 : i32
      %scan3A_7 = arith.constant 0 : i32
      %scan3A_8 = arith.constant 128 : i32
      %scan3A_9 = arith.addi %scan3A_7, %scan3A_8 : i32
      %scan3A_10 = arith.constant 1 : i32
      %scan3A_11 = scf.for %scan3A_51 = %scan3A_7 to %scan3A_9 step %scan3A_10 iter_args(%scan3A_52 = %scan3A) -> (i32)  : i32 {
        %broadcast_in_dim3A = arith.constant 0.000000e+00 : f32
        %broadcast_in_dim3A_53 = vector.broadcast %broadcast_in_dim3A : f32 to vector<16xf32>
        %swap3A = arith.index_cast %scan3A_51 : i32 to index
        %swap3A_54 = arith.constant 0 : index
        %swap3A_55 = tpu.vector_load %arg11[%swap3A, %swap3A_54] {strides = array<i32>} : memref<128x128xf32, #tpu.memory_space<vmem>>, vector<1x16xf32>,
        %swap3A_56 = vector.shape_cast %swap3A_55 : vector<1x16xf32> to vector<16xf32>
        %swap3A_57 = vector.shape_cast %broadcast_in_dim3A_53 : vector<16xf32> to vector<1x16xf32>
        tpu.vector_store %arg11[%swap3A, %swap3A_54], %swap3A_57 {strides = array<i32>} : memref<128x128xf32, #tpu.memory_space<vmem>>, vector<1x16xf32>,
        %broadcast_in_dim3A_58 = arith.constant 0.000000e+00 : f32
        %broadcast_in_dim3A_59 = vector.broadcast %broadcast_in_dim3A_58 : f32 to vector<16xf32>
        %swap3A_60 = arith.index_cast %scan3A_51 : i32 to index
        %swap3A_61 = arith.constant 16 : index
        %swap3A_62 = tpu.vector_load %arg11[%swap3A_60, %swap3A_61] {strides = array<i32>} : memref<128x128xf32, #tpu.memory_space<vmem>>, vector<1x16xf32>,
        %swap3A_63 = vector.shape_cast %swap3A_62 : vector<1x16xf32> to vector<16xf32>
        %swap3A_64 = vector.shape_cast %broadcast_in_dim3A_59 : vector<16xf32> to vector<1x16xf32>
        tpu.vector_store %arg11[%swap3A_60, %swap3A_61], %swap3A_64 {strides = array<i32>} : memref<128x128xf32, #tpu.memory_space<vmem>>, vector<1x16xf32>,
        %broadcast_in_dim3A_65 = arith.constant 0.000000e+00 : f32
        %broadcast_in_dim3A_66 = vector.broadcast %broadcast_in_dim3A_65 : f32 to vector<16xf32>
        %swap3A_67 = arith.index_cast %scan3A_51 : i32 to index
        %swap3A_68 = arith.constant 32 : index
        %swap3A_69 = tpu.vector_load %arg11[%swap3A_67, %swap3A_68] {strides = array<i32>} : memref<128x128xf32, #tpu.memory_space<vmem>>, vector<1x16xf32>,
        %swap3A_70 = vector.shape_cast %swap3A_69 : vector<1x16xf32> to vector<16xf32>
        %swap3A_71 = vector.shape_cast %broadcast_in_dim3A_66 : vector<16xf32> to vector<1x16xf32>
        tpu.vector_store %arg11[%swap3A_67, %swap3A_68], %swap3A_71 {strides = array<i32>} : memref<128x128xf32, #tpu.memory_space<vmem>>, vector<1x16xf32>,
        %broadcast_in_dim3A_72 = arith.constant 0.000000e+00 : f32
        %broadcast_in_dim3A_73 = vector.broadcast %broadcast_in_dim3A_72 : f32 to vector<16xf32>
        %swap3A_74 = arith.index_cast %scan3A_51 : i32 to index
        %swap3A_75 = arith.constant 48 : index
        %swap3A_76 = tpu.vector_load %arg11[%swap3A_74, %swap3A_75] {strides = array<i32>} : memref<128x128xf32, #tpu.memory_space<vmem>>, vector<1x16xf32>,
        %swap3A_77 = vector.shape_cast %swap3A_76 : vector<1x16xf32> to vector<16xf32>
        %swap3A_78 = vector.shape_cast %broadcast_in_dim3A_73 : vector<16xf32> to vector<1x16xf32>
        tpu.vector_store %arg11[%swap3A_74, %swap3A_75], %swap3A_78 {strides = array<i32>} : memref<128x128xf32, #tpu.memory_space<vmem>>, vector<1x16xf32>,
        %broadcast_in_dim3A_79 = arith.constant 0.000000e+00 : f32
        %broadcast_in_dim3A_80 = vector.broadcast %broadcast_in_dim3A_79 : f32 to vector<16xf32>
        %swap3A_81 = arith.index_cast %scan3A_51 : i32 to index
        %swap3A_82 = arith.constant 64 : index
        %swap3A_83 = tpu.vector_load %arg11[%swap3A_81, %swap3A_82] {strides = array<i32>} : memref<128x128xf32, #tpu.memory_space<vmem>>, vector<1x16xf32>,
        %swap3A_84 = vector.shape_cast %swap3A_83 : vector<1x16xf32> to vector<16xf32>
        %swap3A_85 = vector.shape_cast %broadcast_in_dim3A_80 : vector<16xf32> to vector<1x16xf32>
        tpu.vector_store %arg11[%swap3A_81, %swap3A_82], %swap3A_85 {strides = array<i32>} : memref<128x128xf32, #tpu.memory_space<vmem>>, vector<1x16xf32>,
        %broadcast_in_dim3A_86 = arith.constant 0.000000e+00 : f32
        %broadcast_in_dim3A_87 = vector.broadcast %broadcast_in_dim3A_86 : f32 to vector<16xf32>
        %swap3A_88 = arith.index_cast %scan3A_51 : i32 to index
        %swap3A_89 = arith.constant 80 : index
        %swap3A_90 = tpu.vector_load %arg11[%swap3A_88, %swap3A_89] {strides = array<i32>} : memref<128x128xf32, #tpu.memory_space<vmem>>, vector<1x16xf32>,
        %swap3A_91 = vector.shape_cast %swap3A_90 : vector<1x16xf32> to vector<16xf32>
        %swap3A_92 = vector.shape_cast %broadcast_in_dim3A_87 : vector<16xf32> to vector<1x16xf32>
        tpu.vector_store %arg11[%swap3A_88, %swap3A_89], %swap3A_92 {strides = array<i32>} : memref<128x128xf32, #tpu.memory_space<vmem>>, vector<1x16xf32>,
        %broadcast_in_dim3A_93 = arith.constant 0.000000e+00 : f32
        %broadcast_in_dim3A_94 = vector.broadcast %broadcast_in_dim3A_93 : f32 to vector<16xf32>
        %swap3A_95 = arith.index_cast %scan3A_51 : i32 to index
        %swap3A_96 = arith.constant 96 : index
        %swap3A_97 = tpu.vector_load %arg11[%swap3A_95, %swap3A_96] {strides = array<i32>} : memref<128x128xf32, #tpu.memory_space<vmem>>, vector<1x16xf32>,
        %swap3A_98 = vector.shape_cast %swap3A_97 : vector<1x16xf32> to vector<16xf32>
        %swap3A_99 = vector.shape_cast %broadcast_in_dim3A_94 : vector<16xf32> to vector<1x16xf32>
        tpu.vector_store %arg11[%swap3A_95, %swap3A_96], %swap3A_99 {strides = array<i32>} : memref<128x128xf32, #tpu.memory_space<vmem>>, vector<1x16xf32>,
        %broadcast_in_dim3A_100 = arith.constant 0.000000e+00 : f32
        %broadcast_in_dim3A_101 = vector.broadcast %broadcast_in_dim3A_100 : f32 to vector<16xf32>
        %swap3A_102 = arith.index_cast %scan3A_51 : i32 to index
        %swap3A_103 = arith.constant 112 : index
        %swap3A_104 = tpu.vector_load %arg11[%swap3A_102, %swap3A_103] {strides = array<i32>} : memref<128x128xf32, #tpu.memory_space<vmem>>, vector<1x16xf32>,
        %swap3A_105 = vector.shape_cast %swap3A_104 : vector<1x16xf32> to vector<16xf32>
        %swap3A_106 = vector.shape_cast %broadcast_in_dim3A_101 : vector<16xf32> to vector<1x16xf32>
        tpu.vector_store %arg11[%swap3A_102, %swap3A_103], %swap3A_106 {strides = array<i32>} : memref<128x128xf32, #tpu.memory_space<vmem>>, vector<1x16xf32>,
        %scan3A_107 = arith.constant 0 : i32
        scf.yield %scan3A_107 : i32
      }
      %scan3A_12 = arith.constant 128 : i32
      %mul3A = arith.constant 640 : i32
      %mul3A_13 = arith.muli %mul3A, %arg1 : i32
      %add3A = arith.constant 0 : i32
      %add3A_14 = arith.addi %mul3A_13, %add3A : i32
      "tpu.region"() ({
        %run_scoped3A = tpu.sem_alloc : memref<!tpu.dma_semaphore, #tpu.memory_space<semaphore_mem>>
        %dma_start3A = arith.constant 0 : i32
        %dma_start3A_51 = tpu.memref_slice %arg10[%add3A_14, %dma_start3A] : memref<10240x128xf32, #tpu.memory_space<vmem_shared>> -> memref<128x128xf32, #tpu.memory_space<vmem_shared>>
        %dma_start3A_52 = arith.constant 0 : i32
        %dma_start3A_53 = tpu.memref_slice %arg10[%add3A_14, %dma_start3A_52] : memref<10240x128xf32, #tpu.memory_space<vmem_shared>> -> memref<128x128xf32, #tpu.memory_space<vmem_shared>>
        tpu.enqueue_dma source(%arg11 : memref<128x128xf32, #tpu.memory_space<vmem>>) target(%dma_start3A_53 : memref<128x128xf32, #tpu.memory_space<vmem_shared>>) target_semaphore(%run_scoped3A : memref<!tpu.dma_semaphore, #tpu.memory_space<semaphore_mem>>)
        %dma_wait3A = arith.constant 0 : i32
        %dma_wait3A_54 = tpu.memref_slice %arg10[%add3A_14, %dma_wait3A] : memref<10240x128xf32, #tpu.memory_space<vmem_shared>> -> memref<128x128xf32, #tpu.memory_space<vmem_shared>>
        %dma_wait3A_55 = arith.constant 0 : i32
        %dma_wait3A_56 = tpu.memref_slice %arg10[%add3A_14, %dma_wait3A_55] : memref<10240x128xf32, #tpu.memory_space<vmem_shared>> -> memref<128x128xf32, #tpu.memory_space<vmem_shared>>
        tpu.wait_dma2 semaphore(%run_scoped3A : memref<!tpu.dma_semaphore, #tpu.memory_space<semaphore_mem>>) src(%arg11 : memref<128x128xf32, #tpu.memory_space<vmem>>) dst(%dma_wait3A_56 : memref<128x128xf32, #tpu.memory_space<vmem_shared>>)
        tpu.yield
      }) : () -> ()
      %add3A_15 = arith.constant 128 : i32
      %add3A_16 = arith.addi %mul3A_13, %add3A_15 : i32
      "tpu.region"() ({
        %run_scoped3A = tpu.sem_alloc : memref<!tpu.dma_semaphore, #tpu.memory_space<semaphore_mem>>
        %dma_start3A = arith.constant 0 : i32
        %dma_start3A_51 = tpu.memref_slice %arg10[%add3A_16, %dma_start3A] : memref<10240x128xf32, #tpu.memory_space<vmem_shared>> -> memref<128x128xf32, #tpu.memory_space<vmem_shared>>
        %dma_start3A_52 = arith.constant 0 : i32
        %dma_start3A_53 = tpu.memref_slice %arg10[%add3A_16, %dma_start3A_52] : memref<10240x128xf32, #tpu.memory_space<vmem_shared>> -> memref<128x128xf32, #tpu.memory_space<vmem_shared>>
        tpu.enqueue_dma source(%arg11 : memref<128x128xf32, #tpu.memory_space<vmem>>) target(%dma_start3A_53 : memref<128x128xf32, #tpu.memory_space<vmem_shared>>) target_semaphore(%run_scoped3A : memref<!tpu.dma_semaphore, #tpu.memory_space<semaphore_mem>>)
        %dma_wait3A = arith.constant 0 : i32
        %dma_wait3A_54 = tpu.memref_slice %arg10[%add3A_16, %dma_wait3A] : memref<10240x128xf32, #tpu.memory_space<vmem_shared>> -> memref<128x128xf32, #tpu.memory_space<vmem_shared>>
        %dma_wait3A_55 = arith.constant 0 : i32
        %dma_wait3A_56 = tpu.memref_slice %arg10[%add3A_16, %dma_wait3A_55] : memref<10240x128xf32, #tpu.memory_space<vmem_shared>> -> memref<128x128xf32, #tpu.memory_space<vmem_shared>>
        tpu.wait_dma2 semaphore(%run_scoped3A : memref<!tpu.dma_semaphore, #tpu.memory_space<semaphore_mem>>) src(%arg11 : memref<128x128xf32, #tpu.memory_space<vmem>>) dst(%dma_wait3A_56 : memref<128x128xf32, #tpu.memory_space<vmem_shared>>)
        tpu.yield
      }) : () -> ()
      %add3A_17 = arith.constant 256 : i32
      %add3A_18 = arith.addi %mul3A_13, %add3A_17 : i32
      "tpu.region"() ({
        %run_scoped3A = tpu.sem_alloc : memref<!tpu.dma_semaphore, #tpu.memory_space<semaphore_mem>>
        %dma_start3A = arith.constant 0 : i32
        %dma_start3A_51 = tpu.memref_slice %arg10[%add3A_18, %dma_start3A] : memref<10240x128xf32, #tpu.memory_space<vmem_shared>> -> memref<128x128xf32, #tpu.memory_space<vmem_shared>>
        %dma_start3A_52 = arith.constant 0 : i32
        %dma_start3A_53 = tpu.memref_slice %arg10[%add3A_18, %dma_start3A_52] : memref<10240x128xf32, #tpu.memory_space<vmem_shared>> -> memref<128x128xf32, #tpu.memory_space<vmem_shared>>
        tpu.enqueue_dma source(%arg11 : memref<128x128xf32, #tpu.memory_space<vmem>>) target(%dma_start3A_53 : memref<128x128xf32, #tpu.memory_space<vmem_shared>>) target_semaphore(%run_scoped3A : memref<!tpu.dma_semaphore, #tpu.memory_space<semaphore_mem>>)
        %dma_wait3A = arith.constant 0 : i32
        %dma_wait3A_54 = tpu.memref_slice %arg10[%add3A_18, %dma_wait3A] : memref<10240x128xf32, #tpu.memory_space<vmem_shared>> -> memref<128x128xf32, #tpu.memory_space<vmem_shared>>
        %dma_wait3A_55 = arith.constant 0 : i32
        %dma_wait3A_56 = tpu.memref_slice %arg10[%add3A_18, %dma_wait3A_55] : memref<10240x128xf32, #tpu.memory_space<vmem_shared>> -> memref<128x128xf32, #tpu.memory_space<vmem_shared>>
        tpu.wait_dma2 semaphore(%run_scoped3A : memref<!tpu.dma_semaphore, #tpu.memory_space<semaphore_mem>>) src(%arg11 : memref<128x128xf32, #tpu.memory_space<vmem>>) dst(%dma_wait3A_56 : memref<128x128xf32, #tpu.memory_space<vmem_shared>>)
        tpu.yield
      }) : () -> ()
      %add3A_19 = arith.constant 384 : i32
      %add3A_20 = arith.addi %mul3A_13, %add3A_19 : i32
      "tpu.region"() ({
        %run_scoped3A = tpu.sem_alloc : memref<!tpu.dma_semaphore, #tpu.memory_space<semaphore_mem>>
        %dma_start3A = arith.constant 0 : i32
        %dma_start3A_51 = tpu.memref_slice %arg10[%add3A_20, %dma_start3A] : memref<10240x128xf32, #tpu.memory_space<vmem_shared>> -> memref<128x128xf32, #tpu.memory_space<vmem_shared>>
        %dma_start3A_52 = arith.constant 0 : i32
        %dma_start3A_53 = tpu.memref_slice %arg10[%add3A_20, %dma_start3A_52] : memref<10240x128xf32, #tpu.memory_space<vmem_shared>> -> memref<128x128xf32, #tpu.memory_space<vmem_shared>>
        tpu.enqueue_dma source(%arg11 : memref<128x128xf32, #tpu.memory_space<vmem>>) target(%dma_start3A_53 : memref<128x128xf32, #tpu.memory_space<vmem_shared>>) target_semaphore(%run_scoped3A : memref<!tpu.dma_semaphore, #tpu.memory_space<semaphore_mem>>)
        %dma_wait3A = arith.constant 0 : i32
        %dma_wait3A_54 = tpu.memref_slice %arg10[%add3A_20, %dma_wait3A] : memref<10240x128xf32, #tpu.memory_space<vmem_shared>> -> memref<128x128xf32, #tpu.memory_space<vmem_shared>>
        %dma_wait3A_55 = arith.constant 0 : i32
        %dma_wait3A_56 = tpu.memref_slice %arg10[%add3A_20, %dma_wait3A_55] : memref<10240x128xf32, #tpu.memory_space<vmem_shared>> -> memref<128x128xf32, #tpu.memory_space<vmem_shared>>
        tpu.wait_dma2 semaphore(%run_scoped3A : memref<!tpu.dma_semaphore, #tpu.memory_space<semaphore_mem>>) src(%arg11 : memref<128x128xf32, #tpu.memory_space<vmem>>) dst(%dma_wait3A_56 : memref<128x128xf32, #tpu.memory_space<vmem_shared>>)
        tpu.yield
      }) : () -> ()
      %add3A_21 = arith.constant 512 : i32
      %add3A_22 = arith.addi %mul3A_13, %add3A_21 : i32
      "tpu.region"() ({
        %run_scoped3A = tpu.sem_alloc : memref<!tpu.dma_semaphore, #tpu.memory_space<semaphore_mem>>
        %dma_start3A = arith.constant 0 : i32
        %dma_start3A_51 = tpu.memref_slice %arg10[%add3A_22, %dma_start3A] : memref<10240x128xf32, #tpu.memory_space<vmem_shared>> -> memref<128x128xf32, #tpu.memory_space<vmem_shared>>
        %dma_start3A_52 = arith.constant 0 : i32
        %dma_start3A_53 = tpu.memref_slice %arg10[%add3A_22, %dma_start3A_52] : memref<10240x128xf32, #tpu.memory_space<vmem_shared>> -> memref<128x128xf32, #tpu.memory_space<vmem_shared>>
        tpu.enqueue_dma source(%arg11 : memref<128x128xf32, #tpu.memory_space<vmem>>) target(%dma_start3A_53 : memref<128x128xf32, #tpu.memory_space<vmem_shared>>) target_semaphore(%run_scoped3A : memref<!tpu.dma_semaphore, #tpu.memory_space<semaphore_mem>>)
        %dma_wait3A = arith.constant 0 : i32
        %dma_wait3A_54 = tpu.memref_slice %arg10[%add3A_22, %dma_wait3A] : memref<10240x128xf32, #tpu.memory_space<vmem_shared>> -> memref<128x128xf32, #tpu.memory_space<vmem_shared>>
        %dma_wait3A_55 = arith.constant 0 : i32
        %dma_wait3A_56 = tpu.memref_slice %arg10[%add3A_22, %dma_wait3A_55] : memref<10240x128xf32, #tpu.memory_space<vmem_shared>> -> memref<128x128xf32, #tpu.memory_space<vmem_shared>>
        tpu.wait_dma2 semaphore(%run_scoped3A : memref<!tpu.dma_semaphore, #tpu.memory_space<semaphore_mem>>) src(%arg11 : memref<128x128xf32, #tpu.memory_space<vmem>>) dst(%dma_wait3A_56 : memref<128x128xf32, #tpu.memory_space<vmem_shared>>)
        tpu.yield
      }) : () -> ()
      %barrier3A = arith.constant 0 : index
      tpu.barrier barrier_id(%barrier3A)
      %scan3A_23 = arith.constant 0 : i32
      %scan3A_24 = arith.constant 0 : i32
      %scan3A_25 = arith.constant 10 : i32
      %scan3A_26 = arith.addi %scan3A_24, %scan3A_25 : i32
      %scan3A_27 = arith.constant 1 : i32
      %scan3A_28 = scf.for %scan3A_51 = %scan3A_24 to %scan3A_26 step %scan3A_27 iter_args(%scan3A_52 = %scan3A_23) -> (i32)  : i32 {
        %mul3A_53 = arith.constant 16 : i32
        %mul3A_54 = arith.muli %scan3A_51, %mul3A_53 : i32
        "tpu.region"() ({
          %run_scoped3A = tpu.sem_alloc : memref<!tpu.dma_semaphore, #tpu.memory_space<semaphore_mem>>
          %dma_start3A_84 = arith.constant 0 : i32
          %dma_start3A_85 = tpu.memref_slice %arg3[%arg1, %mul3A_54, %dma_start3A_84] : memref<16x160x128xi32, #tpu.memory_space<hbm>> -> memref<1x16x128xi32, #tpu.memory_space<hbm>>
          %dma_start3A_86 = tpu.memref_squeeze %dma_start3A_85 : memref<1x16x128xi32, #tpu.memory_space<hbm>> -> memref<16x128xi32, #tpu.memory_space<hbm>>
          %dma_start3A_87 = arith.constant 0 : i32
          %dma_start3A_88 = tpu.memref_slice %arg3[%arg1, %mul3A_54, %dma_start3A_87] : memref<16x160x128xi32, #tpu.memory_space<hbm>> -> memref<1x16x128xi32, #tpu.memory_space<hbm>>
          %dma_start3A_89 = tpu.memref_squeeze %dma_start3A_88 : memref<1x16x128xi32, #tpu.memory_space<hbm>> -> memref<16x128xi32, #tpu.memory_space<hbm>>
          tpu.enqueue_dma source(%dma_start3A_89 : memref<16x128xi32, #tpu.memory_space<hbm>>) target(%arg13 : memref<16x128xi32, #tpu.memory_space<vmem>>) target_semaphore(%run_scoped3A : memref<!tpu.dma_semaphore, #tpu.memory_space<semaphore_mem>>)
          %dma_wait3A = arith.constant 0 : i32
          %dma_wait3A_90 = tpu.memref_slice %arg3[%arg1, %mul3A_54, %dma_wait3A] : memref<16x160x128xi32, #tpu.memory_space<hbm>> -> memref<1x16x128xi32, #tpu.memory_space<hbm>>
          %dma_wait3A_91 = tpu.memref_squeeze %dma_wait3A_90 : memref<1x16x128xi32, #tpu.memory_space<hbm>> -> memref<16x128xi32, #tpu.memory_space<hbm>>
          %dma_wait3A_92 = arith.constant 0 : i32
          %dma_wait3A_93 = tpu.memref_slice %arg3[%arg1, %mul3A_54, %dma_wait3A_92] : memref<16x160x128xi32, #tpu.memory_space<hbm>> -> memref<1x16x128xi32, #tpu.memory_space<hbm>>
          %dma_wait3A_94 = tpu.memref_squeeze %dma_wait3A_93 : memref<1x16x128xi32, #tpu.memory_space<hbm>> -> memref<16x128xi32, #tpu.memory_space<hbm>>
          tpu.wait_dma2 semaphore(%run_scoped3A : memref<!tpu.dma_semaphore, #tpu.memory_space<semaphore_mem>>) src(%dma_wait3A_94 : memref<16x128xi32, #tpu.memory_space<hbm>>) dst(%arg13 : memref<16x128xi32, #tpu.memory_space<vmem>>)
          tpu.yield
        }) : () -> ()
        %mul3A_55 = arith.constant 16 : i32
        %mul3A_56 = arith.muli %scan3A_51, %mul3A_55 : i32
        "tpu.region"() ({
          %run_scoped3A = tpu.sem_alloc : memref<!tpu.dma_semaphore, #tpu.memory_space<semaphore_mem>>
          %dma_start3A_84 = arith.constant 0 : i32
          %dma_start3A_85 = tpu.memref_slice %arg4[%arg1, %mul3A_56, %dma_start3A_84] : memref<16x160x128xi32, #tpu.memory_space<hbm>> -> memref<1x16x128xi32, #tpu.memory_space<hbm>>
          %dma_start3A_86 = tpu.memref_squeeze %dma_start3A_85 : memref<1x16x128xi32, #tpu.memory_space<hbm>> -> memref<16x128xi32, #tpu.memory_space<hbm>>
          %dma_start3A_87 = arith.constant 0 : i32
          %dma_start3A_88 = tpu.memref_slice %arg4[%arg1, %mul3A_56, %dma_start3A_87] : memref<16x160x128xi32, #tpu.memory_space<hbm>> -> memref<1x16x128xi32, #tpu.memory_space<hbm>>
          %dma_start3A_89 = tpu.memref_squeeze %dma_start3A_88 : memref<1x16x128xi32, #tpu.memory_space<hbm>> -> memref<16x128xi32, #tpu.memory_space<hbm>>
          tpu.enqueue_dma source(%dma_start3A_89 : memref<16x128xi32, #tpu.memory_space<hbm>>) target(%arg14 : memref<16x128xi32, #tpu.memory_space<vmem>>) target_semaphore(%run_scoped3A : memref<!tpu.dma_semaphore, #tpu.memory_space<semaphore_mem>>)
          %dma_wait3A = arith.constant 0 : i32
          %dma_wait3A_90 = tpu.memref_slice %arg4[%arg1, %mul3A_56, %dma_wait3A] : memref<16x160x128xi32, #tpu.memory_space<hbm>> -> memref<1x16x128xi32, #tpu.memory_space<hbm>>
          %dma_wait3A_91 = tpu.memref_squeeze %dma_wait3A_90 : memref<1x16x128xi32, #tpu.memory_space<hbm>> -> memref<16x128xi32, #tpu.memory_space<hbm>>
          %dma_wait3A_92 = arith.constant 0 : i32
          %dma_wait3A_93 = tpu.memref_slice %arg4[%arg1, %mul3A_56, %dma_wait3A_92] : memref<16x160x128xi32, #tpu.memory_space<hbm>> -> memref<1x16x128xi32, #tpu.memory_space<hbm>>
          %dma_wait3A_94 = tpu.memref_squeeze %dma_wait3A_93 : memref<1x16x128xi32, #tpu.memory_space<hbm>> -> memref<16x128xi32, #tpu.memory_space<hbm>>
          tpu.wait_dma2 semaphore(%run_scoped3A : memref<!tpu.dma_semaphore, #tpu.memory_space<semaphore_mem>>) src(%dma_wait3A_94 : memref<16x128xi32, #tpu.memory_space<hbm>>) dst(%arg14 : memref<16x128xi32, #tpu.memory_space<vmem>>)
          tpu.yield
        }) : () -> ()
        %dma_start3A = arith.constant 0 : i32
        %dma_start3A_57 = arith.constant 0 : i32
        %dma_start3A_58 = arith.constant 0 : i32
        %dma_start3A_59 = tpu.memref_slice %arg11[%dma_start3A_57, %dma_start3A_58] : memref<128x128xf32, #tpu.memory_space<vmem>> -> memref<64x128xf32, #tpu.memory_space<vmem>>
        %dma_start3A_60 = arith.constant 0 : i32
        %dma_start3A_61 = tpu.memref_slice %arg13[%dma_start3A, %dma_start3A_60] : memref<16x128xi32, #tpu.memory_space<vmem>> -> memref<1x64xi32, #tpu.memory_space<vmem>>
        %dma_start3A_62 = tpu.memref_squeeze %dma_start3A_61 : memref<1x64xi32, #tpu.memory_space<vmem>> -> memref<64xi32, #tpu.memory_space<vmem>>
        %dma_start3A_63 = arith.constant 0 : i32
        %dma_start3A_64 = arith.constant 0 : i32
        %dma_start3A_65 = tpu.memref_slice %arg2[%dma_start3A_63, %dma_start3A_64] : memref<10000x128xf32, #tpu.memory_space<hbm>> -> memref<10000x128xf32, #tpu.memory_space<hbm>>
        tpu.enqueue_indirect_dma source(%dma_start3A_65 : memref<10000x128xf32, #tpu.memory_space<hbm>>) target(%dma_start3A_59 : memref<64x128xf32, #tpu.memory_space<vmem>>) offsets(%dma_start3A_62 : memref<64xi32, #tpu.memory_space<vmem>>) semaphore(%arg15 : memref<!tpu.dma_semaphore, #tpu.memory_space<semaphore_mem>>)
        %dma_start3A_66 = arith.constant 0 : i32
        %dma_start3A_67 = arith.constant 64 : i32
        %dma_start3A_68 = arith.constant 0 : i32
        %dma_start3A_69 = tpu.memref_slice %arg11[%dma_start3A_67, %dma_start3A_68] : memref<128x128xf32, #tpu.memory_space<vmem>> -> memref<64x128xf32, #tpu.memory_space<vmem>>
        %dma_start3A_70 = arith.constant 64 : i32
        %dma_start3A_71 = tpu.memref_slice %arg13[%dma_start3A_66, %dma_start3A_70] : memref<16x128xi32, #tpu.memory_space<vmem>> -> memref<1x64xi32, #tpu.memory_space<vmem>>
        %dma_start3A_72 = tpu.memref_squeeze %dma_start3A_71 : memref<1x64xi32, #tpu.memory_space<vmem>> -> memref<64xi32, #tpu.memory_space<vmem>>
        %dma_start3A_73 = arith.constant 0 : i32
        %dma_start3A_74 = arith.constant 0 : i32
        %dma_start3A_75 = tpu.memref_slice %arg2[%dma_start3A_73, %dma_start3A_74] : memref<10000x128xf32, #tpu.memory_space<hbm>> -> memref<10000x128xf32, #tpu.memory_space<hbm>>
        tpu.enqueue_indirect_dma source(%dma_start3A_75 : memref<10000x128xf32, #tpu.memory_space<hbm>>) target(%dma_start3A_69 : memref<64x128xf32, #tpu.memory_space<vmem>>) offsets(%dma_start3A_72 : memref<64xi32, #tpu.memory_space<vmem>>) semaphore(%arg16 : memref<!tpu.dma_semaphore, #tpu.memory_space<semaphore_mem>>)
        %scan3A_76 = arith.constant 0 : i32
        %scan3A_77 = arith.constant 0 : i32
        %scan3A_78 = arith.constant 8 : i32
        %scan3A_79 = arith.addi %scan3A_77, %scan3A_78 : i32
        %scan3A_80 = arith.constant 1 : i32
        %scan3A_81 = scf.for %scan3A_84 = %scan3A_77 to %scan3A_79 step %scan3A_80 iter_args(%scan3A_85 = %scan3A_76) -> (i32)  : i32 {
          %mul3A_86 = arith.constant 2 : i32
          %mul3A_87 = arith.muli %scan3A_84, %mul3A_86 : i32
          %add3A_88 = arith.constant 0 : i32
          %add3A_89 = arith.addi %mul3A_87, %add3A_88 : i32
          %dma_wait3A = arith.constant 0 : i32
          %dma_wait3A_90 = arith.constant 0 : i32
          %dma_wait3A_91 = tpu.memref_slice %arg11[%dma_wait3A, %dma_wait3A_90] : memref<128x128xf32, #tpu.memory_space<vmem>> -> memref<64x128xf32, #tpu.memory_space<vmem>>
          %dma_wait3A_92 = arith.constant 0 : i32
          %dma_wait3A_93 = tpu.memref_slice %arg13[%add3A_89, %dma_wait3A_92] : memref<16x128xi32, #tpu.memory_space<vmem>> -> memref<1x64xi32, #tpu.memory_space<vmem>>
          %dma_wait3A_94 = tpu.memref_squeeze %dma_wait3A_93 : memref<1x64xi32, #tpu.memory_space<vmem>> -> memref<64xi32, #tpu.memory_space<vmem>>
          %dma_wait3A_95 = arith.constant 0 : i32
          %dma_wait3A_96 = arith.constant 0 : i32
          %dma_wait3A_97 = tpu.memref_slice %arg2[%dma_wait3A_95, %dma_wait3A_96] : memref<10000x128xf32, #tpu.memory_space<hbm>> -> memref<10000x128xf32, #tpu.memory_space<hbm>>
          tpu.wait_indirect_dma semaphore(%arg15 : memref<!tpu.dma_semaphore, #tpu.memory_space<semaphore_mem>>) src(%dma_wait3A_97 : memref<10000x128xf32, #tpu.memory_space<hbm>>) dst(%dma_wait3A_91 : memref<64x128xf32, #tpu.memory_space<vmem>>)
          %dma_wait3A_98 = arith.constant 64 : i32
          %dma_wait3A_99 = arith.constant 0 : i32
          %dma_wait3A_100 = tpu.memref_slice %arg11[%dma_wait3A_98, %dma_wait3A_99] : memref<128x128xf32, #tpu.memory_space<vmem>> -> memref<64x128xf32, #tpu.memory_space<vmem>>
          %dma_wait3A_101 = arith.constant 64 : i32
          %dma_wait3A_102 = tpu.memref_slice %arg13[%add3A_89, %dma_wait3A_101] : memref<16x128xi32, #tpu.memory_space<vmem>> -> memref<1x64xi32, #tpu.memory_space<vmem>>
          %dma_wait3A_103 = tpu.memref_squeeze %dma_wait3A_102 : memref<1x64xi32, #tpu.memory_space<vmem>> -> memref<64xi32, #tpu.memory_space<vmem>>
          %dma_wait3A_104 = arith.constant 0 : i32
          %dma_wait3A_105 = arith.constant 0 : i32
          %dma_wait3A_106 = tpu.memref_slice %arg2[%dma_wait3A_104, %dma_wait3A_105] : memref<10000x128xf32, #tpu.memory_space<hbm>> -> memref<10000x128xf32, #tpu.memory_space<hbm>>
          tpu.wait_indirect_dma semaphore(%arg16 : memref<!tpu.dma_semaphore, #tpu.memory_space<semaphore_mem>>) src(%dma_wait3A_106 : memref<10000x128xf32, #tpu.memory_space<hbm>>) dst(%dma_wait3A_100 : memref<64x128xf32, #tpu.memory_space<vmem>>)
          %add3A_107 = arith.constant 1 : i32
          %add3A_108 = arith.addi %add3A_89, %add3A_107 : i32
          %lt3A = arith.constant 16 : i32
          %lt3A_109 = arith.cmpi slt, %add3A_108, %lt3A : i32
          %convert_element_type3A_110 = arith.extui %lt3A_109 : i1 to i32
          %cond3A_111 = arith.constant 0 : i32
          %cond3A_112 = arith.cmpi ne, %convert_element_type3A_110, %cond3A_111 : i32
          scf.if %cond3A_112 {
            %add3A_143 = arith.constant 1 : i32
            %add3A_144 = arith.addi %add3A_89, %add3A_143 : i32
            %dma_start3A_145 = arith.constant 0 : i32
            %dma_start3A_146 = arith.constant 0 : i32
            %dma_start3A_147 = tpu.memref_slice %arg12[%dma_start3A_145, %dma_start3A_146] : memref<128x128xf32, #tpu.memory_space<vmem>> -> memref<64x128xf32, #tpu.memory_space<vmem>>
            %dma_start3A_148 = arith.constant 0 : i32
            %dma_start3A_149 = tpu.memref_slice %arg13[%add3A_144, %dma_start3A_148] : memref<16x128xi32, #tpu.memory_space<vmem>> -> memref<1x64xi32, #tpu.memory_space<vmem>>
            %dma_start3A_150 = tpu.memref_squeeze %dma_start3A_149 : memref<1x64xi32, #tpu.memory_space<vmem>> -> memref<64xi32, #tpu.memory_space<vmem>>
            %dma_start3A_151 = arith.constant 0 : i32
            %dma_start3A_152 = arith.constant 0 : i32
            %dma_start3A_153 = tpu.memref_slice %arg2[%dma_start3A_151, %dma_start3A_152] : memref<10000x128xf32, #tpu.memory_space<hbm>> -> memref<10000x128xf32, #tpu.memory_space<hbm>>
            tpu.enqueue_indirect_dma source(%dma_start3A_153 : memref<10000x128xf32, #tpu.memory_space<hbm>>) target(%dma_start3A_147 : memref<64x128xf32, #tpu.memory_space<vmem>>) offsets(%dma_start3A_150 : memref<64xi32, #tpu.memory_space<vmem>>) semaphore(%arg17 : memref<!tpu.dma_semaphore, #tpu.memory_space<semaphore_mem>>)
            %dma_start3A_154 = arith.constant 64 : i32
            %dma_start3A_155 = arith.constant 0 : i32
            %dma_start3A_156 = tpu.memref_slice %arg12[%dma_start3A_154, %dma_start3A_155] : memref<128x128xf32, #tpu.memory_space<vmem>> -> memref<64x128xf32, #tpu.memory_space<vmem>>
            %dma_start3A_157 = arith.constant 64 : i32
            %dma_start3A_158 = tpu.memref_slice %arg13[%add3A_144, %dma_start3A_157] : memref<16x128xi32, #tpu.memory_space<vmem>> -> memref<1x64xi32, #tpu.memory_space<vmem>>
            %dma_start3A_159 = tpu.memref_squeeze %dma_start3A_158 : memref<1x64xi32, #tpu.memory_space<vmem>> -> memref<64xi32, #tpu.memory_space<vmem>>
            %dma_start3A_160 = arith.constant 0 : i32
            %dma_start3A_161 = arith.constant 0 : i32
            %dma_start3A_162 = tpu.memref_slice %arg2[%dma_start3A_160, %dma_start3A_161] : memref<10000x128xf32, #tpu.memory_space<hbm>> -> memref<10000x128xf32, #tpu.memory_space<hbm>>
            tpu.enqueue_indirect_dma source(%dma_start3A_162 : memref<10000x128xf32, #tpu.memory_space<hbm>>) target(%dma_start3A_156 : memref<64x128xf32, #tpu.memory_space<vmem>>) offsets(%dma_start3A_159 : memref<64xi32, #tpu.memory_space<vmem>>) semaphore(%arg18 : memref<!tpu.dma_semaphore, #tpu.memory_space<semaphore_mem>>)
          } else {
          }
          "tpu.region"() ({
            %run_scoped3A = tpu.sem_alloc : memref<!tpu.dma_semaphore, #tpu.memory_space<semaphore_mem>>
            %dma_start3A_143 = arith.constant 0 : i32
            %dma_start3A_144 = tpu.memref_slice %arg14[%add3A_89, %dma_start3A_143] : memref<16x128xi32, #tpu.memory_space<vmem>> -> memref<1x128xi32, #tpu.memory_space<vmem>>
            %dma_start3A_145 = tpu.memref_squeeze %dma_start3A_144 : memref<1x128xi32, #tpu.memory_space<vmem>> -> memref<128xi32, #tpu.memory_space<vmem>>
            %dma_start3A_146 = arith.constant 0 : i32
            %dma_start3A_147 = arith.constant 0 : i32
            %dma_start3A_148 = tpu.memref_slice %arg10[%dma_start3A_146, %dma_start3A_147] : memref<10240x128xf32, #tpu.memory_space<vmem_shared>> -> memref<10240x128xf32, #tpu.memory_space<vmem_shared>>
            tpu.enqueue_indirect_dma source(%arg11 : memref<128x128xf32, #tpu.memory_space<vmem>>) target(%dma_start3A_148 : memref<10240x128xf32, #tpu.memory_space<vmem_shared>>) offsets(%dma_start3A_145 : memref<128xi32, #tpu.memory_space<vmem>>) semaphore(%run_scoped3A : memref<!tpu.dma_semaphore, #tpu.memory_space<semaphore_mem>>) {add = true}
            %dma_wait3A_149 = arith.constant 0 : i32
            %dma_wait3A_150 = tpu.memref_slice %arg14[%add3A_89, %dma_wait3A_149] : memref<16x128xi32, #tpu.memory_space<vmem>> -> memref<1x128xi32, #tpu.memory_space<vmem>>
            %dma_wait3A_151 = tpu.memref_squeeze %dma_wait3A_150 : memref<1x128xi32, #tpu.memory_space<vmem>> -> memref<128xi32, #tpu.memory_space<vmem>>
            %dma_wait3A_152 = arith.constant 0 : i32
            %dma_wait3A_153 = arith.constant 0 : i32
            %dma_wait3A_154 = tpu.memref_slice %arg10[%dma_wait3A_152, %dma_wait3A_153] : memref<10240x128xf32, #tpu.memory_space<vmem_shared>> -> memref<10240x128xf32, #tpu.memory_space<vmem_shared>>
            tpu.wait_indirect_dma semaphore(%run_scoped3A : memref<!tpu.dma_semaphore, #tpu.memory_space<semaphore_mem>>) src(%arg11 : memref<128x128xf32, #tpu.memory_space<vmem>>) dst(%dma_wait3A_154 : memref<10240x128xf32, #tpu.memory_space<vmem_shared>>)
            tpu.yield
          }) : () -> ()
          %mul3A_113 = arith.constant 2 : i32
          %mul3A_114 = arith.muli %scan3A_84, %mul3A_113 : i32
          %add3A_115 = arith.constant 1 : i32
          %add3A_116 = arith.addi %mul3A_114, %add3A_115 : i32
          %dma_wait3A_117 = arith.constant 0 : i32
          %dma_wait3A_118 = arith.constant 0 : i32
          %dma_wait3A_119 = tpu.memref_slice %arg12[%dma_wait3A_117, %dma_wait3A_118] : memref<128x128xf32, #tpu.memory_space<vmem>> -> memref<64x128xf32, #tpu.memory_space<vmem>>
          %dma_wait3A_120 = arith.constant 0 : i32
          %dma_wait3A_121 = tpu.memref_slice %arg13[%add3A_116, %dma_wait3A_120] : memref<16x128xi32, #tpu.memory_space<vmem>> -> memref<1x64xi32, #tpu.memory_space<vmem>>
          %dma_wait3A_122 = tpu.memref_squeeze %dma_wait3A_121 : memref<1x64xi32, #tpu.memory_space<vmem>> -> memref<64xi32, #tpu.memory_space<vmem>>
          %dma_wait3A_123 = arith.constant 0 : i32
          %dma_wait3A_124 = arith.constant 0 : i32
          %dma_wait3A_125 = tpu.memref_slice %arg2[%dma_wait3A_123, %dma_wait3A_124] : memref<10000x128xf32, #tpu.memory_space<hbm>> -> memref<10000x128xf32, #tpu.memory_space<hbm>>
          tpu.wait_indirect_dma semaphore(%arg17 : memref<!tpu.dma_semaphore, #tpu.memory_space<semaphore_mem>>) src(%dma_wait3A_125 : memref<10000x128xf32, #tpu.memory_space<hbm>>) dst(%dma_wait3A_119 : memref<64x128xf32, #tpu.memory_space<vmem>>)
          %dma_wait3A_126 = arith.constant 64 : i32
          %dma_wait3A_127 = arith.constant 0 : i32
          %dma_wait3A_128 = tpu.memref_slice %arg12[%dma_wait3A_126, %dma_wait3A_127] : memref<128x128xf32, #tpu.memory_space<vmem>> -> memref<64x128xf32, #tpu.memory_space<vmem>>
          %dma_wait3A_129 = arith.constant 64 : i32
          %dma_wait3A_130 = tpu.memref_slice %arg13[%add3A_116, %dma_wait3A_129] : memref<16x128xi32, #tpu.memory_space<vmem>> -> memref<1x64xi32, #tpu.memory_space<vmem>>
          %dma_wait3A_131 = tpu.memref_squeeze %dma_wait3A_130 : memref<1x64xi32, #tpu.memory_space<vmem>> -> memref<64xi32, #tpu.memory_space<vmem>>
          %dma_wait3A_132 = arith.constant 0 : i32
          %dma_wait3A_133 = arith.constant 0 : i32
          %dma_wait3A_134 = tpu.memref_slice %arg2[%dma_wait3A_132, %dma_wait3A_133] : memref<10000x128xf32, #tpu.memory_space<hbm>> -> memref<10000x128xf32, #tpu.memory_space<hbm>>
          tpu.wait_indirect_dma semaphore(%arg18 : memref<!tpu.dma_semaphore, #tpu.memory_space<semaphore_mem>>) src(%dma_wait3A_134 : memref<10000x128xf32, #tpu.memory_space<hbm>>) dst(%dma_wait3A_128 : memref<64x128xf32, #tpu.memory_space<vmem>>)
          %add3A_135 = arith.constant 1 : i32
          %add3A_136 = arith.addi %add3A_116, %add3A_135 : i32
          %lt3A_137 = arith.constant 16 : i32
          %lt3A_138 = arith.cmpi slt, %add3A_136, %lt3A_137 : i32
          %convert_element_type3A_139 = arith.extui %lt3A_138 : i1 to i32
          %cond3A_140 = arith.constant 0 : i32
          %cond3A_141 = arith.cmpi ne, %convert_element_type3A_139, %cond3A_140 : i32
          scf.if %cond3A_141 {
            %add3A_143 = arith.constant 1 : i32
            %add3A_144 = arith.addi %add3A_116, %add3A_143 : i32
            %dma_start3A_145 = arith.constant 0 : i32
            %dma_start3A_146 = arith.constant 0 : i32
            %dma_start3A_147 = tpu.memref_slice %arg11[%dma_start3A_145, %dma_start3A_146] : memref<128x128xf32, #tpu.memory_space<vmem>> -> memref<64x128xf32, #tpu.memory_space<vmem>>
            %dma_start3A_148 = arith.constant 0 : i32
            %dma_start3A_149 = tpu.memref_slice %arg13[%add3A_144, %dma_start3A_148] : memref<16x128xi32, #tpu.memory_space<vmem>> -> memref<1x64xi32, #tpu.memory_space<vmem>>
            %dma_start3A_150 = tpu.memref_squeeze %dma_start3A_149 : memref<1x64xi32, #tpu.memory_space<vmem>> -> memref<64xi32, #tpu.memory_space<vmem>>
            %dma_start3A_151 = arith.constant 0 : i32
            %dma_start3A_152 = arith.constant 0 : i32
            %dma_start3A_153 = tpu.memref_slice %arg2[%dma_start3A_151, %dma_start3A_152] : memref<10000x128xf32, #tpu.memory_space<hbm>> -> memref<10000x128xf32, #tpu.memory_space<hbm>>
            tpu.enqueue_indirect_dma source(%dma_start3A_153 : memref<10000x128xf32, #tpu.memory_space<hbm>>) target(%dma_start3A_147 : memref<64x128xf32, #tpu.memory_space<vmem>>) offsets(%dma_start3A_150 : memref<64xi32, #tpu.memory_space<vmem>>) semaphore(%arg15 : memref<!tpu.dma_semaphore, #tpu.memory_space<semaphore_mem>>)
            %dma_start3A_154 = arith.constant 64 : i32
            %dma_start3A_155 = arith.constant 0 : i32
            %dma_start3A_156 = tpu.memref_slice %arg11[%dma_start3A_154, %dma_start3A_155] : memref<128x128xf32, #tpu.memory_space<vmem>> -> memref<64x128xf32, #tpu.memory_space<vmem>>
            %dma_start3A_157 = arith.constant 64 : i32
            %dma_start3A_158 = tpu.memref_slice %arg13[%add3A_144, %dma_start3A_157] : memref<16x128xi32, #tpu.memory_space<vmem>> -> memref<1x64xi32, #tpu.memory_space<vmem>>
            %dma_start3A_159 = tpu.memref_squeeze %dma_start3A_158 : memref<1x64xi32, #tpu.memory_space<vmem>> -> memref<64xi32, #tpu.memory_space<vmem>>
            %dma_start3A_160 = arith.constant 0 : i32
            %dma_start3A_161 = arith.constant 0 : i32
            %dma_start3A_162 = tpu.memref_slice %arg2[%dma_start3A_160, %dma_start3A_161] : memref<10000x128xf32, #tpu.memory_space<hbm>> -> memref<10000x128xf32, #tpu.memory_space<hbm>>
            tpu.enqueue_indirect_dma source(%dma_start3A_162 : memref<10000x128xf32, #tpu.memory_space<hbm>>) target(%dma_start3A_156 : memref<64x128xf32, #tpu.memory_space<vmem>>) offsets(%dma_start3A_159 : memref<64xi32, #tpu.memory_space<vmem>>) semaphore(%arg16 : memref<!tpu.dma_semaphore, #tpu.memory_space<semaphore_mem>>)
          } else {
          }
          "tpu.region"() ({
            %run_scoped3A = tpu.sem_alloc : memref<!tpu.dma_semaphore, #tpu.memory_space<semaphore_mem>>
            %dma_start3A_143 = arith.constant 0 : i32
            %dma_start3A_144 = tpu.memref_slice %arg14[%add3A_116, %dma_start3A_143] : memref<16x128xi32, #tpu.memory_space<vmem>> -> memref<1x128xi32, #tpu.memory_space<vmem>>
            %dma_start3A_145 = tpu.memref_squeeze %dma_start3A_144 : memref<1x128xi32, #tpu.memory_space<vmem>> -> memref<128xi32, #tpu.memory_space<vmem>>
            %dma_start3A_146 = arith.constant 0 : i32
            %dma_start3A_147 = arith.constant 0 : i32
            %dma_start3A_148 = tpu.memref_slice %arg10[%dma_start3A_146, %dma_start3A_147] : memref<10240x128xf32, #tpu.memory_space<vmem_shared>> -> memref<10240x128xf32, #tpu.memory_space<vmem_shared>>
            tpu.enqueue_indirect_dma source(%arg12 : memref<128x128xf32, #tpu.memory_space<vmem>>) target(%dma_start3A_148 : memref<10240x128xf32, #tpu.memory_space<vmem_shared>>) offsets(%dma_start3A_145 : memref<128xi32, #tpu.memory_space<vmem>>) semaphore(%run_scoped3A : memref<!tpu.dma_semaphore, #tpu.memory_space<semaphore_mem>>) {add = true}
            %dma_wait3A_149 = arith.constant 0 : i32
            %dma_wait3A_150 = tpu.memref_slice %arg14[%add3A_116, %dma_wait3A_149] : memref<16x128xi32, #tpu.memory_space<vmem>> -> memref<1x128xi32, #tpu.memory_space<vmem>>
            %dma_wait3A_151 = tpu.memref_squeeze %dma_wait3A_150 : memref<1x128xi32, #tpu.memory_space<vmem>> -> memref<128xi32, #tpu.memory_space<vmem>>
            %dma_wait3A_152 = arith.constant 0 : i32
            %dma_wait3A_153 = arith.constant 0 : i32
            %dma_wait3A_154 = tpu.memref_slice %arg10[%dma_wait3A_152, %dma_wait3A_153] : memref<10240x128xf32, #tpu.memory_space<vmem_shared>> -> memref<10240x128xf32, #tpu.memory_space<vmem_shared>>
            tpu.wait_indirect_dma semaphore(%run_scoped3A : memref<!tpu.dma_semaphore, #tpu.memory_space<semaphore_mem>>) src(%arg12 : memref<128x128xf32, #tpu.memory_space<vmem>>) dst(%dma_wait3A_154 : memref<10240x128xf32, #tpu.memory_space<vmem_shared>>)
            tpu.yield
          }) : () -> ()
          %scan3A_142 = arith.constant 0 : i32
          scf.yield %scan3A_142 : i32
        }
        %scan3A_82 = arith.constant 8 : i32
        %scan3A_83 = arith.constant 0 : i32
        scf.yield %scan3A_83 : i32
      }
      %scan3A_29 = arith.constant 10 : i32
      %barrier3A_30 = arith.constant 0 : index
      tpu.barrier barrier_id(%barrier3A_30)
      %add3A_31 = arith.constant 0 : i32
      %add3A_32 = arith.addi %mul3A_13, %add3A_31 : i32
      %add3A_33 = arith.constant 0 : i32
      %add3A_34 = arith.addi %mul3A_13, %add3A_33 : i32
      "tpu.region"() ({
        %run_scoped3A = tpu.sem_alloc : memref<!tpu.dma_semaphore, #tpu.memory_space<semaphore_mem>>
        %dma_start3A = arith.constant 0 : i32
        %dma_start3A_51 = tpu.memref_slice %arg8[%add3A_34, %dma_start3A] : memref<10240x128xf32, #tpu.memory_space<hbm>> -> memref<128x128xf32, #tpu.memory_space<hbm>>
        %dma_start3A_52 = arith.constant 0 : i32
        %dma_start3A_53 = tpu.memref_slice %arg10[%add3A_32, %dma_start3A_52] : memref<10240x128xf32, #tpu.memory_space<vmem_shared>> -> memref<128x128xf32, #tpu.memory_space<vmem_shared>>
        tpu.enqueue_dma source(%dma_start3A_53 : memref<128x128xf32, #tpu.memory_space<vmem_shared>>) target(%dma_start3A_51 : memref<128x128xf32, #tpu.memory_space<hbm>>) target_semaphore(%run_scoped3A : memref<!tpu.dma_semaphore, #tpu.memory_space<semaphore_mem>>)
        %dma_wait3A = arith.constant 0 : i32
        %dma_wait3A_54 = tpu.memref_slice %arg8[%add3A_34, %dma_wait3A] : memref<10240x128xf32, #tpu.memory_space<hbm>> -> memref<128x128xf32, #tpu.memory_space<hbm>>
        %dma_wait3A_55 = arith.constant 0 : i32
        %dma_wait3A_56 = tpu.memref_slice %arg10[%add3A_32, %dma_wait3A_55] : memref<10240x128xf32, #tpu.memory_space<vmem_shared>> -> memref<128x128xf32, #tpu.memory_space<vmem_shared>>
        tpu.wait_dma2 semaphore(%run_scoped3A : memref<!tpu.dma_semaphore, #tpu.memory_space<semaphore_mem>>) src(%dma_wait3A_56 : memref<128x128xf32, #tpu.memory_space<vmem_shared>>) dst(%dma_wait3A_54 : memref<128x128xf32, #tpu.memory_space<hbm>>)
        tpu.yield
      }) : () -> ()
      %add3A_35 = arith.constant 128 : i32
      %add3A_36 = arith.addi %mul3A_13, %add3A_35 : i32
      %add3A_37 = arith.constant 128 : i32
      %add3A_38 = arith.addi %mul3A_13, %add3A_37 : i32
      "tpu.region"() ({
        %run_scoped3A = tpu.sem_alloc : memref<!tpu.dma_semaphore, #tpu.memory_space<semaphore_mem>>
        %dma_start3A = arith.constant 0 : i32
        %dma_start3A_51 = tpu.memref_slice %arg8[%add3A_38, %dma_start3A] : memref<10240x128xf32, #tpu.memory_space<hbm>> -> memref<128x128xf32, #tpu.memory_space<hbm>>
        %dma_start3A_52 = arith.constant 0 : i32
        %dma_start3A_53 = tpu.memref_slice %arg10[%add3A_36, %dma_start3A_52] : memref<10240x128xf32, #tpu.memory_space<vmem_shared>> -> memref<128x128xf32, #tpu.memory_space<vmem_shared>>
        tpu.enqueue_dma source(%dma_start3A_53 : memref<128x128xf32, #tpu.memory_space<vmem_shared>>) target(%dma_start3A_51 : memref<128x128xf32, #tpu.memory_space<hbm>>) target_semaphore(%run_scoped3A : memref<!tpu.dma_semaphore, #tpu.memory_space<semaphore_mem>>)
        %dma_wait3A = arith.constant 0 : i32
        %dma_wait3A_54 = tpu.memref_slice %arg8[%add3A_38, %dma_wait3A] : memref<10240x128xf32, #tpu.memory_space<hbm>> -> memref<128x128xf32, #tpu.memory_space<hbm>>
        %dma_wait3A_55 = arith.constant 0 : i32
        %dma_wait3A_56 = tpu.memref_slice %arg10[%add3A_36, %dma_wait3A_55] : memref<10240x128xf32, #tpu.memory_space<vmem_shared>> -> memref<128x128xf32, #tpu.memory_space<vmem_shared>>
        tpu.wait_dma2 semaphore(%run_scoped3A : memref<!tpu.dma_semaphore, #tpu.memory_space<semaphore_mem>>) src(%dma_wait3A_56 : memref<128x128xf32, #tpu.memory_space<vmem_shared>>) dst(%dma_wait3A_54 : memref<128x128xf32, #tpu.memory_space<hbm>>)
        tpu.yield
      }) : () -> ()
      %add3A_39 = arith.constant 256 : i32
      %add3A_40 = arith.addi %mul3A_13, %add3A_39 : i32
      %add3A_41 = arith.constant 256 : i32
      %add3A_42 = arith.addi %mul3A_13, %add3A_41 : i32
      "tpu.region"() ({
        %run_scoped3A = tpu.sem_alloc : memref<!tpu.dma_semaphore, #tpu.memory_space<semaphore_mem>>
        %dma_start3A = arith.constant 0 : i32
        %dma_start3A_51 = tpu.memref_slice %arg8[%add3A_42, %dma_start3A] : memref<10240x128xf32, #tpu.memory_space<hbm>> -> memref<128x128xf32, #tpu.memory_space<hbm>>
        %dma_start3A_52 = arith.constant 0 : i32
        %dma_start3A_53 = tpu.memref_slice %arg10[%add3A_40, %dma_start3A_52] : memref<10240x128xf32, #tpu.memory_space<vmem_shared>> -> memref<128x128xf32, #tpu.memory_space<vmem_shared>>
        tpu.enqueue_dma source(%dma_start3A_53 : memref<128x128xf32, #tpu.memory_space<vmem_shared>>) target(%dma_start3A_51 : memref<128x128xf32, #tpu.memory_space<hbm>>) target_semaphore(%run_scoped3A : memref<!tpu.dma_semaphore, #tpu.memory_space<semaphore_mem>>)
        %dma_wait3A = arith.constant 0 : i32
        %dma_wait3A_54 = tpu.memref_slice %arg8[%add3A_42, %dma_wait3A] : memref<10240x128xf32, #tpu.memory_space<hbm>> -> memref<128x128xf32, #tpu.memory_space<hbm>>
        %dma_wait3A_55 = arith.constant 0 : i32
        %dma_wait3A_56 = tpu.memref_slice %arg10[%add3A_40, %dma_wait3A_55] : memref<10240x128xf32, #tpu.memory_space<vmem_shared>> -> memref<128x128xf32, #tpu.memory_space<vmem_shared>>
        tpu.wait_dma2 semaphore(%run_scoped3A : memref<!tpu.dma_semaphore, #tpu.memory_space<semaphore_mem>>) src(%dma_wait3A_56 : memref<128x128xf32, #tpu.memory_space<vmem_shared>>) dst(%dma_wait3A_54 : memref<128x128xf32, #tpu.memory_space<hbm>>)
        tpu.yield
      }) : () -> ()
      %add3A_43 = arith.constant 384 : i32
      %add3A_44 = arith.addi %mul3A_13, %add3A_43 : i32
      %add3A_45 = arith.constant 384 : i32
      %add3A_46 = arith.addi %mul3A_13, %add3A_45 : i32
      "tpu.region"() ({
        %run_scoped3A = tpu.sem_alloc : memref<!tpu.dma_semaphore, #tpu.memory_space<semaphore_mem>>
        %dma_start3A = arith.constant 0 : i32
        %dma_start3A_51 = tpu.memref_slice %arg8[%add3A_46, %dma_start3A] : memref<10240x128xf32, #tpu.memory_space<hbm>> -> memref<128x128xf32, #tpu.memory_space<hbm>>
        %dma_start3A_52 = arith.constant 0 : i32
        %dma_start3A_53 = tpu.memref_slice %arg10[%add3A_44, %dma_start3A_52] : memref<10240x128xf32, #tpu.memory_space<vmem_shared>> -> memref<128x128xf32, #tpu.memory_space<vmem_shared>>
        tpu.enqueue_dma source(%dma_start3A_53 : memref<128x128xf32, #tpu.memory_space<vmem_shared>>) target(%dma_start3A_51 : memref<128x128xf32, #tpu.memory_space<hbm>>) target_semaphore(%run_scoped3A : memref<!tpu.dma_semaphore, #tpu.memory_space<semaphore_mem>>)
        %dma_wait3A = arith.constant 0 : i32
        %dma_wait3A_54 = tpu.memref_slice %arg8[%add3A_46, %dma_wait3A] : memref<10240x128xf32, #tpu.memory_space<hbm>> -> memref<128x128xf32, #tpu.memory_space<hbm>>
        %dma_wait3A_55 = arith.constant 0 : i32
        %dma_wait3A_56 = tpu.memref_slice %arg10[%add3A_44, %dma_wait3A_55] : memref<10240x128xf32, #tpu.memory_space<vmem_shared>> -> memref<128x128xf32, #tpu.memory_space<vmem_shared>>
        tpu.wait_dma2 semaphore(%run_scoped3A : memref<!tpu.dma_semaphore, #tpu.memory_space<semaphore_mem>>) src(%dma_wait3A_56 : memref<128x128xf32, #tpu.memory_space<vmem_shared>>) dst(%dma_wait3A_54 : memref<128x128xf32, #tpu.memory_space<hbm>>)
        tpu.yield
      }) : () -> ()
      %add3A_47 = arith.constant 512 : i32
      %add3A_48 = arith.addi %mul3A_13, %add3A_47 : i32
      %add3A_49 = arith.constant 512 : i32
      %add3A_50 = arith.addi %mul3A_13, %add3A_49 : i32
      "tpu.region"() ({
        %run_scoped3A = tpu.sem_alloc : memref<!tpu.dma_semaphore, #tpu.memory_space<semaphore_mem>>
        %dma_start3A = arith.constant 0 : i32
        %dma_start3A_51 = tpu.memref_slice %arg8[%add3A_50, %dma_start3A] : memref<10240x128xf32, #tpu.memory_space<hbm>> -> memref<128x128xf32, #tpu.memory_space<hbm>>
        %dma_start3A_52 = arith.constant 0 : i32
        %dma_start3A_53 = tpu.memref_slice %arg10[%add3A_48, %dma_start3A_52] : memref<10240x128xf32, #tpu.memory_space<vmem_shared>> -> memref<128x128xf32, #tpu.memory_space<vmem_shared>>
        tpu.enqueue_dma source(%dma_start3A_53 : memref<128x128xf32, #tpu.memory_space<vmem_shared>>) target(%dma_start3A_51 : memref<128x128xf32, #tpu.memory_space<hbm>>) target_semaphore(%run_scoped3A : memref<!tpu.dma_semaphore, #tpu.memory_space<semaphore_mem>>)
        %dma_wait3A = arith.constant 0 : i32
        %dma_wait3A_54 = tpu.memref_slice %arg8[%add3A_50, %dma_wait3A] : memref<10240x128xf32, #tpu.memory_space<hbm>> -> memref<128x128xf32, #tpu.memory_space<hbm>>
        %dma_wait3A_55 = arith.constant 0 : i32
        %dma_wait3A_56 = tpu.memref_slice %arg10[%add3A_48, %dma_wait3A_55] : memref<10240x128xf32, #tpu.memory_space<vmem_shared>> -> memref<128x128xf32, #tpu.memory_space<vmem_shared>>
        tpu.wait_dma2 semaphore(%run_scoped3A : memref<!tpu.dma_semaphore, #tpu.memory_space<semaphore_mem>>) src(%dma_wait3A_56 : memref<128x128xf32, #tpu.memory_space<vmem_shared>>) dst(%dma_wait3A_54 : memref<128x128xf32, #tpu.memory_space<hbm>>)
        tpu.yield
      }) : () -> ()
    } else {
    }
    %eq3A_2 = arith.constant 1 : i32
    %eq3A_3 = arith.cmpi eq, %arg0, %eq3A_2 : i32
    %convert_element_type3A_4 = arith.extui %eq3A_3 : i1 to i32
    %cond3A_5 = arith.constant 0 : i32
    %cond3A_6 = arith.cmpi ne, %convert_element_type3A_4, %cond3A_5 : i32
    scf.if %cond3A_6 {
      %scan3A = arith.constant 0 : i32
      %scan3A_7 = arith.constant 0 : i32
      %scan3A_8 = arith.constant 128 : i32
      %scan3A_9 = arith.addi %scan3A_7, %scan3A_8 : i32
      %scan3A_10 = arith.constant 1 : i32
      %scan3A_11 = scf.for %scan3A_51 = %scan3A_7 to %scan3A_9 step %scan3A_10 iter_args(%scan3A_52 = %scan3A) -> (i32)  : i32 {
        %broadcast_in_dim3A = arith.constant 0.000000e+00 : f32
        %broadcast_in_dim3A_53 = vector.broadcast %broadcast_in_dim3A : f32 to vector<16xf32>
        %swap3A = arith.index_cast %scan3A_51 : i32 to index
        %swap3A_54 = arith.constant 0 : index
        %swap3A_55 = tpu.vector_load %arg11[%swap3A, %swap3A_54] {strides = array<i32>} : memref<128x128xf32, #tpu.memory_space<vmem>>, vector<1x16xf32>,
        %swap3A_56 = vector.shape_cast %swap3A_55 : vector<1x16xf32> to vector<16xf32>
        %swap3A_57 = vector.shape_cast %broadcast_in_dim3A_53 : vector<16xf32> to vector<1x16xf32>
        tpu.vector_store %arg11[%swap3A, %swap3A_54], %swap3A_57 {strides = array<i32>} : memref<128x128xf32, #tpu.memory_space<vmem>>, vector<1x16xf32>,
        %broadcast_in_dim3A_58 = arith.constant 0.000000e+00 : f32
        %broadcast_in_dim3A_59 = vector.broadcast %broadcast_in_dim3A_58 : f32 to vector<16xf32>
        %swap3A_60 = arith.index_cast %scan3A_51 : i32 to index
        %swap3A_61 = arith.constant 16 : index
        %swap3A_62 = tpu.vector_load %arg11[%swap3A_60, %swap3A_61] {strides = array<i32>} : memref<128x128xf32, #tpu.memory_space<vmem>>, vector<1x16xf32>,
        %swap3A_63 = vector.shape_cast %swap3A_62 : vector<1x16xf32> to vector<16xf32>
        %swap3A_64 = vector.shape_cast %broadcast_in_dim3A_59 : vector<16xf32> to vector<1x16xf32>
        tpu.vector_store %arg11[%swap3A_60, %swap3A_61], %swap3A_64 {strides = array<i32>} : memref<128x128xf32, #tpu.memory_space<vmem>>, vector<1x16xf32>,
        %broadcast_in_dim3A_65 = arith.constant 0.000000e+00 : f32
        %broadcast_in_dim3A_66 = vector.broadcast %broadcast_in_dim3A_65 : f32 to vector<16xf32>
        %swap3A_67 = arith.index_cast %scan3A_51 : i32 to index
        %swap3A_68 = arith.constant 32 : index
        %swap3A_69 = tpu.vector_load %arg11[%swap3A_67, %swap3A_68] {strides = array<i32>} : memref<128x128xf32, #tpu.memory_space<vmem>>, vector<1x16xf32>,
        %swap3A_70 = vector.shape_cast %swap3A_69 : vector<1x16xf32> to vector<16xf32>
        %swap3A_71 = vector.shape_cast %broadcast_in_dim3A_66 : vector<16xf32> to vector<1x16xf32>
        tpu.vector_store %arg11[%swap3A_67, %swap3A_68], %swap3A_71 {strides = array<i32>} : memref<128x128xf32, #tpu.memory_space<vmem>>, vector<1x16xf32>,
        %broadcast_in_dim3A_72 = arith.constant 0.000000e+00 : f32
        %broadcast_in_dim3A_73 = vector.broadcast %broadcast_in_dim3A_72 : f32 to vector<16xf32>
        %swap3A_74 = arith.index_cast %scan3A_51 : i32 to index
        %swap3A_75 = arith.constant 48 : index
        %swap3A_76 = tpu.vector_load %arg11[%swap3A_74, %swap3A_75] {strides = array<i32>} : memref<128x128xf32, #tpu.memory_space<vmem>>, vector<1x16xf32>,
        %swap3A_77 = vector.shape_cast %swap3A_76 : vector<1x16xf32> to vector<16xf32>
        %swap3A_78 = vector.shape_cast %broadcast_in_dim3A_73 : vector<16xf32> to vector<1x16xf32>
        tpu.vector_store %arg11[%swap3A_74, %swap3A_75], %swap3A_78 {strides = array<i32>} : memref<128x128xf32, #tpu.memory_space<vmem>>, vector<1x16xf32>,
        %broadcast_in_dim3A_79 = arith.constant 0.000000e+00 : f32
        %broadcast_in_dim3A_80 = vector.broadcast %broadcast_in_dim3A_79 : f32 to vector<16xf32>
        %swap3A_81 = arith.index_cast %scan3A_51 : i32 to index
        %swap3A_82 = arith.constant 64 : index
        %swap3A_83 = tpu.vector_load %arg11[%swap3A_81, %swap3A_82] {strides = array<i32>} : memref<128x128xf32, #tpu.memory_space<vmem>>, vector<1x16xf32>,
        %swap3A_84 = vector.shape_cast %swap3A_83 : vector<1x16xf32> to vector<16xf32>
        %swap3A_85 = vector.shape_cast %broadcast_in_dim3A_80 : vector<16xf32> to vector<1x16xf32>
        tpu.vector_store %arg11[%swap3A_81, %swap3A_82], %swap3A_85 {strides = array<i32>} : memref<128x128xf32, #tpu.memory_space<vmem>>, vector<1x16xf32>,
        %broadcast_in_dim3A_86 = arith.constant 0.000000e+00 : f32
        %broadcast_in_dim3A_87 = vector.broadcast %broadcast_in_dim3A_86 : f32 to vector<16xf32>
        %swap3A_88 = arith.index_cast %scan3A_51 : i32 to index
        %swap3A_89 = arith.constant 80 : index
        %swap3A_90 = tpu.vector_load %arg11[%swap3A_88, %swap3A_89] {strides = array<i32>} : memref<128x128xf32, #tpu.memory_space<vmem>>, vector<1x16xf32>,
        %swap3A_91 = vector.shape_cast %swap3A_90 : vector<1x16xf32> to vector<16xf32>
        %swap3A_92 = vector.shape_cast %broadcast_in_dim3A_87 : vector<16xf32> to vector<1x16xf32>
        tpu.vector_store %arg11[%swap3A_88, %swap3A_89], %swap3A_92 {strides = array<i32>} : memref<128x128xf32, #tpu.memory_space<vmem>>, vector<1x16xf32>,
        %broadcast_in_dim3A_93 = arith.constant 0.000000e+00 : f32
        %broadcast_in_dim3A_94 = vector.broadcast %broadcast_in_dim3A_93 : f32 to vector<16xf32>
        %swap3A_95 = arith.index_cast %scan3A_51 : i32 to index
        %swap3A_96 = arith.constant 96 : index
        %swap3A_97 = tpu.vector_load %arg11[%swap3A_95, %swap3A_96] {strides = array<i32>} : memref<128x128xf32, #tpu.memory_space<vmem>>, vector<1x16xf32>,
        %swap3A_98 = vector.shape_cast %swap3A_97 : vector<1x16xf32> to vector<16xf32>
        %swap3A_99 = vector.shape_cast %broadcast_in_dim3A_94 : vector<16xf32> to vector<1x16xf32>
        tpu.vector_store %arg11[%swap3A_95, %swap3A_96], %swap3A_99 {strides = array<i32>} : memref<128x128xf32, #tpu.memory_space<vmem>>, vector<1x16xf32>,
        %broadcast_in_dim3A_100 = arith.constant 0.000000e+00 : f32
        %broadcast_in_dim3A_101 = vector.broadcast %broadcast_in_dim3A_100 : f32 to vector<16xf32>
        %swap3A_102 = arith.index_cast %scan3A_51 : i32 to index
        %swap3A_103 = arith.constant 112 : index
        %swap3A_104 = tpu.vector_load %arg11[%swap3A_102, %swap3A_103] {strides = array<i32>} : memref<128x128xf32, #tpu.memory_space<vmem>>, vector<1x16xf32>,
        %swap3A_105 = vector.shape_cast %swap3A_104 : vector<1x16xf32> to vector<16xf32>
        %swap3A_106 = vector.shape_cast %broadcast_in_dim3A_101 : vector<16xf32> to vector<1x16xf32>
        tpu.vector_store %arg11[%swap3A_102, %swap3A_103], %swap3A_106 {strides = array<i32>} : memref<128x128xf32, #tpu.memory_space<vmem>>, vector<1x16xf32>,
        %scan3A_107 = arith.constant 0 : i32
        scf.yield %scan3A_107 : i32
      }
      %scan3A_12 = arith.constant 128 : i32
      %mul3A = arith.constant 640 : i32
      %mul3A_13 = arith.muli %mul3A, %arg1 : i32
      %add3A = arith.constant 0 : i32
      %add3A_14 = arith.addi %mul3A_13, %add3A : i32
      "tpu.region"() ({
        %run_scoped3A = tpu.sem_alloc : memref<!tpu.dma_semaphore, #tpu.memory_space<semaphore_mem>>
        %dma_start3A = arith.constant 0 : i32
        %dma_start3A_51 = tpu.memref_slice %arg10[%add3A_14, %dma_start3A] : memref<10240x128xf32, #tpu.memory_space<vmem_shared>> -> memref<128x128xf32, #tpu.memory_space<vmem_shared>>
        %dma_start3A_52 = arith.constant 0 : i32
        %dma_start3A_53 = tpu.memref_slice %arg10[%add3A_14, %dma_start3A_52] : memref<10240x128xf32, #tpu.memory_space<vmem_shared>> -> memref<128x128xf32, #tpu.memory_space<vmem_shared>>
        tpu.enqueue_dma source(%arg11 : memref<128x128xf32, #tpu.memory_space<vmem>>) target(%dma_start3A_53 : memref<128x128xf32, #tpu.memory_space<vmem_shared>>) target_semaphore(%run_scoped3A : memref<!tpu.dma_semaphore, #tpu.memory_space<semaphore_mem>>)
        %dma_wait3A = arith.constant 0 : i32
        %dma_wait3A_54 = tpu.memref_slice %arg10[%add3A_14, %dma_wait3A] : memref<10240x128xf32, #tpu.memory_space<vmem_shared>> -> memref<128x128xf32, #tpu.memory_space<vmem_shared>>
        %dma_wait3A_55 = arith.constant 0 : i32
        %dma_wait3A_56 = tpu.memref_slice %arg10[%add3A_14, %dma_wait3A_55] : memref<10240x128xf32, #tpu.memory_space<vmem_shared>> -> memref<128x128xf32, #tpu.memory_space<vmem_shared>>
        tpu.wait_dma2 semaphore(%run_scoped3A : memref<!tpu.dma_semaphore, #tpu.memory_space<semaphore_mem>>) src(%arg11 : memref<128x128xf32, #tpu.memory_space<vmem>>) dst(%dma_wait3A_56 : memref<128x128xf32, #tpu.memory_space<vmem_shared>>)
        tpu.yield
      }) : () -> ()
      %add3A_15 = arith.constant 128 : i32
      %add3A_16 = arith.addi %mul3A_13, %add3A_15 : i32
      "tpu.region"() ({
        %run_scoped3A = tpu.sem_alloc : memref<!tpu.dma_semaphore, #tpu.memory_space<semaphore_mem>>
        %dma_start3A = arith.constant 0 : i32
        %dma_start3A_51 = tpu.memref_slice %arg10[%add3A_16, %dma_start3A] : memref<10240x128xf32, #tpu.memory_space<vmem_shared>> -> memref<128x128xf32, #tpu.memory_space<vmem_shared>>
        %dma_start3A_52 = arith.constant 0 : i32
        %dma_start3A_53 = tpu.memref_slice %arg10[%add3A_16, %dma_start3A_52] : memref<10240x128xf32, #tpu.memory_space<vmem_shared>> -> memref<128x128xf32, #tpu.memory_space<vmem_shared>>
        tpu.enqueue_dma source(%arg11 : memref<128x128xf32, #tpu.memory_space<vmem>>) target(%dma_start3A_53 : memref<128x128xf32, #tpu.memory_space<vmem_shared>>) target_semaphore(%run_scoped3A : memref<!tpu.dma_semaphore, #tpu.memory_space<semaphore_mem>>)
        %dma_wait3A = arith.constant 0 : i32
        %dma_wait3A_54 = tpu.memref_slice %arg10[%add3A_16, %dma_wait3A] : memref<10240x128xf32, #tpu.memory_space<vmem_shared>> -> memref<128x128xf32, #tpu.memory_space<vmem_shared>>
        %dma_wait3A_55 = arith.constant 0 : i32
        %dma_wait3A_56 = tpu.memref_slice %arg10[%add3A_16, %dma_wait3A_55] : memref<10240x128xf32, #tpu.memory_space<vmem_shared>> -> memref<128x128xf32, #tpu.memory_space<vmem_shared>>
        tpu.wait_dma2 semaphore(%run_scoped3A : memref<!tpu.dma_semaphore, #tpu.memory_space<semaphore_mem>>) src(%arg11 : memref<128x128xf32, #tpu.memory_space<vmem>>) dst(%dma_wait3A_56 : memref<128x128xf32, #tpu.memory_space<vmem_shared>>)
        tpu.yield
      }) : () -> ()
      %add3A_17 = arith.constant 256 : i32
      %add3A_18 = arith.addi %mul3A_13, %add3A_17 : i32
      "tpu.region"() ({
        %run_scoped3A = tpu.sem_alloc : memref<!tpu.dma_semaphore, #tpu.memory_space<semaphore_mem>>
        %dma_start3A = arith.constant 0 : i32
        %dma_start3A_51 = tpu.memref_slice %arg10[%add3A_18, %dma_start3A] : memref<10240x128xf32, #tpu.memory_space<vmem_shared>> -> memref<128x128xf32, #tpu.memory_space<vmem_shared>>
        %dma_start3A_52 = arith.constant 0 : i32
        %dma_start3A_53 = tpu.memref_slice %arg10[%add3A_18, %dma_start3A_52] : memref<10240x128xf32, #tpu.memory_space<vmem_shared>> -> memref<128x128xf32, #tpu.memory_space<vmem_shared>>
        tpu.enqueue_dma source(%arg11 : memref<128x128xf32, #tpu.memory_space<vmem>>) target(%dma_start3A_53 : memref<128x128xf32, #tpu.memory_space<vmem_shared>>) target_semaphore(%run_scoped3A : memref<!tpu.dma_semaphore, #tpu.memory_space<semaphore_mem>>)
        %dma_wait3A = arith.constant 0 : i32
        %dma_wait3A_54 = tpu.memref_slice %arg10[%add3A_18, %dma_wait3A] : memref<10240x128xf32, #tpu.memory_space<vmem_shared>> -> memref<128x128xf32, #tpu.memory_space<vmem_shared>>
        %dma_wait3A_55 = arith.constant 0 : i32
        %dma_wait3A_56 = tpu.memref_slice %arg10[%add3A_18, %dma_wait3A_55] : memref<10240x128xf32, #tpu.memory_space<vmem_shared>> -> memref<128x128xf32, #tpu.memory_space<vmem_shared>>
        tpu.wait_dma2 semaphore(%run_scoped3A : memref<!tpu.dma_semaphore, #tpu.memory_space<semaphore_mem>>) src(%arg11 : memref<128x128xf32, #tpu.memory_space<vmem>>) dst(%dma_wait3A_56 : memref<128x128xf32, #tpu.memory_space<vmem_shared>>)
        tpu.yield
      }) : () -> ()
      %add3A_19 = arith.constant 384 : i32
      %add3A_20 = arith.addi %mul3A_13, %add3A_19 : i32
      "tpu.region"() ({
        %run_scoped3A = tpu.sem_alloc : memref<!tpu.dma_semaphore, #tpu.memory_space<semaphore_mem>>
        %dma_start3A = arith.constant 0 : i32
        %dma_start3A_51 = tpu.memref_slice %arg10[%add3A_20, %dma_start3A] : memref<10240x128xf32, #tpu.memory_space<vmem_shared>> -> memref<128x128xf32, #tpu.memory_space<vmem_shared>>
        %dma_start3A_52 = arith.constant 0 : i32
        %dma_start3A_53 = tpu.memref_slice %arg10[%add3A_20, %dma_start3A_52] : memref<10240x128xf32, #tpu.memory_space<vmem_shared>> -> memref<128x128xf32, #tpu.memory_space<vmem_shared>>
        tpu.enqueue_dma source(%arg11 : memref<128x128xf32, #tpu.memory_space<vmem>>) target(%dma_start3A_53 : memref<128x128xf32, #tpu.memory_space<vmem_shared>>) target_semaphore(%run_scoped3A : memref<!tpu.dma_semaphore, #tpu.memory_space<semaphore_mem>>)
        %dma_wait3A = arith.constant 0 : i32
        %dma_wait3A_54 = tpu.memref_slice %arg10[%add3A_20, %dma_wait3A] : memref<10240x128xf32, #tpu.memory_space<vmem_shared>> -> memref<128x128xf32, #tpu.memory_space<vmem_shared>>
        %dma_wait3A_55 = arith.constant 0 : i32
        %dma_wait3A_56 = tpu.memref_slice %arg10[%add3A_20, %dma_wait3A_55] : memref<10240x128xf32, #tpu.memory_space<vmem_shared>> -> memref<128x128xf32, #tpu.memory_space<vmem_shared>>
        tpu.wait_dma2 semaphore(%run_scoped3A : memref<!tpu.dma_semaphore, #tpu.memory_space<semaphore_mem>>) src(%arg11 : memref<128x128xf32, #tpu.memory_space<vmem>>) dst(%dma_wait3A_56 : memref<128x128xf32, #tpu.memory_space<vmem_shared>>)
        tpu.yield
      }) : () -> ()
      %add3A_21 = arith.constant 512 : i32
      %add3A_22 = arith.addi %mul3A_13, %add3A_21 : i32
      "tpu.region"() ({
        %run_scoped3A = tpu.sem_alloc : memref<!tpu.dma_semaphore, #tpu.memory_space<semaphore_mem>>
        %dma_start3A = arith.constant 0 : i32
        %dma_start3A_51 = tpu.memref_slice %arg10[%add3A_22, %dma_start3A] : memref<10240x128xf32, #tpu.memory_space<vmem_shared>> -> memref<128x128xf32, #tpu.memory_space<vmem_shared>>
        %dma_start3A_52 = arith.constant 0 : i32
        %dma_start3A_53 = tpu.memref_slice %arg10[%add3A_22, %dma_start3A_52] : memref<10240x128xf32, #tpu.memory_space<vmem_shared>> -> memref<128x128xf32, #tpu.memory_space<vmem_shared>>
        tpu.enqueue_dma source(%arg11 : memref<128x128xf32, #tpu.memory_space<vmem>>) target(%dma_start3A_53 : memref<128x128xf32, #tpu.memory_space<vmem_shared>>) target_semaphore(%run_scoped3A : memref<!tpu.dma_semaphore, #tpu.memory_space<semaphore_mem>>)
        %dma_wait3A = arith.constant 0 : i32
        %dma_wait3A_54 = tpu.memref_slice %arg10[%add3A_22, %dma_wait3A] : memref<10240x128xf32, #tpu.memory_space<vmem_shared>> -> memref<128x128xf32, #tpu.memory_space<vmem_shared>>
        %dma_wait3A_55 = arith.constant 0 : i32
        %dma_wait3A_56 = tpu.memref_slice %arg10[%add3A_22, %dma_wait3A_55] : memref<10240x128xf32, #tpu.memory_space<vmem_shared>> -> memref<128x128xf32, #tpu.memory_space<vmem_shared>>
        tpu.wait_dma2 semaphore(%run_scoped3A : memref<!tpu.dma_semaphore, #tpu.memory_space<semaphore_mem>>) src(%arg11 : memref<128x128xf32, #tpu.memory_space<vmem>>) dst(%dma_wait3A_56 : memref<128x128xf32, #tpu.memory_space<vmem_shared>>)
        tpu.yield
      }) : () -> ()
      %barrier3A = arith.constant 0 : index
      tpu.barrier barrier_id(%barrier3A)
      %scan3A_23 = arith.constant 0 : i32
      %scan3A_24 = arith.constant 0 : i32
      %scan3A_25 = arith.constant 10 : i32
      %scan3A_26 = arith.addi %scan3A_24, %scan3A_25 : i32
      %scan3A_27 = arith.constant 1 : i32
      %scan3A_28 = scf.for %scan3A_51 = %scan3A_24 to %scan3A_26 step %scan3A_27 iter_args(%scan3A_52 = %scan3A_23) -> (i32)  : i32 {
        %mul3A_53 = arith.constant 16 : i32
        %mul3A_54 = arith.muli %scan3A_51, %mul3A_53 : i32
        "tpu.region"() ({
          %run_scoped3A = tpu.sem_alloc : memref<!tpu.dma_semaphore, #tpu.memory_space<semaphore_mem>>
          %dma_start3A_84 = arith.constant 0 : i32
          %dma_start3A_85 = tpu.memref_slice %arg6[%arg1, %mul3A_54, %dma_start3A_84] : memref<16x160x128xi32, #tpu.memory_space<hbm>> -> memref<1x16x128xi32, #tpu.memory_space<hbm>>
          %dma_start3A_86 = tpu.memref_squeeze %dma_start3A_85 : memref<1x16x128xi32, #tpu.memory_space<hbm>> -> memref<16x128xi32, #tpu.memory_space<hbm>>
          %dma_start3A_87 = arith.constant 0 : i32
          %dma_start3A_88 = tpu.memref_slice %arg6[%arg1, %mul3A_54, %dma_start3A_87] : memref<16x160x128xi32, #tpu.memory_space<hbm>> -> memref<1x16x128xi32, #tpu.memory_space<hbm>>
          %dma_start3A_89 = tpu.memref_squeeze %dma_start3A_88 : memref<1x16x128xi32, #tpu.memory_space<hbm>> -> memref<16x128xi32, #tpu.memory_space<hbm>>
          tpu.enqueue_dma source(%dma_start3A_89 : memref<16x128xi32, #tpu.memory_space<hbm>>) target(%arg13 : memref<16x128xi32, #tpu.memory_space<vmem>>) target_semaphore(%run_scoped3A : memref<!tpu.dma_semaphore, #tpu.memory_space<semaphore_mem>>)
          %dma_wait3A = arith.constant 0 : i32
          %dma_wait3A_90 = tpu.memref_slice %arg6[%arg1, %mul3A_54, %dma_wait3A] : memref<16x160x128xi32, #tpu.memory_space<hbm>> -> memref<1x16x128xi32, #tpu.memory_space<hbm>>
          %dma_wait3A_91 = tpu.memref_squeeze %dma_wait3A_90 : memref<1x16x128xi32, #tpu.memory_space<hbm>> -> memref<16x128xi32, #tpu.memory_space<hbm>>
          %dma_wait3A_92 = arith.constant 0 : i32
          %dma_wait3A_93 = tpu.memref_slice %arg6[%arg1, %mul3A_54, %dma_wait3A_92] : memref<16x160x128xi32, #tpu.memory_space<hbm>> -> memref<1x16x128xi32, #tpu.memory_space<hbm>>
          %dma_wait3A_94 = tpu.memref_squeeze %dma_wait3A_93 : memref<1x16x128xi32, #tpu.memory_space<hbm>> -> memref<16x128xi32, #tpu.memory_space<hbm>>
          tpu.wait_dma2 semaphore(%run_scoped3A : memref<!tpu.dma_semaphore, #tpu.memory_space<semaphore_mem>>) src(%dma_wait3A_94 : memref<16x128xi32, #tpu.memory_space<hbm>>) dst(%arg13 : memref<16x128xi32, #tpu.memory_space<vmem>>)
          tpu.yield
        }) : () -> ()
        %mul3A_55 = arith.constant 16 : i32
        %mul3A_56 = arith.muli %scan3A_51, %mul3A_55 : i32
        "tpu.region"() ({
          %run_scoped3A = tpu.sem_alloc : memref<!tpu.dma_semaphore, #tpu.memory_space<semaphore_mem>>
          %dma_start3A_84 = arith.constant 0 : i32
          %dma_start3A_85 = tpu.memref_slice %arg7[%arg1, %mul3A_56, %dma_start3A_84] : memref<16x160x128xi32, #tpu.memory_space<hbm>> -> memref<1x16x128xi32, #tpu.memory_space<hbm>>
          %dma_start3A_86 = tpu.memref_squeeze %dma_start3A_85 : memref<1x16x128xi32, #tpu.memory_space<hbm>> -> memref<16x128xi32, #tpu.memory_space<hbm>>
          %dma_start3A_87 = arith.constant 0 : i32
          %dma_start3A_88 = tpu.memref_slice %arg7[%arg1, %mul3A_56, %dma_start3A_87] : memref<16x160x128xi32, #tpu.memory_space<hbm>> -> memref<1x16x128xi32, #tpu.memory_space<hbm>>
          %dma_start3A_89 = tpu.memref_squeeze %dma_start3A_88 : memref<1x16x128xi32, #tpu.memory_space<hbm>> -> memref<16x128xi32, #tpu.memory_space<hbm>>
          tpu.enqueue_dma source(%dma_start3A_89 : memref<16x128xi32, #tpu.memory_space<hbm>>) target(%arg14 : memref<16x128xi32, #tpu.memory_space<vmem>>) target_semaphore(%run_scoped3A : memref<!tpu.dma_semaphore, #tpu.memory_space<semaphore_mem>>)
          %dma_wait3A = arith.constant 0 : i32
          %dma_wait3A_90 = tpu.memref_slice %arg7[%arg1, %mul3A_56, %dma_wait3A] : memref<16x160x128xi32, #tpu.memory_space<hbm>> -> memref<1x16x128xi32, #tpu.memory_space<hbm>>
          %dma_wait3A_91 = tpu.memref_squeeze %dma_wait3A_90 : memref<1x16x128xi32, #tpu.memory_space<hbm>> -> memref<16x128xi32, #tpu.memory_space<hbm>>
          %dma_wait3A_92 = arith.constant 0 : i32
          %dma_wait3A_93 = tpu.memref_slice %arg7[%arg1, %mul3A_56, %dma_wait3A_92] : memref<16x160x128xi32, #tpu.memory_space<hbm>> -> memref<1x16x128xi32, #tpu.memory_space<hbm>>
          %dma_wait3A_94 = tpu.memref_squeeze %dma_wait3A_93 : memref<1x16x128xi32, #tpu.memory_space<hbm>> -> memref<16x128xi32, #tpu.memory_space<hbm>>
          tpu.wait_dma2 semaphore(%run_scoped3A : memref<!tpu.dma_semaphore, #tpu.memory_space<semaphore_mem>>) src(%dma_wait3A_94 : memref<16x128xi32, #tpu.memory_space<hbm>>) dst(%arg14 : memref<16x128xi32, #tpu.memory_space<vmem>>)
          tpu.yield
        }) : () -> ()
        %dma_start3A = arith.constant 0 : i32
        %dma_start3A_57 = arith.constant 0 : i32
        %dma_start3A_58 = arith.constant 0 : i32
        %dma_start3A_59 = tpu.memref_slice %arg11[%dma_start3A_57, %dma_start3A_58] : memref<128x128xf32, #tpu.memory_space<vmem>> -> memref<64x128xf32, #tpu.memory_space<vmem>>
        %dma_start3A_60 = arith.constant 0 : i32
        %dma_start3A_61 = tpu.memref_slice %arg13[%dma_start3A, %dma_start3A_60] : memref<16x128xi32, #tpu.memory_space<vmem>> -> memref<1x64xi32, #tpu.memory_space<vmem>>
        %dma_start3A_62 = tpu.memref_squeeze %dma_start3A_61 : memref<1x64xi32, #tpu.memory_space<vmem>> -> memref<64xi32, #tpu.memory_space<vmem>>
        %dma_start3A_63 = arith.constant 0 : i32
        %dma_start3A_64 = arith.constant 0 : i32
        %dma_start3A_65 = tpu.memref_slice %arg5[%dma_start3A_63, %dma_start3A_64] : memref<10000x128xf32, #tpu.memory_space<hbm>> -> memref<10000x128xf32, #tpu.memory_space<hbm>>
        tpu.enqueue_indirect_dma source(%dma_start3A_65 : memref<10000x128xf32, #tpu.memory_space<hbm>>) target(%dma_start3A_59 : memref<64x128xf32, #tpu.memory_space<vmem>>) offsets(%dma_start3A_62 : memref<64xi32, #tpu.memory_space<vmem>>) semaphore(%arg15 : memref<!tpu.dma_semaphore, #tpu.memory_space<semaphore_mem>>)
        %dma_start3A_66 = arith.constant 0 : i32
        %dma_start3A_67 = arith.constant 64 : i32
        %dma_start3A_68 = arith.constant 0 : i32
        %dma_start3A_69 = tpu.memref_slice %arg11[%dma_start3A_67, %dma_start3A_68] : memref<128x128xf32, #tpu.memory_space<vmem>> -> memref<64x128xf32, #tpu.memory_space<vmem>>
        %dma_start3A_70 = arith.constant 64 : i32
        %dma_start3A_71 = tpu.memref_slice %arg13[%dma_start3A_66, %dma_start3A_70] : memref<16x128xi32, #tpu.memory_space<vmem>> -> memref<1x64xi32, #tpu.memory_space<vmem>>
        %dma_start3A_72 = tpu.memref_squeeze %dma_start3A_71 : memref<1x64xi32, #tpu.memory_space<vmem>> -> memref<64xi32, #tpu.memory_space<vmem>>
        %dma_start3A_73 = arith.constant 0 : i32
        %dma_start3A_74 = arith.constant 0 : i32
        %dma_start3A_75 = tpu.memref_slice %arg5[%dma_start3A_73, %dma_start3A_74] : memref<10000x128xf32, #tpu.memory_space<hbm>> -> memref<10000x128xf32, #tpu.memory_space<hbm>>
        tpu.enqueue_indirect_dma source(%dma_start3A_75 : memref<10000x128xf32, #tpu.memory_space<hbm>>) target(%dma_start3A_69 : memref<64x128xf32, #tpu.memory_space<vmem>>) offsets(%dma_start3A_72 : memref<64xi32, #tpu.memory_space<vmem>>) semaphore(%arg16 : memref<!tpu.dma_semaphore, #tpu.memory_space<semaphore_mem>>)
        %scan3A_76 = arith.constant 0 : i32
        %scan3A_77 = arith.constant 0 : i32
        %scan3A_78 = arith.constant 8 : i32
        %scan3A_79 = arith.addi %scan3A_77, %scan3A_78 : i32
        %scan3A_80 = arith.constant 1 : i32
        %scan3A_81 = scf.for %scan3A_84 = %scan3A_77 to %scan3A_79 step %scan3A_80 iter_args(%scan3A_85 = %scan3A_76) -> (i32)  : i32 {
          %mul3A_86 = arith.constant 2 : i32
          %mul3A_87 = arith.muli %scan3A_84, %mul3A_86 : i32
          %add3A_88 = arith.constant 0 : i32
          %add3A_89 = arith.addi %mul3A_87, %add3A_88 : i32
          %dma_wait3A = arith.constant 0 : i32
          %dma_wait3A_90 = arith.constant 0 : i32
          %dma_wait3A_91 = tpu.memref_slice %arg11[%dma_wait3A, %dma_wait3A_90] : memref<128x128xf32, #tpu.memory_space<vmem>> -> memref<64x128xf32, #tpu.memory_space<vmem>>
          %dma_wait3A_92 = arith.constant 0 : i32
          %dma_wait3A_93 = tpu.memref_slice %arg13[%add3A_89, %dma_wait3A_92] : memref<16x128xi32, #tpu.memory_space<vmem>> -> memref<1x64xi32, #tpu.memory_space<vmem>>
          %dma_wait3A_94 = tpu.memref_squeeze %dma_wait3A_93 : memref<1x64xi32, #tpu.memory_space<vmem>> -> memref<64xi32, #tpu.memory_space<vmem>>
          %dma_wait3A_95 = arith.constant 0 : i32
          %dma_wait3A_96 = arith.constant 0 : i32
          %dma_wait3A_97 = tpu.memref_slice %arg5[%dma_wait3A_95, %dma_wait3A_96] : memref<10000x128xf32, #tpu.memory_space<hbm>> -> memref<10000x128xf32, #tpu.memory_space<hbm>>
          tpu.wait_indirect_dma semaphore(%arg15 : memref<!tpu.dma_semaphore, #tpu.memory_space<semaphore_mem>>) src(%dma_wait3A_97 : memref<10000x128xf32, #tpu.memory_space<hbm>>) dst(%dma_wait3A_91 : memref<64x128xf32, #tpu.memory_space<vmem>>)
          %dma_wait3A_98 = arith.constant 64 : i32
          %dma_wait3A_99 = arith.constant 0 : i32
          %dma_wait3A_100 = tpu.memref_slice %arg11[%dma_wait3A_98, %dma_wait3A_99] : memref<128x128xf32, #tpu.memory_space<vmem>> -> memref<64x128xf32, #tpu.memory_space<vmem>>
          %dma_wait3A_101 = arith.constant 64 : i32
          %dma_wait3A_102 = tpu.memref_slice %arg13[%add3A_89, %dma_wait3A_101] : memref<16x128xi32, #tpu.memory_space<vmem>> -> memref<1x64xi32, #tpu.memory_space<vmem>>
          %dma_wait3A_103 = tpu.memref_squeeze %dma_wait3A_102 : memref<1x64xi32, #tpu.memory_space<vmem>> -> memref<64xi32, #tpu.memory_space<vmem>>
          %dma_wait3A_104 = arith.constant 0 : i32
          %dma_wait3A_105 = arith.constant 0 : i32
          %dma_wait3A_106 = tpu.memref_slice %arg5[%dma_wait3A_104, %dma_wait3A_105] : memref<10000x128xf32, #tpu.memory_space<hbm>> -> memref<10000x128xf32, #tpu.memory_space<hbm>>
          tpu.wait_indirect_dma semaphore(%arg16 : memref<!tpu.dma_semaphore, #tpu.memory_space<semaphore_mem>>) src(%dma_wait3A_106 : memref<10000x128xf32, #tpu.memory_space<hbm>>) dst(%dma_wait3A_100 : memref<64x128xf32, #tpu.memory_space<vmem>>)
          %add3A_107 = arith.constant 1 : i32
          %add3A_108 = arith.addi %add3A_89, %add3A_107 : i32
          %lt3A = arith.constant 16 : i32
          %lt3A_109 = arith.cmpi slt, %add3A_108, %lt3A : i32
          %convert_element_type3A_110 = arith.extui %lt3A_109 : i1 to i32
          %cond3A_111 = arith.constant 0 : i32
          %cond3A_112 = arith.cmpi ne, %convert_element_type3A_110, %cond3A_111 : i32
          scf.if %cond3A_112 {
            %add3A_143 = arith.constant 1 : i32
            %add3A_144 = arith.addi %add3A_89, %add3A_143 : i32
            %dma_start3A_145 = arith.constant 0 : i32
            %dma_start3A_146 = arith.constant 0 : i32
            %dma_start3A_147 = tpu.memref_slice %arg12[%dma_start3A_145, %dma_start3A_146] : memref<128x128xf32, #tpu.memory_space<vmem>> -> memref<64x128xf32, #tpu.memory_space<vmem>>
            %dma_start3A_148 = arith.constant 0 : i32
            %dma_start3A_149 = tpu.memref_slice %arg13[%add3A_144, %dma_start3A_148] : memref<16x128xi32, #tpu.memory_space<vmem>> -> memref<1x64xi32, #tpu.memory_space<vmem>>
            %dma_start3A_150 = tpu.memref_squeeze %dma_start3A_149 : memref<1x64xi32, #tpu.memory_space<vmem>> -> memref<64xi32, #tpu.memory_space<vmem>>
            %dma_start3A_151 = arith.constant 0 : i32
            %dma_start3A_152 = arith.constant 0 : i32
            %dma_start3A_153 = tpu.memref_slice %arg5[%dma_start3A_151, %dma_start3A_152] : memref<10000x128xf32, #tpu.memory_space<hbm>> -> memref<10000x128xf32, #tpu.memory_space<hbm>>
            tpu.enqueue_indirect_dma source(%dma_start3A_153 : memref<10000x128xf32, #tpu.memory_space<hbm>>) target(%dma_start3A_147 : memref<64x128xf32, #tpu.memory_space<vmem>>) offsets(%dma_start3A_150 : memref<64xi32, #tpu.memory_space<vmem>>) semaphore(%arg17 : memref<!tpu.dma_semaphore, #tpu.memory_space<semaphore_mem>>)
            %dma_start3A_154 = arith.constant 64 : i32
            %dma_start3A_155 = arith.constant 0 : i32
            %dma_start3A_156 = tpu.memref_slice %arg12[%dma_start3A_154, %dma_start3A_155] : memref<128x128xf32, #tpu.memory_space<vmem>> -> memref<64x128xf32, #tpu.memory_space<vmem>>
            %dma_start3A_157 = arith.constant 64 : i32
            %dma_start3A_158 = tpu.memref_slice %arg13[%add3A_144, %dma_start3A_157] : memref<16x128xi32, #tpu.memory_space<vmem>> -> memref<1x64xi32, #tpu.memory_space<vmem>>
            %dma_start3A_159 = tpu.memref_squeeze %dma_start3A_158 : memref<1x64xi32, #tpu.memory_space<vmem>> -> memref<64xi32, #tpu.memory_space<vmem>>
            %dma_start3A_160 = arith.constant 0 : i32
            %dma_start3A_161 = arith.constant 0 : i32
            %dma_start3A_162 = tpu.memref_slice %arg5[%dma_start3A_160, %dma_start3A_161] : memref<10000x128xf32, #tpu.memory_space<hbm>> -> memref<10000x128xf32, #tpu.memory_space<hbm>>
            tpu.enqueue_indirect_dma source(%dma_start3A_162 : memref<10000x128xf32, #tpu.memory_space<hbm>>) target(%dma_start3A_156 : memref<64x128xf32, #tpu.memory_space<vmem>>) offsets(%dma_start3A_159 : memref<64xi32, #tpu.memory_space<vmem>>) semaphore(%arg18 : memref<!tpu.dma_semaphore, #tpu.memory_space<semaphore_mem>>)
          } else {
          }
          "tpu.region"() ({
            %run_scoped3A = tpu.sem_alloc : memref<!tpu.dma_semaphore, #tpu.memory_space<semaphore_mem>>
            %dma_start3A_143 = arith.constant 0 : i32
            %dma_start3A_144 = tpu.memref_slice %arg14[%add3A_89, %dma_start3A_143] : memref<16x128xi32, #tpu.memory_space<vmem>> -> memref<1x128xi32, #tpu.memory_space<vmem>>
            %dma_start3A_145 = tpu.memref_squeeze %dma_start3A_144 : memref<1x128xi32, #tpu.memory_space<vmem>> -> memref<128xi32, #tpu.memory_space<vmem>>
            %dma_start3A_146 = arith.constant 0 : i32
            %dma_start3A_147 = arith.constant 0 : i32
            %dma_start3A_148 = tpu.memref_slice %arg10[%dma_start3A_146, %dma_start3A_147] : memref<10240x128xf32, #tpu.memory_space<vmem_shared>> -> memref<10240x128xf32, #tpu.memory_space<vmem_shared>>
            tpu.enqueue_indirect_dma source(%arg11 : memref<128x128xf32, #tpu.memory_space<vmem>>) target(%dma_start3A_148 : memref<10240x128xf32, #tpu.memory_space<vmem_shared>>) offsets(%dma_start3A_145 : memref<128xi32, #tpu.memory_space<vmem>>) semaphore(%run_scoped3A : memref<!tpu.dma_semaphore, #tpu.memory_space<semaphore_mem>>) {add = true}
            %dma_wait3A_149 = arith.constant 0 : i32
            %dma_wait3A_150 = tpu.memref_slice %arg14[%add3A_89, %dma_wait3A_149] : memref<16x128xi32, #tpu.memory_space<vmem>> -> memref<1x128xi32, #tpu.memory_space<vmem>>
            %dma_wait3A_151 = tpu.memref_squeeze %dma_wait3A_150 : memref<1x128xi32, #tpu.memory_space<vmem>> -> memref<128xi32, #tpu.memory_space<vmem>>
            %dma_wait3A_152 = arith.constant 0 : i32
            %dma_wait3A_153 = arith.constant 0 : i32
            %dma_wait3A_154 = tpu.memref_slice %arg10[%dma_wait3A_152, %dma_wait3A_153] : memref<10240x128xf32, #tpu.memory_space<vmem_shared>> -> memref<10240x128xf32, #tpu.memory_space<vmem_shared>>
            tpu.wait_indirect_dma semaphore(%run_scoped3A : memref<!tpu.dma_semaphore, #tpu.memory_space<semaphore_mem>>) src(%arg11 : memref<128x128xf32, #tpu.memory_space<vmem>>) dst(%dma_wait3A_154 : memref<10240x128xf32, #tpu.memory_space<vmem_shared>>)
            tpu.yield
          }) : () -> ()
          %mul3A_113 = arith.constant 2 : i32
          %mul3A_114 = arith.muli %scan3A_84, %mul3A_113 : i32
          %add3A_115 = arith.constant 1 : i32
          %add3A_116 = arith.addi %mul3A_114, %add3A_115 : i32
          %dma_wait3A_117 = arith.constant 0 : i32
          %dma_wait3A_118 = arith.constant 0 : i32
          %dma_wait3A_119 = tpu.memref_slice %arg12[%dma_wait3A_117, %dma_wait3A_118] : memref<128x128xf32, #tpu.memory_space<vmem>> -> memref<64x128xf32, #tpu.memory_space<vmem>>
          %dma_wait3A_120 = arith.constant 0 : i32
          %dma_wait3A_121 = tpu.memref_slice %arg13[%add3A_116, %dma_wait3A_120] : memref<16x128xi32, #tpu.memory_space<vmem>> -> memref<1x64xi32, #tpu.memory_space<vmem>>
          %dma_wait3A_122 = tpu.memref_squeeze %dma_wait3A_121 : memref<1x64xi32, #tpu.memory_space<vmem>> -> memref<64xi32, #tpu.memory_space<vmem>>
          %dma_wait3A_123 = arith.constant 0 : i32
          %dma_wait3A_124 = arith.constant 0 : i32
          %dma_wait3A_125 = tpu.memref_slice %arg5[%dma_wait3A_123, %dma_wait3A_124] : memref<10000x128xf32, #tpu.memory_space<hbm>> -> memref<10000x128xf32, #tpu.memory_space<hbm>>
          tpu.wait_indirect_dma semaphore(%arg17 : memref<!tpu.dma_semaphore, #tpu.memory_space<semaphore_mem>>) src(%dma_wait3A_125 : memref<10000x128xf32, #tpu.memory_space<hbm>>) dst(%dma_wait3A_119 : memref<64x128xf32, #tpu.memory_space<vmem>>)
          %dma_wait3A_126 = arith.constant 64 : i32
          %dma_wait3A_127 = arith.constant 0 : i32
          %dma_wait3A_128 = tpu.memref_slice %arg12[%dma_wait3A_126, %dma_wait3A_127] : memref<128x128xf32, #tpu.memory_space<vmem>> -> memref<64x128xf32, #tpu.memory_space<vmem>>
          %dma_wait3A_129 = arith.constant 64 : i32
          %dma_wait3A_130 = tpu.memref_slice %arg13[%add3A_116, %dma_wait3A_129] : memref<16x128xi32, #tpu.memory_space<vmem>> -> memref<1x64xi32, #tpu.memory_space<vmem>>
          %dma_wait3A_131 = tpu.memref_squeeze %dma_wait3A_130 : memref<1x64xi32, #tpu.memory_space<vmem>> -> memref<64xi32, #tpu.memory_space<vmem>>
          %dma_wait3A_132 = arith.constant 0 : i32
          %dma_wait3A_133 = arith.constant 0 : i32
          %dma_wait3A_134 = tpu.memref_slice %arg5[%dma_wait3A_132, %dma_wait3A_133] : memref<10000x128xf32, #tpu.memory_space<hbm>> -> memref<10000x128xf32, #tpu.memory_space<hbm>>
          tpu.wait_indirect_dma semaphore(%arg18 : memref<!tpu.dma_semaphore, #tpu.memory_space<semaphore_mem>>) src(%dma_wait3A_134 : memref<10000x128xf32, #tpu.memory_space<hbm>>) dst(%dma_wait3A_128 : memref<64x128xf32, #tpu.memory_space<vmem>>)
          %add3A_135 = arith.constant 1 : i32
          %add3A_136 = arith.addi %add3A_116, %add3A_135 : i32
          %lt3A_137 = arith.constant 16 : i32
          %lt3A_138 = arith.cmpi slt, %add3A_136, %lt3A_137 : i32
          %convert_element_type3A_139 = arith.extui %lt3A_138 : i1 to i32
          %cond3A_140 = arith.constant 0 : i32
          %cond3A_141 = arith.cmpi ne, %convert_element_type3A_139, %cond3A_140 : i32
          scf.if %cond3A_141 {
            %add3A_143 = arith.constant 1 : i32
            %add3A_144 = arith.addi %add3A_116, %add3A_143 : i32
            %dma_start3A_145 = arith.constant 0 : i32
            %dma_start3A_146 = arith.constant 0 : i32
            %dma_start3A_147 = tpu.memref_slice %arg11[%dma_start3A_145, %dma_start3A_146] : memref<128x128xf32, #tpu.memory_space<vmem>> -> memref<64x128xf32, #tpu.memory_space<vmem>>
            %dma_start3A_148 = arith.constant 0 : i32
            %dma_start3A_149 = tpu.memref_slice %arg13[%add3A_144, %dma_start3A_148] : memref<16x128xi32, #tpu.memory_space<vmem>> -> memref<1x64xi32, #tpu.memory_space<vmem>>
            %dma_start3A_150 = tpu.memref_squeeze %dma_start3A_149 : memref<1x64xi32, #tpu.memory_space<vmem>> -> memref<64xi32, #tpu.memory_space<vmem>>
            %dma_start3A_151 = arith.constant 0 : i32
            %dma_start3A_152 = arith.constant 0 : i32
            %dma_start3A_153 = tpu.memref_slice %arg5[%dma_start3A_151, %dma_start3A_152] : memref<10000x128xf32, #tpu.memory_space<hbm>> -> memref<10000x128xf32, #tpu.memory_space<hbm>>
            tpu.enqueue_indirect_dma source(%dma_start3A_153 : memref<10000x128xf32, #tpu.memory_space<hbm>>) target(%dma_start3A_147 : memref<64x128xf32, #tpu.memory_space<vmem>>) offsets(%dma_start3A_150 : memref<64xi32, #tpu.memory_space<vmem>>) semaphore(%arg15 : memref<!tpu.dma_semaphore, #tpu.memory_space<semaphore_mem>>)
            %dma_start3A_154 = arith.constant 64 : i32
            %dma_start3A_155 = arith.constant 0 : i32
            %dma_start3A_156 = tpu.memref_slice %arg11[%dma_start3A_154, %dma_start3A_155] : memref<128x128xf32, #tpu.memory_space<vmem>> -> memref<64x128xf32, #tpu.memory_space<vmem>>
            %dma_start3A_157 = arith.constant 64 : i32
            %dma_start3A_158 = tpu.memref_slice %arg13[%add3A_144, %dma_start3A_157] : memref<16x128xi32, #tpu.memory_space<vmem>> -> memref<1x64xi32, #tpu.memory_space<vmem>>
            %dma_start3A_159 = tpu.memref_squeeze %dma_start3A_158 : memref<1x64xi32, #tpu.memory_space<vmem>> -> memref<64xi32, #tpu.memory_space<vmem>>
            %dma_start3A_160 = arith.constant 0 : i32
            %dma_start3A_161 = arith.constant 0 : i32
            %dma_start3A_162 = tpu.memref_slice %arg5[%dma_start3A_160, %dma_start3A_161] : memref<10000x128xf32, #tpu.memory_space<hbm>> -> memref<10000x128xf32, #tpu.memory_space<hbm>>
            tpu.enqueue_indirect_dma source(%dma_start3A_162 : memref<10000x128xf32, #tpu.memory_space<hbm>>) target(%dma_start3A_156 : memref<64x128xf32, #tpu.memory_space<vmem>>) offsets(%dma_start3A_159 : memref<64xi32, #tpu.memory_space<vmem>>) semaphore(%arg16 : memref<!tpu.dma_semaphore, #tpu.memory_space<semaphore_mem>>)
          } else {
          }
          "tpu.region"() ({
            %run_scoped3A = tpu.sem_alloc : memref<!tpu.dma_semaphore, #tpu.memory_space<semaphore_mem>>
            %dma_start3A_143 = arith.constant 0 : i32
            %dma_start3A_144 = tpu.memref_slice %arg14[%add3A_116, %dma_start3A_143] : memref<16x128xi32, #tpu.memory_space<vmem>> -> memref<1x128xi32, #tpu.memory_space<vmem>>
            %dma_start3A_145 = tpu.memref_squeeze %dma_start3A_144 : memref<1x128xi32, #tpu.memory_space<vmem>> -> memref<128xi32, #tpu.memory_space<vmem>>
            %dma_start3A_146 = arith.constant 0 : i32
            %dma_start3A_147 = arith.constant 0 : i32
            %dma_start3A_148 = tpu.memref_slice %arg10[%dma_start3A_146, %dma_start3A_147] : memref<10240x128xf32, #tpu.memory_space<vmem_shared>> -> memref<10240x128xf32, #tpu.memory_space<vmem_shared>>
            tpu.enqueue_indirect_dma source(%arg12 : memref<128x128xf32, #tpu.memory_space<vmem>>) target(%dma_start3A_148 : memref<10240x128xf32, #tpu.memory_space<vmem_shared>>) offsets(%dma_start3A_145 : memref<128xi32, #tpu.memory_space<vmem>>) semaphore(%run_scoped3A : memref<!tpu.dma_semaphore, #tpu.memory_space<semaphore_mem>>) {add = true}
            %dma_wait3A_149 = arith.constant 0 : i32
            %dma_wait3A_150 = tpu.memref_slice %arg14[%add3A_116, %dma_wait3A_149] : memref<16x128xi32, #tpu.memory_space<vmem>> -> memref<1x128xi32, #tpu.memory_space<vmem>>
            %dma_wait3A_151 = tpu.memref_squeeze %dma_wait3A_150 : memref<1x128xi32, #tpu.memory_space<vmem>> -> memref<128xi32, #tpu.memory_space<vmem>>
            %dma_wait3A_152 = arith.constant 0 : i32
            %dma_wait3A_153 = arith.constant 0 : i32
            %dma_wait3A_154 = tpu.memref_slice %arg10[%dma_wait3A_152, %dma_wait3A_153] : memref<10240x128xf32, #tpu.memory_space<vmem_shared>> -> memref<10240x128xf32, #tpu.memory_space<vmem_shared>>
            tpu.wait_indirect_dma semaphore(%run_scoped3A : memref<!tpu.dma_semaphore, #tpu.memory_space<semaphore_mem>>) src(%arg12 : memref<128x128xf32, #tpu.memory_space<vmem>>) dst(%dma_wait3A_154 : memref<10240x128xf32, #tpu.memory_space<vmem_shared>>)
            tpu.yield
          }) : () -> ()
          %scan3A_142 = arith.constant 0 : i32
          scf.yield %scan3A_142 : i32
        }
        %scan3A_82 = arith.constant 8 : i32
        %scan3A_83 = arith.constant 0 : i32
        scf.yield %scan3A_83 : i32
      }
      %scan3A_29 = arith.constant 10 : i32
      %barrier3A_30 = arith.constant 0 : index
      tpu.barrier barrier_id(%barrier3A_30)
      %add3A_31 = arith.constant 0 : i32
      %add3A_32 = arith.addi %mul3A_13, %add3A_31 : i32
      %add3A_33 = arith.constant 0 : i32
      %add3A_34 = arith.addi %mul3A_13, %add3A_33 : i32
      "tpu.region"() ({
        %run_scoped3A = tpu.sem_alloc : memref<!tpu.dma_semaphore, #tpu.memory_space<semaphore_mem>>
        %dma_start3A = arith.constant 0 : i32
        %dma_start3A_51 = tpu.memref_slice %arg9[%add3A_34, %dma_start3A] : memref<10240x128xf32, #tpu.memory_space<hbm>> -> memref<128x128xf32, #tpu.memory_space<hbm>>
        %dma_start3A_52 = arith.constant 0 : i32
        %dma_start3A_53 = tpu.memref_slice %arg10[%add3A_32, %dma_start3A_52] : memref<10240x128xf32, #tpu.memory_space<vmem_shared>> -> memref<128x128xf32, #tpu.memory_space<vmem_shared>>
        tpu.enqueue_dma source(%dma_start3A_53 : memref<128x128xf32, #tpu.memory_space<vmem_shared>>) target(%dma_start3A_51 : memref<128x128xf32, #tpu.memory_space<hbm>>) target_semaphore(%run_scoped3A : memref<!tpu.dma_semaphore, #tpu.memory_space<semaphore_mem>>)
        %dma_wait3A = arith.constant 0 : i32
        %dma_wait3A_54 = tpu.memref_slice %arg9[%add3A_34, %dma_wait3A] : memref<10240x128xf32, #tpu.memory_space<hbm>> -> memref<128x128xf32, #tpu.memory_space<hbm>>
        %dma_wait3A_55 = arith.constant 0 : i32
        %dma_wait3A_56 = tpu.memref_slice %arg10[%add3A_32, %dma_wait3A_55] : memref<10240x128xf32, #tpu.memory_space<vmem_shared>> -> memref<128x128xf32, #tpu.memory_space<vmem_shared>>
        tpu.wait_dma2 semaphore(%run_scoped3A : memref<!tpu.dma_semaphore, #tpu.memory_space<semaphore_mem>>) src(%dma_wait3A_56 : memref<128x128xf32, #tpu.memory_space<vmem_shared>>) dst(%dma_wait3A_54 : memref<128x128xf32, #tpu.memory_space<hbm>>)
        tpu.yield
      }) : () -> ()
      %add3A_35 = arith.constant 128 : i32
      %add3A_36 = arith.addi %mul3A_13, %add3A_35 : i32
      %add3A_37 = arith.constant 128 : i32
      %add3A_38 = arith.addi %mul3A_13, %add3A_37 : i32
      "tpu.region"() ({
        %run_scoped3A = tpu.sem_alloc : memref<!tpu.dma_semaphore, #tpu.memory_space<semaphore_mem>>
        %dma_start3A = arith.constant 0 : i32
        %dma_start3A_51 = tpu.memref_slice %arg9[%add3A_38, %dma_start3A] : memref<10240x128xf32, #tpu.memory_space<hbm>> -> memref<128x128xf32, #tpu.memory_space<hbm>>
        %dma_start3A_52 = arith.constant 0 : i32
        %dma_start3A_53 = tpu.memref_slice %arg10[%add3A_36, %dma_start3A_52] : memref<10240x128xf32, #tpu.memory_space<vmem_shared>> -> memref<128x128xf32, #tpu.memory_space<vmem_shared>>
        tpu.enqueue_dma source(%dma_start3A_53 : memref<128x128xf32, #tpu.memory_space<vmem_shared>>) target(%dma_start3A_51 : memref<128x128xf32, #tpu.memory_space<hbm>>) target_semaphore(%run_scoped3A : memref<!tpu.dma_semaphore, #tpu.memory_space<semaphore_mem>>)
        %dma_wait3A = arith.constant 0 : i32
        %dma_wait3A_54 = tpu.memref_slice %arg9[%add3A_38, %dma_wait3A] : memref<10240x128xf32, #tpu.memory_space<hbm>> -> memref<128x128xf32, #tpu.memory_space<hbm>>
        %dma_wait3A_55 = arith.constant 0 : i32
        %dma_wait3A_56 = tpu.memref_slice %arg10[%add3A_36, %dma_wait3A_55] : memref<10240x128xf32, #tpu.memory_space<vmem_shared>> -> memref<128x128xf32, #tpu.memory_space<vmem_shared>>
        tpu.wait_dma2 semaphore(%run_scoped3A : memref<!tpu.dma_semaphore, #tpu.memory_space<semaphore_mem>>) src(%dma_wait3A_56 : memref<128x128xf32, #tpu.memory_space<vmem_shared>>) dst(%dma_wait3A_54 : memref<128x128xf32, #tpu.memory_space<hbm>>)
        tpu.yield
      }) : () -> ()
      %add3A_39 = arith.constant 256 : i32
      %add3A_40 = arith.addi %mul3A_13, %add3A_39 : i32
      %add3A_41 = arith.constant 256 : i32
      %add3A_42 = arith.addi %mul3A_13, %add3A_41 : i32
      "tpu.region"() ({
        %run_scoped3A = tpu.sem_alloc : memref<!tpu.dma_semaphore, #tpu.memory_space<semaphore_mem>>
        %dma_start3A = arith.constant 0 : i32
        %dma_start3A_51 = tpu.memref_slice %arg9[%add3A_42, %dma_start3A] : memref<10240x128xf32, #tpu.memory_space<hbm>> -> memref<128x128xf32, #tpu.memory_space<hbm>>
        %dma_start3A_52 = arith.constant 0 : i32
        %dma_start3A_53 = tpu.memref_slice %arg10[%add3A_40, %dma_start3A_52] : memref<10240x128xf32, #tpu.memory_space<vmem_shared>> -> memref<128x128xf32, #tpu.memory_space<vmem_shared>>
        tpu.enqueue_dma source(%dma_start3A_53 : memref<128x128xf32, #tpu.memory_space<vmem_shared>>) target(%dma_start3A_51 : memref<128x128xf32, #tpu.memory_space<hbm>>) target_semaphore(%run_scoped3A : memref<!tpu.dma_semaphore, #tpu.memory_space<semaphore_mem>>)
        %dma_wait3A = arith.constant 0 : i32
        %dma_wait3A_54 = tpu.memref_slice %arg9[%add3A_42, %dma_wait3A] : memref<10240x128xf32, #tpu.memory_space<hbm>> -> memref<128x128xf32, #tpu.memory_space<hbm>>
        %dma_wait3A_55 = arith.constant 0 : i32
        %dma_wait3A_56 = tpu.memref_slice %arg10[%add3A_40, %dma_wait3A_55] : memref<10240x128xf32, #tpu.memory_space<vmem_shared>> -> memref<128x128xf32, #tpu.memory_space<vmem_shared>>
        tpu.wait_dma2 semaphore(%run_scoped3A : memref<!tpu.dma_semaphore, #tpu.memory_space<semaphore_mem>>) src(%dma_wait3A_56 : memref<128x128xf32, #tpu.memory_space<vmem_shared>>) dst(%dma_wait3A_54 : memref<128x128xf32, #tpu.memory_space<hbm>>)
        tpu.yield
      }) : () -> ()
      %add3A_43 = arith.constant 384 : i32
      %add3A_44 = arith.addi %mul3A_13, %add3A_43 : i32
      %add3A_45 = arith.constant 384 : i32
      %add3A_46 = arith.addi %mul3A_13, %add3A_45 : i32
      "tpu.region"() ({
        %run_scoped3A = tpu.sem_alloc : memref<!tpu.dma_semaphore, #tpu.memory_space<semaphore_mem>>
        %dma_start3A = arith.constant 0 : i32
        %dma_start3A_51 = tpu.memref_slice %arg9[%add3A_46, %dma_start3A] : memref<10240x128xf32, #tpu.memory_space<hbm>> -> memref<128x128xf32, #tpu.memory_space<hbm>>
        %dma_start3A_52 = arith.constant 0 : i32
        %dma_start3A_53 = tpu.memref_slice %arg10[%add3A_44, %dma_start3A_52] : memref<10240x128xf32, #tpu.memory_space<vmem_shared>> -> memref<128x128xf32, #tpu.memory_space<vmem_shared>>
        tpu.enqueue_dma source(%dma_start3A_53 : memref<128x128xf32, #tpu.memory_space<vmem_shared>>) target(%dma_start3A_51 : memref<128x128xf32, #tpu.memory_space<hbm>>) target_semaphore(%run_scoped3A : memref<!tpu.dma_semaphore, #tpu.memory_space<semaphore_mem>>)
        %dma_wait3A = arith.constant 0 : i32
        %dma_wait3A_54 = tpu.memref_slice %arg9[%add3A_46, %dma_wait3A] : memref<10240x128xf32, #tpu.memory_space<hbm>> -> memref<128x128xf32, #tpu.memory_space<hbm>>
        %dma_wait3A_55 = arith.constant 0 : i32
        %dma_wait3A_56 = tpu.memref_slice %arg10[%add3A_44, %dma_wait3A_55] : memref<10240x128xf32, #tpu.memory_space<vmem_shared>> -> memref<128x128xf32, #tpu.memory_space<vmem_shared>>
        tpu.wait_dma2 semaphore(%run_scoped3A : memref<!tpu.dma_semaphore, #tpu.memory_space<semaphore_mem>>) src(%dma_wait3A_56 : memref<128x128xf32, #tpu.memory_space<vmem_shared>>) dst(%dma_wait3A_54 : memref<128x128xf32, #tpu.memory_space<hbm>>)
        tpu.yield
      }) : () -> ()
      %add3A_47 = arith.constant 512 : i32
      %add3A_48 = arith.addi %mul3A_13, %add3A_47 : i32
      %add3A_49 = arith.constant 512 : i32
      %add3A_50 = arith.addi %mul3A_13, %add3A_49 : i32
      "tpu.region"() ({
        %run_scoped3A = tpu.sem_alloc : memref<!tpu.dma_semaphore, #tpu.memory_space<semaphore_mem>>
        %dma_start3A = arith.constant 0 : i32
        %dma_start3A_51 = tpu.memref_slice %arg9[%add3A_50, %dma_start3A] : memref<10240x128xf32, #tpu.memory_space<hbm>> -> memref<128x128xf32, #tpu.memory_space<hbm>>
        %dma_start3A_52 = arith.constant 0 : i32
        %dma_start3A_53 = tpu.memref_slice %arg10[%add3A_48, %dma_start3A_52] : memref<10240x128xf32, #tpu.memory_space<vmem_shared>> -> memref<128x128xf32, #tpu.memory_space<vmem_shared>>
        tpu.enqueue_dma source(%dma_start3A_53 : memref<128x128xf32, #tpu.memory_space<vmem_shared>>) target(%dma_start3A_51 : memref<128x128xf32, #tpu.memory_space<hbm>>) target_semaphore(%run_scoped3A : memref<!tpu.dma_semaphore, #tpu.memory_space<semaphore_mem>>)
        %dma_wait3A = arith.constant 0 : i32
        %dma_wait3A_54 = tpu.memref_slice %arg9[%add3A_50, %dma_wait3A] : memref<10240x128xf32, #tpu.memory_space<hbm>> -> memref<128x128xf32, #tpu.memory_space<hbm>>
        %dma_wait3A_55 = arith.constant 0 : i32
        %dma_wait3A_56 = tpu.memref_slice %arg10[%add3A_48, %dma_wait3A_55] : memref<10240x128xf32, #tpu.memory_space<vmem_shared>> -> memref<128x128xf32, #tpu.memory_space<vmem_shared>>
        tpu.wait_dma2 semaphore(%run_scoped3A : memref<!tpu.dma_semaphore, #tpu.memory_space<semaphore_mem>>) src(%dma_wait3A_56 : memref<128x128xf32, #tpu.memory_space<vmem_shared>>) dst(%dma_wait3A_54 : memref<128x128xf32, #tpu.memory_space<hbm>>)
        tpu.yield
      }) : () -> ()
    } else {
    }
    return
  }
}

module attributes {stable_mosaic.version = 14 : i64} {
  func.func @_lin_body(%arg0: i32, %arg1: memref<2000x128xf32, #tpu.memory_space<vmem>>, %arg2: memref<2000x16xf32, #tpu.memory_space<vmem>>, %arg3: memref<128x128xf32, #tpu.memory_space<vmem>>, %arg4: memref<2000x128xf32, #tpu.memory_space<vmem>>, %arg5: memref<2000x1xf32, #tpu.memory_space<vmem>>) attributes {dimension_semantics = [#tpu.dimension_semantics<arbitrary>], iteration_bounds = array<i64: 5>, scalar_prefetch = 0 : i64, scratch_operands = 0 : i64, tpu.core_type = #tpu.core_type<tc>, window_params = [{transform_indices = @transform_0, window_bounds = array<i64: 2000, 128>}, {transform_indices = @transform_1, window_bounds = array<i64: 2000, 16>}, {pipeline_mode = #tpu.pipeline_mode<synchronous>, transform_indices = @transform_2, window_bounds = array<i64: 128, 128>}, {transform_indices = @transform_3, window_bounds = array<i64: 2000, 128>}, {transform_indices = @transform_4, window_bounds = array<i64: 2000, 1>}]} {
    %get3A = arith.constant 0 : index
    %get3A_0 = arith.constant 0 : index
    %get3A_1 = vector.load %arg2[%get3A, %get3A_0] : memref<2000x16xf32, #tpu.memory_space<vmem>>, vector<2000x1xf32>
    %add3A = arith.constant 1.000000e+00 : f32
    %add3A_2 = vector.broadcast %add3A : f32 to vector<2000x1xf32>
    %add3A_3 = arith.addf %get3A_1, %add3A_2 : vector<2000x1xf32>
    %rsqrt3A = math.rsqrt %add3A_3 : vector<2000x1xf32>
    %swap3A = arith.constant 0 : index
    %swap3A_4 = arith.constant 0 : index
    %swap3A_5 = vector.load %arg5[%swap3A, %swap3A_4] : memref<2000x1xf32, #tpu.memory_space<vmem>>, vector<2000x1xf32>
    tpu.vector_store %arg5[%swap3A, %swap3A_4], %rsqrt3A {strides = array<i32>} : memref<2000x1xf32, #tpu.memory_space<vmem>>, vector<2000x1xf32>,
    %get3A_6 = arith.constant 0 : index
    %get3A_7 = arith.constant 0 : index
    %get3A_8 = vector.load %arg1[%get3A_6, %get3A_7] : memref<2000x128xf32, #tpu.memory_space<vmem>>, vector<2000x128xf32>
    %mul3A = vector.broadcast %rsqrt3A : vector<2000x1xf32> to vector<2000x128xf32>
    %mul3A_9 = arith.mulf %get3A_8, %mul3A : vector<2000x128xf32>
    %get3A_10 = arith.constant 0 : index
    %get3A_11 = arith.constant 0 : index
    %get3A_12 = vector.load %arg3[%get3A_10, %get3A_11] : memref<128x128xf32, #tpu.memory_space<vmem>>, vector<128x128xf32>
    %dot_general3A = arith.constant dense<0.000000e+00> : vector<2000x128xf32>
    %dot_general3A_13 = tpu.matmul %mul3A_9, %get3A_12, %dot_general3A {dimension_numbers = #tpu.dot_dimension_numbers<[1], [0], [0], [1], [0, 0, 1, 1], [], []>, transpose_lhs_hint = false} : vector<2000x128xf32>, vector<128x128xf32>, vector<2000x128xf32> -> vector<2000x128xf32>
    %swap3A_14 = arith.constant 0 : index
    %swap3A_15 = arith.constant 0 : index
    %swap3A_16 = vector.load %arg4[%swap3A_14, %swap3A_15] : memref<2000x128xf32, #tpu.memory_space<vmem>>, vector<2000x128xf32>
    tpu.vector_store %arg4[%swap3A_14, %swap3A_15], %dot_general3A_13 {strides = array<i32>} : memref<2000x128xf32, #tpu.memory_space<vmem>>, vector<2000x128xf32>,
    return
  }
  func.func @transform_0(%arg0: i32) -> (i32, i32) {
    %c0_i32 = arith.constant 0 : i32
    %c0_i32_0 = arith.constant 0 : i32
    return %arg0, %c0_i32 : i32, i32
  }
  func.func @transform_1(%arg0: i32) -> (i32, i32) {
    %c0_i32 = arith.constant 0 : i32
    %c0_i32_0 = arith.constant 0 : i32
    return %arg0, %c0_i32 : i32, i32
  }
  func.func @transform_2(%arg0: i32) -> (i32, i32) {
    %c0_i32 = arith.constant 0 : i32
    %c0_i32_0 = arith.constant 0 : i32
    %c0_i32_1 = arith.constant 0 : i32
    return %c0_i32, %c0_i32_0 : i32, i32
  }
  func.func @transform_3(%arg0: i32) -> (i32, i32) {
    %c0_i32 = arith.constant 0 : i32
    %c0_i32_0 = arith.constant 0 : i32
    return %arg0, %c0_i32 : i32, i32
  }
  func.func @transform_4(%arg0: i32) -> (i32, i32) {
    %c0_i32 = arith.constant 0 : i32
    %c0_i32_0 = arith.constant 0 : i32
    return %arg0, %c0_i32 : i32, i32
  }
}

module attributes {stable_mosaic.version = 14 : i64} {
  func.func @_fin_body(%arg0: i32, %arg1: memref<2000x128xf32, #tpu.memory_space<vmem>>, %arg2: memref<2000x128xf32, #tpu.memory_space<vmem>>, %arg3: memref<2000x1xf32, #tpu.memory_space<vmem>>, %arg4: memref<1x128xf32, #tpu.memory_space<vmem>>, %arg5: memref<2000x128xf32, #tpu.memory_space<vmem>>) attributes {dimension_semantics = [#tpu.dimension_semantics<arbitrary>], iteration_bounds = array<i64: 5>, scalar_prefetch = 0 : i64, scratch_operands = 0 : i64, tpu.core_type = #tpu.core_type<tc>, window_params = [{transform_indices = @transform_0, window_bounds = array<i64: 2000, 128>}, {transform_indices = @transform_1, window_bounds = array<i64: 2000, 128>}, {transform_indices = @transform_2, window_bounds = array<i64: 2000, 1>}, {pipeline_mode = #tpu.pipeline_mode<synchronous>, transform_indices = @transform_3, window_bounds = array<i64: 1, 128>}, {transform_indices = @transform_4, window_bounds = array<i64: 2000, 128>}]} {
    %get3A = arith.constant 0 : index
    %get3A_0 = arith.constant 0 : index
    %get3A_1 = vector.load %arg3[%get3A, %get3A_0] : memref<2000x1xf32, #tpu.memory_space<vmem>>, vector<2000x1xf32>
    %get3A_2 = arith.constant 0 : index
    %get3A_3 = arith.constant 0 : index
    %get3A_4 = vector.load %arg1[%get3A_2, %get3A_3] : memref<2000x128xf32, #tpu.memory_space<vmem>>, vector<2000x128xf32>
    %get3A_5 = arith.constant 0 : index
    %get3A_6 = arith.constant 0 : index
    %get3A_7 = vector.load %arg2[%get3A_5, %get3A_6] : memref<2000x128xf32, #tpu.memory_space<vmem>>, vector<2000x128xf32>
    %add3A = arith.addf %get3A_4, %get3A_7 : vector<2000x128xf32>
    %mul3A = vector.broadcast %get3A_1 : vector<2000x1xf32> to vector<2000x128xf32>
    %mul3A_8 = arith.mulf %mul3A, %add3A : vector<2000x128xf32>
    %get3A_9 = arith.constant 0 : index
    %get3A_10 = arith.constant 0 : index
    %get3A_11 = vector.load %arg4[%get3A_9, %get3A_10] : memref<1x128xf32, #tpu.memory_space<vmem>>, vector<1x128xf32>
    %add3A_12 = vector.broadcast %get3A_11 : vector<1x128xf32> to vector<2000x128xf32>
    %add3A_13 = arith.addf %mul3A_8, %add3A_12 : vector<2000x128xf32>
    %max3A = arith.constant 0.000000e+00 : f32
    %max3A_14 = vector.broadcast %max3A : f32 to vector<2000x128xf32>
    %max3A_15 = arith.maximumf %add3A_13, %max3A_14 : vector<2000x128xf32>
    %swap3A = arith.constant 0 : index
    %swap3A_16 = arith.constant 0 : index
    %swap3A_17 = vector.load %arg5[%swap3A, %swap3A_16] : memref<2000x128xf32, #tpu.memory_space<vmem>>, vector<2000x128xf32>
    tpu.vector_store %arg5[%swap3A, %swap3A_16], %max3A_15 {strides = array<i32>} : memref<2000x128xf32, #tpu.memory_space<vmem>>, vector<2000x128xf32>,
    return
  }
  func.func @transform_0(%arg0: i32) -> (i32, i32) {
    %c0_i32 = arith.constant 0 : i32
    %c0_i32_0 = arith.constant 0 : i32
    return %arg0, %c0_i32 : i32, i32
  }
  func.func @transform_1(%arg0: i32) -> (i32, i32) {
    %c0_i32 = arith.constant 0 : i32
    %c0_i32_0 = arith.constant 0 : i32
    return %arg0, %c0_i32 : i32, i32
  }
  func.func @transform_2(%arg0: i32) -> (i32, i32) {
    %c0_i32 = arith.constant 0 : i32
    %c0_i32_0 = arith.constant 0 : i32
    return %arg0, %c0_i32 : i32, i32
  }
  func.func @transform_3(%arg0: i32) -> (i32, i32) {
    %c0_i32 = arith.constant 0 : i32
    %c0_i32_0 = arith.constant 0 : i32
    %c0_i32_1 = arith.constant 0 : i32
    return %c0_i32, %c0_i32_0 : i32, i32
  }
  func.func @transform_4(%arg0: i32) -> (i32, i32) {
    %c0_i32 = arith.constant 0 : i32
    %c0_i32_0 = arith.constant 0 : i32
    return %arg0, %c0_i32 : i32, i32
  }
}

</mosaic_0001>

<sc_bundles>
// kernel: kernel.11.cloned.1.call-start
scs
__scs_entry_jumppad:
0x0: {  	(pc) =	sbr.rel $0x88, $3  }
0x1: {  	(tag) =	ssettag $0x0;
	lr =	simm.s32 $0x1  }
0x2: {  	[smem:$0x3F9B] =	sst lr;
	_ =	strace $0xD0000000  }
0x3: {  	_ = 	snop  }
0x4: {  	_ = 	snop  }
0x5: {  	_ = 	snop  }
0x6: {  	_ = 	snop  }
0x7: {  	_ = 	snop  }
__scs_overlays_trampoline_lowered:
0x8: {  	[smem:$0x3FAA] =	sst s0  }
0x9: {  	[smem:$0x3FAB] =	sst s1  }
0xa: {  	[smem:$0x3FAC] =	sst s2  }
0xb: {  	[smem:$0x3FAD] =	sst s3  }
0xc: {  	[smem:$0x3FAE] =	sst s4  }
0xd: {  	[smem:$0x3FAF] =	sst s5  }
0xe: {  	[smem:$0x3FB0] =	sst s6  }
0xf: {  	[smem:$0x3FB1] =	sst s7  }
0x10: {  	[smem:$0x3FB2] =	sst s8  }
0x11: {  	[smem:$0x3FB3] =	sst s9;
	s0 =	simm.s32 @!p0 $0x0  }
0x12: {  	s1 =	sld [smem:$0x3F99];
	s0 =	simm.s32 @p0 $0x1  }
0x13: {  	[smem:$0x3FB4] =	sst s0;
	s0 =	simm.s32 @!p1 $0x0  }
0x14: {  	s2 =	sld [smem:$0x3F98];
	s0 =	simm.s32 @p1 $0x1  }
0x15: {  	[smem:$0x3FB5] =	sst s0;
	s0 =	simm.s32 @!p2 $0x0  }
0x16: {  	s3 =	sld [smem:$0x3FDB];
	s0 =	simm.s32 @p2 $0x1  }
0x17: {  	s4 =	simm.s32 $0x1BF5;
	[smem:$0x3FB7] =	sst s0  }
0x18: {  	s0 =	sld [smem:$0x3F9A];
	_ =	swait.ge [sflag:s4], $0x0  }
0x19: {  	s7 =	sld [smem:$0x3F9B]  }
0x1a: {  	s8 =	sadd.s32 $0xFFFFE003, lr  }
0x1b: {  	s9 =	sadd.s32 $0xFFFFFEF7, lr;
	s5 =	simm.s32 $0xFFFFFFFF;
	p2 =	slt.u32 s8, $0xFFFFF086  }
0x1c: {  	p1 =	slt.u32 s9, $0xF7A;
	s5 =	simm.s32 @!p2 $0x0  }
0x1d: {  	s5 =	simm.s32 @p1 $0x1;
	p0 =	seq.s32 s7, s2  }
0x1e: {  	s7 =	smul.u32 @!p0 $0xF7A, s2;
	p2 =	seq.s32 @!p0 s5, $0x0  }
0x1f: {  	s9 =	smul.u32 $0xF7A, s1;
	s8 =	simm.s32 @!p0 $0x1BF5;
	p2 =	por !p2, p0  }
0x20: {  	[sflag:s8] =	ssyncset.s32 @!p0 $0xFFFFF086;
	s6 =	sadd.s32 @!p0 s3, s7;
	s7 =	simm.s32 @!p0 $0x108  }
0x21: {  	s3 =	sadd.s32 s3, s9;
	s6 =	sadd.s32 @!p0 $0x88, s6;
	s7 =	simm.s32 @p2 $0x1082  }
0x22: {  	[simem:s7], [sflag:s8] =	dma.local @!p0 [hbm:s6], $0xF7A  }
0x23: {  	s9 =	sor.u32 $0xD0000000, s2;
	s6 =	simm.s32 $0x108;
	_ =	swait.ge @!p0 [sflag:s8], $0x0  }
0x24: {  	s3 =	sadd.s32 $0x88, s3;
	s6 =	simm.s32 @!p1 $0x1082;
	[sflag:s4] =	ssyncset.s32 $0xFFFFF086  }
0x25: {  	[simem:s6], [sflag:s4] =	dma.local [hbm:s3], $0xF7A  }
0x26: {  	[smem:$0x3F9B] =	sst s1;
	(tag) =	ssettag s2;
	_ =	strace s9  }
0x27: {  	s1 =	sld [smem:$0x3FAB]  }
0x28: {  	s2 =	sld [smem:$0x3FAC]  }
0x29: {  	s4 =	sld [smem:$0x3FAE]  }
0x2a: {  	p0 =	seq.s32 s5, $0x0;
	s5 =	sld [smem:$0x3FAF]  }
0x2b: {  	s6 =	sld [smem:$0x3FB0]  }
0x2c: {  	s7 =	sld [smem:$0x3FB1]  }
0x2d: {  	s3 =	simm.s32 $0x108;
	s8 =	sld [smem:$0x3FB2]  }
0x2e: {  	s3 =	simm.s32 @!p0 $0x1082;
	s9 =	sld [smem:$0x3FB3]  }
0x2f: {  	lr =	sadd.s32 s0, s3;
	s0 =	sld [smem:$0x3FAA]  }
0x30: {  	s3 =	sld [smem:$0x3FAD]  }
0x31: {  	[smem:$0x3FB6] =	sst s10  }
0x32: {  	s10 =	sld [smem:$0x3FB4];
	_ =	sdelay $0x3  }
0x33: {  	p0 =	seq.s32 s10, $0x1;
	s10 =	sld [smem:$0x3FB6];
	_ =	sdelay $0x3  }
0x34: {  	[smem:$0x3FB6] =	sst s10  }
0x35: {  	s10 =	sld [smem:$0x3FB5];
	_ =	sdelay $0x3  }
0x36: {  	p1 =	seq.s32 s10, $0x1;
	s10 =	sld [smem:$0x3FB6];
	_ =	sdelay $0x3  }
0x37: {  	[smem:$0x3FB6] =	sst s10  }
0x38: {  	s10 =	sld [smem:$0x3FB7]  }
0x39: {  	_ = 	snop;
	(pc) =	sbr.ind lr, $3  }
0x3a: {  	_ = 	snop  }
0x3b: {  	_ = 	snop  }
0x3c: {  	p2 =	seq.s32 s10, $0x1;
	s10 =	sld [smem:$0x3FB6]  }
0x3d: {  	_ =	shalt  }
0x3e: {  	_ =	shalt  }
0x3f: {  	_ =	shalt  }
0x40: {  	_ =	shalt  }
0x41: {  	_ =	shalt  }
0x42: {  	_ =	shalt  }
0x43: {  	_ =	shalt  }
0x44: {  	_ =	shalt  }
0x45: {  	_ =	shalt  }
0x46: {  	_ =	shalt  }
0x47: {  	_ =	shalt  }
0x48: {  	_ =	shalt  }
0x49: {  	_ =	shalt  }
0x4a: {  	_ =	shalt  }
0x4b: {  	_ =	shalt  }
0x4c: {  	_ =	shalt  }
0x4d: {  	_ =	shalt  }
0x4e: {  	_ =	shalt  }
0x4f: {  	_ =	shalt  }
0x50: {  	_ =	shalt  }
0x51: {  	_ =	shalt  }
0x52: {  	_ =	shalt  }
0x53: {  	_ =	shalt  }
0x54: {  	_ =	shalt  }
0x55: {  	_ =	shalt  }
0x56: {  	_ =	shalt  }
0x57: {  	_ =	shalt  }
0x58: {  	_ =	shalt  }
0x59: {  	_ =	shalt  }
0x5a: {  	_ =	shalt  }
0x5b: {  	_ =	shalt  }
0x5c: {  	_ =	shalt  }
0x5d: {  	_ =	shalt  }
0x5e: {  	_ =	shalt  }
0x5f: {  	_ =	shalt  }
0x60: {  	_ =	shalt  }
0x61: {  	_ =	shalt  }
0x62: {  	_ =	shalt  }
0x63: {  	_ =	shalt  }
0x64: {  	_ =	shalt  }
0x65: {  	_ =	shalt  }
0x66: {  	_ =	shalt  }
0x67: {  	_ =	shalt  }
0x68: {  	_ =	shalt  }
0x69: {  	_ =	shalt  }
0x6a: {  	_ =	shalt  }
0x6b: {  	_ =	shalt  }
0x6c: {  	_ =	shalt  }
0x6d: {  	_ =	shalt  }
0x6e: {  	_ =	shalt  }
0x6f: {  	_ =	shalt  }
0x70: {  	_ =	shalt  }
0x71: {  	_ =	shalt  }
0x72: {  	_ =	shalt  }
0x73: {  	_ =	shalt  }
0x74: {  	_ =	shalt  }
0x75: {  	_ =	shalt  }
0x76: {  	_ =	shalt  }
0x77: {  	_ =	shalt  }
0x78: {  	_ =	shalt  }
0x79: {  	_ =	shalt  }
0x7a: {  	_ =	shalt  }
0x7b: {  	_ =	shalt  }
0x7c: {  	_ =	shalt  }
0x7d: {  	_ =	shalt  }
0x7e: {  	_ =	shalt  }
0x7f: {  	_ =	shalt  }
0x80: {  	_ =	shalt  }
0x81: {  	_ =	shalt  }
0x82: {  	_ =	shalt  }
0x83: {  	_ =	shalt  }
0x84: {  	_ =	shalt  }
0x85: {  	_ =	shalt  }
0x86: {  	_ =	shalt  }
0x87: {  	_ =	shalt  }
.Lfunc_end0:
.L_simem_size_0:
called_computation.1_lowered:
.L_overlay_start_0:
0x88: {  	s2 =	sld [smem:$0x3FD9]  }
0x89: {  	s3 =	sld [smem:$0x3FFE];
	_ =	sdelay $0x1  }
0x8a: {  	s1 =	srdreg.scid  }
0x8b: {  	s0 =	sand.u32 $0x1, s1  }
0x8c: {  	s14 =	sshll.u32 s0, $0xA;
	s2 =	sadd.s32 s3, s2  }
0x8d: {  	s2 =	sadd.s32 s2, s14  }
0x8e: {  	[smem:$0x3FC2] =	sst s2  }
0x8f: {  	_ = 	snop  }
0x90: {  	s2 =	sld [smem:$0x3FD0];
	_ =	sdelay $0x2  }
0x91: {  	s15 =	simm.s32 $0xA;
	s4 =	simm.s32 $0x10  }
0x92: {  	[smem:s4], [sflag:s15] =	dma.local [hbm:s2], $0x1  }
0x93: {  	_ =	swait.eq [sflag:s15], $0x1  }
0x94: {  	[sflag:s15] =	ssyncset.done $0x0  }
0x95: {  	s16 =	sld [smem:$0x10];
	[sflag:s15] =	ssyncadd.s32 $0xFFFFFFFF  }
0x96: {  	s17 =	sld [smem:$0x11];
	(tm) =	ssettm $0x1  }
0x97: {  	s18 =	sld [smem:$0x3FFB];
	_ =	sdelay $0x3  }
0x98: {  	_ =	strace s18  }
0x99: {  	s4 =	sld [smem:$0x3FFC];
	_ =	sdelay $0x3  }
0x9a: {  	_ =	strace s4  }
0x9b: {  	s4 =	sld [smem:$0x3FFD];
	_ =	sdelay $0x3  }
0x9c: {  	_ =	strace s4  }
0x9d: {  	_ =	strace $0x8FFFFFFF  }
0x9e: {  	s19 =	sld [smem:$0x3FDB];
	_ =	sdelay $0x1  }
0x9f: {  	s5 =	simm.s32 $_scs_section_size  }
0xa0: {  	s6 =	simm.s32 $_size__tile_overlayer_lowered;
	s7 =	simm.s32 $_tile_overlayer_lowered  }
0xa1: {  	s22 =	simm.s32 $0x1BFF;
	s21 =	sshll.u32 s7, $0x1;
	s4 =	sadd.s32 s5, s19  }
0xa2: {  	s8 =	simm.s32 $0x0;
	s20 =	sshll.u32 s6, $0x1;
	s6 =	sadd.s32 s21, s4  }
0xa3: {  	[timem:s8], [sflag:s22] =	dma.local [hbm:s6], s20  }
0xa4: {  	_ =	swait.ge [sflag:s22], s20  }
0xa5: {  	s5 =	ssub.s32 $0x0, s20;
	[sflag:s22] =	ssyncset.done $0x0  }
0xa6: {  	[sflag:s22] =	ssyncadd.s32 s5;
	_ =	sdelay $0x1  }
0xa7: {  	s23 =	simm.s32 $0x1B8B  }
0xa8: {  	_ =	swait.ge [sflag:s23], $0x1  }
0xa9: {  	[sflag:s23] =	ssyncset.done $0x0  }
0xaa: {  	s25 =	simm.s32 $0x1B8E;
	s24 =	sld [smem:$0x3FFE];
	[sflag:s23] =	ssyncadd.s32 $0xFFFFFFFF  }
0xab: {  	s26 =	simm.s32 $execute0_lowered;
	[smem:$0x3FD2] =	sst s25  }
0xac: {  	s6 =	sshll.u32 s26, $0x1;
	_ =	strace $0x80000049;
	[dreg:$0x1] =	wrdreg $0xFFFFFFFF  }
0xad: {  	s28 =	simm.s32 $_size_execute0_lowered;
	s4 =	sadd.s32 s4, s6;
	[dreg:$0x0] =	wrdreg $0x0  }
0xae: {  	s6 =	sshll.u32 s28, $0x1;
	[dreg:$0x2] =	wrdreg s4  }
0xaf: {  	[dreg:$0x3] =	wrdreg s6  }
0xb0: {  	[dreg:$0x4] =	wrdreg $0xC0  }
0xb1: {  	_ =	task [dreg:s8], $0x5FFFF  }
0xb2: {  	[dreg:$0x1] =	wrdreg $0xFFFFFFFF  }
0xb3: {  	[dreg:$0x0] =	wrdreg $0x60  }
0xb4: {  	[dreg:$0x2] =	wrdreg s16  }
0xb5: {  	[dreg:$0x3] =	wrdreg s24  }
0xb6: {  	[dreg:$0x4] =	wrdreg s17  }
0xb7: {  	[dreg:$0x5] =	wrdreg $0x0  }
0xb8: {  	[dreg:$0x6] =	wrdreg $0x9  }
0xb9: {  	_ =	task.clear_ibuf [dreg:s8], $0x7FFFF;
	_ =	strace $0x90000049  }
0xba: {  	s29 =	simm.s32 $0x9;
	_ =	strace $0x8000004B  }
0xbb: {  	_ =	swait.ge [sflag:s29], $0x1  }
0xbc: {  	[sflag:s29] =	ssyncadd.s32 $0xFFFFFFFF  }
0xbd: {  	_ =	strace $0x9000004B  }
0xbe: {  	_ =	sfence  }
0xbf: {  	s30 =	sld [smem:$0x0];
	_ =	sdelay $0x2  }
0xc0: {  	s31 =	sshll.u32 s1, $0xD;
	s1 =	sshrl.u32 s1, $0x2  }
0xc1: {  	s3 =	sand.u32 $0x4000, s31;
	s1 =	sadd.s32 s1, s30  }
0xc2: {  	s0 =	sor.u32 s3, s0;
	s1 =	sshll.u32 s1, $0x11  }
0xc3: {  	s0 =	sor.u32 s1, s0  }
0xc4: {  	s0 =	sadd.s32 $0x8F2B, s0  }
0xc5: {  	[sflag:s0] =	ssyncadd.remote.s32 $0x1  }
0xc6: {  	_ =	sfence.sel $0xFFFF  }
0xc7: {  	[dreg:$0x0] =	wrdreg $0xFFFFFFFF;
	(pc) =	sbr.abs _section_cstart, $3  }
0xc8: {  	[dreg:$0x1] =	wrdreg $0xFFFFFFFF  }
0xc9: {  	_ =	task.clear_ibuf [dreg:s8], $0x2FFFF;
	_ =	strace $0x9FFFFFFF  }
0xca: {  	(tm) =	ssettm $0x7FFFFFFF  }
0xcb: {  	_ =	shalt  }
tec
execute0_lowered:
.L_overlay_start_1:
0x0: {  	(tag) =	ssettag $0x1  }
0x1: {  	s1 =	rddreg [dreg:$0x0]  }
0x2: {  	s0 =	rddreg [dreg:$0x1]  }
0x3: {  	s2 =	rddreg [dreg:$0x2]  }
0x4: {  	s4 =	rddreg [dreg:$0x3];
	s5 =	simm.s32 $0x0  }
0x5: {  	s12 =	stileid.u32;
	s6 =	srdreg.scid;
	s28 =	simm.s32 $0x2  }
0x6: {  	s30 =	simm.s32 $0x18000;
	s29 =	simm.s32 $0x1C200;
	s3 =	smul.u32 $0xA00, s12  }
0x7: {  	s31 =	simm.s32 $0x0;
	[smem:$0x7FF] =	sst s5;
	s7 =	smul.u32 $0x280, s12  }
0x8: {  	s6 =	sand.u32 $0x1, s6;
	s9 =	smul.u32 $0x50000, s12;
	s10 =	sadd.s32 $0x7B800, s0  }
0x9: {  	s22 =	smul.u32 $0x2800, s12;
	s12 =	simm.s32 $0x1C180;
	_ =	strace $0x8000004A  }
0xa: {  	s8 =	ssub.s32 $0x2, s6;
	[dreg:$0x9] =	wrdreg s10;
	p0 =	seq.s32 s6, $0x1  }
0xb: {  	s3 =	sadd.s32 s3, s0;
	s0 =	sadd.s32 $0x3EA00, s0;
	s10 =	sshrl.u32 s8, $0x1  }
0xc: {  	s11 =	sshrl.u32 s9, $0x2;
	s13 =	sadd.s32 $0x80, s7;
	s16 =	sadd.s32 $0x100, s7  }
0xd: {  	s18 =	sadd.s32 $0x180, s7;
	s7 =	sadd.s32 $0x200, s7;
	[dreg:$0x10] =	wrdreg s22  }
0xe: {  	s22 =	simm.s32 $0x1C800;
	[dreg:$0xa] =	wrdreg s0;
	s0 =	ssub.s32 s8, s10  }
0xf: {  	s14 =	sadd.s32 s11, s4;
	s15 =	sshll.u32 s13, $0x7;
	s19 =	sshll.u32 s16, $0x7  }
0x10: {  	s11 =	sshll.u32 s18, $0x7;
	s21 =	sshll.u32 s7, $0x7;
	s23 =	sadd.s32 $0x3800, s3  }
0x11: {  	s9 =	sshll.u32 s13, $0x4;
	s24 =	sadd.s32 $0x67800, s3;
	[dreg:$0xb] =	wrdreg s14  }
0x12: {  	s25 =	sadd.s32 $0xD800, s3;
	s8 =	sshll.u32 s18, $0x4;
	[dreg:$0x11] =	wrdreg s9  }
0x13: {  	s3 =	sadd.s32 $0x71800, s3;
	s26 =	sshll.u32 s7, $0x4;
	[dreg:$0x5] =	wrdreg s23  }
0x14: {  	s7 =	simm.s32 $0x3;
	s18 =	simm.s32 $0x1C1C0;
	[dreg:$0x6] =	wrdreg s24  }
0x15: {  	s13 =	simm.s32 $0x1C240;
	s6 =	sadd.s32 s15, s4;
	[dreg:$0x13] =	wrdreg s8  }
0x16: {  	s10 =	sadd.s32 s19, s4;
	s20 =	sadd.s32 s11, s4;
	[dreg:$0x7] =	wrdreg s25  }
0x17: {  	s17 =	sadd.s32 s21, s4;
	[dreg:$0x14] =	wrdreg s26;
	s0 =	smax.u32 s0, $0x1  }
0x18: {  	[dreg:$0x8] =	wrdreg s3;
	s19 =	simm.s32 $0x14000;
	s21 =	simm.s32 $0x1C000  }
0x19: {  	s23 =	simm.s32 $0x40;
	s25 =	simm.s32 $0x16000;
	s26 =	simm.s32 $0x1  }
0x1a: {  	s8 =	simm.s32 $0x1C0C0;
	s3 =	simm.s32 $0x4;
	[dreg:$0xc] =	wrdreg s6  }
.Ltmp0:
0x1b: {  	s9 =	simm.s32 $0x1C100;
	[dreg:$0xd] =	wrdreg s10;
	(pc) =	sbr.rel .LBB2_1-.Ltmp0, $4  }
0x1c: {  	s11 =	simm.s32 $0x1C880;
	s24 =	simm.s32 $0x1C900;
	[dreg:$0xe] =	wrdreg s20  }
0x1d: {  	s6 =	sshll.u32 s16, $0x4;
	[dreg:$0x15] =	wrdreg s0;
	s20 =	simm.s32 $0x5  }
0x1e: {  	s16 =	simm.s32 $0x1C080;
	s0 =	simm.s32 $0x1A000;
	[dreg:$0xf] =	wrdreg s17  }
0x1f: {  	v0 =	vimm.f32 $0.0e+00;
	s10 =	simm.s32 $0x1C140;
	[dreg:$0x12] =	wrdreg s6;
	s6 =	simm.s32 $0x80  }
.LBB2_9:
0x20: {  	[sflag:s20] =	ssyncadd.s32 $0xFFFFC000;
	s15 =	sadd.s32 s14, s16  }
0x21: {  	[tilespmem:s21], [sflag:$0x5] =	stream.linear.gather [hbm4b:s15+s5], $0x800, $0x38;
	[tilespmem:$0x1D000] =	vst v63  }
0x22: {  	_ =	swait.ge [sflag:s20], $0x800  }
0x23: {  	s16 =	rddreg [dreg:$0x7];
	[sflag:s20] =	ssyncset.done $0x0  }
0x24: {  	s16 =	sadd.s32 s14, s16;
	[sflag:s20] =	ssyncadd.s32 $0xFFFFF800  }
0x25: {  	[tilespmem:s22], [sflag:$0x5] =	stream.linear.gather [hbm4b:s16+s5], $0x800, $0x38;
	[tilespmem:$0x1D000] =	vst v63  }
0x26: {  	_ =	swait.ge [sflag:s20], $0x800  }
0x27: {  	[sflag:s20] =	ssyncset.done $0x0  }
0x28: {  	[sflag:s20] =	ssyncadd.s32 $0xFFFFF800  }
0x29: {  	[tilespmem:s19], [sflag:$0x1] =	stream.indirect.gather [hbm4b:s2+s23], $0x80, s21, s23, $0xb8;
	[tilespmem:$0x1D000] =	vst v63  }
0x2a: {  	_ = 	snop  }
0x2b: {  	[tilespmem:s25], [sflag:$0x2] =	stream.indirect.gather [hbm4b:s2+s23], $0x80, s17, s23, $0xb8;
	[tilespmem:$0x1D000] =	vst v63  }
0x2c: {  	_ =	swait.ge [sflag:s26], $0x2000  }
0x2d: {  	[sflag:s26] =	ssyncset.done $0x0  }
0x2e: {  	[sflag:s26] =	ssyncadd.s32 $0xFFFFE000  }
0x2f: {  	_ =	swait.ge [sflag:s28], $0x2000  }
0x30: {  	[sflag:s28] =	ssyncset.done $0x0  }
0x31: {  	[sflag:s28] =	ssyncadd.s32 $0xFFFFE000  }
0x32: {  	[tilespmem:s30], [sflag:$0x3] =	stream.indirect.gather [hbm4b:s2+s23], $0x80, s18, s23, $0xb8;
	[tilespmem:$0x1D000] =	vst v63  }
0x33: {  	_ = 	snop  }
0x34: {  	[tilespmem:s0], [sflag:$0x4] =	stream.indirect.gather [hbm4b:s2+s23], $0x80, s8, s23, $0xb8;
	[tilespmem:$0x1D000] =	vst v63  }
0x35: {  	_ = 	snop  }
0x36: {  	[spmem:s4] =	stream.indirect.scatter.add.f32 [tilespmem:s19], [sflag:$0x5], $0x80, s22, s6, $0xb8;
	[tilespmem:$0x1D000] =	vst v63  }
0x37: {  	_ =	swait.ge [sflag:s20], $0x4000  }
0x38: {  	[sflag:s20] =	ssyncset.done $0x0  }
0x39: {  	[sflag:s20] =	ssyncadd.s32 $0xFFFFC000  }
0x3a: {  	_ =	swait.ge [sflag:s7], $0x2000  }
0x3b: {  	[sflag:s7] =	ssyncset.done $0x0  }
0x3c: {  	[sflag:s7] =	ssyncadd.s32 $0xFFFFE000  }
0x3d: {  	_ =	swait.ge [sflag:s3], $0x2000  }
0x3e: {  	[sflag:s3] =	ssyncset.done $0x0  }
0x3f: {  	[sflag:s3] =	ssyncadd.s32 $0xFFFFE000  }
0x40: {  	[tilespmem:s19], [sflag:$0x1] =	stream.indirect.gather [hbm4b:s2+s23], $0x80, s9, s23, $0xb8;
	[tilespmem:$0x1D000] =	vst v63  }
0x41: {  	_ = 	snop  }
0x42: {  	[tilespmem:s25], [sflag:$0x2] =	stream.indirect.gather [hbm4b:s2+s23], $0x80, s10, s23, $0xb8;
	[tilespmem:$0x1D000] =	vst v63  }
0x43: {  	_ = 	snop  }
0x44: {  	[spmem:s4] =	stream.indirect.scatter.add.f32 [tilespmem:s30], [sflag:$0x5], $0x80, s11, s6, $0xb8;
	[tilespmem:$0x1D000] =	vst v63  }
0x45: {  	_ =	swait.ge [sflag:s20], $0x4000  }
0x46: {  	[sflag:s20] =	ssyncset.done $0x0  }
0x47: {  	[sflag:s20] =	ssyncadd.s32 $0xFFFFC000  }
0x48: {  	_ =	swait.ge [sflag:s26], $0x2000  }
0x49: {  	[sflag:s26] =	ssyncset.done $0x0  }
0x4a: {  	[sflag:s26] =	ssyncadd.s32 $0xFFFFE000  }
0x4b: {  	_ =	swait.ge [sflag:s28], $0x2000  }
0x4c: {  	[sflag:s28] =	ssyncset.done $0x0  }
0x4d: {  	[sflag:s28] =	ssyncadd.s32 $0xFFFFE000  }
0x4e: {  	[tilespmem:s30], [sflag:$0x3] =	stream.indirect.gather [hbm4b:s2+s23], $0x80, s12, s23, $0xb8;
	[tilespmem:$0x1D000] =	vst v63  }
0x4f: {  	_ = 	snop  }
0x50: {  	[tilespmem:s0], [sflag:$0x4] =	stream.indirect.gather [hbm4b:s2+s23], $0x80, s24, s23, $0xb8;
	[tilespmem:$0x1D000] =	vst v63  }
0x51: {  	_ = 	snop  }
0x52: {  	[spmem:s4] =	stream.indirect.scatter.add.f32 [tilespmem:s19], [sflag:$0x5], $0x80, s29, s6, $0xb8;
	[tilespmem:$0x1D000] =	vst v63  }
0x53: {  	_ =	swait.ge [sflag:s20], $0x4000  }
0x54: {  	[sflag:s20] =	ssyncset.done $0x0  }
0x55: {  	[sflag:s20] =	ssyncadd.s32 $0xFFFFC000  }
0x56: {  	_ =	swait.ge [sflag:s7], $0x2000  }
0x57: {  	[sflag:s7] =	ssyncset.done $0x0  }
0x58: {  	[sflag:s7] =	ssyncadd.s32 $0xFFFFE000  }
0x59: {  	_ =	swait.ge [sflag:s3], $0x2000  }
0x5a: {  	[sflag:s3] =	ssyncset.done $0x0  }
0x5b: {  	[sflag:s3] =	ssyncadd.s32 $0xFFFFE000  }
0x5c: {  	[tilespmem:s19], [sflag:$0x1] =	stream.indirect.gather [hbm4b:s2+s23], $0x80, s31, s23, $0xb8;
	[tilespmem:$0x1D000] =	vst v63  }
0x5d: {  	_ = 	snop  }
0x5e: {  	[tilespmem:s25], [sflag:$0x2] =	stream.indirect.gather [hbm4b:s2+s23], $0x80, s13, s23, $0xb8;
	[tilespmem:$0x1D000] =	vst v63  }
0x5f: {  	s18 =	simm.s32 $0x1C980  }
0x60: {  	[spmem:s4] =	stream.indirect.scatter.add.f32 [tilespmem:s30], [sflag:$0x5], $0x80, s18, s6, $0xb8;
	[tilespmem:$0x1D000] =	vst v63  }
0x61: {  	_ =	swait.ge [sflag:s20], $0x4000  }
0x62: {  	[sflag:s20] =	ssyncset.done $0x0  }
0x63: {  	[sflag:s20] =	ssyncadd.s32 $0xFFFFC000  }
0x64: {  	_ =	swait.ge [sflag:s26], $0x2000  }
0x65: {  	[sflag:s26] =	ssyncset.done $0x0  }
0x66: {  	[sflag:s26] =	ssyncadd.s32 $0xFFFFE000  }
0x67: {  	_ =	swait.ge [sflag:s28], $0x2000  }
0x68: {  	[sflag:s28] =	ssyncset.done $0x0  }
0x69: {  	s24 =	simm.s32 $0x1C280;
	[sflag:s28] =	ssyncadd.s32 $0xFFFFE000  }
0x6a: {  	[tilespmem:s30], [sflag:$0x3] =	stream.indirect.gather [hbm4b:s2+s23], $0x80, s24, s23, $0xb8;
	[tilespmem:$0x1D000] =	vst v63  }
0x6b: {  	s9 =	simm.s32 $0x1C2C0  }
0x6c: {  	[tilespmem:s0], [sflag:$0x4] =	stream.indirect.gather [hbm4b:s2+s23], $0x80, s9, s23, $0xb8;
	[tilespmem:$0x1D000] =	vst v63  }
0x6d: {  	s10 =	simm.s32 $0x1CA00  }
0x6e: {  	[spmem:s4] =	stream.indirect.scatter.add.f32 [tilespmem:s19], [sflag:$0x5], $0x80, s10, s6, $0xb8;
	[tilespmem:$0x1D000] =	vst v63  }
0x6f: {  	_ =	swait.ge [sflag:s20], $0x4000  }
0x70: {  	[sflag:s20] =	ssyncset.done $0x0  }
0x71: {  	[sflag:s20] =	ssyncadd.s32 $0xFFFFC000  }
0x72: {  	_ =	swait.ge [sflag:s7], $0x2000  }
0x73: {  	[sflag:s7] =	ssyncset.done $0x0  }
0x74: {  	[sflag:s7] =	ssyncadd.s32 $0xFFFFE000  }
0x75: {  	_ =	swait.ge [sflag:s3], $0x2000  }
0x76: {  	[sflag:s3] =	ssyncset.done $0x0  }
0x77: {  	s11 =	simm.s32 $0x1C300;
	[sflag:s3] =	ssyncadd.s32 $0xFFFFE000  }
0x78: {  	[tilespmem:s19], [sflag:$0x1] =	stream.indirect.gather [hbm4b:s2+s23], $0x80, s11, s23, $0xb8;
	[tilespmem:$0x1D000] =	vst v63  }
0x79: {  	s12 =	simm.s32 $0x1C340  }
0x7a: {  	[tilespmem:s25], [sflag:$0x2] =	stream.indirect.gather [hbm4b:s2+s23], $0x80, s12, s23, $0xb8;
	[tilespmem:$0x1D000] =	vst v63  }
0x7b: {  	s13 =	simm.s32 $0x1CA80  }
0x7c: {  	[spmem:s4] =	stream.indirect.scatter.add.f32 [tilespmem:s30], [sflag:$0x5], $0x80, s13, s6, $0xb8;
	[tilespmem:$0x1D000] =	vst v63  }
0x7d: {  	_ =	swait.ge [sflag:s20], $0x4000  }
0x7e: {  	[sflag:s20] =	ssyncset.done $0x0  }
0x7f: {  	[sflag:s20] =	ssyncadd.s32 $0xFFFFC000  }
0x80: {  	_ =	swait.ge [sflag:s26], $0x2000  }
0x81: {  	[sflag:s26] =	ssyncset.done $0x0  }
0x82: {  	[sflag:s26] =	ssyncadd.s32 $0xFFFFE000  }
0x83: {  	_ =	swait.ge [sflag:s28], $0x2000  }
0x84: {  	[sflag:s28] =	ssyncset.done $0x0  }
0x85: {  	s14 =	simm.s32 $0x1C380;
	[sflag:s28] =	ssyncadd.s32 $0xFFFFE000  }
0x86: {  	[tilespmem:s30], [sflag:$0x3] =	stream.indirect.gather [hbm4b:s2+s23], $0x80, s14, s23, $0xb8;
	[tilespmem:$0x1D000] =	vst v63  }
0x87: {  	s15 =	simm.s32 $0x1C3C0  }
0x88: {  	[tilespmem:s0], [sflag:$0x4] =	stream.indirect.gather [hbm4b:s2+s23], $0x80, s15, s23, $0xb8;
	[tilespmem:$0x1D000] =	vst v63  }
0x89: {  	s16 =	simm.s32 $0x1CB00  }
0x8a: {  	[spmem:s4] =	stream.indirect.scatter.add.f32 [tilespmem:s19], [sflag:$0x5], $0x80, s16, s6, $0xb8;
	[tilespmem:$0x1D000] =	vst v63  }
0x8b: {  	_ =	swait.ge [sflag:s20], $0x4000  }
0x8c: {  	[sflag:s20] =	ssyncset.done $0x0  }
0x8d: {  	[sflag:s20] =	ssyncadd.s32 $0xFFFFC000  }
0x8e: {  	_ =	swait.ge [sflag:s7], $0x2000  }
0x8f: {  	[sflag:s7] =	ssyncset.done $0x0  }
0x90: {  	[sflag:s7] =	ssyncadd.s32 $0xFFFFE000  }
0x91: {  	_ =	swait.ge [sflag:s3], $0x2000  }
0x92: {  	[sflag:s3] =	ssyncset.done $0x0  }
0x93: {  	s17 =	simm.s32 $0x1C400;
	[sflag:s3] =	ssyncadd.s32 $0xFFFFE000  }
0x94: {  	[tilespmem:s19], [sflag:$0x1] =	stream.indirect.gather [hbm4b:s2+s23], $0x80, s17, s23, $0xb8;
	[tilespmem:$0x1D000] =	vst v63  }
0x95: {  	s18 =	simm.s32 $0x1C440  }
0x96: {  	[tilespmem:s25], [sflag:$0x2] =	stream.indirect.gather [hbm4b:s2+s23], $0x80, s18, s23, $0xb8;
	[tilespmem:$0x1D000] =	vst v63  }
0x97: {  	s24 =	simm.s32 $0x1CB80  }
0x98: {  	[spmem:s4] =	stream.indirect.scatter.add.f32 [tilespmem:s30], [sflag:$0x5], $0x80, s24, s6, $0xb8;
	[tilespmem:$0x1D000] =	vst v63  }
0x99: {  	_ =	swait.ge [sflag:s20], $0x4000  }
0x9a: {  	[sflag:s20] =	ssyncset.done $0x0  }
0x9b: {  	[sflag:s20] =	ssyncadd.s32 $0xFFFFC000  }
0x9c: {  	_ =	swait.ge [sflag:s26], $0x2000  }
0x9d: {  	[sflag:s26] =	ssyncset.done $0x0  }
0x9e: {  	[sflag:s26] =	ssyncadd.s32 $0xFFFFE000  }
0x9f: {  	_ =	swait.ge [sflag:s28], $0x2000  }
0xa0: {  	[sflag:s28] =	ssyncset.done $0x0  }
0xa1: {  	s9 =	simm.s32 $0x1C480;
	[sflag:s28] =	ssyncadd.s32 $0xFFFFE000  }
0xa2: {  	[tilespmem:s30], [sflag:$0x3] =	stream.indirect.gather [hbm4b:s2+s23], $0x80, s9, s23, $0xb8;
	[tilespmem:$0x1D000] =	vst v63  }
0xa3: {  	s10 =	simm.s32 $0x1C4C0  }
0xa4: {  	[tilespmem:s0], [sflag:$0x4] =	stream.indirect.gather [hbm4b:s2+s23], $0x80, s10, s23, $0xb8;
	[tilespmem:$0x1D000] =	vst v63  }
0xa5: {  	s11 =	simm.s32 $0x1CC00  }
0xa6: {  	[spmem:s4] =	stream.indirect.scatter.add.f32 [tilespmem:s19], [sflag:$0x5], $0x80, s11, s6, $0xb8;
	[tilespmem:$0x1D000] =	vst v63  }
0xa7: {  	_ =	swait.ge [sflag:s20], $0x4000  }
0xa8: {  	[sflag:s20] =	ssyncset.done $0x0  }
0xa9: {  	[sflag:s20] =	ssyncadd.s32 $0xFFFFC000  }
0xaa: {  	_ =	swait.ge [sflag:s7], $0x2000  }
0xab: {  	[sflag:s7] =	ssyncset.done $0x0  }
0xac: {  	[sflag:s7] =	ssyncadd.s32 $0xFFFFE000  }
0xad: {  	_ =	swait.ge [sflag:s3], $0x2000  }
0xae: {  	[sflag:s3] =	ssyncset.done $0x0  }
0xaf: {  	s12 =	simm.s32 $0x1C500;
	[sflag:s3] =	ssyncadd.s32 $0xFFFFE000  }
0xb0: {  	[tilespmem:s19], [sflag:$0x1] =	stream.indirect.gather [hbm4b:s2+s23], $0x80, s12, s23, $0xb8;
	[tilespmem:$0x1D000] =	vst v63  }
0xb1: {  	s13 =	simm.s32 $0x1C540  }
0xb2: {  	[tilespmem:s25], [sflag:$0x2] =	stream.indirect.gather [hbm4b:s2+s23], $0x80, s13, s23, $0xb8;
	[tilespmem:$0x1D000] =	vst v63  }
0xb3: {  	s14 =	simm.s32 $0x1CC80  }
0xb4: {  	[spmem:s4] =	stream.indirect.scatter.add.f32 [tilespmem:s30], [sflag:$0x5], $0x80, s14, s6, $0xb8;
	[tilespmem:$0x1D000] =	vst v63  }
0xb5: {  	_ =	swait.ge [sflag:s20], $0x4000  }
0xb6: {  	[sflag:s20] =	ssyncset.done $0x0  }
0xb7: {  	[sflag:s20] =	ssyncadd.s32 $0xFFFFC000  }
0xb8: {  	_ =	swait.ge [sflag:s26], $0x2000  }
0xb9: {  	[sflag:s26] =	ssyncset.done $0x0  }
0xba: {  	[sflag:s26] =	ssyncadd.s32 $0xFFFFE000  }
0xbb: {  	_ =	swait.ge [sflag:s28], $0x2000  }
0xbc: {  	[sflag:s28] =	ssyncset.done $0x0  }
0xbd: {  	s15 =	simm.s32 $0x1C580;
	[sflag:s28] =	ssyncadd.s32 $0xFFFFE000  }
0xbe: {  	[tilespmem:s30], [sflag:$0x3] =	stream.indirect.gather [hbm4b:s2+s23], $0x80, s15, s23, $0xb8;
	[tilespmem:$0x1D000] =	vst v63  }
0xbf: {  	s16 =	simm.s32 $0x1C5C0  }
0xc0: {  	[tilespmem:s0], [sflag:$0x4] =	stream.indirect.gather [hbm4b:s2+s23], $0x80, s16, s23, $0xb8;
	[tilespmem:$0x1D000] =	vst v63  }
0xc1: {  	s17 =	simm.s32 $0x1CD00  }
0xc2: {  	[spmem:s4] =	stream.indirect.scatter.add.f32 [tilespmem:s19], [sflag:$0x5], $0x80, s17, s6, $0xb8;
	[tilespmem:$0x1D000] =	vst v63  }
0xc3: {  	_ =	swait.ge [sflag:s20], $0x4000  }
0xc4: {  	[sflag:s20] =	ssyncset.done $0x0  }
0xc5: {  	[sflag:s20] =	ssyncadd.s32 $0xFFFFC000  }
0xc6: {  	_ =	swait.ge [sflag:s7], $0x2000  }
0xc7: {  	[sflag:s7] =	ssyncset.done $0x0  }
0xc8: {  	[sflag:s7] =	ssyncadd.s32 $0xFFFFE000  }
0xc9: {  	_ =	swait.ge [sflag:s3], $0x2000  }
0xca: {  	[sflag:s3] =	ssyncset.done $0x0  }
0xcb: {  	s18 =	simm.s32 $0x1C600;
	[sflag:s3] =	ssyncadd.s32 $0xFFFFE000  }
0xcc: {  	[tilespmem:s19], [sflag:$0x1] =	stream.indirect.gather [hbm4b:s2+s23], $0x80, s18, s23, $0xb8;
	[tilespmem:$0x1D000] =	vst v63  }
0xcd: {  	s24 =	simm.s32 $0x1C640  }
0xce: {  	[tilespmem:s25], [sflag:$0x2] =	stream.indirect.gather [hbm4b:s2+s23], $0x80, s24, s23, $0xb8;
	[tilespmem:$0x1D000] =	vst v63  }
0xcf: {  	s9 =	simm.s32 $0x1CD80  }
0xd0: {  	[spmem:s4] =	stream.indirect.scatter.add.f32 [tilespmem:s30], [sflag:$0x5], $0x80, s9, s6, $0xb8;
	[tilespmem:$0x1D000] =	vst v63  }
0xd1: {  	_ =	swait.ge [sflag:s20], $0x4000  }
0xd2: {  	[sflag:s20] =	ssyncset.done $0x0  }
0xd3: {  	[sflag:s20] =	ssyncadd.s32 $0xFFFFC000  }
0xd4: {  	_ =	swait.ge [sflag:s26], $0x2000  }
0xd5: {  	[sflag:s26] =	ssyncset.done $0x0  }
0xd6: {  	[sflag:s26] =	ssyncadd.s32 $0xFFFFE000  }
0xd7: {  	_ =	swait.ge [sflag:s28], $0x2000  }
0xd8: {  	[sflag:s28] =	ssyncset.done $0x0  }
0xd9: {  	s10 =	simm.s32 $0x1C680;
	[sflag:s28] =	ssyncadd.s32 $0xFFFFE000  }
0xda: {  	[tilespmem:s30], [sflag:$0x3] =	stream.indirect.gather [hbm4b:s2+s23], $0x80, s10, s23, $0xb8;
	[tilespmem:$0x1D000] =	vst v63  }
0xdb: {  	s11 =	simm.s32 $0x1C6C0  }
0xdc: {  	[tilespmem:s0], [sflag:$0x4] =	stream.indirect.gather [hbm4b:s2+s23], $0x80, s11, s23, $0xb8;
	[tilespmem:$0x1D000] =	vst v63  }
0xdd: {  	s12 =	simm.s32 $0x1CE00  }
0xde: {  	[spmem:s4] =	stream.indirect.scatter.add.f32 [tilespmem:s19], [sflag:$0x5], $0x80, s12, s6, $0xb8;
	[tilespmem:$0x1D000] =	vst v63  }
0xdf: {  	_ =	swait.ge [sflag:s20], $0x4000  }
0xe0: {  	[sflag:s20] =	ssyncset.done $0x0  }
0xe1: {  	[sflag:s20] =	ssyncadd.s32 $0xFFFFC000  }
0xe2: {  	_ =	swait.ge [sflag:s7], $0x2000  }
0xe3: {  	[sflag:s7] =	ssyncset.done $0x0  }
0xe4: {  	[sflag:s7] =	ssyncadd.s32 $0xFFFFE000  }
0xe5: {  	_ =	swait.ge [sflag:s3], $0x2000  }
0xe6: {  	[sflag:s3] =	ssyncset.done $0x0  }
0xe7: {  	s13 =	simm.s32 $0x1C700;
	[sflag:s3] =	ssyncadd.s32 $0xFFFFE000  }
0xe8: {  	[tilespmem:s19], [sflag:$0x1] =	stream.indirect.gather [hbm4b:s2+s23], $0x80, s13, s23, $0xb8;
	[tilespmem:$0x1D000] =	vst v63  }
0xe9: {  	s14 =	simm.s32 $0x1C740  }
0xea: {  	[tilespmem:s25], [sflag:$0x2] =	stream.indirect.gather [hbm4b:s2+s23], $0x80, s14, s23, $0xb8;
	[tilespmem:$0x1D000] =	vst v63  }
0xeb: {  	s15 =	simm.s32 $0x1CE80  }
0xec: {  	[spmem:s4] =	stream.indirect.scatter.add.f32 [tilespmem:s30], [sflag:$0x5], $0x80, s15, s6, $0xb8;
	[tilespmem:$0x1D000] =	vst v63  }
0xed: {  	_ =	swait.ge [sflag:s20], $0x4000  }
0xee: {  	[sflag:s20] =	ssyncset.done $0x0  }
0xef: {  	[sflag:s20] =	ssyncadd.s32 $0xFFFFC000  }
0xf0: {  	_ =	swait.ge [sflag:s26], $0x2000  }
0xf1: {  	[sflag:s26] =	ssyncset.done $0x0  }
0xf2: {  	[sflag:s26] =	ssyncadd.s32 $0xFFFFE000  }
0xf3: {  	_ =	swait.ge [sflag:s28], $0x2000  }
0xf4: {  	[sflag:s28] =	ssyncset.done $0x0  }
0xf5: {  	s16 =	simm.s32 $0x1C780;
	[sflag:s28] =	ssyncadd.s32 $0xFFFFE000  }
0xf6: {  	[tilespmem:s30], [sflag:$0x3] =	stream.indirect.gather [hbm4b:s2+s23], $0x80, s16, s23, $0xb8;
	[tilespmem:$0x1D000] =	vst v63  }
0xf7: {  	s17 =	simm.s32 $0x1C7C0  }
0xf8: {  	[tilespmem:s0], [sflag:$0x4] =	stream.indirect.gather [hbm4b:s2+s23], $0x80, s17, s23, $0xb8;
	[tilespmem:$0x1D000] =	vst v63  }
0xf9: {  	s18 =	simm.s32 $0x1CF00  }
0xfa: {  	[spmem:s4] =	stream.indirect.scatter.add.f32 [tilespmem:s19], [sflag:$0x5], $0x80, s18, s6, $0xb8;
	[tilespmem:$0x1D000] =	vst v63  }
0xfb: {  	_ =	swait.ge [sflag:s20], $0x4000  }
0xfc: {  	[sflag:s20] =	ssyncset.done $0x0  }
0xfd: {  	[sflag:s20] =	ssyncadd.s32 $0xFFFFC000  }
0xfe: {  	_ =	swait.ge [sflag:s7], $0x2000  }
0xff: {  	[sflag:s7] =	ssyncset.done $0x0  }
0x100: {  	[sflag:s7] =	ssyncadd.s32 $0xFFFFE000  }
0x101: {  	s8 =	simm.s32 $0x1C0C0;
	s29 =	simm.s32 $0x1C200;
	_ =	swait.ge [sflag:s3], $0x2000  }
0x102: {  	s24 =	simm.s32 $0x1CF80;
	s9 =	simm.s32 $0x1C100;
	[sflag:s3] =	ssyncset.done $0x0  }
0x103: {  	s10 =	simm.s32 $0x1C140;
	s11 =	simm.s32 $0x1C880;
	[sflag:s3] =	ssyncadd.s32 $0xFFFFE000  }
0x104: {  	[spmem:s4] =	stream.indirect.scatter.add.f32 [tilespmem:s30], [sflag:$0x5], $0x80, s24, s6, $0xb8;
	[tilespmem:$0x1D000] =	vst v63  }
0x105: {  	s12 =	simm.s32 $0x1C180;
	s13 =	simm.s32 $0x1C240;
	_ =	swait.ge [sflag:s20], $0x4000  }
0x106: {  	s18 =	simm.s32 $0x1C1C0;
	[sflag:s20] =	ssyncset.done $0x0;
	s14 =	rddreg [dreg:$0xa]  }
0x107: {  	s24 =	simm.s32 $0x1C900;
	s31 =	rddreg [dreg:$0x16];
	[sflag:s20] =	ssyncadd.s32 $0xFFFFC000  }
.LBB2_10:
0x108: {  	s15 =	rddreg [dreg:$0x10];
	s16 =	stileid.u32;
	[bflag:$0x0] =	sbarrier.arrive $0xFFFF  }
0x109: {  	s16 =	sshll.u32 s16, $0x6;
	s17 =	rddreg [dreg:$0xb]  }
0x10a: {  	s15 =	sadd.s32 s14, s15;
	s16 =	sor.u32 $0x1C05, s16;
	s17 =	sshrl.u32 s17, $0x3  }
0x10b: {  	[hbm:s15], [sflag:s16] =	dma.local [spmem:s17], $0x800  }
0x10c: {  	_ =	swait.ge [sflag:s20], $0x800  }
0x10d: {  	s17 =	rddreg [dreg:$0x11]  }
0x10e: {  	[sflag:s20] =	ssyncset.done $0x0;
	s15 =	sadd.s32 s14, s17;
	s17 =	rddreg [dreg:$0xc]  }
0x10f: {  	[sflag:s20] =	ssyncadd.s32 $0xFFFFF800;
	s17 =	sshrl.u32 s17, $0x3  }
0x110: {  	[hbm:s15], [sflag:s16] =	dma.local [spmem:s17], $0x800  }
0x111: {  	_ =	swait.ge [sflag:s20], $0x800  }
0x112: {  	s17 =	rddreg [dreg:$0x12]  }
0x113: {  	[sflag:s20] =	ssyncset.done $0x0;
	s15 =	sadd.s32 s14, s17;
	s17 =	rddreg [dreg:$0xd]  }
0x114: {  	[sflag:s20] =	ssyncadd.s32 $0xFFFFF800;
	s17 =	sshrl.u32 s17, $0x3  }
0x115: {  	[hbm:s15], [sflag:s16] =	dma.local [spmem:s17], $0x800  }
0x116: {  	_ =	swait.ge [sflag:s20], $0x800  }
0x117: {  	s17 =	rddreg [dreg:$0x13]  }
0x118: {  	[sflag:s20] =	ssyncset.done $0x0;
	s15 =	sadd.s32 s14, s17;
	s17 =	rddreg [dreg:$0xe]  }
0x119: {  	[sflag:s20] =	ssyncadd.s32 $0xFFFFF800;
	s17 =	sshrl.u32 s17, $0x3  }
0x11a: {  	[hbm:s15], [sflag:s16] =	dma.local [spmem:s17], $0x800  }
0x11b: {  	_ =	swait.ge [sflag:s20], $0x800  }
0x11c: {  	s17 =	rddreg [dreg:$0x14]  }
0x11d: {  	[sflag:s20] =	ssyncset.done $0x0;
	s14 =	sadd.s32 s14, s17;
	s17 =	rddreg [dreg:$0xf]  }
0x11e: {  	[sflag:s20] =	ssyncadd.s32 $0xFFFFF800;
	s15 =	sshrl.u32 s17, $0x3  }
0x11f: {  	[hbm:s14], [sflag:s16] =	dma.local [spmem:s15], $0x800  }
0x120: {  	_ =	swait.ge [sflag:s20], $0x800  }
0x121: {  	s31 =	sadd.s32 $0x1, s31;
	s16 =	rddreg [dreg:$0x15]  }
0x122: {  	p1 =	sne.s32 s31, s16  }
.Ltmp1:
0x123: {  	_ = 	snop;
	(pc) =	sbr.rel @!p1 .LBB2_11-.Ltmp1, $3  }
0x124: {  	_ =	sdelay $0x1  }
0x125: {  	[sflag:s20] =	ssyncset.done $0x0  }
0x126: {  	[sflag:s20] =	ssyncadd.s32 $0xFFFFF800;
	s16 =	simm.s32 $0x1C080  }
.LBB2_1:
.Ltmp2:
0x127: {  	(pc) =	sbr.rel @!p0 .LBB2_2-.Ltmp2, $2  }
0x128: {  	_ =	sdelay $0x2  }
0x129: {  	[dreg:$0x16] =	wrdreg s31;
	s14 =	sshra.s32 s5, $0x2;
	s15 =	sadd.s32 $0x200, s5  }
.LBB2_6:
0x12a: {  	p1 =	sne.s32 s15, $0xFE00;
	[tilespmem:s14+$0x14070] =	vst v0  }
0x12b: {  	[tilespmem:s14+$0x14000] =	vst v0  }
0x12c: {  	[tilespmem:s14+$0x14010] =	vst v0  }
.Ltmp3:
0x12d: {  	[tilespmem:s14+$0x14020] =	vst v0;
	(pc) =	sbr.rel @p1 .LBB2_6-.Ltmp3, $4  }
0x12e: {  	[tilespmem:s14+$0x14030] =	vst v0  }
0x12f: {  	[tilespmem:s14+$0x14040] =	vst v0  }
0x130: {  	[tilespmem:s14+$0x14050] =	vst v0  }
0x131: {  	[tilespmem:s14+$0x14060] =	vst v0;
	s14 =	sshra.s32 s15, $0x2;
	s15 =	sadd.s32 $0x200, s15  }
0x132: {  	[tilespmem:s14+$0x14070] =	vst v0  }
0x133: {  	[tilespmem:s14+$0x14000] =	vst v0  }
0x134: {  	[tilespmem:s14+$0x14010] =	vst v0  }
0x135: {  	[tilespmem:s14+$0x14020] =	vst v0  }
0x136: {  	[tilespmem:s14+$0x14030] =	vst v0  }
0x137: {  	[tilespmem:s14+$0x14040] =	vst v0  }
0x138: {  	[tilespmem:s14+$0x14050] =	vst v0  }
0x139: {  	[tilespmem:s14+$0x14060] =	vst v0;
	s15 =	rddreg [dreg:$0xb]  }
0x13a: {  	[spmem:s15] =	stream.linear.scatter [tilespmem:s19], [sflag:$0x5], $0x4000, $0x38;
	[tilespmem:$0x1D000] =	vst v63  }
0x13b: {  	_ =	swait.ge [sflag:s20], $0x4000  }
0x13c: {  	[sflag:s20] =	ssyncset.done $0x0  }
0x13d: {  	s15 =	rddreg [dreg:$0xc];
	[sflag:s20] =	ssyncadd.s32 $0xFFFFC000  }
0x13e: {  	[spmem:s15] =	stream.linear.scatter [tilespmem:s19], [sflag:$0x5], $0x4000, $0x38;
	[tilespmem:$0x1D000] =	vst v63  }
0x13f: {  	_ =	swait.ge [sflag:s20], $0x4000  }
0x140: {  	[sflag:s20] =	ssyncset.done $0x0  }
0x141: {  	s15 =	rddreg [dreg:$0xd];
	[sflag:s20] =	ssyncadd.s32 $0xFFFFC000  }
0x142: {  	[spmem:s15] =	stream.linear.scatter [tilespmem:s19], [sflag:$0x5], $0x4000, $0x38;
	[tilespmem:$0x1D000] =	vst v63  }
0x143: {  	_ =	swait.ge [sflag:s20], $0x4000  }
0x144: {  	[sflag:s20] =	ssyncset.done $0x0  }
0x145: {  	s15 =	rddreg [dreg:$0xe];
	[sflag:s20] =	ssyncadd.s32 $0xFFFFC000  }
0x146: {  	[spmem:s15] =	stream.linear.scatter [tilespmem:s19], [sflag:$0x5], $0x4000, $0x38;
	[tilespmem:$0x1D000] =	vst v63  }
0x147: {  	_ =	swait.ge [sflag:s20], $0x4000  }
0x148: {  	[sflag:s20] =	ssyncset.done $0x0  }
0x149: {  	[sflag:s20] =	ssyncadd.s32 $0xFFFFC000  }
0x14a: {  	[spmem:s17] =	stream.linear.scatter [tilespmem:s19], [sflag:$0x5], $0x4000, $0x38;
	[tilespmem:$0x1D000] =	vst v63  }
0x14b: {  	_ =	swait.ge [sflag:s20], $0x4000  }
0x14c: {  	[sflag:s20] =	ssyncset.done $0x0  }
0x14d: {  	[sflag:s20] =	ssyncadd.s32 $0xFFFFC000  }
0x14e: {  	[bflag:$0x0] =	sbarrier.arrive $0xFFFF  }
0x14f: {  	s17 =	rddreg [dreg:$0x8]  }
0x150: {  	s14 =	sadd.s32 $0x0, s17  }
0x151: {  	[tilespmem:s21], [sflag:$0x5] =	stream.linear.gather [hbm4b:s14+s5], $0x800, $0x38;
	[tilespmem:$0x1D000] =	vst v63  }
0x152: {  	_ =	swait.ge [sflag:s20], $0x800  }
0x153: {  	s15 =	rddreg [dreg:$0x7];
	[sflag:s20] =	ssyncset.done $0x0  }
0x154: {  	[sflag:s20] =	ssyncadd.s32 $0xFFFFF800;
	s14 =	sadd.s32 $0x0, s15  }
0x155: {  	[tilespmem:s22], [sflag:$0x5] =	stream.linear.gather [hbm4b:s14+s5], $0x800, $0x38;
	[tilespmem:$0x1D000] =	vst v63  }
0x156: {  	_ =	swait.ge [sflag:s20], $0x800  }
0x157: {  	[sflag:s20] =	ssyncset.done $0x0  }
0x158: {  	[sflag:s20] =	ssyncadd.s32 $0xFFFFF800  }
0x159: {  	[tilespmem:s19], [sflag:$0x1] =	stream.indirect.gather [hbm4b:s2+s23], $0x80, s21, s23, $0xb8;
	[tilespmem:$0x1D000] =	vst v63  }
0x15a: {  	s17 =	simm.s32 $0x1C040  }
0x15b: {  	[tilespmem:s25], [sflag:$0x2] =	stream.indirect.gather [hbm4b:s2+s23], $0x80, s17, s23, $0xb8;
	[tilespmem:$0x1D000] =	vst v63  }
0x15c: {  	_ =	swait.ge [sflag:s26], $0x2000  }
0x15d: {  	[sflag:s26] =	ssyncset.done $0x0  }
0x15e: {  	[sflag:s26] =	ssyncadd.s32 $0xFFFFE000  }
0x15f: {  	_ =	swait.ge [sflag:s28], $0x2000  }
0x160: {  	[sflag:s28] =	ssyncset.done $0x0  }
0x161: {  	[sflag:s28] =	ssyncadd.s32 $0xFFFFE000  }
0x162: {  	[tilespmem:s30], [sflag:$0x3] =	stream.indirect.gather [hbm4b:s2+s23], $0x80, s16, s23, $0xb8;
	[tilespmem:$0x1D000] =	vst v63  }
0x163: {  	_ = 	snop  }
0x164: {  	[tilespmem:s0], [sflag:$0x4] =	stream.indirect.gather [hbm4b:s2+s23], $0x80, s8, s23, $0xb8;
	[tilespmem:$0x1D000] =	vst v63  }
0x165: {  	_ = 	snop  }
0x166: {  	[spmem:s4] =	stream.indirect.scatter.add.f32 [tilespmem:s19], [sflag:$0x5], $0x80, s22, s6, $0xb8;
	[tilespmem:$0x1D000] =	vst v63  }
0x167: {  	_ =	swait.ge [sflag:s20], $0x4000  }
0x168: {  	[sflag:s20] =	ssyncset.done $0x0  }
0x169: {  	[sflag:s20] =	ssyncadd.s32 $0xFFFFC000  }
0x16a: {  	_ =	swait.ge [sflag:s7], $0x2000  }
0x16b: {  	[sflag:s7] =	ssyncset.done $0x0  }
0x16c: {  	[sflag:s7] =	ssyncadd.s32 $0xFFFFE000  }
0x16d: {  	_ =	swait.ge [sflag:s3], $0x2000  }
0x16e: {  	[sflag:s3] =	ssyncset.done $0x0  }
0x16f: {  	[sflag:s3] =	ssyncadd.s32 $0xFFFFE000  }
0x170: {  	[tilespmem:s19], [sflag:$0x1] =	stream.indirect.gather [hbm4b:s2+s23], $0x80, s9, s23, $0xb8;
	[tilespmem:$0x1D000] =	vst v63  }
0x171: {  	_ = 	snop  }
0x172: {  	[tilespmem:s25], [sflag:$0x2] =	stream.indirect.gather [hbm4b:s2+s23], $0x80, s10, s23, $0xb8;
	[tilespmem:$0x1D000] =	vst v63  }
0x173: {  	_ = 	snop  }
0x174: {  	[spmem:s4] =	stream.indirect.scatter.add.f32 [tilespmem:s30], [sflag:$0x5], $0x80, s11, s6, $0xb8;
	[tilespmem:$0x1D000] =	vst v63  }
0x175: {  	_ =	swait.ge [sflag:s20], $0x4000  }
0x176: {  	[sflag:s20] =	ssyncset.done $0x0  }
0x177: {  	[sflag:s20] =	ssyncadd.s32 $0xFFFFC000  }
0x178: {  	_ =	swait.ge [sflag:s26], $0x2000  }
0x179: {  	[sflag:s26] =	ssyncset.done $0x0  }
0x17a: {  	[sflag:s26] =	ssyncadd.s32 $0xFFFFE000  }
0x17b: {  	_ =	swait.ge [sflag:s28], $0x2000  }
0x17c: {  	[sflag:s28] =	ssyncset.done $0x0  }
0x17d: {  	[sflag:s28] =	ssyncadd.s32 $0xFFFFE000  }
0x17e: {  	[tilespmem:s30], [sflag:$0x3] =	stream.indirect.gather [hbm4b:s2+s23], $0x80, s12, s23, $0xb8;
	[tilespmem:$0x1D000] =	vst v63  }
0x17f: {  	_ = 	snop  }
0x180: {  	[tilespmem:s0], [sflag:$0x4] =	stream.indirect.gather [hbm4b:s2+s23], $0x80, s18, s23, $0xb8;
	[tilespmem:$0x1D000] =	vst v63  }
0x181: {  	_ = 	snop  }
0x182: {  	[spmem:s4] =	stream.indirect.scatter.add.f32 [tilespmem:s19], [sflag:$0x5], $0x80, s24, s6, $0xb8;
	[tilespmem:$0x1D000] =	vst v63  }
0x183: {  	_ =	swait.ge [sflag:s20], $0x4000  }
0x184: {  	[sflag:s20] =	ssyncset.done $0x0  }
0x185: {  	[sflag:s20] =	ssyncadd.s32 $0xFFFFC000  }
0x186: {  	_ =	swait.ge [sflag:s7], $0x2000  }
0x187: {  	[sflag:s7] =	ssyncset.done $0x0  }
0x188: {  	[sflag:s7] =	ssyncadd.s32 $0xFFFFE000  }
0x189: {  	_ =	swait.ge [sflag:s3], $0x2000  }
0x18a: {  	[sflag:s3] =	ssyncset.done $0x0  }
0x18b: {  	[sflag:s3] =	ssyncadd.s32 $0xFFFFE000  }
0x18c: {  	[tilespmem:s19], [sflag:$0x1] =	stream.indirect.gather [hbm4b:s2+s23], $0x80, s29, s23, $0xb8;
	[tilespmem:$0x1D000] =	vst v63  }
0x18d: {  	_ = 	snop  }
0x18e: {  	[tilespmem:s25], [sflag:$0x2] =	stream.indirect.gather [hbm4b:s2+s23], $0x80, s13, s23, $0xb8;
	[tilespmem:$0x1D000] =	vst v63  }
0x18f: {  	s18 =	simm.s32 $0x1C980  }
0x190: {  	[spmem:s4] =	stream.indirect.scatter.add.f32 [tilespmem:s30], [sflag:$0x5], $0x80, s18, s6, $0xb8;
	[tilespmem:$0x1D000] =	vst v63  }
0x191: {  	_ =	swait.ge [sflag:s20], $0x4000  }
0x192: {  	[sflag:s20] =	ssyncset.done $0x0  }
0x193: {  	[sflag:s20] =	ssyncadd.s32 $0xFFFFC000  }
0x194: {  	_ =	swait.ge [sflag:s26], $0x2000  }
0x195: {  	[sflag:s26] =	ssyncset.done $0x0  }
0x196: {  	[sflag:s26] =	ssyncadd.s32 $0xFFFFE000  }
0x197: {  	_ =	swait.ge [sflag:s28], $0x2000  }
0x198: {  	[sflag:s28] =	ssyncset.done $0x0  }
0x199: {  	s24 =	simm.s32 $0x1C280;
	[sflag:s28] =	ssyncadd.s32 $0xFFFFE000  }
0x19a: {  	[tilespmem:s30], [sflag:$0x3] =	stream.indirect.gather [hbm4b:s2+s23], $0x80, s24, s23, $0xb8;
	[tilespmem:$0x1D000] =	vst v63  }
0x19b: {  	s9 =	simm.s32 $0x1C2C0  }
0x19c: {  	[tilespmem:s0], [sflag:$0x4] =	stream.indirect.gather [hbm4b:s2+s23], $0x80, s9, s23, $0xb8;
	[tilespmem:$0x1D000] =	vst v63  }
0x19d: {  	s10 =	simm.s32 $0x1CA00  }
0x19e: {  	[spmem:s4] =	stream.indirect.scatter.add.f32 [tilespmem:s19], [sflag:$0x5], $0x80, s10, s6, $0xb8;
	[tilespmem:$0x1D000] =	vst v63  }
0x19f: {  	_ =	swait.ge [sflag:s20], $0x4000  }
0x1a0: {  	[sflag:s20] =	ssyncset.done $0x0  }
0x1a1: {  	[sflag:s20] =	ssyncadd.s32 $0xFFFFC000  }
0x1a2: {  	_ =	swait.ge [sflag:s7], $0x2000  }
0x1a3: {  	[sflag:s7] =	ssyncset.done $0x0  }
0x1a4: {  	[sflag:s7] =	ssyncadd.s32 $0xFFFFE000  }
0x1a5: {  	_ =	swait.ge [sflag:s3], $0x2000  }
0x1a6: {  	[sflag:s3] =	ssyncset.done $0x0  }
0x1a7: {  	s11 =	simm.s32 $0x1C300;
	[sflag:s3] =	ssyncadd.s32 $0xFFFFE000  }
0x1a8: {  	[tilespmem:s19], [sflag:$0x1] =	stream.indirect.gather [hbm4b:s2+s23], $0x80, s11, s23, $0xb8;
	[tilespmem:$0x1D000] =	vst v63  }
0x1a9: {  	s12 =	simm.s32 $0x1C340  }
0x1aa: {  	[tilespmem:s25], [sflag:$0x2] =	stream.indirect.gather [hbm4b:s2+s23], $0x80, s12, s23, $0xb8;
	[tilespmem:$0x1D000] =	vst v63  }
0x1ab: {  	s13 =	simm.s32 $0x1CA80  }
0x1ac: {  	[spmem:s4] =	stream.indirect.scatter.add.f32 [tilespmem:s30], [sflag:$0x5], $0x80, s13, s6, $0xb8;
	[tilespmem:$0x1D000] =	vst v63  }
0x1ad: {  	_ =	swait.ge [sflag:s20], $0x4000  }
0x1ae: {  	[sflag:s20] =	ssyncset.done $0x0  }
0x1af: {  	[sflag:s20] =	ssyncadd.s32 $0xFFFFC000  }
0x1b0: {  	_ =	swait.ge [sflag:s26], $0x2000  }
0x1b1: {  	[sflag:s26] =	ssyncset.done $0x0  }
0x1b2: {  	[sflag:s26] =	ssyncadd.s32 $0xFFFFE000  }
0x1b3: {  	_ =	swait.ge [sflag:s28], $0x2000  }
0x1b4: {  	[sflag:s28] =	ssyncset.done $0x0  }
0x1b5: {  	s14 =	simm.s32 $0x1C380;
	[sflag:s28] =	ssyncadd.s32 $0xFFFFE000  }
0x1b6: {  	[tilespmem:s30], [sflag:$0x3] =	stream.indirect.gather [hbm4b:s2+s23], $0x80, s14, s23, $0xb8;
	[tilespmem:$0x1D000] =	vst v63  }
0x1b7: {  	s15 =	simm.s32 $0x1C3C0  }
0x1b8: {  	[tilespmem:s0], [sflag:$0x4] =	stream.indirect.gather [hbm4b:s2+s23], $0x80, s15, s23, $0xb8;
	[tilespmem:$0x1D000] =	vst v63  }
0x1b9: {  	s16 =	simm.s32 $0x1CB00  }
0x1ba: {  	[spmem:s4] =	stream.indirect.scatter.add.f32 [tilespmem:s19], [sflag:$0x5], $0x80, s16, s6, $0xb8;
	[tilespmem:$0x1D000] =	vst v63  }
0x1bb: {  	_ =	swait.ge [sflag:s20], $0x4000  }
0x1bc: {  	[sflag:s20] =	ssyncset.done $0x0  }
0x1bd: {  	[sflag:s20] =	ssyncadd.s32 $0xFFFFC000  }
0x1be: {  	_ =	swait.ge [sflag:s7], $0x2000  }
0x1bf: {  	[sflag:s7] =	ssyncset.done $0x0  }
0x1c0: {  	[sflag:s7] =	ssyncadd.s32 $0xFFFFE000  }
0x1c1: {  	_ =	swait.ge [sflag:s3], $0x2000  }
0x1c2: {  	[sflag:s3] =	ssyncset.done $0x0  }
0x1c3: {  	s17 =	simm.s32 $0x1C400;
	[sflag:s3] =	ssyncadd.s32 $0xFFFFE000  }
0x1c4: {  	[tilespmem:s19], [sflag:$0x1] =	stream.indirect.gather [hbm4b:s2+s23], $0x80, s17, s23, $0xb8;
	[tilespmem:$0x1D000] =	vst v63  }
0x1c5: {  	s18 =	simm.s32 $0x1C440  }
0x1c6: {  	[tilespmem:s25], [sflag:$0x2] =	stream.indirect.gather [hbm4b:s2+s23], $0x80, s18, s23, $0xb8;
	[tilespmem:$0x1D000] =	vst v63  }
0x1c7: {  	s24 =	simm.s32 $0x1CB80  }
0x1c8: {  	[spmem:s4] =	stream.indirect.scatter.add.f32 [tilespmem:s30], [sflag:$0x5], $0x80, s24, s6, $0xb8;
	[tilespmem:$0x1D000] =	vst v63  }
0x1c9: {  	_ =	swait.ge [sflag:s20], $0x4000  }
0x1ca: {  	[sflag:s20] =	ssyncset.done $0x0  }
0x1cb: {  	[sflag:s20] =	ssyncadd.s32 $0xFFFFC000  }
0x1cc: {  	_ =	swait.ge [sflag:s26], $0x2000  }
0x1cd: {  	[sflag:s26] =	ssyncset.done $0x0  }
0x1ce: {  	[sflag:s26] =	ssyncadd.s32 $0xFFFFE000  }
0x1cf: {  	_ =	swait.ge [sflag:s28], $0x2000  }
0x1d0: {  	[sflag:s28] =	ssyncset.done $0x0  }
0x1d1: {  	s9 =	simm.s32 $0x1C480;
	[sflag:s28] =	ssyncadd.s32 $0xFFFFE000  }
0x1d2: {  	[tilespmem:s30], [sflag:$0x3] =	stream.indirect.gather [hbm4b:s2+s23], $0x80, s9, s23, $0xb8;
	[tilespmem:$0x1D000] =	vst v63  }
0x1d3: {  	s10 =	simm.s32 $0x1C4C0  }
0x1d4: {  	[tilespmem:s0], [sflag:$0x4] =	stream.indirect.gather [hbm4b:s2+s23], $0x80, s10, s23, $0xb8;
	[tilespmem:$0x1D000] =	vst v63  }
0x1d5: {  	s11 =	simm.s32 $0x1CC00  }
0x1d6: {  	[spmem:s4] =	stream.indirect.scatter.add.f32 [tilespmem:s19], [sflag:$0x5], $0x80, s11, s6, $0xb8;
	[tilespmem:$0x1D000] =	vst v63  }
0x1d7: {  	_ =	swait.ge [sflag:s20], $0x4000  }
0x1d8: {  	[sflag:s20] =	ssyncset.done $0x0  }
0x1d9: {  	[sflag:s20] =	ssyncadd.s32 $0xFFFFC000  }
0x1da: {  	_ =	swait.ge [sflag:s7], $0x2000  }
0x1db: {  	[sflag:s7] =	ssyncset.done $0x0  }
0x1dc: {  	[sflag:s7] =	ssyncadd.s32 $0xFFFFE000  }
0x1dd: {  	_ =	swait.ge [sflag:s3], $0x2000  }
0x1de: {  	[sflag:s3] =	ssyncset.done $0x0  }
0x1df: {  	s12 =	simm.s32 $0x1C500;
	[sflag:s3] =	ssyncadd.s32 $0xFFFFE000  }
0x1e0: {  	[tilespmem:s19], [sflag:$0x1] =	stream.indirect.gather [hbm4b:s2+s23], $0x80, s12, s23, $0xb8;
	[tilespmem:$0x1D000] =	vst v63  }
0x1e1: {  	s13 =	simm.s32 $0x1C540  }
0x1e2: {  	[tilespmem:s25], [sflag:$0x2] =	stream.indirect.gather [hbm4b:s2+s23], $0x80, s13, s23, $0xb8;
	[tilespmem:$0x1D000] =	vst v63  }
0x1e3: {  	s14 =	simm.s32 $0x1CC80  }
0x1e4: {  	[spmem:s4] =	stream.indirect.scatter.add.f32 [tilespmem:s30], [sflag:$0x5], $0x80, s14, s6, $0xb8;
	[tilespmem:$0x1D000] =	vst v63  }
0x1e5: {  	_ =	swait.ge [sflag:s20], $0x4000  }
0x1e6: {  	[sflag:s20] =	ssyncset.done $0x0  }
0x1e7: {  	[sflag:s20] =	ssyncadd.s32 $0xFFFFC000  }
0x1e8: {  	_ =	swait.ge [sflag:s26], $0x2000  }
0x1e9: {  	[sflag:s26] =	ssyncset.done $0x0  }
0x1ea: {  	[sflag:s26] =	ssyncadd.s32 $0xFFFFE000  }
0x1eb: {  	_ =	swait.ge [sflag:s28], $0x2000  }
0x1ec: {  	[sflag:s28] =	ssyncset.done $0x0  }
0x1ed: {  	s15 =	simm.s32 $0x1C580;
	[sflag:s28] =	ssyncadd.s32 $0xFFFFE000  }
0x1ee: {  	[tilespmem:s30], [sflag:$0x3] =	stream.indirect.gather [hbm4b:s2+s23], $0x80, s15, s23, $0xb8;
	[tilespmem:$0x1D000] =	vst v63  }
0x1ef: {  	s16 =	simm.s32 $0x1C5C0  }
0x1f0: {  	[tilespmem:s0], [sflag:$0x4] =	stream.indirect.gather [hbm4b:s2+s23], $0x80, s16, s23, $0xb8;
	[tilespmem:$0x1D000] =	vst v63  }
0x1f1: {  	s17 =	simm.s32 $0x1CD00  }
0x1f2: {  	[spmem:s4] =	stream.indirect.scatter.add.f32 [tilespmem:s19], [sflag:$0x5], $0x80, s17, s6, $0xb8;
	[tilespmem:$0x1D000] =	vst v63  }
0x1f3: {  	_ =	swait.ge [sflag:s20], $0x4000  }
0x1f4: {  	[sflag:s20] =	ssyncset.done $0x0  }
0x1f5: {  	[sflag:s20] =	ssyncadd.s32 $0xFFFFC000  }
0x1f6: {  	_ =	swait.ge [sflag:s7], $0x2000  }
0x1f7: {  	[sflag:s7] =	ssyncset.done $0x0  }
0x1f8: {  	[sflag:s7] =	ssyncadd.s32 $0xFFFFE000  }
0x1f9: {  	_ =	swait.ge [sflag:s3], $0x2000  }
0x1fa: {  	[sflag:s3] =	ssyncset.done $0x0  }
0x1fb: {  	s18 =	simm.s32 $0x1C600;
	[sflag:s3] =	ssyncadd.s32 $0xFFFFE000  }
0x1fc: {  	[tilespmem:s19], [sflag:$0x1] =	stream.indirect.gather [hbm4b:s2+s23], $0x80, s18, s23, $0xb8;
	[tilespmem:$0x1D000] =	vst v63  }
0x1fd: {  	s24 =	simm.s32 $0x1C640  }
0x1fe: {  	[tilespmem:s25], [sflag:$0x2] =	stream.indirect.gather [hbm4b:s2+s23], $0x80, s24, s23, $0xb8;
	[tilespmem:$0x1D000] =	vst v63  }
0x1ff: {  	s9 =	simm.s32 $0x1CD80  }
0x200: {  	[spmem:s4] =	stream.indirect.scatter.add.f32 [tilespmem:s30], [sflag:$0x5], $0x80, s9, s6, $0xb8;
	[tilespmem:$0x1D000] =	vst v63  }
0x201: {  	_ =	swait.ge [sflag:s20], $0x4000  }
0x202: {  	[sflag:s20] =	ssyncset.done $0x0  }
0x203: {  	[sflag:s20] =	ssyncadd.s32 $0xFFFFC000  }
0x204: {  	_ =	swait.ge [sflag:s26], $0x2000  }
0x205: {  	[sflag:s26] =	ssyncset.done $0x0  }
0x206: {  	[sflag:s26] =	ssyncadd.s32 $0xFFFFE000  }
0x207: {  	_ =	swait.ge [sflag:s28], $0x2000  }
0x208: {  	[sflag:s28] =	ssyncset.done $0x0  }
0x209: {  	s10 =	simm.s32 $0x1C680;
	[sflag:s28] =	ssyncadd.s32 $0xFFFFE000  }
0x20a: {  	[tilespmem:s30], [sflag:$0x3] =	stream.indirect.gather [hbm4b:s2+s23], $0x80, s10, s23, $0xb8;
	[tilespmem:$0x1D000] =	vst v63  }
0x20b: {  	s11 =	simm.s32 $0x1C6C0  }
0x20c: {  	[tilespmem:s0], [sflag:$0x4] =	stream.indirect.gather [hbm4b:s2+s23], $0x80, s11, s23, $0xb8;
	[tilespmem:$0x1D000] =	vst v63  }
0x20d: {  	s12 =	simm.s32 $0x1CE00  }
0x20e: {  	[spmem:s4] =	stream.indirect.scatter.add.f32 [tilespmem:s19], [sflag:$0x5], $0x80, s12, s6, $0xb8;
	[tilespmem:$0x1D000] =	vst v63  }
0x20f: {  	_ =	swait.ge [sflag:s20], $0x4000  }
0x210: {  	[sflag:s20] =	ssyncset.done $0x0  }
0x211: {  	[sflag:s20] =	ssyncadd.s32 $0xFFFFC000  }
0x212: {  	_ =	swait.ge [sflag:s7], $0x2000  }
0x213: {  	[sflag:s7] =	ssyncset.done $0x0  }
0x214: {  	[sflag:s7] =	ssyncadd.s32 $0xFFFFE000  }
0x215: {  	_ =	swait.ge [sflag:s3], $0x2000  }
0x216: {  	[sflag:s3] =	ssyncset.done $0x0  }
0x217: {  	s13 =	simm.s32 $0x1C700;
	[sflag:s3] =	ssyncadd.s32 $0xFFFFE000  }
0x218: {  	[tilespmem:s19], [sflag:$0x1] =	stream.indirect.gather [hbm4b:s2+s23], $0x80, s13, s23, $0xb8;
	[tilespmem:$0x1D000] =	vst v63  }
0x219: {  	s14 =	simm.s32 $0x1C740  }
0x21a: {  	[tilespmem:s25], [sflag:$0x2] =	stream.indirect.gather [hbm4b:s2+s23], $0x80, s14, s23, $0xb8;
	[tilespmem:$0x1D000] =	vst v63  }
0x21b: {  	s15 =	simm.s32 $0x1CE80  }
0x21c: {  	[spmem:s4] =	stream.indirect.scatter.add.f32 [tilespmem:s30], [sflag:$0x5], $0x80, s15, s6, $0xb8;
	[tilespmem:$0x1D000] =	vst v63  }
0x21d: {  	_ =	swait.ge [sflag:s20], $0x4000  }
0x21e: {  	[sflag:s20] =	ssyncset.done $0x0  }
0x21f: {  	[sflag:s20] =	ssyncadd.s32 $0xFFFFC000  }
0x220: {  	_ =	swait.ge [sflag:s26], $0x2000  }
0x221: {  	[sflag:s26] =	ssyncset.done $0x0  }
0x222: {  	[sflag:s26] =	ssyncadd.s32 $0xFFFFE000  }
0x223: {  	_ =	swait.ge [sflag:s28], $0x2000  }
0x224: {  	[sflag:s28] =	ssyncset.done $0x0  }
0x225: {  	s16 =	simm.s32 $0x1C780;
	[sflag:s28] =	ssyncadd.s32 $0xFFFFE000  }
0x226: {  	[tilespmem:s30], [sflag:$0x3] =	stream.indirect.gather [hbm4b:s2+s23], $0x80, s16, s23, $0xb8;
	[tilespmem:$0x1D000] =	vst v63  }
0x227: {  	s17 =	simm.s32 $0x1C7C0  }
0x228: {  	[tilespmem:s0], [sflag:$0x4] =	stream.indirect.gather [hbm4b:s2+s23], $0x80, s17, s23, $0xb8;
	[tilespmem:$0x1D000] =	vst v63  }
0x229: {  	s18 =	simm.s32 $0x1CF00  }
0x22a: {  	[spmem:s4] =	stream.indirect.scatter.add.f32 [tilespmem:s19], [sflag:$0x5], $0x80, s18, s6, $0xb8;
	[tilespmem:$0x1D000] =	vst v63  }
0x22b: {  	_ =	swait.ge [sflag:s20], $0x4000  }
0x22c: {  	[sflag:s20] =	ssyncset.done $0x0  }
0x22d: {  	[sflag:s20] =	ssyncadd.s32 $0xFFFFC000  }
0x22e: {  	_ =	swait.ge [sflag:s7], $0x2000  }
0x22f: {  	s31 =	simm.s32 $0x1C200;
	s8 =	simm.s32 $0x1C0C0;
	[sflag:s7] =	ssyncset.done $0x0  }
0x230: {  	s29 =	simm.s32 $0x1C900;
	s24 =	simm.s32 $0x1CF80;
	[sflag:s7] =	ssyncadd.s32 $0xFFFFE000  }
0x231: {  	s9 =	simm.s32 $0x1C100;
	s10 =	simm.s32 $0x1C140;
	_ =	swait.ge [sflag:s3], $0x2000  }
0x232: {  	s11 =	simm.s32 $0x1C880;
	s12 =	simm.s32 $0x1C180;
	[sflag:s3] =	ssyncset.done $0x0  }
0x233: {  	s13 =	simm.s32 $0x1C240;
	s14 =	simm.s32 $0x100;
	[sflag:s3] =	ssyncadd.s32 $0xFFFFE000  }
0x234: {  	[spmem:s4] =	stream.indirect.scatter.add.f32 [tilespmem:s30], [sflag:$0x5], $0x80, s24, s6, $0xb8;
	[tilespmem:$0x1D000] =	vst v63  }
0x235: {  	s15 =	simm.s32 $0x200;
	s18 =	simm.s32 $0x1C080;
	_ =	swait.ge [sflag:s20], $0x4000  }
0x236: {  	s24 =	simm.s32 $0x1C1C0;
	s16 =	rddreg [dreg:$0x8];
	[sflag:s20] =	ssyncset.done $0x0  }
.LBB2_8:
0x237: {  	[sflag:s20] =	ssyncadd.s32 $0xFFFFC000;
	s16 =	sadd.s32 s14, s16  }
0x238: {  	[tilespmem:s21], [sflag:$0x5] =	stream.linear.gather [hbm4b:s16+s5], $0x800, $0x38;
	[tilespmem:$0x1D000] =	vst v63  }
0x239: {  	_ =	swait.ge [sflag:s20], $0x800  }
0x23a: {  	s16 =	rddreg [dreg:$0x7];
	[sflag:s20] =	ssyncset.done $0x0  }
0x23b: {  	[sflag:s20] =	ssyncadd.s32 $0xFFFFF800;
	s16 =	sadd.s32 s14, s16  }
0x23c: {  	[tilespmem:s22], [sflag:$0x5] =	stream.linear.gather [hbm4b:s16+s5], $0x800, $0x38;
	[tilespmem:$0x1D000] =	vst v63  }
0x23d: {  	_ =	swait.ge [sflag:s20], $0x800  }
0x23e: {  	[sflag:s20] =	ssyncset.done $0x0  }
0x23f: {  	s17 =	smov.u32 s15;
	[sflag:s20] =	ssyncadd.s32 $0xFFFFF800  }
0x240: {  	[tilespmem:s19], [sflag:$0x1] =	stream.indirect.gather [hbm4b:s2+s23], $0x80, s21, s23, $0xb8;
	[tilespmem:$0x1D000] =	vst v63  }
0x241: {  	s14 =	smov.u32 s17;
	s17 =	simm.s32 $0x1C040  }
0x242: {  	[tilespmem:s25], [sflag:$0x2] =	stream.indirect.gather [hbm4b:s2+s23], $0x80, s17, s23, $0xb8;
	[tilespmem:$0x1D000] =	vst v63  }
0x243: {  	_ =	swait.ge [sflag:s26], $0x2000  }
0x244: {  	[sflag:s26] =	ssyncset.done $0x0  }
0x245: {  	[sflag:s26] =	ssyncadd.s32 $0xFFFFE000  }
0x246: {  	_ =	swait.ge [sflag:s28], $0x2000  }
0x247: {  	[sflag:s28] =	ssyncset.done $0x0  }
0x248: {  	[sflag:s28] =	ssyncadd.s32 $0xFFFFE000  }
0x249: {  	[tilespmem:s30], [sflag:$0x3] =	stream.indirect.gather [hbm4b:s2+s23], $0x80, s18, s23, $0xb8;
	[tilespmem:$0x1D000] =	vst v63  }
0x24a: {  	_ = 	snop  }
0x24b: {  	[tilespmem:s0], [sflag:$0x4] =	stream.indirect.gather [hbm4b:s2+s23], $0x80, s8, s23, $0xb8;
	[tilespmem:$0x1D000] =	vst v63  }
0x24c: {  	_ = 	snop  }
0x24d: {  	[spmem:s4] =	stream.indirect.scatter.add.f32 [tilespmem:s19], [sflag:$0x5], $0x80, s22, s6, $0xb8;
	[tilespmem:$0x1D000] =	vst v63  }
0x24e: {  	_ =	swait.ge [sflag:s20], $0x4000  }
0x24f: {  	[sflag:s20] =	ssyncset.done $0x0  }
0x250: {  	[sflag:s20] =	ssyncadd.s32 $0xFFFFC000  }
0x251: {  	_ =	swait.ge [sflag:s7], $0x2000  }
0x252: {  	[sflag:s7] =	ssyncset.done $0x0  }
0x253: {  	[sflag:s7] =	ssyncadd.s32 $0xFFFFE000  }
0x254: {  	_ =	swait.ge [sflag:s3], $0x2000  }
0x255: {  	[sflag:s3] =	ssyncset.done $0x0  }
0x256: {  	[sflag:s3] =	ssyncadd.s32 $0xFFFFE000  }
0x257: {  	[tilespmem:s19], [sflag:$0x1] =	stream.indirect.gather [hbm4b:s2+s23], $0x80, s9, s23, $0xb8;
	[tilespmem:$0x1D000] =	vst v63  }
0x258: {  	_ = 	snop  }
0x259: {  	[tilespmem:s25], [sflag:$0x2] =	stream.indirect.gather [hbm4b:s2+s23], $0x80, s10, s23, $0xb8;
	[tilespmem:$0x1D000] =	vst v63  }
0x25a: {  	_ = 	snop  }
0x25b: {  	[spmem:s4] =	stream.indirect.scatter.add.f32 [tilespmem:s30], [sflag:$0x5], $0x80, s11, s6, $0xb8;
	[tilespmem:$0x1D000] =	vst v63  }
0x25c: {  	_ =	swait.ge [sflag:s20], $0x4000  }
0x25d: {  	[sflag:s20] =	ssyncset.done $0x0  }
0x25e: {  	[sflag:s20] =	ssyncadd.s32 $0xFFFFC000  }
0x25f: {  	_ =	swait.ge [sflag:s26], $0x2000  }
0x260: {  	[sflag:s26] =	ssyncset.done $0x0  }
0x261: {  	[sflag:s26] =	ssyncadd.s32 $0xFFFFE000  }
0x262: {  	_ =	swait.ge [sflag:s28], $0x2000  }
0x263: {  	[sflag:s28] =	ssyncset.done $0x0  }
0x264: {  	[sflag:s28] =	ssyncadd.s32 $0xFFFFE000  }
0x265: {  	[tilespmem:s30], [sflag:$0x3] =	stream.indirect.gather [hbm4b:s2+s23], $0x80, s12, s23, $0xb8;
	[tilespmem:$0x1D000] =	vst v63  }
0x266: {  	_ = 	snop  }
0x267: {  	[tilespmem:s0], [sflag:$0x4] =	stream.indirect.gather [hbm4b:s2+s23], $0x80, s24, s23, $0xb8;
	[tilespmem:$0x1D000] =	vst v63  }
0x268: {  	_ = 	snop  }
0x269: {  	[spmem:s4] =	stream.indirect.scatter.add.f32 [tilespmem:s19], [sflag:$0x5], $0x80, s29, s6, $0xb8;
	[tilespmem:$0x1D000] =	vst v63  }
0x26a: {  	_ =	swait.ge [sflag:s20], $0x4000  }
0x26b: {  	[sflag:s20] =	ssyncset.done $0x0  }
0x26c: {  	[sflag:s20] =	ssyncadd.s32 $0xFFFFC000  }
0x26d: {  	_ =	swait.ge [sflag:s7], $0x2000  }
0x26e: {  	[sflag:s7] =	ssyncset.done $0x0  }
0x26f: {  	[sflag:s7] =	ssyncadd.s32 $0xFFFFE000  }
0x270: {  	_ =	swait.ge [sflag:s3], $0x2000  }
0x271: {  	[sflag:s3] =	ssyncset.done $0x0  }
0x272: {  	[sflag:s3] =	ssyncadd.s32 $0xFFFFE000  }
0x273: {  	[tilespmem:s19], [sflag:$0x1] =	stream.indirect.gather [hbm4b:s2+s23], $0x80, s31, s23, $0xb8;
	[tilespmem:$0x1D000] =	vst v63  }
0x274: {  	_ = 	snop  }
0x275: {  	[tilespmem:s25], [sflag:$0x2] =	stream.indirect.gather [hbm4b:s2+s23], $0x80, s13, s23, $0xb8;
	[tilespmem:$0x1D000] =	vst v63  }
0x276: {  	s16 =	simm.s32 $0x1C980  }
0x277: {  	[spmem:s4] =	stream.indirect.scatter.add.f32 [tilespmem:s30], [sflag:$0x5], $0x80, s16, s6, $0xb8;
	[tilespmem:$0x1D000] =	vst v63  }
0x278: {  	_ =	swait.ge [sflag:s20], $0x4000  }
0x279: {  	[sflag:s20] =	ssyncset.done $0x0  }
0x27a: {  	[sflag:s20] =	ssyncadd.s32 $0xFFFFC000  }
0x27b: {  	_ =	swait.ge [sflag:s26], $0x2000  }
0x27c: {  	[sflag:s26] =	ssyncset.done $0x0  }
0x27d: {  	[sflag:s26] =	ssyncadd.s32 $0xFFFFE000  }
0x27e: {  	_ =	swait.ge [sflag:s28], $0x2000  }
0x27f: {  	[sflag:s28] =	ssyncset.done $0x0  }
0x280: {  	s16 =	simm.s32 $0x1C280;
	[sflag:s28] =	ssyncadd.s32 $0xFFFFE000  }
0x281: {  	[tilespmem:s30], [sflag:$0x3] =	stream.indirect.gather [hbm4b:s2+s23], $0x80, s16, s23, $0xb8;
	[tilespmem:$0x1D000] =	vst v63  }
0x282: {  	s16 =	simm.s32 $0x1C2C0  }
0x283: {  	[tilespmem:s0], [sflag:$0x4] =	stream.indirect.gather [hbm4b:s2+s23], $0x80, s16, s23, $0xb8;
	[tilespmem:$0x1D000] =	vst v63  }
0x284: {  	s16 =	simm.s32 $0x1CA00  }
0x285: {  	[spmem:s4] =	stream.indirect.scatter.add.f32 [tilespmem:s19], [sflag:$0x5], $0x80, s16, s6, $0xb8;
	[tilespmem:$0x1D000] =	vst v63  }
0x286: {  	_ =	swait.ge [sflag:s20], $0x4000  }
0x287: {  	[sflag:s20] =	ssyncset.done $0x0  }
0x288: {  	[sflag:s20] =	ssyncadd.s32 $0xFFFFC000  }
0x289: {  	_ =	swait.ge [sflag:s7], $0x2000  }
0x28a: {  	[sflag:s7] =	ssyncset.done $0x0  }
0x28b: {  	[sflag:s7] =	ssyncadd.s32 $0xFFFFE000  }
0x28c: {  	_ =	swait.ge [sflag:s3], $0x2000  }
0x28d: {  	[sflag:s3] =	ssyncset.done $0x0  }
0x28e: {  	s16 =	simm.s32 $0x1C300;
	[sflag:s3] =	ssyncadd.s32 $0xFFFFE000  }
0x28f: {  	[tilespmem:s19], [sflag:$0x1] =	stream.indirect.gather [hbm4b:s2+s23], $0x80, s16, s23, $0xb8;
	[tilespmem:$0x1D000] =	vst v63  }
0x290: {  	s16 =	simm.s32 $0x1C340  }
0x291: {  	[tilespmem:s25], [sflag:$0x2] =	stream.indirect.gather [hbm4b:s2+s23], $0x80, s16, s23, $0xb8;
	[tilespmem:$0x1D000] =	vst v63  }
0x292: {  	s16 =	simm.s32 $0x1CA80  }
0x293: {  	[spmem:s4] =	stream.indirect.scatter.add.f32 [tilespmem:s30], [sflag:$0x5], $0x80, s16, s6, $0xb8;
	[tilespmem:$0x1D000] =	vst v63  }
0x294: {  	_ =	swait.ge [sflag:s20], $0x4000  }
0x295: {  	[sflag:s20] =	ssyncset.done $0x0  }
0x296: {  	[sflag:s20] =	ssyncadd.s32 $0xFFFFC000  }
0x297: {  	_ =	swait.ge [sflag:s26], $0x2000  }
0x298: {  	[sflag:s26] =	ssyncset.done $0x0  }
0x299: {  	[sflag:s26] =	ssyncadd.s32 $0xFFFFE000  }
0x29a: {  	_ =	swait.ge [sflag:s28], $0x2000  }
0x29b: {  	[sflag:s28] =	ssyncset.done $0x0  }
0x29c: {  	s16 =	simm.s32 $0x1C380;
	[sflag:s28] =	ssyncadd.s32 $0xFFFFE000  }
0x29d: {  	[tilespmem:s30], [sflag:$0x3] =	stream.indirect.gather [hbm4b:s2+s23], $0x80, s16, s23, $0xb8;
	[tilespmem:$0x1D000] =	vst v63  }
0x29e: {  	s16 =	simm.s32 $0x1C3C0  }
0x29f: {  	[tilespmem:s0], [sflag:$0x4] =	stream.indirect.gather [hbm4b:s2+s23], $0x80, s16, s23, $0xb8;
	[tilespmem:$0x1D000] =	vst v63  }
0x2a0: {  	s16 =	simm.s32 $0x1CB00  }
0x2a1: {  	[spmem:s4] =	stream.indirect.scatter.add.f32 [tilespmem:s19], [sflag:$0x5], $0x80, s16, s6, $0xb8;
	[tilespmem:$0x1D000] =	vst v63  }
0x2a2: {  	_ =	swait.ge [sflag:s20], $0x4000  }
0x2a3: {  	[sflag:s20] =	ssyncset.done $0x0  }
0x2a4: {  	[sflag:s20] =	ssyncadd.s32 $0xFFFFC000  }
0x2a5: {  	_ =	swait.ge [sflag:s7], $0x2000  }
0x2a6: {  	[sflag:s7] =	ssyncset.done $0x0  }
0x2a7: {  	[sflag:s7] =	ssyncadd.s32 $0xFFFFE000  }
0x2a8: {  	_ =	swait.ge [sflag:s3], $0x2000  }
0x2a9: {  	[sflag:s3] =	ssyncset.done $0x0  }
0x2aa: {  	s16 =	simm.s32 $0x1C400;
	[sflag:s3] =	ssyncadd.s32 $0xFFFFE000  }
0x2ab: {  	[tilespmem:s19], [sflag:$0x1] =	stream.indirect.gather [hbm4b:s2+s23], $0x80, s16, s23, $0xb8;
	[tilespmem:$0x1D000] =	vst v63  }
0x2ac: {  	s16 =	simm.s32 $0x1C440  }
0x2ad: {  	[tilespmem:s25], [sflag:$0x2] =	stream.indirect.gather [hbm4b:s2+s23], $0x80, s16, s23, $0xb8;
	[tilespmem:$0x1D000] =	vst v63  }
0x2ae: {  	s16 =	simm.s32 $0x1CB80  }
0x2af: {  	[spmem:s4] =	stream.indirect.scatter.add.f32 [tilespmem:s30], [sflag:$0x5], $0x80, s16, s6, $0xb8;
	[tilespmem:$0x1D000] =	vst v63  }
0x2b0: {  	_ =	swait.ge [sflag:s20], $0x4000  }
0x2b1: {  	[sflag:s20] =	ssyncset.done $0x0  }
0x2b2: {  	[sflag:s20] =	ssyncadd.s32 $0xFFFFC000  }
0x2b3: {  	_ =	swait.ge [sflag:s26], $0x2000  }
0x2b4: {  	[sflag:s26] =	ssyncset.done $0x0  }
0x2b5: {  	[sflag:s26] =	ssyncadd.s32 $0xFFFFE000  }
0x2b6: {  	_ =	swait.ge [sflag:s28], $0x2000  }
0x2b7: {  	[sflag:s28] =	ssyncset.done $0x0  }
0x2b8: {  	s16 =	simm.s32 $0x1C480;
	[sflag:s28] =	ssyncadd.s32 $0xFFFFE000  }
0x2b9: {  	[tilespmem:s30], [sflag:$0x3] =	stream.indirect.gather [hbm4b:s2+s23], $0x80, s16, s23, $0xb8;
	[tilespmem:$0x1D000] =	vst v63  }
0x2ba: {  	s16 =	simm.s32 $0x1C4C0  }
0x2bb: {  	[tilespmem:s0], [sflag:$0x4] =	stream.indirect.gather [hbm4b:s2+s23], $0x80, s16, s23, $0xb8;
	[tilespmem:$0x1D000] =	vst v63  }
0x2bc: {  	s16 =	simm.s32 $0x1CC00  }
0x2bd: {  	[spmem:s4] =	stream.indirect.scatter.add.f32 [tilespmem:s19], [sflag:$0x5], $0x80, s16, s6, $0xb8;
	[tilespmem:$0x1D000] =	vst v63  }
0x2be: {  	_ =	swait.ge [sflag:s20], $0x4000  }
0x2bf: {  	[sflag:s20] =	ssyncset.done $0x0  }
0x2c0: {  	[sflag:s20] =	ssyncadd.s32 $0xFFFFC000  }
0x2c1: {  	_ =	swait.ge [sflag:s7], $0x2000  }
0x2c2: {  	[sflag:s7] =	ssyncset.done $0x0  }
0x2c3: {  	[sflag:s7] =	ssyncadd.s32 $0xFFFFE000  }
0x2c4: {  	_ =	swait.ge [sflag:s3], $0x2000  }
0x2c5: {  	[sflag:s3] =	ssyncset.done $0x0  }
0x2c6: {  	s16 =	simm.s32 $0x1C500;
	[sflag:s3] =	ssyncadd.s32 $0xFFFFE000  }
0x2c7: {  	[tilespmem:s19], [sflag:$0x1] =	stream.indirect.gather [hbm4b:s2+s23], $0x80, s16, s23, $0xb8;
	[tilespmem:$0x1D000] =	vst v63  }
0x2c8: {  	s16 =	simm.s32 $0x1C540  }
0x2c9: {  	[tilespmem:s25], [sflag:$0x2] =	stream.indirect.gather [hbm4b:s2+s23], $0x80, s16, s23, $0xb8;
	[tilespmem:$0x1D000] =	vst v63  }
0x2ca: {  	s16 =	simm.s32 $0x1CC80  }
0x2cb: {  	[spmem:s4] =	stream.indirect.scatter.add.f32 [tilespmem:s30], [sflag:$0x5], $0x80, s16, s6, $0xb8;
	[tilespmem:$0x1D000] =	vst v63  }
0x2cc: {  	_ =	swait.ge [sflag:s20], $0x4000  }
0x2cd: {  	[sflag:s20] =	ssyncset.done $0x0  }
0x2ce: {  	[sflag:s20] =	ssyncadd.s32 $0xFFFFC000  }
0x2cf: {  	_ =	swait.ge [sflag:s26], $0x2000  }
0x2d0: {  	[sflag:s26] =	ssyncset.done $0x0  }
0x2d1: {  	[sflag:s26] =	ssyncadd.s32 $0xFFFFE000  }
0x2d2: {  	_ =	swait.ge [sflag:s28], $0x2000  }
0x2d3: {  	[sflag:s28] =	ssyncset.done $0x0  }
0x2d4: {  	s16 =	simm.s32 $0x1C580;
	[sflag:s28] =	ssyncadd.s32 $0xFFFFE000  }
0x2d5: {  	[tilespmem:s30], [sflag:$0x3] =	stream.indirect.gather [hbm4b:s2+s23], $0x80, s16, s23, $0xb8;
	[tilespmem:$0x1D000] =	vst v63  }
0x2d6: {  	s16 =	simm.s32 $0x1C5C0  }
0x2d7: {  	[tilespmem:s0], [sflag:$0x4] =	stream.indirect.gather [hbm4b:s2+s23], $0x80, s16, s23, $0xb8;
	[tilespmem:$0x1D000] =	vst v63  }
0x2d8: {  	s16 =	simm.s32 $0x1CD00  }
0x2d9: {  	[spmem:s4] =	stream.indirect.scatter.add.f32 [tilespmem:s19], [sflag:$0x5], $0x80, s16, s6, $0xb8;
	[tilespmem:$0x1D000] =	vst v63  }
0x2da: {  	_ =	swait.ge [sflag:s20], $0x4000  }
0x2db: {  	[sflag:s20] =	ssyncset.done $0x0  }
0x2dc: {  	[sflag:s20] =	ssyncadd.s32 $0xFFFFC000  }
0x2dd: {  	_ =	swait.ge [sflag:s7], $0x2000  }
0x2de: {  	[sflag:s7] =	ssyncset.done $0x0  }
0x2df: {  	[sflag:s7] =	ssyncadd.s32 $0xFFFFE000  }
0x2e0: {  	_ =	swait.ge [sflag:s3], $0x2000  }
0x2e1: {  	[sflag:s3] =	ssyncset.done $0x0  }
0x2e2: {  	s16 =	simm.s32 $0x1C600;
	[sflag:s3] =	ssyncadd.s32 $0xFFFFE000  }
0x2e3: {  	[tilespmem:s19], [sflag:$0x1] =	stream.indirect.gather [hbm4b:s2+s23], $0x80, s16, s23, $0xb8;
	[tilespmem:$0x1D000] =	vst v63  }
0x2e4: {  	s16 =	simm.s32 $0x1C640  }
0x2e5: {  	[tilespmem:s25], [sflag:$0x2] =	stream.indirect.gather [hbm4b:s2+s23], $0x80, s16, s23, $0xb8;
	[tilespmem:$0x1D000] =	vst v63  }
0x2e6: {  	s16 =	simm.s32 $0x1CD80  }
0x2e7: {  	[spmem:s4] =	stream.indirect.scatter.add.f32 [tilespmem:s30], [sflag:$0x5], $0x80, s16, s6, $0xb8;
	[tilespmem:$0x1D000] =	vst v63  }
0x2e8: {  	_ =	swait.ge [sflag:s20], $0x4000  }
0x2e9: {  	[sflag:s20] =	ssyncset.done $0x0  }
0x2ea: {  	[sflag:s20] =	ssyncadd.s32 $0xFFFFC000  }
0x2eb: {  	_ =	swait.ge [sflag:s26], $0x2000  }
0x2ec: {  	[sflag:s26] =	ssyncset.done $0x0  }
0x2ed: {  	[sflag:s26] =	ssyncadd.s32 $0xFFFFE000  }
0x2ee: {  	_ =	swait.ge [sflag:s28], $0x2000  }
0x2ef: {  	[sflag:s28] =	ssyncset.done $0x0  }
0x2f0: {  	s16 =	simm.s32 $0x1C680;
	[sflag:s28] =	ssyncadd.s32 $0xFFFFE000  }
0x2f1: {  	[tilespmem:s30], [sflag:$0x3] =	stream.indirect.gather [hbm4b:s2+s23], $0x80, s16, s23, $0xb8;
	[tilespmem:$0x1D000] =	vst v63  }
0x2f2: {  	s16 =	simm.s32 $0x1C6C0  }
0x2f3: {  	[tilespmem:s0], [sflag:$0x4] =	stream.indirect.gather [hbm4b:s2+s23], $0x80, s16, s23, $0xb8;
	[tilespmem:$0x1D000] =	vst v63  }
0x2f4: {  	s16 =	simm.s32 $0x1CE00  }
0x2f5: {  	[spmem:s4] =	stream.indirect.scatter.add.f32 [tilespmem:s19], [sflag:$0x5], $0x80, s16, s6, $0xb8;
	[tilespmem:$0x1D000] =	vst v63  }
0x2f6: {  	_ =	swait.ge [sflag:s20], $0x4000  }
0x2f7: {  	[sflag:s20] =	ssyncset.done $0x0  }
0x2f8: {  	[sflag:s20] =	ssyncadd.s32 $0xFFFFC000  }
0x2f9: {  	_ =	swait.ge [sflag:s7], $0x2000  }
0x2fa: {  	[sflag:s7] =	ssyncset.done $0x0  }
0x2fb: {  	[sflag:s7] =	ssyncadd.s32 $0xFFFFE000  }
0x2fc: {  	_ =	swait.ge [sflag:s3], $0x2000  }
0x2fd: {  	[sflag:s3] =	ssyncset.done $0x0  }
0x2fe: {  	s16 =	simm.s32 $0x1C700;
	[sflag:s3] =	ssyncadd.s32 $0xFFFFE000  }
0x2ff: {  	[tilespmem:s19], [sflag:$0x1] =	stream.indirect.gather [hbm4b:s2+s23], $0x80, s16, s23, $0xb8;
	[tilespmem:$0x1D000] =	vst v63  }
0x300: {  	s16 =	simm.s32 $0x1C740  }
0x301: {  	[tilespmem:s25], [sflag:$0x2] =	stream.indirect.gather [hbm4b:s2+s23], $0x80, s16, s23, $0xb8;
	[tilespmem:$0x1D000] =	vst v63  }
0x302: {  	s16 =	simm.s32 $0x1CE80  }
0x303: {  	[spmem:s4] =	stream.indirect.scatter.add.f32 [tilespmem:s30], [sflag:$0x5], $0x80, s16, s6, $0xb8;
	[tilespmem:$0x1D000] =	vst v63  }
0x304: {  	_ =	swait.ge [sflag:s20], $0x4000  }
0x305: {  	[sflag:s20] =	ssyncset.done $0x0  }
0x306: {  	[sflag:s20] =	ssyncadd.s32 $0xFFFFC000  }
0x307: {  	_ =	swait.ge [sflag:s26], $0x2000  }
0x308: {  	[sflag:s26] =	ssyncset.done $0x0  }
0x309: {  	[sflag:s26] =	ssyncadd.s32 $0xFFFFE000  }
0x30a: {  	_ =	swait.ge [sflag:s28], $0x2000  }
0x30b: {  	[sflag:s28] =	ssyncset.done $0x0  }
0x30c: {  	s16 =	simm.s32 $0x1C780;
	[sflag:s28] =	ssyncadd.s32 $0xFFFFE000  }
0x30d: {  	[tilespmem:s30], [sflag:$0x3] =	stream.indirect.gather [hbm4b:s2+s23], $0x80, s16, s23, $0xb8;
	[tilespmem:$0x1D000] =	vst v63  }
0x30e: {  	s16 =	simm.s32 $0x1C7C0  }
0x30f: {  	[tilespmem:s0], [sflag:$0x4] =	stream.indirect.gather [hbm4b:s2+s23], $0x80, s16, s23, $0xb8;
	[tilespmem:$0x1D000] =	vst v63  }
0x310: {  	s16 =	simm.s32 $0x1CF00  }
0x311: {  	[spmem:s4] =	stream.indirect.scatter.add.f32 [tilespmem:s19], [sflag:$0x5], $0x80, s16, s6, $0xb8;
	[tilespmem:$0x1D000] =	vst v63  }
0x312: {  	_ =	swait.ge [sflag:s20], $0x4000  }
0x313: {  	[sflag:s20] =	ssyncset.done $0x0  }
0x314: {  	[sflag:s20] =	ssyncadd.s32 $0xFFFFC000  }
0x315: {  	_ =	swait.ge [sflag:s7], $0x2000  }
0x316: {  	[sflag:s7] =	ssyncset.done $0x0  }
0x317: {  	[sflag:s7] =	ssyncadd.s32 $0xFFFFE000  }
0x318: {  	p1 =	sne.s32 s15, $0x900;
	_ =	swait.ge [sflag:s3], $0x2000  }
.Ltmp4:
0x319: {  	[sflag:s3] =	ssyncset.done $0x0;
	(pc) =	sbr.rel @p1 .LBB2_8-.Ltmp4, $4  }
0x31a: {  	s16 =	simm.s32 $0x1CF80;
	[sflag:s3] =	ssyncadd.s32 $0xFFFFE000  }
0x31b: {  	[spmem:s4] =	stream.indirect.scatter.add.f32 [tilespmem:s30], [sflag:$0x5], $0x80, s16, s6, $0xb8;
	[tilespmem:$0x1D000] =	vst v63  }
0x31c: {  	_ =	swait.ge [sflag:s20], $0x4000  }
0x31d: {  	s15 =	sadd.s32 $0x100, s15;
	s16 =	rddreg [dreg:$0x8];
	[sflag:s20] =	ssyncset.done $0x0  }
.Ltmp5:
0x31e: {  	_ = 	snop;
	(pc) =	sbr.rel .LBB2_9-.Ltmp5, $1  }
0x31f: {  	_ =	sdelay $0x3  }
.LBB2_2:
0x320: {  	p1 =	sne.s32 s15, $0xFE00;
	[tilespmem:s14+$0x14070] =	vst v0  }
0x321: {  	[tilespmem:s14+$0x14000] =	vst v0  }
0x322: {  	[tilespmem:s14+$0x14010] =	vst v0  }
.Ltmp6:
0x323: {  	[tilespmem:s14+$0x14020] =	vst v0;
	(pc) =	sbr.rel @p1 .LBB2_2-.Ltmp6, $4  }
0x324: {  	[tilespmem:s14+$0x14030] =	vst v0  }
0x325: {  	[tilespmem:s14+$0x14040] =	vst v0  }
0x326: {  	[tilespmem:s14+$0x14050] =	vst v0  }
0x327: {  	[tilespmem:s14+$0x14060] =	vst v0;
	s14 =	sshra.s32 s15, $0x2;
	s15 =	sadd.s32 $0x200, s15  }
0x328: {  	[tilespmem:s14+$0x14070] =	vst v0  }
0x329: {  	[tilespmem:s14+$0x14000] =	vst v0  }
0x32a: {  	[tilespmem:s14+$0x14010] =	vst v0  }
0x32b: {  	[tilespmem:s14+$0x14020] =	vst v0  }
0x32c: {  	[tilespmem:s14+$0x14030] =	vst v0  }
0x32d: {  	[tilespmem:s14+$0x14040] =	vst v0  }
0x32e: {  	[tilespmem:s14+$0x14050] =	vst v0  }
0x32f: {  	[tilespmem:s14+$0x14060] =	vst v0;
	s15 =	rddreg [dreg:$0xb]  }
0x330: {  	[spmem:s15] =	stream.linear.scatter [tilespmem:s19], [sflag:$0x5], $0x4000, $0x38;
	[tilespmem:$0x1D000] =	vst v63  }
0x331: {  	_ =	swait.ge [sflag:s20], $0x4000  }
0x332: {  	[sflag:s20] =	ssyncset.done $0x0  }
0x333: {  	s15 =	rddreg [dreg:$0xc];
	[sflag:s20] =	ssyncadd.s32 $0xFFFFC000  }
0x334: {  	[spmem:s15] =	stream.linear.scatter [tilespmem:s19], [sflag:$0x5], $0x4000, $0x38;
	[tilespmem:$0x1D000] =	vst v63  }
0x335: {  	_ =	swait.ge [sflag:s20], $0x4000  }
0x336: {  	[sflag:s20] =	ssyncset.done $0x0  }
0x337: {  	s15 =	rddreg [dreg:$0xd];
	[sflag:s20] =	ssyncadd.s32 $0xFFFFC000  }
0x338: {  	[spmem:s15] =	stream.linear.scatter [tilespmem:s19], [sflag:$0x5], $0x4000, $0x38;
	[tilespmem:$0x1D000] =	vst v63  }
0x339: {  	_ =	swait.ge [sflag:s20], $0x4000  }
0x33a: {  	[sflag:s20] =	ssyncset.done $0x0  }
0x33b: {  	s15 =	rddreg [dreg:$0xe];
	[sflag:s20] =	ssyncadd.s32 $0xFFFFC000  }
0x33c: {  	[spmem:s15] =	stream.linear.scatter [tilespmem:s19], [sflag:$0x5], $0x4000, $0x38;
	[tilespmem:$0x1D000] =	vst v63  }
0x33d: {  	_ =	swait.ge [sflag:s20], $0x4000  }
0x33e: {  	[sflag:s20] =	ssyncset.done $0x0  }
0x33f: {  	[sflag:s20] =	ssyncadd.s32 $0xFFFFC000  }
0x340: {  	[spmem:s17] =	stream.linear.scatter [tilespmem:s19], [sflag:$0x5], $0x4000, $0x38;
	[tilespmem:$0x1D000] =	vst v63  }
0x341: {  	_ =	swait.ge [sflag:s20], $0x4000  }
0x342: {  	[sflag:s20] =	ssyncset.done $0x0  }
0x343: {  	[sflag:s20] =	ssyncadd.s32 $0xFFFFC000  }
0x344: {  	[bflag:$0x0] =	sbarrier.arrive $0xFFFF  }
0x345: {  	s17 =	rddreg [dreg:$0x6]  }
0x346: {  	s14 =	sadd.s32 $0x0, s17  }
0x347: {  	[tilespmem:s21], [sflag:$0x5] =	stream.linear.gather [hbm4b:s14+s5], $0x800, $0x38;
	[tilespmem:$0x1D000] =	vst v63  }
0x348: {  	_ =	swait.ge [sflag:s20], $0x800  }
0x349: {  	s15 =	rddreg [dreg:$0x5];
	[sflag:s20] =	ssyncset.done $0x0  }
0x34a: {  	[sflag:s20] =	ssyncadd.s32 $0xFFFFF800;
	s14 =	sadd.s32 $0x0, s15  }
0x34b: {  	[tilespmem:s22], [sflag:$0x5] =	stream.linear.gather [hbm4b:s14+s5], $0x800, $0x38;
	[tilespmem:$0x1D000] =	vst v63  }
0x34c: {  	_ =	swait.ge [sflag:s20], $0x800  }
0x34d: {  	[sflag:s20] =	ssyncset.done $0x0  }
0x34e: {  	[sflag:s20] =	ssyncadd.s32 $0xFFFFF800  }
0x34f: {  	[tilespmem:s19], [sflag:$0x1] =	stream.indirect.gather [hbm4b:s1+s23], $0x80, s21, s23, $0xb8;
	[tilespmem:$0x1D000] =	vst v63  }
0x350: {  	s17 =	simm.s32 $0x1C040  }
0x351: {  	[tilespmem:s25], [sflag:$0x2] =	stream.indirect.gather [hbm4b:s1+s23], $0x80, s17, s23, $0xb8;
	[tilespmem:$0x1D000] =	vst v63  }
0x352: {  	_ =	swait.ge [sflag:s26], $0x2000  }
0x353: {  	[sflag:s26] =	ssyncset.done $0x0  }
0x354: {  	[sflag:s26] =	ssyncadd.s32 $0xFFFFE000  }
0x355: {  	_ =	swait.ge [sflag:s28], $0x2000  }
0x356: {  	[sflag:s28] =	ssyncset.done $0x0  }
0x357: {  	[sflag:s28] =	ssyncadd.s32 $0xFFFFE000  }
0x358: {  	[tilespmem:s30], [sflag:$0x3] =	stream.indirect.gather [hbm4b:s1+s23], $0x80, s16, s23, $0xb8;
	[tilespmem:$0x1D000] =	vst v63  }
0x359: {  	_ = 	snop  }
0x35a: {  	[tilespmem:s0], [sflag:$0x4] =	stream.indirect.gather [hbm4b:s1+s23], $0x80, s8, s23, $0xb8;
	[tilespmem:$0x1D000] =	vst v63  }
0x35b: {  	_ = 	snop  }
0x35c: {  	[spmem:s4] =	stream.indirect.scatter.add.f32 [tilespmem:s19], [sflag:$0x5], $0x80, s22, s6, $0xb8;
	[tilespmem:$0x1D000] =	vst v63  }
0x35d: {  	_ =	swait.ge [sflag:s20], $0x4000  }
0x35e: {  	[sflag:s20] =	ssyncset.done $0x0  }
0x35f: {  	[sflag:s20] =	ssyncadd.s32 $0xFFFFC000  }
0x360: {  	_ =	swait.ge [sflag:s7], $0x2000  }
0x361: {  	[sflag:s7] =	ssyncset.done $0x0  }
0x362: {  	[sflag:s7] =	ssyncadd.s32 $0xFFFFE000  }
0x363: {  	_ =	swait.ge [sflag:s3], $0x2000  }
0x364: {  	[sflag:s3] =	ssyncset.done $0x0  }
0x365: {  	[sflag:s3] =	ssyncadd.s32 $0xFFFFE000  }
0x366: {  	[tilespmem:s19], [sflag:$0x1] =	stream.indirect.gather [hbm4b:s1+s23], $0x80, s9, s23, $0xb8;
	[tilespmem:$0x1D000] =	vst v63  }
0x367: {  	_ = 	snop  }
0x368: {  	[tilespmem:s25], [sflag:$0x2] =	stream.indirect.gather [hbm4b:s1+s23], $0x80, s10, s23, $0xb8;
	[tilespmem:$0x1D000] =	vst v63  }
0x369: {  	_ = 	snop  }
0x36a: {  	[spmem:s4] =	stream.indirect.scatter.add.f32 [tilespmem:s30], [sflag:$0x5], $0x80, s11, s6, $0xb8;
	[tilespmem:$0x1D000] =	vst v63  }
0x36b: {  	_ =	swait.ge [sflag:s20], $0x4000  }
0x36c: {  	[sflag:s20] =	ssyncset.done $0x0  }
0x36d: {  	[sflag:s20] =	ssyncadd.s32 $0xFFFFC000  }
0x36e: {  	_ =	swait.ge [sflag:s26], $0x2000  }
0x36f: {  	[sflag:s26] =	ssyncset.done $0x0  }
0x370: {  	[sflag:s26] =	ssyncadd.s32 $0xFFFFE000  }
0x371: {  	_ =	swait.ge [sflag:s28], $0x2000  }
0x372: {  	[sflag:s28] =	ssyncset.done $0x0  }
0x373: {  	[sflag:s28] =	ssyncadd.s32 $0xFFFFE000  }
0x374: {  	[tilespmem:s30], [sflag:$0x3] =	stream.indirect.gather [hbm4b:s1+s23], $0x80, s12, s23, $0xb8;
	[tilespmem:$0x1D000] =	vst v63  }
0x375: {  	_ = 	snop  }
0x376: {  	[tilespmem:s0], [sflag:$0x4] =	stream.indirect.gather [hbm4b:s1+s23], $0x80, s18, s23, $0xb8;
	[tilespmem:$0x1D000] =	vst v63  }
0x377: {  	_ = 	snop  }
0x378: {  	[spmem:s4] =	stream.indirect.scatter.add.f32 [tilespmem:s19], [sflag:$0x5], $0x80, s24, s6, $0xb8;
	[tilespmem:$0x1D000] =	vst v63  }
0x379: {  	_ =	swait.ge [sflag:s20], $0x4000  }
0x37a: {  	[sflag:s20] =	ssyncset.done $0x0  }
0x37b: {  	[sflag:s20] =	ssyncadd.s32 $0xFFFFC000  }
0x37c: {  	_ =	swait.ge [sflag:s7], $0x2000  }
0x37d: {  	[sflag:s7] =	ssyncset.done $0x0  }
0x37e: {  	[sflag:s7] =	ssyncadd.s32 $0xFFFFE000  }
0x37f: {  	_ =	swait.ge [sflag:s3], $0x2000  }
0x380: {  	[sflag:s3] =	ssyncset.done $0x0  }
0x381: {  	[sflag:s3] =	ssyncadd.s32 $0xFFFFE000  }
0x382: {  	[tilespmem:s19], [sflag:$0x1] =	stream.indirect.gather [hbm4b:s1+s23], $0x80, s29, s23, $0xb8;
	[tilespmem:$0x1D000] =	vst v63  }
0x383: {  	_ = 	snop  }
0x384: {  	[tilespmem:s25], [sflag:$0x2] =	stream.indirect.gather [hbm4b:s1+s23], $0x80, s13, s23, $0xb8;
	[tilespmem:$0x1D000] =	vst v63  }
0x385: {  	s18 =	simm.s32 $0x1C980  }
0x386: {  	[spmem:s4] =	stream.indirect.scatter.add.f32 [tilespmem:s30], [sflag:$0x5], $0x80, s18, s6, $0xb8;
	[tilespmem:$0x1D000] =	vst v63  }
0x387: {  	_ =	swait.ge [sflag:s20], $0x4000  }
0x388: {  	[sflag:s20] =	ssyncset.done $0x0  }
0x389: {  	[sflag:s20] =	ssyncadd.s32 $0xFFFFC000  }
0x38a: {  	_ =	swait.ge [sflag:s26], $0x2000  }
0x38b: {  	[sflag:s26] =	ssyncset.done $0x0  }
0x38c: {  	[sflag:s26] =	ssyncadd.s32 $0xFFFFE000  }
0x38d: {  	_ =	swait.ge [sflag:s28], $0x2000  }
0x38e: {  	[sflag:s28] =	ssyncset.done $0x0  }
0x38f: {  	s24 =	simm.s32 $0x1C280;
	[sflag:s28] =	ssyncadd.s32 $0xFFFFE000  }
0x390: {  	[tilespmem:s30], [sflag:$0x3] =	stream.indirect.gather [hbm4b:s1+s23], $0x80, s24, s23, $0xb8;
	[tilespmem:$0x1D000] =	vst v63  }
0x391: {  	s9 =	simm.s32 $0x1C2C0  }
0x392: {  	[tilespmem:s0], [sflag:$0x4] =	stream.indirect.gather [hbm4b:s1+s23], $0x80, s9, s23, $0xb8;
	[tilespmem:$0x1D000] =	vst v63  }
0x393: {  	s10 =	simm.s32 $0x1CA00  }
0x394: {  	[spmem:s4] =	stream.indirect.scatter.add.f32 [tilespmem:s19], [sflag:$0x5], $0x80, s10, s6, $0xb8;
	[tilespmem:$0x1D000] =	vst v63  }
0x395: {  	_ =	swait.ge [sflag:s20], $0x4000  }
0x396: {  	[sflag:s20] =	ssyncset.done $0x0  }
0x397: {  	[sflag:s20] =	ssyncadd.s32 $0xFFFFC000  }
0x398: {  	_ =	swait.ge [sflag:s7], $0x2000  }
0x399: {  	[sflag:s7] =	ssyncset.done $0x0  }
0x39a: {  	[sflag:s7] =	ssyncadd.s32 $0xFFFFE000  }
0x39b: {  	_ =	swait.ge [sflag:s3], $0x2000  }
0x39c: {  	[sflag:s3] =	ssyncset.done $0x0  }
0x39d: {  	s11 =	simm.s32 $0x1C300;
	[sflag:s3] =	ssyncadd.s32 $0xFFFFE000  }
0x39e: {  	[tilespmem:s19], [sflag:$0x1] =	stream.indirect.gather [hbm4b:s1+s23], $0x80, s11, s23, $0xb8;
	[tilespmem:$0x1D000] =	vst v63  }
0x39f: {  	s12 =	simm.s32 $0x1C340  }
0x3a0: {  	[tilespmem:s25], [sflag:$0x2] =	stream.indirect.gather [hbm4b:s1+s23], $0x80, s12, s23, $0xb8;
	[tilespmem:$0x1D000] =	vst v63  }
0x3a1: {  	s13 =	simm.s32 $0x1CA80  }
0x3a2: {  	[spmem:s4] =	stream.indirect.scatter.add.f32 [tilespmem:s30], [sflag:$0x5], $0x80, s13, s6, $0xb8;
	[tilespmem:$0x1D000] =	vst v63  }
0x3a3: {  	_ =	swait.ge [sflag:s20], $0x4000  }
0x3a4: {  	[sflag:s20] =	ssyncset.done $0x0  }
0x3a5: {  	[sflag:s20] =	ssyncadd.s32 $0xFFFFC000  }
0x3a6: {  	_ =	swait.ge [sflag:s26], $0x2000  }
0x3a7: {  	[sflag:s26] =	ssyncset.done $0x0  }
0x3a8: {  	[sflag:s26] =	ssyncadd.s32 $0xFFFFE000  }
0x3a9: {  	_ =	swait.ge [sflag:s28], $0x2000  }
0x3aa: {  	[sflag:s28] =	ssyncset.done $0x0  }
0x3ab: {  	s14 =	simm.s32 $0x1C380;
	[sflag:s28] =	ssyncadd.s32 $0xFFFFE000  }
0x3ac: {  	[tilespmem:s30], [sflag:$0x3] =	stream.indirect.gather [hbm4b:s1+s23], $0x80, s14, s23, $0xb8;
	[tilespmem:$0x1D000] =	vst v63  }
0x3ad: {  	s15 =	simm.s32 $0x1C3C0  }
0x3ae: {  	[tilespmem:s0], [sflag:$0x4] =	stream.indirect.gather [hbm4b:s1+s23], $0x80, s15, s23, $0xb8;
	[tilespmem:$0x1D000] =	vst v63  }
0x3af: {  	s16 =	simm.s32 $0x1CB00  }
0x3b0: {  	[spmem:s4] =	stream.indirect.scatter.add.f32 [tilespmem:s19], [sflag:$0x5], $0x80, s16, s6, $0xb8;
	[tilespmem:$0x1D000] =	vst v63  }
0x3b1: {  	_ =	swait.ge [sflag:s20], $0x4000  }
0x3b2: {  	[sflag:s20] =	ssyncset.done $0x0  }
0x3b3: {  	[sflag:s20] =	ssyncadd.s32 $0xFFFFC000  }
0x3b4: {  	_ =	swait.ge [sflag:s7], $0x2000  }
0x3b5: {  	[sflag:s7] =	ssyncset.done $0x0  }
0x3b6: {  	[sflag:s7] =	ssyncadd.s32 $0xFFFFE000  }
0x3b7: {  	_ =	swait.ge [sflag:s3], $0x2000  }
0x3b8: {  	[sflag:s3] =	ssyncset.done $0x0  }
0x3b9: {  	s17 =	simm.s32 $0x1C400;
	[sflag:s3] =	ssyncadd.s32 $0xFFFFE000  }
0x3ba: {  	[tilespmem:s19], [sflag:$0x1] =	stream.indirect.gather [hbm4b:s1+s23], $0x80, s17, s23, $0xb8;
	[tilespmem:$0x1D000] =	vst v63  }
0x3bb: {  	s18 =	simm.s32 $0x1C440  }
0x3bc: {  	[tilespmem:s25], [sflag:$0x2] =	stream.indirect.gather [hbm4b:s1+s23], $0x80, s18, s23, $0xb8;
	[tilespmem:$0x1D000] =	vst v63  }
0x3bd: {  	s24 =	simm.s32 $0x1CB80  }
0x3be: {  	[spmem:s4] =	stream.indirect.scatter.add.f32 [tilespmem:s30], [sflag:$0x5], $0x80, s24, s6, $0xb8;
	[tilespmem:$0x1D000] =	vst v63  }
0x3bf: {  	_ =	swait.ge [sflag:s20], $0x4000  }
0x3c0: {  	[sflag:s20] =	ssyncset.done $0x0  }
0x3c1: {  	[sflag:s20] =	ssyncadd.s32 $0xFFFFC000  }
0x3c2: {  	_ =	swait.ge [sflag:s26], $0x2000  }
0x3c3: {  	[sflag:s26] =	ssyncset.done $0x0  }
0x3c4: {  	[sflag:s26] =	ssyncadd.s32 $0xFFFFE000  }
0x3c5: {  	_ =	swait.ge [sflag:s28], $0x2000  }
0x3c6: {  	[sflag:s28] =	ssyncset.done $0x0  }
0x3c7: {  	s9 =	simm.s32 $0x1C480;
	[sflag:s28] =	ssyncadd.s32 $0xFFFFE000  }
0x3c8: {  	[tilespmem:s30], [sflag:$0x3] =	stream.indirect.gather [hbm4b:s1+s23], $0x80, s9, s23, $0xb8;
	[tilespmem:$0x1D000] =	vst v63  }
0x3c9: {  	s10 =	simm.s32 $0x1C4C0  }
0x3ca: {  	[tilespmem:s0], [sflag:$0x4] =	stream.indirect.gather [hbm4b:s1+s23], $0x80, s10, s23, $0xb8;
	[tilespmem:$0x1D000] =	vst v63  }
0x3cb: {  	s11 =	simm.s32 $0x1CC00  }
0x3cc: {  	[spmem:s4] =	stream.indirect.scatter.add.f32 [tilespmem:s19], [sflag:$0x5], $0x80, s11, s6, $0xb8;
	[tilespmem:$0x1D000] =	vst v63  }
0x3cd: {  	_ =	swait.ge [sflag:s20], $0x4000  }
0x3ce: {  	[sflag:s20] =	ssyncset.done $0x0  }
0x3cf: {  	[sflag:s20] =	ssyncadd.s32 $0xFFFFC000  }
0x3d0: {  	_ =	swait.ge [sflag:s7], $0x2000  }
0x3d1: {  	[sflag:s7] =	ssyncset.done $0x0  }
0x3d2: {  	[sflag:s7] =	ssyncadd.s32 $0xFFFFE000  }
0x3d3: {  	_ =	swait.ge [sflag:s3], $0x2000  }
0x3d4: {  	[sflag:s3] =	ssyncset.done $0x0  }
0x3d5: {  	s12 =	simm.s32 $0x1C500;
	[sflag:s3] =	ssyncadd.s32 $0xFFFFE000  }
0x3d6: {  	[tilespmem:s19], [sflag:$0x1] =	stream.indirect.gather [hbm4b:s1+s23], $0x80, s12, s23, $0xb8;
	[tilespmem:$0x1D000] =	vst v63  }
0x3d7: {  	s13 =	simm.s32 $0x1C540  }
0x3d8: {  	[tilespmem:s25], [sflag:$0x2] =	stream.indirect.gather [hbm4b:s1+s23], $0x80, s13, s23, $0xb8;
	[tilespmem:$0x1D000] =	vst v63  }
0x3d9: {  	s14 =	simm.s32 $0x1CC80  }
0x3da: {  	[spmem:s4] =	stream.indirect.scatter.add.f32 [tilespmem:s30], [sflag:$0x5], $0x80, s14, s6, $0xb8;
	[tilespmem:$0x1D000] =	vst v63  }
0x3db: {  	_ =	swait.ge [sflag:s20], $0x4000  }
0x3dc: {  	[sflag:s20] =	ssyncset.done $0x0  }
0x3dd: {  	[sflag:s20] =	ssyncadd.s32 $0xFFFFC000  }
0x3de: {  	_ =	swait.ge [sflag:s26], $0x2000  }
0x3df: {  	[sflag:s26] =	ssyncset.done $0x0  }
0x3e0: {  	[sflag:s26] =	ssyncadd.s32 $0xFFFFE000  }
0x3e1: {  	_ =	swait.ge [sflag:s28], $0x2000  }
0x3e2: {  	[sflag:s28] =	ssyncset.done $0x0  }
0x3e3: {  	s15 =	simm.s32 $0x1C580;
	[sflag:s28] =	ssyncadd.s32 $0xFFFFE000  }
0x3e4: {  	[tilespmem:s30], [sflag:$0x3] =	stream.indirect.gather [hbm4b:s1+s23], $0x80, s15, s23, $0xb8;
	[tilespmem:$0x1D000] =	vst v63  }
0x3e5: {  	s16 =	simm.s32 $0x1C5C0  }
0x3e6: {  	[tilespmem:s0], [sflag:$0x4] =	stream.indirect.gather [hbm4b:s1+s23], $0x80, s16, s23, $0xb8;
	[tilespmem:$0x1D000] =	vst v63  }
0x3e7: {  	s17 =	simm.s32 $0x1CD00  }
0x3e8: {  	[spmem:s4] =	stream.indirect.scatter.add.f32 [tilespmem:s19], [sflag:$0x5], $0x80, s17, s6, $0xb8;
	[tilespmem:$0x1D000] =	vst v63  }
0x3e9: {  	_ =	swait.ge [sflag:s20], $0x4000  }
0x3ea: {  	[sflag:s20] =	ssyncset.done $0x0  }
0x3eb: {  	[sflag:s20] =	ssyncadd.s32 $0xFFFFC000  }
0x3ec: {  	_ =	swait.ge [sflag:s7], $0x2000  }
0x3ed: {  	[sflag:s7] =	ssyncset.done $0x0  }
0x3ee: {  	[sflag:s7] =	ssyncadd.s32 $0xFFFFE000  }
0x3ef: {  	_ =	swait.ge [sflag:s3], $0x2000  }
0x3f0: {  	[sflag:s3] =	ssyncset.done $0x0  }
0x3f1: {  	s18 =	simm.s32 $0x1C600;
	[sflag:s3] =	ssyncadd.s32 $0xFFFFE000  }
0x3f2: {  	[tilespmem:s19], [sflag:$0x1] =	stream.indirect.gather [hbm4b:s1+s23], $0x80, s18, s23, $0xb8;
	[tilespmem:$0x1D000] =	vst v63  }
0x3f3: {  	s24 =	simm.s32 $0x1C640  }
0x3f4: {  	[tilespmem:s25], [sflag:$0x2] =	stream.indirect.gather [hbm4b:s1+s23], $0x80, s24, s23, $0xb8;
	[tilespmem:$0x1D000] =	vst v63  }
0x3f5: {  	s9 =	simm.s32 $0x1CD80  }
0x3f6: {  	[spmem:s4] =	stream.indirect.scatter.add.f32 [tilespmem:s30], [sflag:$0x5], $0x80, s9, s6, $0xb8;
	[tilespmem:$0x1D000] =	vst v63  }
0x3f7: {  	_ =	swait.ge [sflag:s20], $0x4000  }
0x3f8: {  	[sflag:s20] =	ssyncset.done $0x0  }
0x3f9: {  	[sflag:s20] =	ssyncadd.s32 $0xFFFFC000  }
0x3fa: {  	_ =	swait.ge [sflag:s26], $0x2000  }
0x3fb: {  	[sflag:s26] =	ssyncset.done $0x0  }
0x3fc: {  	[sflag:s26] =	ssyncadd.s32 $0xFFFFE000  }
0x3fd: {  	_ =	swait.ge [sflag:s28], $0x2000  }
0x3fe: {  	[sflag:s28] =	ssyncset.done $0x0  }
0x3ff: {  	s10 =	simm.s32 $0x1C680;
	[sflag:s28] =	ssyncadd.s32 $0xFFFFE000  }
0x400: {  	[tilespmem:s30], [sflag:$0x3] =	stream.indirect.gather [hbm4b:s1+s23], $0x80, s10, s23, $0xb8;
	[tilespmem:$0x1D000] =	vst v63  }
0x401: {  	s11 =	simm.s32 $0x1C6C0  }
0x402: {  	[tilespmem:s0], [sflag:$0x4] =	stream.indirect.gather [hbm4b:s1+s23], $0x80, s11, s23, $0xb8;
	[tilespmem:$0x1D000] =	vst v63  }
0x403: {  	s12 =	simm.s32 $0x1CE00  }
0x404: {  	[spmem:s4] =	stream.indirect.scatter.add.f32 [tilespmem:s19], [sflag:$0x5], $0x80, s12, s6, $0xb8;
	[tilespmem:$0x1D000] =	vst v63  }
0x405: {  	_ =	swait.ge [sflag:s20], $0x4000  }
0x406: {  	[sflag:s20] =	ssyncset.done $0x0  }
0x407: {  	[sflag:s20] =	ssyncadd.s32 $0xFFFFC000  }
0x408: {  	_ =	swait.ge [sflag:s7], $0x2000  }
0x409: {  	[sflag:s7] =	ssyncset.done $0x0  }
0x40a: {  	[sflag:s7] =	ssyncadd.s32 $0xFFFFE000  }
0x40b: {  	_ =	swait.ge [sflag:s3], $0x2000  }
0x40c: {  	[sflag:s3] =	ssyncset.done $0x0  }
0x40d: {  	s13 =	simm.s32 $0x1C700;
	[sflag:s3] =	ssyncadd.s32 $0xFFFFE000  }
0x40e: {  	[tilespmem:s19], [sflag:$0x1] =	stream.indirect.gather [hbm4b:s1+s23], $0x80, s13, s23, $0xb8;
	[tilespmem:$0x1D000] =	vst v63  }
0x40f: {  	s14 =	simm.s32 $0x1C740  }
0x410: {  	[tilespmem:s25], [sflag:$0x2] =	stream.indirect.gather [hbm4b:s1+s23], $0x80, s14, s23, $0xb8;
	[tilespmem:$0x1D000] =	vst v63  }
0x411: {  	s15 =	simm.s32 $0x1CE80  }
0x412: {  	[spmem:s4] =	stream.indirect.scatter.add.f32 [tilespmem:s30], [sflag:$0x5], $0x80, s15, s6, $0xb8;
	[tilespmem:$0x1D000] =	vst v63  }
0x413: {  	_ =	swait.ge [sflag:s20], $0x4000  }
0x414: {  	[sflag:s20] =	ssyncset.done $0x0  }
0x415: {  	[sflag:s20] =	ssyncadd.s32 $0xFFFFC000  }
0x416: {  	_ =	swait.ge [sflag:s26], $0x2000  }
0x417: {  	[sflag:s26] =	ssyncset.done $0x0  }
0x418: {  	[sflag:s26] =	ssyncadd.s32 $0xFFFFE000  }
0x419: {  	_ =	swait.ge [sflag:s28], $0x2000  }
0x41a: {  	[sflag:s28] =	ssyncset.done $0x0  }
0x41b: {  	s16 =	simm.s32 $0x1C780;
	[sflag:s28] =	ssyncadd.s32 $0xFFFFE000  }
0x41c: {  	[tilespmem:s30], [sflag:$0x3] =	stream.indirect.gather [hbm4b:s1+s23], $0x80, s16, s23, $0xb8;
	[tilespmem:$0x1D000] =	vst v63  }
0x41d: {  	s17 =	simm.s32 $0x1C7C0  }
0x41e: {  	[tilespmem:s0], [sflag:$0x4] =	stream.indirect.gather [hbm4b:s1+s23], $0x80, s17, s23, $0xb8;
	[tilespmem:$0x1D000] =	vst v63  }
0x41f: {  	s18 =	simm.s32 $0x1CF00  }
0x420: {  	[spmem:s4] =	stream.indirect.scatter.add.f32 [tilespmem:s19], [sflag:$0x5], $0x80, s18, s6, $0xb8;
	[tilespmem:$0x1D000] =	vst v63  }
0x421: {  	_ =	swait.ge [sflag:s20], $0x4000  }
0x422: {  	[sflag:s20] =	ssyncset.done $0x0  }
0x423: {  	[sflag:s20] =	ssyncadd.s32 $0xFFFFC000  }
0x424: {  	_ =	swait.ge [sflag:s7], $0x2000  }
0x425: {  	s31 =	simm.s32 $0x1C200;
	s8 =	simm.s32 $0x1C0C0;
	[sflag:s7] =	ssyncset.done $0x0  }
0x426: {  	s29 =	simm.s32 $0x1C900;
	s24 =	simm.s32 $0x1CF80;
	[sflag:s7] =	ssyncadd.s32 $0xFFFFE000  }
0x427: {  	s9 =	simm.s32 $0x1C100;
	s10 =	simm.s32 $0x1C140;
	_ =	swait.ge [sflag:s3], $0x2000  }
0x428: {  	s11 =	simm.s32 $0x1C880;
	s12 =	simm.s32 $0x1C180;
	[sflag:s3] =	ssyncset.done $0x0  }
0x429: {  	s13 =	simm.s32 $0x1C240;
	s14 =	simm.s32 $0x100;
	[sflag:s3] =	ssyncadd.s32 $0xFFFFE000  }
0x42a: {  	[spmem:s4] =	stream.indirect.scatter.add.f32 [tilespmem:s30], [sflag:$0x5], $0x80, s24, s6, $0xb8;
	[tilespmem:$0x1D000] =	vst v63  }
0x42b: {  	s15 =	simm.s32 $0x200;
	s18 =	simm.s32 $0x1C080;
	_ =	swait.ge [sflag:s20], $0x4000  }
0x42c: {  	s24 =	simm.s32 $0x1C1C0;
	s16 =	rddreg [dreg:$0x6];
	[sflag:s20] =	ssyncset.done $0x0  }
.LBB2_4:
0x42d: {  	[sflag:s20] =	ssyncadd.s32 $0xFFFFC000;
	s16 =	sadd.s32 s14, s16  }
0x42e: {  	[tilespmem:s21], [sflag:$0x5] =	stream.linear.gather [hbm4b:s16+s5], $0x800, $0x38;
	[tilespmem:$0x1D000] =	vst v63  }
0x42f: {  	_ =	swait.ge [sflag:s20], $0x800  }
0x430: {  	s16 =	rddreg [dreg:$0x5];
	[sflag:s20] =	ssyncset.done $0x0  }
0x431: {  	[sflag:s20] =	ssyncadd.s32 $0xFFFFF800;
	s16 =	sadd.s32 s14, s16  }
0x432: {  	[tilespmem:s22], [sflag:$0x5] =	stream.linear.gather [hbm4b:s16+s5], $0x800, $0x38;
	[tilespmem:$0x1D000] =	vst v63  }
0x433: {  	_ =	swait.ge [sflag:s20], $0x800  }
0x434: {  	[sflag:s20] =	ssyncset.done $0x0  }
0x435: {  	s17 =	smov.u32 s15;
	[sflag:s20] =	ssyncadd.s32 $0xFFFFF800  }
0x436: {  	[tilespmem:s19], [sflag:$0x1] =	stream.indirect.gather [hbm4b:s1+s23], $0x80, s21, s23, $0xb8;
	[tilespmem:$0x1D000] =	vst v63  }
0x437: {  	s14 =	smov.u32 s17;
	s17 =	simm.s32 $0x1C040  }
0x438: {  	[tilespmem:s25], [sflag:$0x2] =	stream.indirect.gather [hbm4b:s1+s23], $0x80, s17, s23, $0xb8;
	[tilespmem:$0x1D000] =	vst v63  }
0x439: {  	_ =	swait.ge [sflag:s26], $0x2000  }
0x43a: {  	[sflag:s26] =	ssyncset.done $0x0  }
0x43b: {  	[sflag:s26] =	ssyncadd.s32 $0xFFFFE000  }
0x43c: {  	_ =	swait.ge [sflag:s28], $0x2000  }
0x43d: {  	[sflag:s28] =	ssyncset.done $0x0  }
0x43e: {  	[sflag:s28] =	ssyncadd.s32 $0xFFFFE000  }
0x43f: {  	[tilespmem:s30], [sflag:$0x3] =	stream.indirect.gather [hbm4b:s1+s23], $0x80, s18, s23, $0xb8;
	[tilespmem:$0x1D000] =	vst v63  }
0x440: {  	_ = 	snop  }
0x441: {  	[tilespmem:s0], [sflag:$0x4] =	stream.indirect.gather [hbm4b:s1+s23], $0x80, s8, s23, $0xb8;
	[tilespmem:$0x1D000] =	vst v63  }
0x442: {  	_ = 	snop  }
0x443: {  	[spmem:s4] =	stream.indirect.scatter.add.f32 [tilespmem:s19], [sflag:$0x5], $0x80, s22, s6, $0xb8;
	[tilespmem:$0x1D000] =	vst v63  }
0x444: {  	_ =	swait.ge [sflag:s20], $0x4000  }
0x445: {  	[sflag:s20] =	ssyncset.done $0x0  }
0x446: {  	[sflag:s20] =	ssyncadd.s32 $0xFFFFC000  }
0x447: {  	_ =	swait.ge [sflag:s7], $0x2000  }
0x448: {  	[sflag:s7] =	ssyncset.done $0x0  }
0x449: {  	[sflag:s7] =	ssyncadd.s32 $0xFFFFE000  }
0x44a: {  	_ =	swait.ge [sflag:s3], $0x2000  }
0x44b: {  	[sflag:s3] =	ssyncset.done $0x0  }
0x44c: {  	[sflag:s3] =	ssyncadd.s32 $0xFFFFE000  }
0x44d: {  	[tilespmem:s19], [sflag:$0x1] =	stream.indirect.gather [hbm4b:s1+s23], $0x80, s9, s23, $0xb8;
	[tilespmem:$0x1D000] =	vst v63  }
0x44e: {  	_ = 	snop  }
0x44f: {  	[tilespmem:s25], [sflag:$0x2] =	stream.indirect.gather [hbm4b:s1+s23], $0x80, s10, s23, $0xb8;
	[tilespmem:$0x1D000] =	vst v63  }
0x450: {  	_ = 	snop  }
0x451: {  	[spmem:s4] =	stream.indirect.scatter.add.f32 [tilespmem:s30], [sflag:$0x5], $0x80, s11, s6, $0xb8;
	[tilespmem:$0x1D000] =	vst v63  }
0x452: {  	_ =	swait.ge [sflag:s20], $0x4000  }
0x453: {  	[sflag:s20] =	ssyncset.done $0x0  }
0x454: {  	[sflag:s20] =	ssyncadd.s32 $0xFFFFC000  }
0x455: {  	_ =	swait.ge [sflag:s26], $0x2000  }
0x456: {  	[sflag:s26] =	ssyncset.done $0x0  }
0x457: {  	[sflag:s26] =	ssyncadd.s32 $0xFFFFE000  }
0x458: {  	_ =	swait.ge [sflag:s28], $0x2000  }
0x459: {  	[sflag:s28] =	ssyncset.done $0x0  }
0x45a: {  	[sflag:s28] =	ssyncadd.s32 $0xFFFFE000  }
0x45b: {  	[tilespmem:s30], [sflag:$0x3] =	stream.indirect.gather [hbm4b:s1+s23], $0x80, s12, s23, $0xb8;
	[tilespmem:$0x1D000] =	vst v63  }
0x45c: {  	_ = 	snop  }
0x45d: {  	[tilespmem:s0], [sflag:$0x4] =	stream.indirect.gather [hbm4b:s1+s23], $0x80, s24, s23, $0xb8;
	[tilespmem:$0x1D000] =	vst v63  }
0x45e: {  	_ = 	snop  }
0x45f: {  	[spmem:s4] =	stream.indirect.scatter.add.f32 [tilespmem:s19], [sflag:$0x5], $0x80, s29, s6, $0xb8;
	[tilespmem:$0x1D000] =	vst v63  }
0x460: {  	_ =	swait.ge [sflag:s20], $0x4000  }
0x461: {  	[sflag:s20] =	ssyncset.done $0x0  }
0x462: {  	[sflag:s20] =	ssyncadd.s32 $0xFFFFC000  }
0x463: {  	_ =	swait.ge [sflag:s7], $0x2000  }
0x464: {  	[sflag:s7] =	ssyncset.done $0x0  }
0x465: {  	[sflag:s7] =	ssyncadd.s32 $0xFFFFE000  }
0x466: {  	_ =	swait.ge [sflag:s3], $0x2000  }
0x467: {  	[sflag:s3] =	ssyncset.done $0x0  }
0x468: {  	[sflag:s3] =	ssyncadd.s32 $0xFFFFE000  }
0x469: {  	[tilespmem:s19], [sflag:$0x1] =	stream.indirect.gather [hbm4b:s1+s23], $0x80, s31, s23, $0xb8;
	[tilespmem:$0x1D000] =	vst v63  }
0x46a: {  	_ = 	snop  }
0x46b: {  	[tilespmem:s25], [sflag:$0x2] =	stream.indirect.gather [hbm4b:s1+s23], $0x80, s13, s23, $0xb8;
	[tilespmem:$0x1D000] =	vst v63  }
0x46c: {  	s16 =	simm.s32 $0x1C980  }
0x46d: {  	[spmem:s4] =	stream.indirect.scatter.add.f32 [tilespmem:s30], [sflag:$0x5], $0x80, s16, s6, $0xb8;
	[tilespmem:$0x1D000] =	vst v63  }
0x46e: {  	_ =	swait.ge [sflag:s20], $0x4000  }
0x46f: {  	[sflag:s20] =	ssyncset.done $0x0  }
0x470: {  	[sflag:s20] =	ssyncadd.s32 $0xFFFFC000  }
0x471: {  	_ =	swait.ge [sflag:s26], $0x2000  }
0x472: {  	[sflag:s26] =	ssyncset.done $0x0  }
0x473: {  	[sflag:s26] =	ssyncadd.s32 $0xFFFFE000  }
0x474: {  	_ =	swait.ge [sflag:s28], $0x2000  }
0x475: {  	[sflag:s28] =	ssyncset.done $0x0  }
0x476: {  	s16 =	simm.s32 $0x1C280;
	[sflag:s28] =	ssyncadd.s32 $0xFFFFE000  }
0x477: {  	[tilespmem:s30], [sflag:$0x3] =	stream.indirect.gather [hbm4b:s1+s23], $0x80, s16, s23, $0xb8;
	[tilespmem:$0x1D000] =	vst v63  }
0x478: {  	s16 =	simm.s32 $0x1C2C0  }
0x479: {  	[tilespmem:s0], [sflag:$0x4] =	stream.indirect.gather [hbm4b:s1+s23], $0x80, s16, s23, $0xb8;
	[tilespmem:$0x1D000] =	vst v63  }
0x47a: {  	s16 =	simm.s32 $0x1CA00  }
0x47b: {  	[spmem:s4] =	stream.indirect.scatter.add.f32 [tilespmem:s19], [sflag:$0x5], $0x80, s16, s6, $0xb8;
	[tilespmem:$0x1D000] =	vst v63  }
0x47c: {  	_ =	swait.ge [sflag:s20], $0x4000  }
0x47d: {  	[sflag:s20] =	ssyncset.done $0x0  }
0x47e: {  	[sflag:s20] =	ssyncadd.s32 $0xFFFFC000  }
0x47f: {  	_ =	swait.ge [sflag:s7], $0x2000  }
0x480: {  	[sflag:s7] =	ssyncset.done $0x0  }
0x481: {  	[sflag:s7] =	ssyncadd.s32 $0xFFFFE000  }
0x482: {  	_ =	swait.ge [sflag:s3], $0x2000  }
0x483: {  	[sflag:s3] =	ssyncset.done $0x0  }
0x484: {  	s16 =	simm.s32 $0x1C300;
	[sflag:s3] =	ssyncadd.s32 $0xFFFFE000  }
0x485: {  	[tilespmem:s19], [sflag:$0x1] =	stream.indirect.gather [hbm4b:s1+s23], $0x80, s16, s23, $0xb8;
	[tilespmem:$0x1D000] =	vst v63  }
0x486: {  	s16 =	simm.s32 $0x1C340  }
0x487: {  	[tilespmem:s25], [sflag:$0x2] =	stream.indirect.gather [hbm4b:s1+s23], $0x80, s16, s23, $0xb8;
	[tilespmem:$0x1D000] =	vst v63  }
0x488: {  	s16 =	simm.s32 $0x1CA80  }
0x489: {  	[spmem:s4] =	stream.indirect.scatter.add.f32 [tilespmem:s30], [sflag:$0x5], $0x80, s16, s6, $0xb8;
	[tilespmem:$0x1D000] =	vst v63  }
0x48a: {  	_ =	swait.ge [sflag:s20], $0x4000  }
0x48b: {  	[sflag:s20] =	ssyncset.done $0x0  }
0x48c: {  	[sflag:s20] =	ssyncadd.s32 $0xFFFFC000  }
0x48d: {  	_ =	swait.ge [sflag:s26], $0x2000  }
0x48e: {  	[sflag:s26] =	ssyncset.done $0x0  }
0x48f: {  	[sflag:s26] =	ssyncadd.s32 $0xFFFFE000  }
0x490: {  	_ =	swait.ge [sflag:s28], $0x2000  }
0x491: {  	[sflag:s28] =	ssyncset.done $0x0  }
0x492: {  	s16 =	simm.s32 $0x1C380;
	[sflag:s28] =	ssyncadd.s32 $0xFFFFE000  }
0x493: {  	[tilespmem:s30], [sflag:$0x3] =	stream.indirect.gather [hbm4b:s1+s23], $0x80, s16, s23, $0xb8;
	[tilespmem:$0x1D000] =	vst v63  }
0x494: {  	s16 =	simm.s32 $0x1C3C0  }
0x495: {  	[tilespmem:s0], [sflag:$0x4] =	stream.indirect.gather [hbm4b:s1+s23], $0x80, s16, s23, $0xb8;
	[tilespmem:$0x1D000] =	vst v63  }
0x496: {  	s16 =	simm.s32 $0x1CB00  }
0x497: {  	[spmem:s4] =	stream.indirect.scatter.add.f32 [tilespmem:s19], [sflag:$0x5], $0x80, s16, s6, $0xb8;
	[tilespmem:$0x1D000] =	vst v63  }
0x498: {  	_ =	swait.ge [sflag:s20], $0x4000  }
0x499: {  	[sflag:s20] =	ssyncset.done $0x0  }
0x49a: {  	[sflag:s20] =	ssyncadd.s32 $0xFFFFC000  }
0x49b: {  	_ =	swait.ge [sflag:s7], $0x2000  }
0x49c: {  	[sflag:s7] =	ssyncset.done $0x0  }
0x49d: {  	[sflag:s7] =	ssyncadd.s32 $0xFFFFE000  }
0x49e: {  	_ =	swait.ge [sflag:s3], $0x2000  }
0x49f: {  	[sflag:s3] =	ssyncset.done $0x0  }
0x4a0: {  	s16 =	simm.s32 $0x1C400;
	[sflag:s3] =	ssyncadd.s32 $0xFFFFE000  }
0x4a1: {  	[tilespmem:s19], [sflag:$0x1] =	stream.indirect.gather [hbm4b:s1+s23], $0x80, s16, s23, $0xb8;
	[tilespmem:$0x1D000] =	vst v63  }
0x4a2: {  	s16 =	simm.s32 $0x1C440  }
0x4a3: {  	[tilespmem:s25], [sflag:$0x2] =	stream.indirect.gather [hbm4b:s1+s23], $0x80, s16, s23, $0xb8;
	[tilespmem:$0x1D000] =	vst v63  }
0x4a4: {  	s16 =	simm.s32 $0x1CB80  }
0x4a5: {  	[spmem:s4] =	stream.indirect.scatter.add.f32 [tilespmem:s30], [sflag:$0x5], $0x80, s16, s6, $0xb8;
	[tilespmem:$0x1D000] =	vst v63  }
0x4a6: {  	_ =	swait.ge [sflag:s20], $0x4000  }
0x4a7: {  	[sflag:s20] =	ssyncset.done $0x0  }
0x4a8: {  	[sflag:s20] =	ssyncadd.s32 $0xFFFFC000  }
0x4a9: {  	_ =	swait.ge [sflag:s26], $0x2000  }
0x4aa: {  	[sflag:s26] =	ssyncset.done $0x0  }
0x4ab: {  	[sflag:s26] =	ssyncadd.s32 $0xFFFFE000  }
0x4ac: {  	_ =	swait.ge [sflag:s28], $0x2000  }
0x4ad: {  	[sflag:s28] =	ssyncset.done $0x0  }
0x4ae: {  	s16 =	simm.s32 $0x1C480;
	[sflag:s28] =	ssyncadd.s32 $0xFFFFE000  }
0x4af: {  	[tilespmem:s30], [sflag:$0x3] =	stream.indirect.gather [hbm4b:s1+s23], $0x80, s16, s23, $0xb8;
	[tilespmem:$0x1D000] =	vst v63  }
0x4b0: {  	s16 =	simm.s32 $0x1C4C0  }
0x4b1: {  	[tilespmem:s0], [sflag:$0x4] =	stream.indirect.gather [hbm4b:s1+s23], $0x80, s16, s23, $0xb8;
	[tilespmem:$0x1D000] =	vst v63  }
0x4b2: {  	s16 =	simm.s32 $0x1CC00  }
0x4b3: {  	[spmem:s4] =	stream.indirect.scatter.add.f32 [tilespmem:s19], [sflag:$0x5], $0x80, s16, s6, $0xb8;
	[tilespmem:$0x1D000] =	vst v63  }
0x4b4: {  	_ =	swait.ge [sflag:s20], $0x4000  }
0x4b5: {  	[sflag:s20] =	ssyncset.done $0x0  }
0x4b6: {  	[sflag:s20] =	ssyncadd.s32 $0xFFFFC000  }
0x4b7: {  	_ =	swait.ge [sflag:s7], $0x2000  }
0x4b8: {  	[sflag:s7] =	ssyncset.done $0x0  }
0x4b9: {  	[sflag:s7] =	ssyncadd.s32 $0xFFFFE000  }
0x4ba: {  	_ =	swait.ge [sflag:s3], $0x2000  }
0x4bb: {  	[sflag:s3] =	ssyncset.done $0x0  }
0x4bc: {  	s16 =	simm.s32 $0x1C500;
	[sflag:s3] =	ssyncadd.s32 $0xFFFFE000  }
0x4bd: {  	[tilespmem:s19], [sflag:$0x1] =	stream.indirect.gather [hbm4b:s1+s23], $0x80, s16, s23, $0xb8;
	[tilespmem:$0x1D000] =	vst v63  }
0x4be: {  	s16 =	simm.s32 $0x1C540  }
0x4bf: {  	[tilespmem:s25], [sflag:$0x2] =	stream.indirect.gather [hbm4b:s1+s23], $0x80, s16, s23, $0xb8;
	[tilespmem:$0x1D000] =	vst v63  }
0x4c0: {  	s16 =	simm.s32 $0x1CC80  }
0x4c1: {  	[spmem:s4] =	stream.indirect.scatter.add.f32 [tilespmem:s30], [sflag:$0x5], $0x80, s16, s6, $0xb8;
	[tilespmem:$0x1D000] =	vst v63  }
0x4c2: {  	_ =	swait.ge [sflag:s20], $0x4000  }
0x4c3: {  	[sflag:s20] =	ssyncset.done $0x0  }
0x4c4: {  	[sflag:s20] =	ssyncadd.s32 $0xFFFFC000  }
0x4c5: {  	_ =	swait.ge [sflag:s26], $0x2000  }
0x4c6: {  	[sflag:s26] =	ssyncset.done $0x0  }
0x4c7: {  	[sflag:s26] =	ssyncadd.s32 $0xFFFFE000  }
0x4c8: {  	_ =	swait.ge [sflag:s28], $0x2000  }
0x4c9: {  	[sflag:s28] =	ssyncset.done $0x0  }
0x4ca: {  	s16 =	simm.s32 $0x1C580;
	[sflag:s28] =	ssyncadd.s32 $0xFFFFE000  }
0x4cb: {  	[tilespmem:s30], [sflag:$0x3] =	stream.indirect.gather [hbm4b:s1+s23], $0x80, s16, s23, $0xb8;
	[tilespmem:$0x1D000] =	vst v63  }
0x4cc: {  	s16 =	simm.s32 $0x1C5C0  }
0x4cd: {  	[tilespmem:s0], [sflag:$0x4] =	stream.indirect.gather [hbm4b:s1+s23], $0x80, s16, s23, $0xb8;
	[tilespmem:$0x1D000] =	vst v63  }
0x4ce: {  	s16 =	simm.s32 $0x1CD00  }
0x4cf: {  	[spmem:s4] =	stream.indirect.scatter.add.f32 [tilespmem:s19], [sflag:$0x5], $0x80, s16, s6, $0xb8;
	[tilespmem:$0x1D000] =	vst v63  }
0x4d0: {  	_ =	swait.ge [sflag:s20], $0x4000  }
0x4d1: {  	[sflag:s20] =	ssyncset.done $0x0  }
0x4d2: {  	[sflag:s20] =	ssyncadd.s32 $0xFFFFC000  }
0x4d3: {  	_ =	swait.ge [sflag:s7], $0x2000  }
0x4d4: {  	[sflag:s7] =	ssyncset.done $0x0  }
0x4d5: {  	[sflag:s7] =	ssyncadd.s32 $0xFFFFE000  }
0x4d6: {  	_ =	swait.ge [sflag:s3], $0x2000  }
0x4d7: {  	[sflag:s3] =	ssyncset.done $0x0  }
0x4d8: {  	s16 =	simm.s32 $0x1C600;
	[sflag:s3] =	ssyncadd.s32 $0xFFFFE000  }
0x4d9: {  	[tilespmem:s19], [sflag:$0x1] =	stream.indirect.gather [hbm4b:s1+s23], $0x80, s16, s23, $0xb8;
	[tilespmem:$0x1D000] =	vst v63  }
0x4da: {  	s16 =	simm.s32 $0x1C640  }
0x4db: {  	[tilespmem:s25], [sflag:$0x2] =	stream.indirect.gather [hbm4b:s1+s23], $0x80, s16, s23, $0xb8;
	[tilespmem:$0x1D000] =	vst v63  }
0x4dc: {  	s16 =	simm.s32 $0x1CD80  }
0x4dd: {  	[spmem:s4] =	stream.indirect.scatter.add.f32 [tilespmem:s30], [sflag:$0x5], $0x80, s16, s6, $0xb8;
	[tilespmem:$0x1D000] =	vst v63  }
0x4de: {  	_ =	swait.ge [sflag:s20], $0x4000  }
0x4df: {  	[sflag:s20] =	ssyncset.done $0x0  }
0x4e0: {  	[sflag:s20] =	ssyncadd.s32 $0xFFFFC000  }
0x4e1: {  	_ =	swait.ge [sflag:s26], $0x2000  }
0x4e2: {  	[sflag:s26] =	ssyncset.done $0x0  }
0x4e3: {  	[sflag:s26] =	ssyncadd.s32 $0xFFFFE000  }
0x4e4: {  	_ =	swait.ge [sflag:s28], $0x2000  }
0x4e5: {  	[sflag:s28] =	ssyncset.done $0x0  }
0x4e6: {  	s16 =	simm.s32 $0x1C680;
	[sflag:s28] =	ssyncadd.s32 $0xFFFFE000  }
0x4e7: {  	[tilespmem:s30], [sflag:$0x3] =	stream.indirect.gather [hbm4b:s1+s23], $0x80, s16, s23, $0xb8;
	[tilespmem:$0x1D000] =	vst v63  }
0x4e8: {  	s16 =	simm.s32 $0x1C6C0  }
0x4e9: {  	[tilespmem:s0], [sflag:$0x4] =	stream.indirect.gather [hbm4b:s1+s23], $0x80, s16, s23, $0xb8;
	[tilespmem:$0x1D000] =	vst v63  }
0x4ea: {  	s16 =	simm.s32 $0x1CE00  }
0x4eb: {  	[spmem:s4] =	stream.indirect.scatter.add.f32 [tilespmem:s19], [sflag:$0x5], $0x80, s16, s6, $0xb8;
	[tilespmem:$0x1D000] =	vst v63  }
0x4ec: {  	_ =	swait.ge [sflag:s20], $0x4000  }
0x4ed: {  	[sflag:s20] =	ssyncset.done $0x0  }
0x4ee: {  	[sflag:s20] =	ssyncadd.s32 $0xFFFFC000  }
0x4ef: {  	_ =	swait.ge [sflag:s7], $0x2000  }
0x4f0: {  	[sflag:s7] =	ssyncset.done $0x0  }
0x4f1: {  	[sflag:s7] =	ssyncadd.s32 $0xFFFFE000  }
0x4f2: {  	_ =	swait.ge [sflag:s3], $0x2000  }
0x4f3: {  	[sflag:s3] =	ssyncset.done $0x0  }
0x4f4: {  	s16 =	simm.s32 $0x1C700;
	[sflag:s3] =	ssyncadd.s32 $0xFFFFE000  }
0x4f5: {  	[tilespmem:s19], [sflag:$0x1] =	stream.indirect.gather [hbm4b:s1+s23], $0x80, s16, s23, $0xb8;
	[tilespmem:$0x1D000] =	vst v63  }
0x4f6: {  	s16 =	simm.s32 $0x1C740  }
0x4f7: {  	[tilespmem:s25], [sflag:$0x2] =	stream.indirect.gather [hbm4b:s1+s23], $0x80, s16, s23, $0xb8;
	[tilespmem:$0x1D000] =	vst v63  }
0x4f8: {  	s16 =	simm.s32 $0x1CE80  }
0x4f9: {  	[spmem:s4] =	stream.indirect.scatter.add.f32 [tilespmem:s30], [sflag:$0x5], $0x80, s16, s6, $0xb8;
	[tilespmem:$0x1D000] =	vst v63  }
0x4fa: {  	_ =	swait.ge [sflag:s20], $0x4000  }
0x4fb: {  	[sflag:s20] =	ssyncset.done $0x0  }
0x4fc: {  	[sflag:s20] =	ssyncadd.s32 $0xFFFFC000  }
0x4fd: {  	_ =	swait.ge [sflag:s26], $0x2000  }
0x4fe: {  	[sflag:s26] =	ssyncset.done $0x0  }
0x4ff: {  	[sflag:s26] =	ssyncadd.s32 $0xFFFFE000  }
0x500: {  	_ =	swait.ge [sflag:s28], $0x2000  }
0x501: {  	[sflag:s28] =	ssyncset.done $0x0  }
0x502: {  	s16 =	simm.s32 $0x1C780;
	[sflag:s28] =	ssyncadd.s32 $0xFFFFE000  }
0x503: {  	[tilespmem:s30], [sflag:$0x3] =	stream.indirect.gather [hbm4b:s1+s23], $0x80, s16, s23, $0xb8;
	[tilespmem:$0x1D000] =	vst v63  }
0x504: {  	s16 =	simm.s32 $0x1C7C0  }
0x505: {  	[tilespmem:s0], [sflag:$0x4] =	stream.indirect.gather [hbm4b:s1+s23], $0x80, s16, s23, $0xb8;
	[tilespmem:$0x1D000] =	vst v63  }
0x506: {  	s16 =	simm.s32 $0x1CF00  }
0x507: {  	[spmem:s4] =	stream.indirect.scatter.add.f32 [tilespmem:s19], [sflag:$0x5], $0x80, s16, s6, $0xb8;
	[tilespmem:$0x1D000] =	vst v63  }
0x508: {  	_ =	swait.ge [sflag:s20], $0x4000  }
0x509: {  	[sflag:s20] =	ssyncset.done $0x0  }
0x50a: {  	[sflag:s20] =	ssyncadd.s32 $0xFFFFC000  }
0x50b: {  	_ =	swait.ge [sflag:s7], $0x2000  }
0x50c: {  	[sflag:s7] =	ssyncset.done $0x0  }
0x50d: {  	[sflag:s7] =	ssyncadd.s32 $0xFFFFE000  }
0x50e: {  	p1 =	seq.s32 s15, $0x900;
	_ =	swait.ge [sflag:s3], $0x2000  }
.Ltmp7:
0x50f: {  	[sflag:s3] =	ssyncset.done $0x0;
	(pc) =	sbr.rel @!p1 .LBB2_4-.Ltmp7, $4  }
0x510: {  	s16 =	simm.s32 $0x1CF80;
	[sflag:s3] =	ssyncadd.s32 $0xFFFFE000  }
0x511: {  	[spmem:s4] =	stream.indirect.scatter.add.f32 [tilespmem:s30], [sflag:$0x5], $0x80, s16, s6, $0xb8;
	[tilespmem:$0x1D000] =	vst v63  }
0x512: {  	_ =	swait.ge [sflag:s20], $0x4000  }
0x513: {  	s15 =	sadd.s32 $0x100, s15;
	s16 =	rddreg [dreg:$0x6];
	[sflag:s20] =	ssyncset.done $0x0  }
0x514: {  	[sflag:s20] =	ssyncadd.s32 $0xFFFFC000;
	s15 =	sadd.s32 s14, s16  }
0x515: {  	[tilespmem:s21], [sflag:$0x5] =	stream.linear.gather [hbm4b:s15+s5], $0x800, $0x38;
	[tilespmem:$0x1D000] =	vst v63  }
0x516: {  	_ =	swait.ge [sflag:s20], $0x800  }
0x517: {  	s16 =	rddreg [dreg:$0x5];
	[sflag:s20] =	ssyncset.done $0x0  }
0x518: {  	s16 =	sadd.s32 s14, s16;
	[sflag:s20] =	ssyncadd.s32 $0xFFFFF800  }
0x519: {  	[tilespmem:s22], [sflag:$0x5] =	stream.linear.gather [hbm4b:s16+s5], $0x800, $0x38;
	[tilespmem:$0x1D000] =	vst v63  }
0x51a: {  	_ =	swait.ge [sflag:s20], $0x800  }
0x51b: {  	[sflag:s20] =	ssyncset.done $0x0  }
0x51c: {  	[sflag:s20] =	ssyncadd.s32 $0xFFFFF800  }
0x51d: {  	[tilespmem:s19], [sflag:$0x1] =	stream.indirect.gather [hbm4b:s1+s23], $0x80, s21, s23, $0xb8;
	[tilespmem:$0x1D000] =	vst v63  }
0x51e: {  	_ = 	snop  }
0x51f: {  	[tilespmem:s25], [sflag:$0x2] =	stream.indirect.gather [hbm4b:s1+s23], $0x80, s17, s23, $0xb8;
	[tilespmem:$0x1D000] =	vst v63  }
0x520: {  	_ =	swait.ge [sflag:s26], $0x2000  }
0x521: {  	[sflag:s26] =	ssyncset.done $0x0  }
0x522: {  	[sflag:s26] =	ssyncadd.s32 $0xFFFFE000  }
0x523: {  	_ =	swait.ge [sflag:s28], $0x2000  }
0x524: {  	[sflag:s28] =	ssyncset.done $0x0  }
0x525: {  	[sflag:s28] =	ssyncadd.s32 $0xFFFFE000  }
0x526: {  	[tilespmem:s30], [sflag:$0x3] =	stream.indirect.gather [hbm4b:s1+s23], $0x80, s18, s23, $0xb8;
	[tilespmem:$0x1D000] =	vst v63  }
0x527: {  	_ = 	snop  }
0x528: {  	[tilespmem:s0], [sflag:$0x4] =	stream.indirect.gather [hbm4b:s1+s23], $0x80, s8, s23, $0xb8;
	[tilespmem:$0x1D000] =	vst v63  }
0x529: {  	_ = 	snop  }
0x52a: {  	[spmem:s4] =	stream.indirect.scatter.add.f32 [tilespmem:s19], [sflag:$0x5], $0x80, s22, s6, $0xb8;
	[tilespmem:$0x1D000] =	vst v63  }
0x52b: {  	_ =	swait.ge [sflag:s20], $0x4000  }
0x52c: {  	[sflag:s20] =	ssyncset.done $0x0  }
0x52d: {  	[sflag:s20] =	ssyncadd.s32 $0xFFFFC000  }
0x52e: {  	_ =	swait.ge [sflag:s7], $0x2000  }
0x52f: {  	[sflag:s7] =	ssyncset.done $0x0  }
0x530: {  	[sflag:s7] =	ssyncadd.s32 $0xFFFFE000  }
0x531: {  	_ =	swait.ge [sflag:s3], $0x2000  }
0x532: {  	[sflag:s3] =	ssyncset.done $0x0  }
0x533: {  	[sflag:s3] =	ssyncadd.s32 $0xFFFFE000  }
0x534: {  	[tilespmem:s19], [sflag:$0x1] =	stream.indirect.gather [hbm4b:s1+s23], $0x80, s9, s23, $0xb8;
	[tilespmem:$0x1D000] =	vst v63  }
0x535: {  	_ = 	snop  }
0x536: {  	[tilespmem:s25], [sflag:$0x2] =	stream.indirect.gather [hbm4b:s1+s23], $0x80, s10, s23, $0xb8;
	[tilespmem:$0x1D000] =	vst v63  }
0x537: {  	_ = 	snop  }
0x538: {  	[spmem:s4] =	stream.indirect.scatter.add.f32 [tilespmem:s30], [sflag:$0x5], $0x80, s11, s6, $0xb8;
	[tilespmem:$0x1D000] =	vst v63  }
0x539: {  	_ =	swait.ge [sflag:s20], $0x4000  }
0x53a: {  	[sflag:s20] =	ssyncset.done $0x0  }
0x53b: {  	[sflag:s20] =	ssyncadd.s32 $0xFFFFC000  }
0x53c: {  	_ =	swait.ge [sflag:s26], $0x2000  }
0x53d: {  	[sflag:s26] =	ssyncset.done $0x0  }
0x53e: {  	[sflag:s26] =	ssyncadd.s32 $0xFFFFE000  }
0x53f: {  	_ =	swait.ge [sflag:s28], $0x2000  }
0x540: {  	[sflag:s28] =	ssyncset.done $0x0  }
0x541: {  	[sflag:s28] =	ssyncadd.s32 $0xFFFFE000  }
0x542: {  	[tilespmem:s30], [sflag:$0x3] =	stream.indirect.gather [hbm4b:s1+s23], $0x80, s12, s23, $0xb8;
	[tilespmem:$0x1D000] =	vst v63  }
0x543: {  	_ = 	snop  }
0x544: {  	[tilespmem:s0], [sflag:$0x4] =	stream.indirect.gather [hbm4b:s1+s23], $0x80, s24, s23, $0xb8;
	[tilespmem:$0x1D000] =	vst v63  }
0x545: {  	_ = 	snop  }
0x546: {  	[spmem:s4] =	stream.indirect.scatter.add.f32 [tilespmem:s19], [sflag:$0x5], $0x80, s29, s6, $0xb8;
	[tilespmem:$0x1D000] =	vst v63  }
0x547: {  	_ =	swait.ge [sflag:s20], $0x4000  }
0x548: {  	[sflag:s20] =	ssyncset.done $0x0  }
0x549: {  	[sflag:s20] =	ssyncadd.s32 $0xFFFFC000  }
0x54a: {  	_ =	swait.ge [sflag:s7], $0x2000  }
0x54b: {  	[sflag:s7] =	ssyncset.done $0x0  }
0x54c: {  	[sflag:s7] =	ssyncadd.s32 $0xFFFFE000  }
0x54d: {  	_ =	swait.ge [sflag:s3], $0x2000  }
0x54e: {  	[sflag:s3] =	ssyncset.done $0x0  }
0x54f: {  	[sflag:s3] =	ssyncadd.s32 $0xFFFFE000  }
0x550: {  	[tilespmem:s19], [sflag:$0x1] =	stream.indirect.gather [hbm4b:s1+s23], $0x80, s31, s23, $0xb8;
	[tilespmem:$0x1D000] =	vst v63  }
0x551: {  	_ = 	snop  }
0x552: {  	[tilespmem:s25], [sflag:$0x2] =	stream.indirect.gather [hbm4b:s1+s23], $0x80, s13, s23, $0xb8;
	[tilespmem:$0x1D000] =	vst v63  }
0x553: {  	s18 =	simm.s32 $0x1C980  }
0x554: {  	[spmem:s4] =	stream.indirect.scatter.add.f32 [tilespmem:s30], [sflag:$0x5], $0x80, s18, s6, $0xb8;
	[tilespmem:$0x1D000] =	vst v63  }
0x555: {  	_ =	swait.ge [sflag:s20], $0x4000  }
0x556: {  	[sflag:s20] =	ssyncset.done $0x0  }
0x557: {  	[sflag:s20] =	ssyncadd.s32 $0xFFFFC000  }
0x558: {  	_ =	swait.ge [sflag:s26], $0x2000  }
0x559: {  	[sflag:s26] =	ssyncset.done $0x0  }
0x55a: {  	[sflag:s26] =	ssyncadd.s32 $0xFFFFE000  }
0x55b: {  	_ =	swait.ge [sflag:s28], $0x2000  }
0x55c: {  	[sflag:s28] =	ssyncset.done $0x0  }
0x55d: {  	s24 =	simm.s32 $0x1C280;
	[sflag:s28] =	ssyncadd.s32 $0xFFFFE000  }
0x55e: {  	[tilespmem:s30], [sflag:$0x3] =	stream.indirect.gather [hbm4b:s1+s23], $0x80, s24, s23, $0xb8;
	[tilespmem:$0x1D000] =	vst v63  }
0x55f: {  	s9 =	simm.s32 $0x1C2C0  }
0x560: {  	[tilespmem:s0], [sflag:$0x4] =	stream.indirect.gather [hbm4b:s1+s23], $0x80, s9, s23, $0xb8;
	[tilespmem:$0x1D000] =	vst v63  }
0x561: {  	s10 =	simm.s32 $0x1CA00  }
0x562: {  	[spmem:s4] =	stream.indirect.scatter.add.f32 [tilespmem:s19], [sflag:$0x5], $0x80, s10, s6, $0xb8;
	[tilespmem:$0x1D000] =	vst v63  }
0x563: {  	_ =	swait.ge [sflag:s20], $0x4000  }
0x564: {  	[sflag:s20] =	ssyncset.done $0x0  }
0x565: {  	[sflag:s20] =	ssyncadd.s32 $0xFFFFC000  }
0x566: {  	_ =	swait.ge [sflag:s7], $0x2000  }
0x567: {  	[sflag:s7] =	ssyncset.done $0x0  }
0x568: {  	[sflag:s7] =	ssyncadd.s32 $0xFFFFE000  }
0x569: {  	_ =	swait.ge [sflag:s3], $0x2000  }
0x56a: {  	[sflag:s3] =	ssyncset.done $0x0  }
0x56b: {  	s11 =	simm.s32 $0x1C300;
	[sflag:s3] =	ssyncadd.s32 $0xFFFFE000  }
0x56c: {  	[tilespmem:s19], [sflag:$0x1] =	stream.indirect.gather [hbm4b:s1+s23], $0x80, s11, s23, $0xb8;
	[tilespmem:$0x1D000] =	vst v63  }
0x56d: {  	s12 =	simm.s32 $0x1C340  }
0x56e: {  	[tilespmem:s25], [sflag:$0x2] =	stream.indirect.gather [hbm4b:s1+s23], $0x80, s12, s23, $0xb8;
	[tilespmem:$0x1D000] =	vst v63  }
0x56f: {  	s13 =	simm.s32 $0x1CA80  }
0x570: {  	[spmem:s4] =	stream.indirect.scatter.add.f32 [tilespmem:s30], [sflag:$0x5], $0x80, s13, s6, $0xb8;
	[tilespmem:$0x1D000] =	vst v63  }
0x571: {  	_ =	swait.ge [sflag:s20], $0x4000  }
0x572: {  	[sflag:s20] =	ssyncset.done $0x0  }
0x573: {  	[sflag:s20] =	ssyncadd.s32 $0xFFFFC000  }
0x574: {  	_ =	swait.ge [sflag:s26], $0x2000  }
0x575: {  	[sflag:s26] =	ssyncset.done $0x0  }
0x576: {  	[sflag:s26] =	ssyncadd.s32 $0xFFFFE000  }
0x577: {  	_ =	swait.ge [sflag:s28], $0x2000  }
0x578: {  	[sflag:s28] =	ssyncset.done $0x0  }
0x579: {  	s14 =	simm.s32 $0x1C380;
	[sflag:s28] =	ssyncadd.s32 $0xFFFFE000  }
0x57a: {  	[tilespmem:s30], [sflag:$0x3] =	stream.indirect.gather [hbm4b:s1+s23], $0x80, s14, s23, $0xb8;
	[tilespmem:$0x1D000] =	vst v63  }
0x57b: {  	s15 =	simm.s32 $0x1C3C0  }
0x57c: {  	[tilespmem:s0], [sflag:$0x4] =	stream.indirect.gather [hbm4b:s1+s23], $0x80, s15, s23, $0xb8;
	[tilespmem:$0x1D000] =	vst v63  }
0x57d: {  	s16 =	simm.s32 $0x1CB00  }
0x57e: {  	[spmem:s4] =	stream.indirect.scatter.add.f32 [tilespmem:s19], [sflag:$0x5], $0x80, s16, s6, $0xb8;
	[tilespmem:$0x1D000] =	vst v63  }
0x57f: {  	_ =	swait.ge [sflag:s20], $0x4000  }
0x580: {  	[sflag:s20] =	ssyncset.done $0x0  }
0x581: {  	[sflag:s20] =	ssyncadd.s32 $0xFFFFC000  }
0x582: {  	_ =	swait.ge [sflag:s7], $0x2000  }
0x583: {  	[sflag:s7] =	ssyncset.done $0x0  }
0x584: {  	[sflag:s7] =	ssyncadd.s32 $0xFFFFE000  }
0x585: {  	_ =	swait.ge [sflag:s3], $0x2000  }
0x586: {  	[sflag:s3] =	ssyncset.done $0x0  }
0x587: {  	s17 =	simm.s32 $0x1C400;
	[sflag:s3] =	ssyncadd.s32 $0xFFFFE000  }
0x588: {  	[tilespmem:s19], [sflag:$0x1] =	stream.indirect.gather [hbm4b:s1+s23], $0x80, s17, s23, $0xb8;
	[tilespmem:$0x1D000] =	vst v63  }
0x589: {  	s18 =	simm.s32 $0x1C440  }
0x58a: {  	[tilespmem:s25], [sflag:$0x2] =	stream.indirect.gather [hbm4b:s1+s23], $0x80, s18, s23, $0xb8;
	[tilespmem:$0x1D000] =	vst v63  }
0x58b: {  	s24 =	simm.s32 $0x1CB80  }
0x58c: {  	[spmem:s4] =	stream.indirect.scatter.add.f32 [tilespmem:s30], [sflag:$0x5], $0x80, s24, s6, $0xb8;
	[tilespmem:$0x1D000] =	vst v63  }
0x58d: {  	_ =	swait.ge [sflag:s20], $0x4000  }
0x58e: {  	[sflag:s20] =	ssyncset.done $0x0  }
0x58f: {  	[sflag:s20] =	ssyncadd.s32 $0xFFFFC000  }
0x590: {  	_ =	swait.ge [sflag:s26], $0x2000  }
0x591: {  	[sflag:s26] =	ssyncset.done $0x0  }
0x592: {  	[sflag:s26] =	ssyncadd.s32 $0xFFFFE000  }
0x593: {  	_ =	swait.ge [sflag:s28], $0x2000  }
0x594: {  	[sflag:s28] =	ssyncset.done $0x0  }
0x595: {  	s9 =	simm.s32 $0x1C480;
	[sflag:s28] =	ssyncadd.s32 $0xFFFFE000  }
0x596: {  	[tilespmem:s30], [sflag:$0x3] =	stream.indirect.gather [hbm4b:s1+s23], $0x80, s9, s23, $0xb8;
	[tilespmem:$0x1D000] =	vst v63  }
0x597: {  	s10 =	simm.s32 $0x1C4C0  }
0x598: {  	[tilespmem:s0], [sflag:$0x4] =	stream.indirect.gather [hbm4b:s1+s23], $0x80, s10, s23, $0xb8;
	[tilespmem:$0x1D000] =	vst v63  }
0x599: {  	s11 =	simm.s32 $0x1CC00  }
0x59a: {  	[spmem:s4] =	stream.indirect.scatter.add.f32 [tilespmem:s19], [sflag:$0x5], $0x80, s11, s6, $0xb8;
	[tilespmem:$0x1D000] =	vst v63  }
0x59b: {  	_ =	swait.ge [sflag:s20], $0x4000  }
0x59c: {  	[sflag:s20] =	ssyncset.done $0x0  }
0x59d: {  	[sflag:s20] =	ssyncadd.s32 $0xFFFFC000  }
0x59e: {  	_ =	swait.ge [sflag:s7], $0x2000  }
0x59f: {  	[sflag:s7] =	ssyncset.done $0x0  }
0x5a0: {  	[sflag:s7] =	ssyncadd.s32 $0xFFFFE000  }
0x5a1: {  	_ =	swait.ge [sflag:s3], $0x2000  }
0x5a2: {  	[sflag:s3] =	ssyncset.done $0x0  }
0x5a3: {  	s12 =	simm.s32 $0x1C500;
	[sflag:s3] =	ssyncadd.s32 $0xFFFFE000  }
0x5a4: {  	[tilespmem:s19], [sflag:$0x1] =	stream.indirect.gather [hbm4b:s1+s23], $0x80, s12, s23, $0xb8;
	[tilespmem:$0x1D000] =	vst v63  }
0x5a5: {  	s13 =	simm.s32 $0x1C540  }
0x5a6: {  	[tilespmem:s25], [sflag:$0x2] =	stream.indirect.gather [hbm4b:s1+s23], $0x80, s13, s23, $0xb8;
	[tilespmem:$0x1D000] =	vst v63  }
0x5a7: {  	s14 =	simm.s32 $0x1CC80  }
0x5a8: {  	[spmem:s4] =	stream.indirect.scatter.add.f32 [tilespmem:s30], [sflag:$0x5], $0x80, s14, s6, $0xb8;
	[tilespmem:$0x1D000] =	vst v63  }
0x5a9: {  	_ =	swait.ge [sflag:s20], $0x4000  }
0x5aa: {  	[sflag:s20] =	ssyncset.done $0x0  }
0x5ab: {  	[sflag:s20] =	ssyncadd.s32 $0xFFFFC000  }
0x5ac: {  	_ =	swait.ge [sflag:s26], $0x2000  }
0x5ad: {  	[sflag:s26] =	ssyncset.done $0x0  }
0x5ae: {  	[sflag:s26] =	ssyncadd.s32 $0xFFFFE000  }
0x5af: {  	_ =	swait.ge [sflag:s28], $0x2000  }
0x5b0: {  	[sflag:s28] =	ssyncset.done $0x0  }
0x5b1: {  	s15 =	simm.s32 $0x1C580;
	[sflag:s28] =	ssyncadd.s32 $0xFFFFE000  }
0x5b2: {  	[tilespmem:s30], [sflag:$0x3] =	stream.indirect.gather [hbm4b:s1+s23], $0x80, s15, s23, $0xb8;
	[tilespmem:$0x1D000] =	vst v63  }
0x5b3: {  	s16 =	simm.s32 $0x1C5C0  }
0x5b4: {  	[tilespmem:s0], [sflag:$0x4] =	stream.indirect.gather [hbm4b:s1+s23], $0x80, s16, s23, $0xb8;
	[tilespmem:$0x1D000] =	vst v63  }
0x5b5: {  	s17 =	simm.s32 $0x1CD00  }
0x5b6: {  	[spmem:s4] =	stream.indirect.scatter.add.f32 [tilespmem:s19], [sflag:$0x5], $0x80, s17, s6, $0xb8;
	[tilespmem:$0x1D000] =	vst v63  }
0x5b7: {  	_ =	swait.ge [sflag:s20], $0x4000  }
0x5b8: {  	[sflag:s20] =	ssyncset.done $0x0  }
0x5b9: {  	[sflag:s20] =	ssyncadd.s32 $0xFFFFC000  }
0x5ba: {  	_ =	swait.ge [sflag:s7], $0x2000  }
0x5bb: {  	[sflag:s7] =	ssyncset.done $0x0  }
0x5bc: {  	[sflag:s7] =	ssyncadd.s32 $0xFFFFE000  }
0x5bd: {  	_ =	swait.ge [sflag:s3], $0x2000  }
0x5be: {  	[sflag:s3] =	ssyncset.done $0x0  }
0x5bf: {  	s18 =	simm.s32 $0x1C600;
	[sflag:s3] =	ssyncadd.s32 $0xFFFFE000  }
0x5c0: {  	[tilespmem:s19], [sflag:$0x1] =	stream.indirect.gather [hbm4b:s1+s23], $0x80, s18, s23, $0xb8;
	[tilespmem:$0x1D000] =	vst v63  }
0x5c1: {  	s24 =	simm.s32 $0x1C640  }
0x5c2: {  	[tilespmem:s25], [sflag:$0x2] =	stream.indirect.gather [hbm4b:s1+s23], $0x80, s24, s23, $0xb8;
	[tilespmem:$0x1D000] =	vst v63  }
0x5c3: {  	s9 =	simm.s32 $0x1CD80  }
0x5c4: {  	[spmem:s4] =	stream.indirect.scatter.add.f32 [tilespmem:s30], [sflag:$0x5], $0x80, s9, s6, $0xb8;
	[tilespmem:$0x1D000] =	vst v63  }
0x5c5: {  	_ =	swait.ge [sflag:s20], $0x4000  }
0x5c6: {  	[sflag:s20] =	ssyncset.done $0x0  }
0x5c7: {  	[sflag:s20] =	ssyncadd.s32 $0xFFFFC000  }
0x5c8: {  	_ =	swait.ge [sflag:s26], $0x2000  }
0x5c9: {  	[sflag:s26] =	ssyncset.done $0x0  }
0x5ca: {  	[sflag:s26] =	ssyncadd.s32 $0xFFFFE000  }
0x5cb: {  	_ =	swait.ge [sflag:s28], $0x2000  }
0x5cc: {  	[sflag:s28] =	ssyncset.done $0x0  }
0x5cd: {  	s10 =	simm.s32 $0x1C680;
	[sflag:s28] =	ssyncadd.s32 $0xFFFFE000  }
0x5ce: {  	[tilespmem:s30], [sflag:$0x3] =	stream.indirect.gather [hbm4b:s1+s23], $0x80, s10, s23, $0xb8;
	[tilespmem:$0x1D000] =	vst v63  }
0x5cf: {  	s11 =	simm.s32 $0x1C6C0  }
0x5d0: {  	[tilespmem:s0], [sflag:$0x4] =	stream.indirect.gather [hbm4b:s1+s23], $0x80, s11, s23, $0xb8;
	[tilespmem:$0x1D000] =	vst v63  }
0x5d1: {  	s12 =	simm.s32 $0x1CE00  }
0x5d2: {  	[spmem:s4] =	stream.indirect.scatter.add.f32 [tilespmem:s19], [sflag:$0x5], $0x80, s12, s6, $0xb8;
	[tilespmem:$0x1D000] =	vst v63  }
0x5d3: {  	_ =	swait.ge [sflag:s20], $0x4000  }
0x5d4: {  	[sflag:s20] =	ssyncset.done $0x0  }
0x5d5: {  	[sflag:s20] =	ssyncadd.s32 $0xFFFFC000  }
0x5d6: {  	_ =	swait.ge [sflag:s7], $0x2000  }
0x5d7: {  	[sflag:s7] =	ssyncset.done $0x0  }
0x5d8: {  	[sflag:s7] =	ssyncadd.s32 $0xFFFFE000  }
0x5d9: {  	_ =	swait.ge [sflag:s3], $0x2000  }
0x5da: {  	[sflag:s3] =	ssyncset.done $0x0  }
0x5db: {  	s13 =	simm.s32 $0x1C700;
	[sflag:s3] =	ssyncadd.s32 $0xFFFFE000  }
0x5dc: {  	[tilespmem:s19], [sflag:$0x1] =	stream.indirect.gather [hbm4b:s1+s23], $0x80, s13, s23, $0xb8;
	[tilespmem:$0x1D000] =	vst v63  }
0x5dd: {  	s14 =	simm.s32 $0x1C740  }
0x5de: {  	[tilespmem:s25], [sflag:$0x2] =	stream.indirect.gather [hbm4b:s1+s23], $0x80, s14, s23, $0xb8;
	[tilespmem:$0x1D000] =	vst v63  }
0x5df: {  	s15 =	simm.s32 $0x1CE80  }
0x5e0: {  	[spmem:s4] =	stream.indirect.scatter.add.f32 [tilespmem:s30], [sflag:$0x5], $0x80, s15, s6, $0xb8;
	[tilespmem:$0x1D000] =	vst v63  }
0x5e1: {  	_ =	swait.ge [sflag:s20], $0x4000  }
0x5e2: {  	[sflag:s20] =	ssyncset.done $0x0  }
0x5e3: {  	[sflag:s20] =	ssyncadd.s32 $0xFFFFC000  }
0x5e4: {  	_ =	swait.ge [sflag:s26], $0x2000  }
0x5e5: {  	[sflag:s26] =	ssyncset.done $0x0  }
0x5e6: {  	[sflag:s26] =	ssyncadd.s32 $0xFFFFE000  }
0x5e7: {  	_ =	swait.ge [sflag:s28], $0x2000  }
0x5e8: {  	[sflag:s28] =	ssyncset.done $0x0  }
0x5e9: {  	s16 =	simm.s32 $0x1C780;
	[sflag:s28] =	ssyncadd.s32 $0xFFFFE000  }
0x5ea: {  	[tilespmem:s30], [sflag:$0x3] =	stream.indirect.gather [hbm4b:s1+s23], $0x80, s16, s23, $0xb8;
	[tilespmem:$0x1D000] =	vst v63  }
0x5eb: {  	s17 =	simm.s32 $0x1C7C0  }
0x5ec: {  	[tilespmem:s0], [sflag:$0x4] =	stream.indirect.gather [hbm4b:s1+s23], $0x80, s17, s23, $0xb8;
	[tilespmem:$0x1D000] =	vst v63  }
0x5ed: {  	s18 =	simm.s32 $0x1CF00  }
0x5ee: {  	[spmem:s4] =	stream.indirect.scatter.add.f32 [tilespmem:s19], [sflag:$0x5], $0x80, s18, s6, $0xb8;
	[tilespmem:$0x1D000] =	vst v63  }
0x5ef: {  	_ =	swait.ge [sflag:s20], $0x4000  }
0x5f0: {  	[sflag:s20] =	ssyncset.done $0x0  }
0x5f1: {  	[sflag:s20] =	ssyncadd.s32 $0xFFFFC000  }
0x5f2: {  	_ =	swait.ge [sflag:s7], $0x2000  }
0x5f3: {  	[sflag:s7] =	ssyncset.done $0x0  }
0x5f4: {  	s8 =	simm.s32 $0x1C0C0;
	[sflag:s7] =	ssyncadd.s32 $0xFFFFE000  }
0x5f5: {  	s29 =	simm.s32 $0x1C200;
	s24 =	simm.s32 $0x1CF80;
	_ =	swait.ge [sflag:s3], $0x2000  }
0x5f6: {  	s9 =	simm.s32 $0x1C100;
	s10 =	simm.s32 $0x1C140;
	[sflag:s3] =	ssyncset.done $0x0  }
.Ltmp8:
0x5f7: {  	s11 =	simm.s32 $0x1C880;
	[sflag:s3] =	ssyncadd.s32 $0xFFFFE000;
	(pc) =	sbr.rel .LBB2_10-.Ltmp8, $4  }
0x5f8: {  	[spmem:s4] =	stream.indirect.scatter.add.f32 [tilespmem:s30], [sflag:$0x5], $0x80, s24, s6, $0xb8;
	[tilespmem:$0x1D000] =	vst v63  }
0x5f9: {  	s12 =	simm.s32 $0x1C180;
	s13 =	simm.s32 $0x1C240;
	_ =	swait.ge [sflag:s20], $0x4000  }
0x5fa: {  	s18 =	simm.s32 $0x1C1C0;
	[sflag:s20] =	ssyncset.done $0x0;
	s14 =	rddreg [dreg:$0x9]  }
0x5fb: {  	s24 =	simm.s32 $0x1C900;
	s31 =	rddreg [dreg:$0x16];
	[sflag:s20] =	ssyncadd.s32 $0xFFFFC000  }
.LBB2_11:
0x5fc: {  	_ =	sfence.sel $0x180000  }
0x5fd: {  	[bflag:$0x0] =	sbarrier.arrive $0xFFFF  }
0x5fe: {  	_ =	strace $0x9000004A  }
0x5ff: {  	s0 =	stileid.u32;
	[bflag:$0x2] =	sbarrier.arrive $0xFFFF  }
0x600: {  	p0 =	sne.s32 s0, $0x0;
	s0 =	rddreg [dreg:$0x4]  }
0x601: {  	s0 =	sadd.s32 @!p0 $0x100000, s0  }
0x602: {  	[sflag:s0] =	ssyncadd.tile.s32 @!p0 $0x1;
	_ =	shalt  }
.Lfunc_end2:
_tile_overlayer_lowered:
.L_overlay_start_2:
0x603: {  	(tag) =	ssettag $0x2  }
0x604: {  	s0 =	rddreg [dreg:$0x0];
	s2 =	stileid.u32  }
0x605: {  	s1 =	rddreg [dreg:$0x1];
	p0 =	sne.s32 s2, $0x0  }
0x606: {  	s3 =	rddreg [dreg:$0x2];
	[bflag:$0x3] =	sbarrier.arrive $0xFFFF;
	s2 =	simm.s32 @!p0 $0x1C05  }
0x607: {  	[timem:s3], [sflag:s2] =	dma.local @!p0 [hbm:s0], s1  }
0x608: {  	s0 =	simm.s32 @!p0 $0x5  }
0x609: {  	_ =	swait.ge @!p0 [sflag:s0], s1  }
0x60a: {  	s1 =	ssub.s32 @!p0 $0x0, s1;
	[sflag:s0] =	ssyncset.done @!p0 $0x0  }
0x60b: {  	[sflag:s0] =	ssyncadd.s32 @!p0 s1  }
0x60c: {  	[bflag:$0x3] =	sbarrier.arrive $0xFFFF  }
0x60d: {  	_ =	shalt  }

// kernel: kernel.8.cloned.1.call-start
scs
__scs_entry_jumppad:
0x0: {  	(pc) =	sbr.rel $0x88, $3  }
0x1: {  	(tag) =	ssettag $0x0;
	lr =	simm.s32 $0x1  }
0x2: {  	[smem:$0x3F9B] =	sst lr;
	_ =	strace $0xD0000000  }
0x3: {  	_ = 	snop  }
0x4: {  	_ = 	snop  }
0x5: {  	_ = 	snop  }
0x6: {  	_ = 	snop  }
0x7: {  	_ = 	snop  }
__scs_overlays_trampoline_lowered:
0x8: {  	[smem:$0x3FAA] =	sst s0  }
0x9: {  	[smem:$0x3FAB] =	sst s1  }
0xa: {  	[smem:$0x3FAC] =	sst s2  }
0xb: {  	[smem:$0x3FAD] =	sst s3  }
0xc: {  	[smem:$0x3FAE] =	sst s4  }
0xd: {  	[smem:$0x3FAF] =	sst s5  }
0xe: {  	[smem:$0x3FB0] =	sst s6  }
0xf: {  	[smem:$0x3FB1] =	sst s7  }
0x10: {  	[smem:$0x3FB2] =	sst s8  }
0x11: {  	[smem:$0x3FB3] =	sst s9;
	s0 =	simm.s32 @!p0 $0x0  }
0x12: {  	s1 =	sld [smem:$0x3F99];
	s0 =	simm.s32 @p0 $0x1  }
0x13: {  	[smem:$0x3FB4] =	sst s0;
	s0 =	simm.s32 @!p1 $0x0  }
0x14: {  	s2 =	sld [smem:$0x3F98];
	s0 =	simm.s32 @p1 $0x1  }
0x15: {  	[smem:$0x3FB5] =	sst s0;
	s0 =	simm.s32 @!p2 $0x0  }
0x16: {  	s3 =	sld [smem:$0x3FDB];
	s0 =	simm.s32 @p2 $0x1  }
0x17: {  	s4 =	simm.s32 $0x1BF5;
	[smem:$0x3FB7] =	sst s0  }
0x18: {  	s0 =	sld [smem:$0x3F9A];
	_ =	swait.ge [sflag:s4], $0x0  }
0x19: {  	s7 =	sld [smem:$0x3F9B]  }
0x1a: {  	s8 =	sadd.s32 $0xFFFFE003, lr  }
0x1b: {  	s9 =	sadd.s32 $0xFFFFFEF7, lr;
	s5 =	simm.s32 $0xFFFFFFFF;
	p2 =	slt.u32 s8, $0xFFFFF086  }
0x1c: {  	p1 =	slt.u32 s9, $0xF7A;
	s5 =	simm.s32 @!p2 $0x0  }
0x1d: {  	s5 =	simm.s32 @p1 $0x1;
	p0 =	seq.s32 s7, s2  }
0x1e: {  	s7 =	smul.u32 @!p0 $0xF7A, s2;
	p2 =	seq.s32 @!p0 s5, $0x0  }
0x1f: {  	s9 =	smul.u32 $0xF7A, s1;
	s8 =	simm.s32 @!p0 $0x1BF5;
	p2 =	por !p2, p0  }
0x20: {  	[sflag:s8] =	ssyncset.s32 @!p0 $0xFFFFF086;
	s6 =	sadd.s32 @!p0 s3, s7;
	s7 =	simm.s32 @!p0 $0x108  }
0x21: {  	s3 =	sadd.s32 s3, s9;
	s6 =	sadd.s32 @!p0 $0x88, s6;
	s7 =	simm.s32 @p2 $0x1082  }
0x22: {  	[simem:s7], [sflag:s8] =	dma.local @!p0 [hbm:s6], $0xF7A  }
0x23: {  	s9 =	sor.u32 $0xD0000000, s2;
	s6 =	simm.s32 $0x108;
	_ =	swait.ge @!p0 [sflag:s8], $0x0  }
0x24: {  	s3 =	sadd.s32 $0x88, s3;
	s6 =	simm.s32 @!p1 $0x1082;
	[sflag:s4] =	ssyncset.s32 $0xFFFFF086  }
0x25: {  	[simem:s6], [sflag:s4] =	dma.local [hbm:s3], $0xF7A  }
0x26: {  	[smem:$0x3F9B] =	sst s1;
	(tag) =	ssettag s2;
	_ =	strace s9  }
0x27: {  	s1 =	sld [smem:$0x3FAB]  }
0x28: {  	s2 =	sld [smem:$0x3FAC]  }
0x29: {  	s4 =	sld [smem:$0x3FAE]  }
0x2a: {  	p0 =	seq.s32 s5, $0x0;
	s5 =	sld [smem:$0x3FAF]  }
0x2b: {  	s6 =	sld [smem:$0x3FB0]  }
0x2c: {  	s7 =	sld [smem:$0x3FB1]  }
0x2d: {  	s3 =	simm.s32 $0x108;
	s8 =	sld [smem:$0x3FB2]  }
0x2e: {  	s3 =	simm.s32 @!p0 $0x1082;
	s9 =	sld [smem:$0x3FB3]  }
0x2f: {  	lr =	sadd.s32 s0, s3;
	s0 =	sld [smem:$0x3FAA]  }
0x30: {  	s3 =	sld [smem:$0x3FAD]  }
0x31: {  	[smem:$0x3FB6] =	sst s10  }
0x32: {  	s10 =	sld [smem:$0x3FB4];
	_ =	sdelay $0x3  }
0x33: {  	p0 =	seq.s32 s10, $0x1;
	s10 =	sld [smem:$0x3FB6];
	_ =	sdelay $0x3  }
0x34: {  	[smem:$0x3FB6] =	sst s10  }
0x35: {  	s10 =	sld [smem:$0x3FB5];
	_ =	sdelay $0x3  }
0x36: {  	p1 =	seq.s32 s10, $0x1;
	s10 =	sld [smem:$0x3FB6];
	_ =	sdelay $0x3  }
0x37: {  	[smem:$0x3FB6] =	sst s10  }
0x38: {  	s10 =	sld [smem:$0x3FB7]  }
0x39: {  	_ = 	snop;
	(pc) =	sbr.ind lr, $3  }
0x3a: {  	_ = 	snop  }
0x3b: {  	_ = 	snop  }
0x3c: {  	p2 =	seq.s32 s10, $0x1;
	s10 =	sld [smem:$0x3FB6]  }
0x3d: {  	_ =	shalt  }
0x3e: {  	_ =	shalt  }
0x3f: {  	_ =	shalt  }
0x40: {  	_ =	shalt  }
0x41: {  	_ =	shalt  }
0x42: {  	_ =	shalt  }
0x43: {  	_ =	shalt  }
0x44: {  	_ =	shalt  }
0x45: {  	_ =	shalt  }
0x46: {  	_ =	shalt  }
0x47: {  	_ =	shalt  }
0x48: {  	_ =	shalt  }
0x49: {  	_ =	shalt  }
0x4a: {  	_ =	shalt  }
0x4b: {  	_ =	shalt  }
0x4c: {  	_ =	shalt  }
0x4d: {  	_ =	shalt  }
0x4e: {  	_ =	shalt  }
0x4f: {  	_ =	shalt  }
0x50: {  	_ =	shalt  }
0x51: {  	_ =	shalt  }
0x52: {  	_ =	shalt  }
0x53: {  	_ =	shalt  }
0x54: {  	_ =	shalt  }
0x55: {  	_ =	shalt  }
0x56: {  	_ =	shalt  }
0x57: {  	_ =	shalt  }
0x58: {  	_ =	shalt  }
0x59: {  	_ =	shalt  }
0x5a: {  	_ =	shalt  }
0x5b: {  	_ =	shalt  }
0x5c: {  	_ =	shalt  }
0x5d: {  	_ =	shalt  }
0x5e: {  	_ =	shalt  }
0x5f: {  	_ =	shalt  }
0x60: {  	_ =	shalt  }
0x61: {  	_ =	shalt  }
0x62: {  	_ =	shalt  }
0x63: {  	_ =	shalt  }
0x64: {  	_ =	shalt  }
0x65: {  	_ =	shalt  }
0x66: {  	_ =	shalt  }
0x67: {  	_ =	shalt  }
0x68: {  	_ =	shalt  }
0x69: {  	_ =	shalt  }
0x6a: {  	_ =	shalt  }
0x6b: {  	_ =	shalt  }
0x6c: {  	_ =	shalt  }
0x6d: {  	_ =	shalt  }
0x6e: {  	_ =	shalt  }
0x6f: {  	_ =	shalt  }
0x70: {  	_ =	shalt  }
0x71: {  	_ =	shalt  }
0x72: {  	_ =	shalt  }
0x73: {  	_ =	shalt  }
0x74: {  	_ =	shalt  }
0x75: {  	_ =	shalt  }
0x76: {  	_ =	shalt  }
0x77: {  	_ =	shalt  }
0x78: {  	_ =	shalt  }
0x79: {  	_ =	shalt  }
0x7a: {  	_ =	shalt  }
0x7b: {  	_ =	shalt  }
0x7c: {  	_ =	shalt  }
0x7d: {  	_ =	shalt  }
0x7e: {  	_ =	shalt  }
0x7f: {  	_ =	shalt  }
0x80: {  	_ =	shalt  }
0x81: {  	_ =	shalt  }
0x82: {  	_ =	shalt  }
0x83: {  	_ =	shalt  }
0x84: {  	_ =	shalt  }
0x85: {  	_ =	shalt  }
0x86: {  	_ =	shalt  }
0x87: {  	_ =	shalt  }
.Lfunc_end0:
.L_simem_size_0:
called_computation_lowered:
.L_overlay_start_0:
0x88: {  	s2 =	sld [smem:$0x3FD9]  }
0x89: {  	s3 =	sld [smem:$0x3FFE];
	_ =	sdelay $0x1  }
0x8a: {  	s1 =	srdreg.scid  }
0x8b: {  	s0 =	sand.u32 $0x1, s1  }
0x8c: {  	s16 =	sshll.u32 s0, $0xA;
	s2 =	sadd.s32 s3, s2  }
0x8d: {  	s2 =	sadd.s32 s2, s16  }
0x8e: {  	[smem:$0x3FC2] =	sst s2  }
0x8f: {  	_ = 	snop  }
0x90: {  	(tm) =	ssettm $0x1  }
0x91: {  	s17 =	sld [smem:$0x3FFB];
	_ =	sdelay $0x3  }
0x92: {  	_ =	strace s17  }
0x93: {  	s2 =	sld [smem:$0x3FFC];
	_ =	sdelay $0x3  }
0x94: {  	_ =	strace s2  }
0x95: {  	s2 =	sld [smem:$0x3FFD];
	_ =	sdelay $0x3  }
0x96: {  	_ =	strace s2  }
0x97: {  	_ =	strace $0x8FFFFFFF  }
0x98: {  	s18 =	sld [smem:$0x3FDB];
	_ =	sdelay $0x1  }
0x99: {  	s19 =	simm.s32 $_scs_section_size  }
0x9a: {  	s4 =	simm.s32 $_size__tile_overlayer_lowered;
	s5 =	simm.s32 $_tile_overlayer_lowered  }
0x9b: {  	s22 =	simm.s32 $0x1BFF;
	s21 =	sshll.u32 s5, $0x1;
	s2 =	sadd.s32 s19, s18  }
0x9c: {  	s6 =	simm.s32 $0x0;
	s20 =	sshll.u32 s4, $0x1;
	s4 =	sadd.s32 s21, s2  }
0x9d: {  	[timem:s6], [sflag:s22] =	dma.local [hbm:s4], s20  }
0x9e: {  	_ =	swait.ge [sflag:s22], s20  }
0x9f: {  	s3 =	ssub.s32 $0x0, s20;
	[sflag:s22] =	ssyncset.done $0x0  }
0xa0: {  	[sflag:s22] =	ssyncadd.s32 s3;
	_ =	sdelay $0x1  }
0xa1: {  	s23 =	simm.s32 $0x1B8B  }
0xa2: {  	_ =	swait.ge [sflag:s23], $0x1  }
0xa3: {  	[sflag:s23] =	ssyncset.done $0x0  }
0xa4: {  	s25 =	simm.s32 $0x1B8E;
	s24 =	sld [smem:$0x3FFE];
	[sflag:s23] =	ssyncadd.s32 $0xFFFFFFFF  }
0xa5: {  	s26 =	simm.s32 $execute0_lowered;
	[smem:$0x3FD2] =	sst s25  }
0xa6: {  	s4 =	sshll.u32 s26, $0x1;
	_ =	strace $0x80000046;
	[dreg:$0x1] =	wrdreg $0xFFFFFFFF  }
0xa7: {  	s28 =	simm.s32 $_size_execute0_lowered;
	s2 =	sadd.s32 s2, s4;
	[dreg:$0x0] =	wrdreg $0x0  }
0xa8: {  	s4 =	sshll.u32 s28, $0x1;
	[dreg:$0x2] =	wrdreg s2  }
0xa9: {  	[dreg:$0x3] =	wrdreg s4  }
0xaa: {  	[dreg:$0x4] =	wrdreg $0xC0  }
0xab: {  	_ =	task [dreg:s6], $0x5FFFF  }
0xac: {  	[dreg:$0x1] =	wrdreg $0xFFFFFFFF  }
0xad: {  	[dreg:$0x0] =	wrdreg $0x60  }
0xae: {  	[dreg:$0x2] =	wrdreg s24  }
0xaf: {  	[dreg:$0x3] =	wrdreg $0x0  }
0xb0: {  	[dreg:$0x4] =	wrdreg $0x9  }
0xb1: {  	_ =	task.clear_ibuf [dreg:s6], $0x5FFFF;
	_ =	strace $0x90000046  }
0xb2: {  	s29 =	simm.s32 $0x9;
	_ =	strace $0x80000048  }
0xb3: {  	_ =	swait.ge [sflag:s29], $0x1  }
0xb4: {  	[sflag:s29] =	ssyncadd.s32 $0xFFFFFFFF  }
0xb5: {  	_ =	strace $0x90000048  }
0xb6: {  	_ =	sfence  }
0xb7: {  	s30 =	sld [smem:$0x0];
	_ =	sdelay $0x2  }
0xb8: {  	s31 =	sshll.u32 s1, $0xD;
	s1 =	sshrl.u32 s1, $0x2  }
0xb9: {  	s3 =	sand.u32 $0x4000, s31;
	s1 =	sadd.s32 s1, s30  }
0xba: {  	s0 =	sor.u32 s3, s0;
	s1 =	sshll.u32 s1, $0x11  }
0xbb: {  	s0 =	sor.u32 s1, s0  }
0xbc: {  	s0 =	sadd.s32 $0x8F2B, s0  }
0xbd: {  	[sflag:s0] =	ssyncadd.remote.s32 $0x1  }
0xbe: {  	_ =	sfence.sel $0xFFFF  }
0xbf: {  	[dreg:$0x0] =	wrdreg $0xFFFFFFFF;
	(pc) =	sbr.abs _section_cstart, $3  }
0xc0: {  	[dreg:$0x1] =	wrdreg $0xFFFFFFFF  }
0xc1: {  	_ =	task.clear_ibuf [dreg:s6], $0x2FFFF;
	_ =	strace $0x9FFFFFFF  }
0xc2: {  	(tm) =	ssettm $0x7FFFFFFF  }
0xc3: {  	_ =	shalt  }
tec
execute0_lowered:
.L_overlay_start_1:
0x0: {  	(tag) =	ssettag $0x1  }
0x1: {  	s0 =	rddreg [dreg:$0x0]  }
0x2: {  	s2 =	rddreg [dreg:$0x1]  }
0x3: {  	s8 =	stileid.u32;
	s3 =	simm.s32 $0x0;
	s4 =	srdreg.scid  }
0x4: {  	s15 =	simm.s32 $0x2800;
	s16 =	simm.s32 $0x1;
	s17 =	simm.s32 $0xA800  }
0x5: {  	s18 =	simm.s32 $0x80;
	s19 =	simm.s32 $0x6800;
	s28 =	simm.s32 $0xAC00  }
0x6: {  	s29 =	simm.s32 $0xAC80;
	s30 =	simm.s32 $0xAD00;
	s1 =	smul.u32 $0xA00, s8  }
0x7: {  	s31 =	simm.s32 $0xAD80;
	[smem:$0x7FF] =	sst s3;
	s5 =	smul.u32 $0x50000, s8  }
0x8: {  	s4 =	sand.u32 $0x1, s4;
	s7 =	sadd.s32 $0x17800, s0;
	s26 =	smul.u32 $0x2800, s8  }
0x9: {  	_ =	strace $0x80000047;
	s6 =	ssub.s32 $0x2, s4;
	[dreg:$0x3] =	wrdreg s7  }
0xa: {  	p0 =	seq.s32 s4, $0x1;
	s4 =	simm.s32 $0xAE80;
	s7 =	simm.s32 $0x0  }
0xb: {  	s1 =	sadd.s32 s1, s0;
	s20 =	sshrl.u32 s6, $0x1;
	s5 =	sshrl.u32 s5, $0x2  }
0xc: {  	s0 =	sadd.s32 $0x3F800, s0;
	[dreg:$0x9] =	wrdreg s26;
	s26 =	simm.s32 $0xAB80  }
0xd: {  	[dreg:$0x4] =	wrdreg s0;
	s21 =	ssub.s32 s6, s20;
	s6 =	sadd.s32 s5, s2  }
0xe: {  	s13 =	sadd.s32 $0x3800, s1;
	s14 =	sadd.s32 $0xD800, s1;
	s20 =	simm.s32 $0xA880  }
0xf: {  	s0 =	simm.s32 $0xAE00;
	s5 =	simm.s32 $0xAF00;
	s22 =	sadd.s32 $0x4000, s6  }
.Ltmp0:
0x10: {  	s23 =	sadd.s32 $0x8000, s6;
	[dreg:$0x5] =	wrdreg s22;
	(pc) =	sbr.rel .LBB2_1-.Ltmp0, $4  }
0x11: {  	s1 =	simm.s32 $0xAF80;
	s24 =	sadd.s32 $0xC000, s6;
	[dreg:$0x6] =	wrdreg s23  }
0x12: {  	s25 =	sadd.s32 $0x10000, s6;
	s12 =	smax.u32 s21, $0x1;
	[dreg:$0x7] =	wrdreg s24  }
0x13: {  	s21 =	simm.s32 $0xA900;
	[dreg:$0x8] =	wrdreg s25;
	s22 =	simm.s32 $0xA980  }
0x14: {  	v0 =	vimm.f32 $0.0e+00;
	v1 =	vimm.f32 $1.000000000e+00;
	s23 =	simm.s32 $0xAA00;
	s24 =	simm.s32 $0xAA80;
	s25 =	simm.s32 $0xAB00  }
.LBB2_8:
0x15: {  	s8 =	sadd.s32 s8, s13;
	[sflag:s16] =	ssyncadd.s32 $0xFFFFF800  }
0x16: {  	[tilespmem:s17], [sflag:$0x1] =	stream.linear.gather [hbm4b:s8+s3], $0x800, $0x38;
	[tilespmem:$0xB000] =	vst v63  }
0x17: {  	_ =	swait.ge [sflag:s16], $0x800  }
0x18: {  	[sflag:s16] =	ssyncset.done $0x0  }
0x19: {  	[sflag:s16] =	ssyncadd.s32 $0xFFFFF800  }
0x1a: {  	[spmem:s2] =	stream.indirect.scatter.add.f32 [tilespmem:s19], [sflag:$0x1], $0x10, s17, s18, $0xb8;
	[tilespmem:$0xB000] =	vst v63  }
0x1b: {  	_ =	swait.ge [sflag:s16], $0x800  }
0x1c: {  	[sflag:s16] =	ssyncset.done $0x0  }
0x1d: {  	[sflag:s16] =	ssyncadd.s32 $0xFFFFF800  }
0x1e: {  	[spmem:s2] =	stream.indirect.scatter.add.f32 [tilespmem:s19], [sflag:$0x1], $0x10, s20, s18, $0xb8;
	[tilespmem:$0xB000] =	vst v63  }
0x1f: {  	_ =	swait.ge [sflag:s16], $0x800  }
0x20: {  	[sflag:s16] =	ssyncset.done $0x0  }
0x21: {  	[sflag:s16] =	ssyncadd.s32 $0xFFFFF800  }
0x22: {  	[spmem:s2] =	stream.indirect.scatter.add.f32 [tilespmem:s19], [sflag:$0x1], $0x10, s21, s18, $0xb8;
	[tilespmem:$0xB000] =	vst v63  }
0x23: {  	_ =	swait.ge [sflag:s16], $0x800  }
0x24: {  	[sflag:s16] =	ssyncset.done $0x0  }
0x25: {  	[sflag:s16] =	ssyncadd.s32 $0xFFFFF800  }
0x26: {  	[spmem:s2] =	stream.indirect.scatter.add.f32 [tilespmem:s19], [sflag:$0x1], $0x10, s22, s18, $0xb8;
	[tilespmem:$0xB000] =	vst v63  }
0x27: {  	_ =	swait.ge [sflag:s16], $0x800  }
0x28: {  	[sflag:s16] =	ssyncset.done $0x0  }
0x29: {  	[sflag:s16] =	ssyncadd.s32 $0xFFFFF800  }
0x2a: {  	[spmem:s2] =	stream.indirect.scatter.add.f32 [tilespmem:s19], [sflag:$0x1], $0x10, s23, s18, $0xb8;
	[tilespmem:$0xB000] =	vst v63  }
0x2b: {  	_ =	swait.ge [sflag:s16], $0x800  }
0x2c: {  	[sflag:s16] =	ssyncset.done $0x0  }
0x2d: {  	[sflag:s16] =	ssyncadd.s32 $0xFFFFF800  }
0x2e: {  	[spmem:s2] =	stream.indirect.scatter.add.f32 [tilespmem:s19], [sflag:$0x1], $0x10, s24, s18, $0xb8;
	[tilespmem:$0xB000] =	vst v63  }
0x2f: {  	_ =	swait.ge [sflag:s16], $0x800  }
0x30: {  	[sflag:s16] =	ssyncset.done $0x0  }
0x31: {  	[sflag:s16] =	ssyncadd.s32 $0xFFFFF800  }
0x32: {  	[spmem:s2] =	stream.indirect.scatter.add.f32 [tilespmem:s19], [sflag:$0x1], $0x10, s25, s18, $0xb8;
	[tilespmem:$0xB000] =	vst v63  }
0x33: {  	_ =	swait.ge [sflag:s16], $0x800  }
0x34: {  	[sflag:s16] =	ssyncset.done $0x0  }
0x35: {  	[sflag:s16] =	ssyncadd.s32 $0xFFFFF800  }
0x36: {  	[spmem:s2] =	stream.indirect.scatter.add.f32 [tilespmem:s19], [sflag:$0x1], $0x10, s26, s18, $0xb8;
	[tilespmem:$0xB000] =	vst v63  }
0x37: {  	_ =	swait.ge [sflag:s16], $0x800  }
0x38: {  	[sflag:s16] =	ssyncset.done $0x0  }
0x39: {  	[sflag:s16] =	ssyncadd.s32 $0xFFFFF800  }
0x3a: {  	[spmem:s2] =	stream.indirect.scatter.add.f32 [tilespmem:s19], [sflag:$0x1], $0x10, s28, s18, $0xb8;
	[tilespmem:$0xB000] =	vst v63  }
0x3b: {  	_ =	swait.ge [sflag:s16], $0x800  }
0x3c: {  	[sflag:s16] =	ssyncset.done $0x0  }
0x3d: {  	[sflag:s16] =	ssyncadd.s32 $0xFFFFF800  }
0x3e: {  	[spmem:s2] =	stream.indirect.scatter.add.f32 [tilespmem:s19], [sflag:$0x1], $0x10, s29, s18, $0xb8;
	[tilespmem:$0xB000] =	vst v63  }
0x3f: {  	_ =	swait.ge [sflag:s16], $0x800  }
0x40: {  	[sflag:s16] =	ssyncset.done $0x0  }
0x41: {  	[sflag:s16] =	ssyncadd.s32 $0xFFFFF800  }
0x42: {  	[spmem:s2] =	stream.indirect.scatter.add.f32 [tilespmem:s19], [sflag:$0x1], $0x10, s30, s18, $0xb8;
	[tilespmem:$0xB000] =	vst v63  }
0x43: {  	_ =	swait.ge [sflag:s16], $0x800  }
0x44: {  	[sflag:s16] =	ssyncset.done $0x0  }
0x45: {  	[sflag:s16] =	ssyncadd.s32 $0xFFFFF800  }
0x46: {  	[spmem:s2] =	stream.indirect.scatter.add.f32 [tilespmem:s19], [sflag:$0x1], $0x10, s31, s18, $0xb8;
	[tilespmem:$0xB000] =	vst v63  }
0x47: {  	_ =	swait.ge [sflag:s16], $0x800  }
0x48: {  	[sflag:s16] =	ssyncset.done $0x0  }
0x49: {  	[sflag:s16] =	ssyncadd.s32 $0xFFFFF800  }
0x4a: {  	[spmem:s2] =	stream.indirect.scatter.add.f32 [tilespmem:s19], [sflag:$0x1], $0x10, s0, s18, $0xb8;
	[tilespmem:$0xB000] =	vst v63  }
0x4b: {  	_ =	swait.ge [sflag:s16], $0x800  }
0x4c: {  	[sflag:s16] =	ssyncset.done $0x0  }
0x4d: {  	[sflag:s16] =	ssyncadd.s32 $0xFFFFF800  }
0x4e: {  	[spmem:s2] =	stream.indirect.scatter.add.f32 [tilespmem:s19], [sflag:$0x1], $0x10, s4, s18, $0xb8;
	[tilespmem:$0xB000] =	vst v63  }
0x4f: {  	_ =	swait.ge [sflag:s16], $0x800  }
0x50: {  	[sflag:s16] =	ssyncset.done $0x0  }
0x51: {  	[sflag:s16] =	ssyncadd.s32 $0xFFFFF800  }
0x52: {  	[spmem:s2] =	stream.indirect.scatter.add.f32 [tilespmem:s19], [sflag:$0x1], $0x10, s5, s18, $0xb8;
	[tilespmem:$0xB000] =	vst v63  }
0x53: {  	_ =	swait.ge [sflag:s16], $0x800  }
0x54: {  	[sflag:s16] =	ssyncset.done $0x0  }
0x55: {  	[sflag:s16] =	ssyncadd.s32 $0xFFFFF800  }
0x56: {  	[spmem:s2] =	stream.indirect.scatter.add.f32 [tilespmem:s19], [sflag:$0x1], $0x10, s1, s18, $0xb8;
	[tilespmem:$0xB000] =	vst v63  }
0x57: {  	_ =	swait.ge [sflag:s16], $0x800  }
0x58: {  	[sflag:s16] =	ssyncset.done $0x0  }
0x59: {  	s8 =	rddreg [dreg:$0x3];
	[sflag:s16] =	ssyncadd.s32 $0xFFFFF800  }
.LBB2_12:
0x5a: {  	s9 =	rddreg [dreg:$0x9]  }
0x5b: {  	s11 =	stileid.u32;
	[bflag:$0x0] =	sbarrier.arrive $0xFFFF;
	s7 =	sadd.s32 $0x1, s7  }
0x5c: {  	s8 =	sadd.s32 s8, s9;
	s9 =	sshll.u32 s11, $0x6;
	p1 =	sne.s32 s7, s12  }
.Ltmp1:
0x5d: {  	s10 =	sshrl.u32 s6, $0x3;
	s9 =	sor.u32 $0x1C01, s9;
	(pc) =	sbr.rel @!p1 .LBB2_13-.Ltmp1, $4  }
0x5e: {  	[hbm:s8], [sflag:s9] =	dma.local [spmem:s10], $0x2800  }
0x5f: {  	_ =	swait.ge [sflag:s16], $0x2800  }
0x60: {  	[sflag:s16] =	ssyncset.done $0x0  }
0x61: {  	[sflag:s16] =	ssyncadd.s32 $0xFFFFD800  }
.LBB2_1:
0x62: {  	s8 =	simm.s32 $0x0  }
.LBB2_2:
0x63: {  	p1 =	sne.s32 s8, $0xFE00  }
.Ltmp2:
0x64: {  	_ = 	snop;
	(pc) =	sbr.rel @p1 .LBB2_2-.Ltmp2, $3  }
0x65: {  	_ =	sdelay $0x1  }
0x66: {  	s9 =	sshra.s32 s8, $0x2  }
0x67: {  	s8 =	sadd.s32 $0x200, s8;
	[tilespmem:s9+$0x2800] =	vst v0  }
0x68: {  	s8 =	simm.s32 $0x200;
	s9 =	simm.s32 $0x0  }
.LBB2_4:
0x69: {  	p1 =	sne.s32 s8, $0xFE00;
	[tilespmem:s9+$0x6800] =	vst v1;
	s9 =	smov.u32 s8;
	s8 =	sadd.s32 $0x200, s8  }
.Ltmp3:
0x6a: {  	(pc) =	sbr.rel @p1 .LBB2_4-.Ltmp3, $2  }
0x6b: {  	_ =	sdelay $0x2  }
0x6c: {  	s9 =	sshra.s32 s9, $0x2  }
0x6d: {  	[tilespmem:s9+$0x6800] =	vst v1  }
0x6e: {  	[spmem:s6] =	stream.linear.scatter [tilespmem:s15], [sflag:$0x1], $0x4000, $0x38;
	[tilespmem:$0xB000] =	vst v63  }
0x6f: {  	_ =	swait.ge [sflag:s16], $0x4000  }
0x70: {  	[sflag:s16] =	ssyncset.done $0x0  }
0x71: {  	s8 =	rddreg [dreg:$0x5];
	[sflag:s16] =	ssyncadd.s32 $0xFFFFC000  }
0x72: {  	[spmem:s8] =	stream.linear.scatter [tilespmem:s15], [sflag:$0x1], $0x4000, $0x38;
	[tilespmem:$0xB000] =	vst v63  }
0x73: {  	_ =	swait.ge [sflag:s16], $0x4000  }
0x74: {  	[sflag:s16] =	ssyncset.done $0x0  }
0x75: {  	s9 =	rddreg [dreg:$0x6];
	[sflag:s16] =	ssyncadd.s32 $0xFFFFC000  }
0x76: {  	[spmem:s9] =	stream.linear.scatter [tilespmem:s15], [sflag:$0x1], $0x4000, $0x38;
	[tilespmem:$0xB000] =	vst v63  }
0x77: {  	_ =	swait.ge [sflag:s16], $0x4000  }
0x78: {  	[sflag:s16] =	ssyncset.done $0x0  }
0x79: {  	s10 =	rddreg [dreg:$0x7];
	[sflag:s16] =	ssyncadd.s32 $0xFFFFC000  }
0x7a: {  	[spmem:s10] =	stream.linear.scatter [tilespmem:s15], [sflag:$0x1], $0x4000, $0x38;
	[tilespmem:$0xB000] =	vst v63  }
0x7b: {  	_ =	swait.ge [sflag:s16], $0x4000  }
0x7c: {  	[sflag:s16] =	ssyncset.done $0x0  }
0x7d: {  	s11 =	rddreg [dreg:$0x8];
	[sflag:s16] =	ssyncadd.s32 $0xFFFFC000  }
0x7e: {  	[spmem:s11] =	stream.linear.scatter [tilespmem:s15], [sflag:$0x1], $0x4000, $0x38;
	[tilespmem:$0xB000] =	vst v63  }
.Ltmp4:
0x7f: {  	_ =	swait.ge [sflag:s16], $0x4000;
	(pc) =	sbr.rel @!p0 .LBB2_6-.Ltmp4, $3  }
0x80: {  	[sflag:s16] =	ssyncset.done $0x0  }
0x81: {  	[sflag:s16] =	ssyncadd.s32 $0xFFFFC000  }
0x82: {  	[bflag:$0x0] =	sbarrier.arrive $0xFFFF;
	_ =	sdelay $0x1  }
0x83: {  	s8 =	sadd.s32 $0x0, s14  }
0x84: {  	[tilespmem:s17], [sflag:$0x1] =	stream.linear.gather [hbm4b:s8+s3], $0x800, $0x38;
	[tilespmem:$0xB000] =	vst v63  }
0x85: {  	_ =	swait.ge [sflag:s16], $0x800  }
0x86: {  	[sflag:s16] =	ssyncset.done $0x0  }
0x87: {  	[sflag:s16] =	ssyncadd.s32 $0xFFFFF800  }
0x88: {  	[spmem:s2] =	stream.indirect.scatter.add.f32 [tilespmem:s19], [sflag:$0x1], $0x10, s17, s18, $0xb8;
	[tilespmem:$0xB000] =	vst v63  }
0x89: {  	_ =	swait.ge [sflag:s16], $0x800  }
0x8a: {  	[sflag:s16] =	ssyncset.done $0x0  }
0x8b: {  	[sflag:s16] =	ssyncadd.s32 $0xFFFFF800  }
0x8c: {  	[spmem:s2] =	stream.indirect.scatter.add.f32 [tilespmem:s19], [sflag:$0x1], $0x10, s20, s18, $0xb8;
	[tilespmem:$0xB000] =	vst v63  }
0x8d: {  	_ =	swait.ge [sflag:s16], $0x800  }
0x8e: {  	[sflag:s16] =	ssyncset.done $0x0  }
0x8f: {  	[sflag:s16] =	ssyncadd.s32 $0xFFFFF800  }
0x90: {  	[spmem:s2] =	stream.indirect.scatter.add.f32 [tilespmem:s19], [sflag:$0x1], $0x10, s21, s18, $0xb8;
	[tilespmem:$0xB000] =	vst v63  }
0x91: {  	_ =	swait.ge [sflag:s16], $0x800  }
0x92: {  	[sflag:s16] =	ssyncset.done $0x0  }
0x93: {  	[sflag:s16] =	ssyncadd.s32 $0xFFFFF800  }
0x94: {  	[spmem:s2] =	stream.indirect.scatter.add.f32 [tilespmem:s19], [sflag:$0x1], $0x10, s22, s18, $0xb8;
	[tilespmem:$0xB000] =	vst v63  }
0x95: {  	_ =	swait.ge [sflag:s16], $0x800  }
0x96: {  	[sflag:s16] =	ssyncset.done $0x0  }
0x97: {  	[sflag:s16] =	ssyncadd.s32 $0xFFFFF800  }
0x98: {  	[spmem:s2] =	stream.indirect.scatter.add.f32 [tilespmem:s19], [sflag:$0x1], $0x10, s23, s18, $0xb8;
	[tilespmem:$0xB000] =	vst v63  }
0x99: {  	_ =	swait.ge [sflag:s16], $0x800  }
0x9a: {  	[sflag:s16] =	ssyncset.done $0x0  }
0x9b: {  	[sflag:s16] =	ssyncadd.s32 $0xFFFFF800  }
0x9c: {  	[spmem:s2] =	stream.indirect.scatter.add.f32 [tilespmem:s19], [sflag:$0x1], $0x10, s24, s18, $0xb8;
	[tilespmem:$0xB000] =	vst v63  }
0x9d: {  	_ =	swait.ge [sflag:s16], $0x800  }
0x9e: {  	[sflag:s16] =	ssyncset.done $0x0  }
0x9f: {  	[sflag:s16] =	ssyncadd.s32 $0xFFFFF800  }
0xa0: {  	[spmem:s2] =	stream.indirect.scatter.add.f32 [tilespmem:s19], [sflag:$0x1], $0x10, s25, s18, $0xb8;
	[tilespmem:$0xB000] =	vst v63  }
0xa1: {  	_ =	swait.ge [sflag:s16], $0x800  }
0xa2: {  	[sflag:s16] =	ssyncset.done $0x0  }
0xa3: {  	[sflag:s16] =	ssyncadd.s32 $0xFFFFF800  }
0xa4: {  	[spmem:s2] =	stream.indirect.scatter.add.f32 [tilespmem:s19], [sflag:$0x1], $0x10, s26, s18, $0xb8;
	[tilespmem:$0xB000] =	vst v63  }
0xa5: {  	_ =	swait.ge [sflag:s16], $0x800  }
0xa6: {  	[sflag:s16] =	ssyncset.done $0x0  }
0xa7: {  	[sflag:s16] =	ssyncadd.s32 $0xFFFFF800  }
0xa8: {  	[spmem:s2] =	stream.indirect.scatter.add.f32 [tilespmem:s19], [sflag:$0x1], $0x10, s28, s18, $0xb8;
	[tilespmem:$0xB000] =	vst v63  }
0xa9: {  	_ =	swait.ge [sflag:s16], $0x800  }
0xaa: {  	[sflag:s16] =	ssyncset.done $0x0  }
0xab: {  	[sflag:s16] =	ssyncadd.s32 $0xFFFFF800  }
0xac: {  	[spmem:s2] =	stream.indirect.scatter.add.f32 [tilespmem:s19], [sflag:$0x1], $0x10, s29, s18, $0xb8;
	[tilespmem:$0xB000] =	vst v63  }
0xad: {  	_ =	swait.ge [sflag:s16], $0x800  }
0xae: {  	[sflag:s16] =	ssyncset.done $0x0  }
0xaf: {  	[sflag:s16] =	ssyncadd.s32 $0xFFFFF800  }
0xb0: {  	[spmem:s2] =	stream.indirect.scatter.add.f32 [tilespmem:s19], [sflag:$0x1], $0x10, s30, s18, $0xb8;
	[tilespmem:$0xB000] =	vst v63  }
0xb1: {  	_ =	swait.ge [sflag:s16], $0x800  }
0xb2: {  	[sflag:s16] =	ssyncset.done $0x0  }
0xb3: {  	[sflag:s16] =	ssyncadd.s32 $0xFFFFF800  }
0xb4: {  	[spmem:s2] =	stream.indirect.scatter.add.f32 [tilespmem:s19], [sflag:$0x1], $0x10, s31, s18, $0xb8;
	[tilespmem:$0xB000] =	vst v63  }
0xb5: {  	_ =	swait.ge [sflag:s16], $0x800  }
0xb6: {  	[sflag:s16] =	ssyncset.done $0x0  }
0xb7: {  	[sflag:s16] =	ssyncadd.s32 $0xFFFFF800  }
0xb8: {  	[spmem:s2] =	stream.indirect.scatter.add.f32 [tilespmem:s19], [sflag:$0x1], $0x10, s0, s18, $0xb8;
	[tilespmem:$0xB000] =	vst v63  }
0xb9: {  	_ =	swait.ge [sflag:s16], $0x800  }
0xba: {  	[sflag:s16] =	ssyncset.done $0x0  }
0xbb: {  	[sflag:s16] =	ssyncadd.s32 $0xFFFFF800  }
0xbc: {  	[spmem:s2] =	stream.indirect.scatter.add.f32 [tilespmem:s19], [sflag:$0x1], $0x10, s4, s18, $0xb8;
	[tilespmem:$0xB000] =	vst v63  }
0xbd: {  	_ =	swait.ge [sflag:s16], $0x800  }
0xbe: {  	[sflag:s16] =	ssyncset.done $0x0  }
0xbf: {  	[sflag:s16] =	ssyncadd.s32 $0xFFFFF800  }
0xc0: {  	[spmem:s2] =	stream.indirect.scatter.add.f32 [tilespmem:s19], [sflag:$0x1], $0x10, s5, s18, $0xb8;
	[tilespmem:$0xB000] =	vst v63  }
0xc1: {  	_ =	swait.ge [sflag:s16], $0x800  }
0xc2: {  	[sflag:s16] =	ssyncset.done $0x0  }
0xc3: {  	[sflag:s16] =	ssyncadd.s32 $0xFFFFF800  }
0xc4: {  	[spmem:s2] =	stream.indirect.scatter.add.f32 [tilespmem:s19], [sflag:$0x1], $0x10, s1, s18, $0xb8;
	[tilespmem:$0xB000] =	vst v63  }
0xc5: {  	_ =	swait.ge [sflag:s16], $0x800  }
0xc6: {  	s10 =	simm.s32 $0x200;
	s8 =	simm.s32 $0x100;
	[sflag:s16] =	ssyncset.done $0x0  }
.LBB2_10:
0xc7: {  	s11 =	sadd.s32 s8, s14  }
0xc8: {  	[sflag:s16] =	ssyncadd.s32 $0xFFFFF800;
	s8 =	smov.u32 s10;
	s9 =	sadd.s32 $0x100, s10  }
0xc9: {  	[tilespmem:s17], [sflag:$0x1] =	stream.linear.gather [hbm4b:s11+s3], $0x800, $0x38;
	[tilespmem:$0xB000] =	vst v63  }
0xca: {  	p1 =	sne.s32 s10, $0x900;
	_ =	swait.ge [sflag:s16], $0x800  }
0xcb: {  	[sflag:s16] =	ssyncset.done $0x0  }
0xcc: {  	[sflag:s16] =	ssyncadd.s32 $0xFFFFF800  }
0xcd: {  	[spmem:s2] =	stream.indirect.scatter.add.f32 [tilespmem:s19], [sflag:$0x1], $0x10, s17, s18, $0xb8;
	[tilespmem:$0xB000] =	vst v63  }
0xce: {  	_ =	swait.ge [sflag:s16], $0x800  }
0xcf: {  	[sflag:s16] =	ssyncset.done $0x0  }
0xd0: {  	[sflag:s16] =	ssyncadd.s32 $0xFFFFF800  }
0xd1: {  	[spmem:s2] =	stream.indirect.scatter.add.f32 [tilespmem:s19], [sflag:$0x1], $0x10, s20, s18, $0xb8;
	[tilespmem:$0xB000] =	vst v63  }
0xd2: {  	_ =	swait.ge [sflag:s16], $0x800  }
0xd3: {  	[sflag:s16] =	ssyncset.done $0x0  }
0xd4: {  	[sflag:s16] =	ssyncadd.s32 $0xFFFFF800  }
0xd5: {  	[spmem:s2] =	stream.indirect.scatter.add.f32 [tilespmem:s19], [sflag:$0x1], $0x10, s21, s18, $0xb8;
	[tilespmem:$0xB000] =	vst v63  }
0xd6: {  	_ =	swait.ge [sflag:s16], $0x800  }
0xd7: {  	[sflag:s16] =	ssyncset.done $0x0  }
0xd8: {  	[sflag:s16] =	ssyncadd.s32 $0xFFFFF800  }
0xd9: {  	[spmem:s2] =	stream.indirect.scatter.add.f32 [tilespmem:s19], [sflag:$0x1], $0x10, s22, s18, $0xb8;
	[tilespmem:$0xB000] =	vst v63  }
0xda: {  	_ =	swait.ge [sflag:s16], $0x800  }
0xdb: {  	[sflag:s16] =	ssyncset.done $0x0  }
0xdc: {  	[sflag:s16] =	ssyncadd.s32 $0xFFFFF800  }
0xdd: {  	[spmem:s2] =	stream.indirect.scatter.add.f32 [tilespmem:s19], [sflag:$0x1], $0x10, s23, s18, $0xb8;
	[tilespmem:$0xB000] =	vst v63  }
0xde: {  	_ =	swait.ge [sflag:s16], $0x800  }
0xdf: {  	[sflag:s16] =	ssyncset.done $0x0  }
0xe0: {  	[sflag:s16] =	ssyncadd.s32 $0xFFFFF800  }
0xe1: {  	[spmem:s2] =	stream.indirect.scatter.add.f32 [tilespmem:s19], [sflag:$0x1], $0x10, s24, s18, $0xb8;
	[tilespmem:$0xB000] =	vst v63  }
0xe2: {  	_ =	swait.ge [sflag:s16], $0x800  }
0xe3: {  	[sflag:s16] =	ssyncset.done $0x0  }
0xe4: {  	[sflag:s16] =	ssyncadd.s32 $0xFFFFF800  }
0xe5: {  	[spmem:s2] =	stream.indirect.scatter.add.f32 [tilespmem:s19], [sflag:$0x1], $0x10, s25, s18, $0xb8;
	[tilespmem:$0xB000] =	vst v63  }
0xe6: {  	_ =	swait.ge [sflag:s16], $0x800  }
0xe7: {  	[sflag:s16] =	ssyncset.done $0x0  }
0xe8: {  	[sflag:s16] =	ssyncadd.s32 $0xFFFFF800  }
0xe9: {  	[spmem:s2] =	stream.indirect.scatter.add.f32 [tilespmem:s19], [sflag:$0x1], $0x10, s26, s18, $0xb8;
	[tilespmem:$0xB000] =	vst v63  }
0xea: {  	_ =	swait.ge [sflag:s16], $0x800  }
0xeb: {  	[sflag:s16] =	ssyncset.done $0x0  }
0xec: {  	[sflag:s16] =	ssyncadd.s32 $0xFFFFF800  }
0xed: {  	[spmem:s2] =	stream.indirect.scatter.add.f32 [tilespmem:s19], [sflag:$0x1], $0x10, s28, s18, $0xb8;
	[tilespmem:$0xB000] =	vst v63  }
0xee: {  	_ =	swait.ge [sflag:s16], $0x800  }
0xef: {  	[sflag:s16] =	ssyncset.done $0x0  }
0xf0: {  	[sflag:s16] =	ssyncadd.s32 $0xFFFFF800  }
0xf1: {  	[spmem:s2] =	stream.indirect.scatter.add.f32 [tilespmem:s19], [sflag:$0x1], $0x10, s29, s18, $0xb8;
	[tilespmem:$0xB000] =	vst v63  }
0xf2: {  	_ =	swait.ge [sflag:s16], $0x800  }
0xf3: {  	[sflag:s16] =	ssyncset.done $0x0  }
0xf4: {  	[sflag:s16] =	ssyncadd.s32 $0xFFFFF800  }
0xf5: {  	[spmem:s2] =	stream.indirect.scatter.add.f32 [tilespmem:s19], [sflag:$0x1], $0x10, s30, s18, $0xb8;
	[tilespmem:$0xB000] =	vst v63  }
0xf6: {  	_ =	swait.ge [sflag:s16], $0x800  }
0xf7: {  	[sflag:s16] =	ssyncset.done $0x0  }
0xf8: {  	[sflag:s16] =	ssyncadd.s32 $0xFFFFF800  }
0xf9: {  	[spmem:s2] =	stream.indirect.scatter.add.f32 [tilespmem:s19], [sflag:$0x1], $0x10, s31, s18, $0xb8;
	[tilespmem:$0xB000] =	vst v63  }
0xfa: {  	_ =	swait.ge [sflag:s16], $0x800  }
0xfb: {  	[sflag:s16] =	ssyncset.done $0x0  }
0xfc: {  	[sflag:s16] =	ssyncadd.s32 $0xFFFFF800  }
0xfd: {  	[spmem:s2] =	stream.indirect.scatter.add.f32 [tilespmem:s19], [sflag:$0x1], $0x10, s0, s18, $0xb8;
	[tilespmem:$0xB000] =	vst v63  }
0xfe: {  	_ =	swait.ge [sflag:s16], $0x800  }
0xff: {  	[sflag:s16] =	ssyncset.done $0x0  }
0x100: {  	[sflag:s16] =	ssyncadd.s32 $0xFFFFF800  }
0x101: {  	[spmem:s2] =	stream.indirect.scatter.add.f32 [tilespmem:s19], [sflag:$0x1], $0x10, s4, s18, $0xb8;
	[tilespmem:$0xB000] =	vst v63  }
0x102: {  	_ =	swait.ge [sflag:s16], $0x800  }
0x103: {  	[sflag:s16] =	ssyncset.done $0x0  }
0x104: {  	[sflag:s16] =	ssyncadd.s32 $0xFFFFF800  }
0x105: {  	[spmem:s2] =	stream.indirect.scatter.add.f32 [tilespmem:s19], [sflag:$0x1], $0x10, s5, s18, $0xb8;
	[tilespmem:$0xB000] =	vst v63  }
0x106: {  	_ =	swait.ge [sflag:s16], $0x800  }
.Ltmp5:
0x107: {  	[sflag:s16] =	ssyncset.done $0x0;
	(pc) =	sbr.rel @p1 .LBB2_10-.Ltmp5, $4  }
0x108: {  	[sflag:s16] =	ssyncadd.s32 $0xFFFFF800  }
0x109: {  	[spmem:s2] =	stream.indirect.scatter.add.f32 [tilespmem:s19], [sflag:$0x1], $0x10, s1, s18, $0xb8;
	[tilespmem:$0xB000] =	vst v63  }
0x10a: {  	_ =	swait.ge [sflag:s16], $0x800  }
0x10b: {  	s10 =	smov.u32 s9;
	[sflag:s16] =	ssyncset.done $0x0  }
0x10c: {  	s8 =	sadd.s32 s8, s14;
	[sflag:s16] =	ssyncadd.s32 $0xFFFFF800  }
0x10d: {  	[tilespmem:s17], [sflag:$0x1] =	stream.linear.gather [hbm4b:s8+s3], $0x800, $0x38;
	[tilespmem:$0xB000] =	vst v63  }
0x10e: {  	_ =	swait.ge [sflag:s16], $0x800  }
0x10f: {  	[sflag:s16] =	ssyncset.done $0x0  }
0x110: {  	[sflag:s16] =	ssyncadd.s32 $0xFFFFF800  }
0x111: {  	[spmem:s2] =	stream.indirect.scatter.add.f32 [tilespmem:s19], [sflag:$0x1], $0x10, s17, s18, $0xb8;
	[tilespmem:$0xB000] =	vst v63  }
0x112: {  	_ =	swait.ge [sflag:s16], $0x800  }
0x113: {  	[sflag:s16] =	ssyncset.done $0x0  }
0x114: {  	[sflag:s16] =	ssyncadd.s32 $0xFFFFF800  }
0x115: {  	[spmem:s2] =	stream.indirect.scatter.add.f32 [tilespmem:s19], [sflag:$0x1], $0x10, s20, s18, $0xb8;
	[tilespmem:$0xB000] =	vst v63  }
0x116: {  	_ =	swait.ge [sflag:s16], $0x800  }
0x117: {  	[sflag:s16] =	ssyncset.done $0x0  }
0x118: {  	[sflag:s16] =	ssyncadd.s32 $0xFFFFF800  }
0x119: {  	[spmem:s2] =	stream.indirect.scatter.add.f32 [tilespmem:s19], [sflag:$0x1], $0x10, s21, s18, $0xb8;
	[tilespmem:$0xB000] =	vst v63  }
0x11a: {  	_ =	swait.ge [sflag:s16], $0x800  }
0x11b: {  	[sflag:s16] =	ssyncset.done $0x0  }
0x11c: {  	[sflag:s16] =	ssyncadd.s32 $0xFFFFF800  }
0x11d: {  	[spmem:s2] =	stream.indirect.scatter.add.f32 [tilespmem:s19], [sflag:$0x1], $0x10, s22, s18, $0xb8;
	[tilespmem:$0xB000] =	vst v63  }
0x11e: {  	_ =	swait.ge [sflag:s16], $0x800  }
0x11f: {  	[sflag:s16] =	ssyncset.done $0x0  }
0x120: {  	[sflag:s16] =	ssyncadd.s32 $0xFFFFF800  }
0x121: {  	[spmem:s2] =	stream.indirect.scatter.add.f32 [tilespmem:s19], [sflag:$0x1], $0x10, s23, s18, $0xb8;
	[tilespmem:$0xB000] =	vst v63  }
0x122: {  	_ =	swait.ge [sflag:s16], $0x800  }
0x123: {  	[sflag:s16] =	ssyncset.done $0x0  }
0x124: {  	[sflag:s16] =	ssyncadd.s32 $0xFFFFF800  }
0x125: {  	[spmem:s2] =	stream.indirect.scatter.add.f32 [tilespmem:s19], [sflag:$0x1], $0x10, s24, s18, $0xb8;
	[tilespmem:$0xB000] =	vst v63  }
0x126: {  	_ =	swait.ge [sflag:s16], $0x800  }
0x127: {  	[sflag:s16] =	ssyncset.done $0x0  }
0x128: {  	[sflag:s16] =	ssyncadd.s32 $0xFFFFF800  }
0x129: {  	[spmem:s2] =	stream.indirect.scatter.add.f32 [tilespmem:s19], [sflag:$0x1], $0x10, s25, s18, $0xb8;
	[tilespmem:$0xB000] =	vst v63  }
0x12a: {  	_ =	swait.ge [sflag:s16], $0x800  }
0x12b: {  	[sflag:s16] =	ssyncset.done $0x0  }
0x12c: {  	[sflag:s16] =	ssyncadd.s32 $0xFFFFF800  }
0x12d: {  	[spmem:s2] =	stream.indirect.scatter.add.f32 [tilespmem:s19], [sflag:$0x1], $0x10, s26, s18, $0xb8;
	[tilespmem:$0xB000] =	vst v63  }
0x12e: {  	_ =	swait.ge [sflag:s16], $0x800  }
0x12f: {  	[sflag:s16] =	ssyncset.done $0x0  }
0x130: {  	[sflag:s16] =	ssyncadd.s32 $0xFFFFF800  }
0x131: {  	[spmem:s2] =	stream.indirect.scatter.add.f32 [tilespmem:s19], [sflag:$0x1], $0x10, s28, s18, $0xb8;
	[tilespmem:$0xB000] =	vst v63  }
0x132: {  	_ =	swait.ge [sflag:s16], $0x800  }
0x133: {  	[sflag:s16] =	ssyncset.done $0x0  }
0x134: {  	[sflag:s16] =	ssyncadd.s32 $0xFFFFF800  }
0x135: {  	[spmem:s2] =	stream.indirect.scatter.add.f32 [tilespmem:s19], [sflag:$0x1], $0x10, s29, s18, $0xb8;
	[tilespmem:$0xB000] =	vst v63  }
0x136: {  	_ =	swait.ge [sflag:s16], $0x800  }
0x137: {  	[sflag:s16] =	ssyncset.done $0x0  }
0x138: {  	[sflag:s16] =	ssyncadd.s32 $0xFFFFF800  }
0x139: {  	[spmem:s2] =	stream.indirect.scatter.add.f32 [tilespmem:s19], [sflag:$0x1], $0x10, s30, s18, $0xb8;
	[tilespmem:$0xB000] =	vst v63  }
0x13a: {  	_ =	swait.ge [sflag:s16], $0x800  }
0x13b: {  	[sflag:s16] =	ssyncset.done $0x0  }
0x13c: {  	[sflag:s16] =	ssyncadd.s32 $0xFFFFF800  }
0x13d: {  	[spmem:s2] =	stream.indirect.scatter.add.f32 [tilespmem:s19], [sflag:$0x1], $0x10, s31, s18, $0xb8;
	[tilespmem:$0xB000] =	vst v63  }
0x13e: {  	_ =	swait.ge [sflag:s16], $0x800  }
0x13f: {  	[sflag:s16] =	ssyncset.done $0x0  }
0x140: {  	[sflag:s16] =	ssyncadd.s32 $0xFFFFF800  }
0x141: {  	[spmem:s2] =	stream.indirect.scatter.add.f32 [tilespmem:s19], [sflag:$0x1], $0x10, s0, s18, $0xb8;
	[tilespmem:$0xB000] =	vst v63  }
0x142: {  	_ =	swait.ge [sflag:s16], $0x800  }
0x143: {  	[sflag:s16] =	ssyncset.done $0x0  }
0x144: {  	[sflag:s16] =	ssyncadd.s32 $0xFFFFF800  }
0x145: {  	[spmem:s2] =	stream.indirect.scatter.add.f32 [tilespmem:s19], [sflag:$0x1], $0x10, s4, s18, $0xb8;
	[tilespmem:$0xB000] =	vst v63  }
0x146: {  	_ =	swait.ge [sflag:s16], $0x800  }
0x147: {  	[sflag:s16] =	ssyncset.done $0x0  }
0x148: {  	[sflag:s16] =	ssyncadd.s32 $0xFFFFF800  }
0x149: {  	[spmem:s2] =	stream.indirect.scatter.add.f32 [tilespmem:s19], [sflag:$0x1], $0x10, s5, s18, $0xb8;
	[tilespmem:$0xB000] =	vst v63  }
0x14a: {  	_ =	swait.ge [sflag:s16], $0x800  }
0x14b: {  	[sflag:s16] =	ssyncset.done $0x0  }
.Ltmp6:
0x14c: {  	[sflag:s16] =	ssyncadd.s32 $0xFFFFF800;
	(pc) =	sbr.rel .LBB2_12-.Ltmp6, $4  }
0x14d: {  	[spmem:s2] =	stream.indirect.scatter.add.f32 [tilespmem:s19], [sflag:$0x1], $0x10, s1, s18, $0xb8;
	[tilespmem:$0xB000] =	vst v63  }
0x14e: {  	_ =	swait.ge [sflag:s16], $0x800  }
0x14f: {  	[sflag:s16] =	ssyncset.done $0x0  }
0x150: {  	s8 =	rddreg [dreg:$0x4];
	[sflag:s16] =	ssyncadd.s32 $0xFFFFF800  }
.LBB2_6:
0x151: {  	s8 =	sadd.s32 $0x0, s13  }
0x152: {  	[tilespmem:s17], [sflag:$0x1] =	stream.linear.gather [hbm4b:s8+s3], $0x800, $0x38;
	[tilespmem:$0xB000] =	vst v63  }
0x153: {  	_ =	swait.ge [sflag:s16], $0x800  }
0x154: {  	[sflag:s16] =	ssyncset.done $0x0  }
0x155: {  	[sflag:s16] =	ssyncadd.s32 $0xFFFFF800  }
0x156: {  	[spmem:s2] =	stream.indirect.scatter.add.f32 [tilespmem:s19], [sflag:$0x1], $0x10, s17, s18, $0xb8;
	[tilespmem:$0xB000] =	vst v63  }
0x157: {  	_ =	swait.ge [sflag:s16], $0x800  }
0x158: {  	[sflag:s16] =	ssyncset.done $0x0  }
0x159: {  	[sflag:s16] =	ssyncadd.s32 $0xFFFFF800  }
0x15a: {  	[spmem:s2] =	stream.indirect.scatter.add.f32 [tilespmem:s19], [sflag:$0x1], $0x10, s20, s18, $0xb8;
	[tilespmem:$0xB000] =	vst v63  }
0x15b: {  	_ =	swait.ge [sflag:s16], $0x800  }
0x15c: {  	[sflag:s16] =	ssyncset.done $0x0  }
0x15d: {  	[sflag:s16] =	ssyncadd.s32 $0xFFFFF800  }
0x15e: {  	[spmem:s2] =	stream.indirect.scatter.add.f32 [tilespmem:s19], [sflag:$0x1], $0x10, s21, s18, $0xb8;
	[tilespmem:$0xB000] =	vst v63  }
0x15f: {  	_ =	swait.ge [sflag:s16], $0x800  }
0x160: {  	[sflag:s16] =	ssyncset.done $0x0  }
0x161: {  	[sflag:s16] =	ssyncadd.s32 $0xFFFFF800  }
0x162: {  	[spmem:s2] =	stream.indirect.scatter.add.f32 [tilespmem:s19], [sflag:$0x1], $0x10, s22, s18, $0xb8;
	[tilespmem:$0xB000] =	vst v63  }
0x163: {  	_ =	swait.ge [sflag:s16], $0x800  }
0x164: {  	[sflag:s16] =	ssyncset.done $0x0  }
0x165: {  	[sflag:s16] =	ssyncadd.s32 $0xFFFFF800  }
0x166: {  	[spmem:s2] =	stream.indirect.scatter.add.f32 [tilespmem:s19], [sflag:$0x1], $0x10, s23, s18, $0xb8;
	[tilespmem:$0xB000] =	vst v63  }
0x167: {  	_ =	swait.ge [sflag:s16], $0x800  }
0x168: {  	[sflag:s16] =	ssyncset.done $0x0  }
0x169: {  	[sflag:s16] =	ssyncadd.s32 $0xFFFFF800  }
0x16a: {  	[spmem:s2] =	stream.indirect.scatter.add.f32 [tilespmem:s19], [sflag:$0x1], $0x10, s24, s18, $0xb8;
	[tilespmem:$0xB000] =	vst v63  }
0x16b: {  	_ =	swait.ge [sflag:s16], $0x800  }
0x16c: {  	[sflag:s16] =	ssyncset.done $0x0  }
0x16d: {  	[sflag:s16] =	ssyncadd.s32 $0xFFFFF800  }
0x16e: {  	[spmem:s2] =	stream.indirect.scatter.add.f32 [tilespmem:s19], [sflag:$0x1], $0x10, s25, s18, $0xb8;
	[tilespmem:$0xB000] =	vst v63  }
0x16f: {  	_ =	swait.ge [sflag:s16], $0x800  }
0x170: {  	[sflag:s16] =	ssyncset.done $0x0  }
0x171: {  	[sflag:s16] =	ssyncadd.s32 $0xFFFFF800  }
0x172: {  	[spmem:s2] =	stream.indirect.scatter.add.f32 [tilespmem:s19], [sflag:$0x1], $0x10, s26, s18, $0xb8;
	[tilespmem:$0xB000] =	vst v63  }
0x173: {  	_ =	swait.ge [sflag:s16], $0x800  }
0x174: {  	[sflag:s16] =	ssyncset.done $0x0  }
0x175: {  	[sflag:s16] =	ssyncadd.s32 $0xFFFFF800  }
0x176: {  	[spmem:s2] =	stream.indirect.scatter.add.f32 [tilespmem:s19], [sflag:$0x1], $0x10, s28, s18, $0xb8;
	[tilespmem:$0xB000] =	vst v63  }
0x177: {  	_ =	swait.ge [sflag:s16], $0x800  }
0x178: {  	[sflag:s16] =	ssyncset.done $0x0  }
0x179: {  	[sflag:s16] =	ssyncadd.s32 $0xFFFFF800  }
0x17a: {  	[spmem:s2] =	stream.indirect.scatter.add.f32 [tilespmem:s19], [sflag:$0x1], $0x10, s29, s18, $0xb8;
	[tilespmem:$0xB000] =	vst v63  }
0x17b: {  	_ =	swait.ge [sflag:s16], $0x800  }
0x17c: {  	[sflag:s16] =	ssyncset.done $0x0  }
0x17d: {  	[sflag:s16] =	ssyncadd.s32 $0xFFFFF800  }
0x17e: {  	[spmem:s2] =	stream.indirect.scatter.add.f32 [tilespmem:s19], [sflag:$0x1], $0x10, s30, s18, $0xb8;
	[tilespmem:$0xB000] =	vst v63  }
0x17f: {  	_ =	swait.ge [sflag:s16], $0x800  }
0x180: {  	[sflag:s16] =	ssyncset.done $0x0  }
0x181: {  	[sflag:s16] =	ssyncadd.s32 $0xFFFFF800  }
0x182: {  	[spmem:s2] =	stream.indirect.scatter.add.f32 [tilespmem:s19], [sflag:$0x1], $0x10, s31, s18, $0xb8;
	[tilespmem:$0xB000] =	vst v63  }
0x183: {  	_ =	swait.ge [sflag:s16], $0x800  }
0x184: {  	[sflag:s16] =	ssyncset.done $0x0  }
0x185: {  	[sflag:s16] =	ssyncadd.s32 $0xFFFFF800  }
0x186: {  	[spmem:s2] =	stream.indirect.scatter.add.f32 [tilespmem:s19], [sflag:$0x1], $0x10, s0, s18, $0xb8;
	[tilespmem:$0xB000] =	vst v63  }
0x187: {  	_ =	swait.ge [sflag:s16], $0x800  }
0x188: {  	[sflag:s16] =	ssyncset.done $0x0  }
0x189: {  	[sflag:s16] =	ssyncadd.s32 $0xFFFFF800  }
0x18a: {  	[spmem:s2] =	stream.indirect.scatter.add.f32 [tilespmem:s19], [sflag:$0x1], $0x10, s4, s18, $0xb8;
	[tilespmem:$0xB000] =	vst v63  }
0x18b: {  	_ =	swait.ge [sflag:s16], $0x800  }
0x18c: {  	[sflag:s16] =	ssyncset.done $0x0  }
0x18d: {  	[sflag:s16] =	ssyncadd.s32 $0xFFFFF800  }
0x18e: {  	[spmem:s2] =	stream.indirect.scatter.add.f32 [tilespmem:s19], [sflag:$0x1], $0x10, s5, s18, $0xb8;
	[tilespmem:$0xB000] =	vst v63  }
0x18f: {  	_ =	swait.ge [sflag:s16], $0x800  }
0x190: {  	[sflag:s16] =	ssyncset.done $0x0  }
0x191: {  	[sflag:s16] =	ssyncadd.s32 $0xFFFFF800  }
0x192: {  	[spmem:s2] =	stream.indirect.scatter.add.f32 [tilespmem:s19], [sflag:$0x1], $0x10, s1, s18, $0xb8;
	[tilespmem:$0xB000] =	vst v63  }
0x193: {  	_ =	swait.ge [sflag:s16], $0x800  }
0x194: {  	s9 =	simm.s32 $0x200;
	s8 =	simm.s32 $0x100;
	[sflag:s16] =	ssyncset.done $0x0  }
.LBB2_7:
0x195: {  	s11 =	sadd.s32 s8, s13  }
0x196: {  	[sflag:s16] =	ssyncadd.s32 $0xFFFFF800;
	s8 =	smov.u32 s9;
	s10 =	sadd.s32 $0x100, s9  }
0x197: {  	[tilespmem:s17], [sflag:$0x1] =	stream.linear.gather [hbm4b:s11+s3], $0x800, $0x38;
	[tilespmem:$0xB000] =	vst v63  }
0x198: {  	p1 =	seq.s32 s9, $0x900;
	_ =	swait.ge [sflag:s16], $0x800  }
0x199: {  	[sflag:s16] =	ssyncset.done $0x0  }
0x19a: {  	[sflag:s16] =	ssyncadd.s32 $0xFFFFF800  }
0x19b: {  	[spmem:s2] =	stream.indirect.scatter.add.f32 [tilespmem:s19], [sflag:$0x1], $0x10, s17, s18, $0xb8;
	[tilespmem:$0xB000] =	vst v63  }
0x19c: {  	_ =	swait.ge [sflag:s16], $0x800  }
0x19d: {  	[sflag:s16] =	ssyncset.done $0x0  }
0x19e: {  	[sflag:s16] =	ssyncadd.s32 $0xFFFFF800  }
0x19f: {  	[spmem:s2] =	stream.indirect.scatter.add.f32 [tilespmem:s19], [sflag:$0x1], $0x10, s20, s18, $0xb8;
	[tilespmem:$0xB000] =	vst v63  }
0x1a0: {  	_ =	swait.ge [sflag:s16], $0x800  }
0x1a1: {  	[sflag:s16] =	ssyncset.done $0x0  }
0x1a2: {  	[sflag:s16] =	ssyncadd.s32 $0xFFFFF800  }
0x1a3: {  	[spmem:s2] =	stream.indirect.scatter.add.f32 [tilespmem:s19], [sflag:$0x1], $0x10, s21, s18, $0xb8;
	[tilespmem:$0xB000] =	vst v63  }
0x1a4: {  	_ =	swait.ge [sflag:s16], $0x800  }
0x1a5: {  	[sflag:s16] =	ssyncset.done $0x0  }
0x1a6: {  	[sflag:s16] =	ssyncadd.s32 $0xFFFFF800  }
0x1a7: {  	[spmem:s2] =	stream.indirect.scatter.add.f32 [tilespmem:s19], [sflag:$0x1], $0x10, s22, s18, $0xb8;
	[tilespmem:$0xB000] =	vst v63  }
0x1a8: {  	_ =	swait.ge [sflag:s16], $0x800  }
0x1a9: {  	[sflag:s16] =	ssyncset.done $0x0  }
0x1aa: {  	[sflag:s16] =	ssyncadd.s32 $0xFFFFF800  }
0x1ab: {  	[spmem:s2] =	stream.indirect.scatter.add.f32 [tilespmem:s19], [sflag:$0x1], $0x10, s23, s18, $0xb8;
	[tilespmem:$0xB000] =	vst v63  }
0x1ac: {  	_ =	swait.ge [sflag:s16], $0x800  }
0x1ad: {  	[sflag:s16] =	ssyncset.done $0x0  }
0x1ae: {  	[sflag:s16] =	ssyncadd.s32 $0xFFFFF800  }
0x1af: {  	[spmem:s2] =	stream.indirect.scatter.add.f32 [tilespmem:s19], [sflag:$0x1], $0x10, s24, s18, $0xb8;
	[tilespmem:$0xB000] =	vst v63  }
0x1b0: {  	_ =	swait.ge [sflag:s16], $0x800  }
0x1b1: {  	[sflag:s16] =	ssyncset.done $0x0  }
0x1b2: {  	[sflag:s16] =	ssyncadd.s32 $0xFFFFF800  }
0x1b3: {  	[spmem:s2] =	stream.indirect.scatter.add.f32 [tilespmem:s19], [sflag:$0x1], $0x10, s25, s18, $0xb8;
	[tilespmem:$0xB000] =	vst v63  }
0x1b4: {  	_ =	swait.ge [sflag:s16], $0x800  }
0x1b5: {  	[sflag:s16] =	ssyncset.done $0x0  }
0x1b6: {  	[sflag:s16] =	ssyncadd.s32 $0xFFFFF800  }
0x1b7: {  	[spmem:s2] =	stream.indirect.scatter.add.f32 [tilespmem:s19], [sflag:$0x1], $0x10, s26, s18, $0xb8;
	[tilespmem:$0xB000] =	vst v63  }
0x1b8: {  	_ =	swait.ge [sflag:s16], $0x800  }
0x1b9: {  	[sflag:s16] =	ssyncset.done $0x0  }
0x1ba: {  	[sflag:s16] =	ssyncadd.s32 $0xFFFFF800  }
0x1bb: {  	[spmem:s2] =	stream.indirect.scatter.add.f32 [tilespmem:s19], [sflag:$0x1], $0x10, s28, s18, $0xb8;
	[tilespmem:$0xB000] =	vst v63  }
0x1bc: {  	_ =	swait.ge [sflag:s16], $0x800  }
0x1bd: {  	[sflag:s16] =	ssyncset.done $0x0  }
0x1be: {  	[sflag:s16] =	ssyncadd.s32 $0xFFFFF800  }
0x1bf: {  	[spmem:s2] =	stream.indirect.scatter.add.f32 [tilespmem:s19], [sflag:$0x1], $0x10, s29, s18, $0xb8;
	[tilespmem:$0xB000] =	vst v63  }
0x1c0: {  	_ =	swait.ge [sflag:s16], $0x800  }
0x1c1: {  	[sflag:s16] =	ssyncset.done $0x0  }
0x1c2: {  	[sflag:s16] =	ssyncadd.s32 $0xFFFFF800  }
0x1c3: {  	[spmem:s2] =	stream.indirect.scatter.add.f32 [tilespmem:s19], [sflag:$0x1], $0x10, s30, s18, $0xb8;
	[tilespmem:$0xB000] =	vst v63  }
0x1c4: {  	_ =	swait.ge [sflag:s16], $0x800  }
0x1c5: {  	[sflag:s16] =	ssyncset.done $0x0  }
0x1c6: {  	[sflag:s16] =	ssyncadd.s32 $0xFFFFF800  }
0x1c7: {  	[spmem:s2] =	stream.indirect.scatter.add.f32 [tilespmem:s19], [sflag:$0x1], $0x10, s31, s18, $0xb8;
	[tilespmem:$0xB000] =	vst v63  }
0x1c8: {  	_ =	swait.ge [sflag:s16], $0x800  }
0x1c9: {  	[sflag:s16] =	ssyncset.done $0x0  }
0x1ca: {  	[sflag:s16] =	ssyncadd.s32 $0xFFFFF800  }
0x1cb: {  	[spmem:s2] =	stream.indirect.scatter.add.f32 [tilespmem:s19], [sflag:$0x1], $0x10, s0, s18, $0xb8;
	[tilespmem:$0xB000] =	vst v63  }
0x1cc: {  	_ =	swait.ge [sflag:s16], $0x800  }
0x1cd: {  	[sflag:s16] =	ssyncset.done $0x0  }
0x1ce: {  	[sflag:s16] =	ssyncadd.s32 $0xFFFFF800  }
0x1cf: {  	[spmem:s2] =	stream.indirect.scatter.add.f32 [tilespmem:s19], [sflag:$0x1], $0x10, s4, s18, $0xb8;
	[tilespmem:$0xB000] =	vst v63  }
0x1d0: {  	_ =	swait.ge [sflag:s16], $0x800  }
0x1d1: {  	[sflag:s16] =	ssyncset.done $0x0  }
0x1d2: {  	[sflag:s16] =	ssyncadd.s32 $0xFFFFF800  }
0x1d3: {  	[spmem:s2] =	stream.indirect.scatter.add.f32 [tilespmem:s19], [sflag:$0x1], $0x10, s5, s18, $0xb8;
	[tilespmem:$0xB000] =	vst v63  }
0x1d4: {  	_ =	swait.ge [sflag:s16], $0x800  }
.Ltmp7:
0x1d5: {  	[sflag:s16] =	ssyncset.done $0x0;
	(pc) =	sbr.rel @!p1 .LBB2_7-.Ltmp7, $4  }
0x1d6: {  	[sflag:s16] =	ssyncadd.s32 $0xFFFFF800  }
0x1d7: {  	[spmem:s2] =	stream.indirect.scatter.add.f32 [tilespmem:s19], [sflag:$0x1], $0x10, s1, s18, $0xb8;
	[tilespmem:$0xB000] =	vst v63  }
0x1d8: {  	_ =	swait.ge [sflag:s16], $0x800  }
0x1d9: {  	s9 =	smov.u32 s10;
	[sflag:s16] =	ssyncset.done $0x0  }
.Ltmp8:
0x1da: {  	_ = 	snop;
	(pc) =	sbr.rel .LBB2_8-.Ltmp8, $1  }
0x1db: {  	_ =	sdelay $0x3  }
.LBB2_13:
0x1dc: {  	_ =	sfence.sel $0x180000  }
0x1dd: {  	[bflag:$0x0] =	sbarrier.arrive $0xFFFF  }
0x1de: {  	_ =	strace $0x90000047  }
0x1df: {  	s0 =	stileid.u32;
	[bflag:$0x2] =	sbarrier.arrive $0xFFFF  }
0x1e0: {  	p0 =	sne.s32 s0, $0x0;
	s0 =	rddreg [dreg:$0x2]  }
0x1e1: {  	s0 =	sadd.s32 @!p0 $0x100000, s0  }
0x1e2: {  	[sflag:s0] =	ssyncadd.tile.s32 @!p0 $0x1;
	_ =	shalt  }
.Lfunc_end2:
_tile_overlayer_lowered:
.L_overlay_start_2:
0x1e3: {  	(tag) =	ssettag $0x2  }
0x1e4: {  	s0 =	rddreg [dreg:$0x0];
	s2 =	stileid.u32  }
0x1e5: {  	s1 =	rddreg [dreg:$0x1];
	p0 =	sne.s32 s2, $0x0  }
0x1e6: {  	s3 =	rddreg [dreg:$0x2];
	[bflag:$0x3] =	sbarrier.arrive $0xFFFF;
	s2 =	simm.s32 @!p0 $0x1C01  }
0x1e7: {  	[timem:s3], [sflag:s2] =	dma.local @!p0 [hbm:s0], s1  }
0x1e8: {  	s0 =	simm.s32 @!p0 $0x1  }
0x1e9: {  	_ =	swait.ge @!p0 [sflag:s0], s1  }
0x1ea: {  	s1 =	ssub.s32 @!p0 $0x0, s1;
	[sflag:s0] =	ssyncset.done @!p0 $0x0  }
0x1eb: {  	[sflag:s0] =	ssyncadd.s32 @!p0 s1  }
0x1ec: {  	[bflag:$0x3] =	sbarrier.arrive $0xFFFF  }
0x1ed: {  	_ =	shalt  }

</sc_bundles>
